<compile_context>
chip_gen: v7x
topology: tpu7x:2x2x1
jax: 0.10.2.dev20260603
libtpu: 0.0.44.dev20260713+nightly
codegen_flags: <defaults>
</compile_context>

<pallas_src>
import jax
import jax.numpy as jnp
from jax import lax
from jax.experimental import pallas as pl
from jax.experimental.pallas import tpu as pltpu
from jax.experimental.pallas import tpu_sc as plsc

N = 10000
HALF = 5000
HALF_PAD = 5120
NPAD = 2 * HALF_PAD
D = 256
HID = 128
E = 320000
CH = 128
NT = 16
NW = 32
TPR = NPAD // NW
ACC_R = TPR + 8
BLK = 1024
NBLK = NPAD // BLK
F32 = jnp.float32
I32 = jnp.int32


def _iota16():
    return lax.broadcasted_iota(I32, (16,), 0)


def _span(spans_v, t):
    return spans_v[pl.ds(t * 16, 16)][0]



def _edge_body_deg(ssrc_hbm, sdst_hbm, spans_hbm, y_hbm, zacc_hbm, zdeg_hbm,
                   acc_out, deg_out,
                   spans_v, sidx_v, dtmp_v, rows_v, acc_v, deg_v, sem):
    _edge_common(True, ssrc_hbm, sdst_hbm, spans_hbm, y_hbm, zacc_hbm,
                 zdeg_hbm, acc_out, deg_out, spans_v, sidx_v, dtmp_v, rows_v,
                 acc_v, deg_v, sem)


def _edge_body_nodeg(ssrc_hbm, sdst_hbm, spans_hbm, y_hbm, zacc_hbm,
                     acc_out,
                     spans_v, sidx_v, dtmp_v, rows_v, acc_v, sem):
    _edge_common(False, ssrc_hbm, sdst_hbm, spans_hbm, y_hbm, zacc_hbm, None,
                 acc_out, None, spans_v, sidx_v, dtmp_v, rows_v, acc_v, None,
                 sem)


def _edge_common(with_deg, ssrc_hbm, sdst_hbm, spans_hbm, y_hbm, zacc_hbm,
                 zdeg_hbm, acc_out, deg_out, spans_v, sidx_v, dtmp_v, rows_v,
                 acc_v, deg_v, sem):
    c = lax.axis_index("c")
    s = lax.axis_index("s")
    w = c * NT + s
    iota = _iota16()
    ones_v = jnp.ones((16,), F32)

    pltpu.sync_copy(spans_hbm, spans_v)
    pltpu.sync_copy(zacc_hbm, acc_v)
    if with_deg:
        pltpu.sync_copy(zdeg_hbm, deg_v)

    lo = _span(spans_v, w)
    hi = _span(spans_v, w + 1)
    start0 = (lo // CH) * CH
    nch = (hi - start0 + CH - 1) // CH
    rbase = w * TPR

    def chunk(i, carry):
        base = start0 + i * CH
        pltpu.sync_copy(ssrc_hbm.at[pl.ds(base, CH)], sidx_v)
        pltpu.sync_copy(sdst_hbm.at[pl.ds(base, CH)], dtmp_v)
        for g in range(CH // 16):
            sl = pl.ds(g * 16, 16)
            eidx = (base + g * 16) + iota
            m = (eidx >= lo) & (eidx < hi)
            dloc = dtmp_v[sl] - rbase
            dtmp_v[sl] = jnp.where(m, dloc, TPR)
            sidx_v[sl] = jnp.where(m, sidx_v[sl], 0)
        pltpu.async_copy(y_hbm.at[sidx_v], rows_v, sem).wait()

        def edge(e, carry2):
            db = plsc.load_gather(dtmp_v, [jnp.full((16,), e, I32)])
            if with_deg:
                plsc.addupdate_scatter(deg_v, [db * 16 + iota], ones_v)
            for j in range(D // 16):
                vals = rows_v[e, pl.ds(j * 16, 16)]
                plsc.addupdate_scatter(acc_v, [db, j * 16 + iota], vals)
            return carry2

        lax.fori_loop(0, CH, edge, 0)
        return carry

    lax.fori_loop(0, nch, chunk, 0)

    pltpu.sync_copy(acc_v.at[pl.ds(0, TPR)], acc_out.at[pl.ds(rbase, TPR)])
    if with_deg:
        pltpu.sync_copy(deg_v.at[pl.ds(0, TPR * 16)],
                        deg_out.at[pl.ds(rbase * 16, TPR * 16)])


def _make_edge_kernel(with_deg):
    mesh = plsc.VectorSubcoreMesh(core_axis_name="c", subcore_axis_name="s")
    if with_deg:
        out_type = (jax.ShapeDtypeStruct((NPAD, D), F32),
                    jax.ShapeDtypeStruct((NPAD * 16,), F32))
        scratch = [
            pltpu.VMEM((48 * 16,), I32),
            pltpu.VMEM((CH,), I32),
            pltpu.VMEM((CH,), I32),
            pltpu.VMEM((CH, D), F32),
            pltpu.VMEM((ACC_R, D), F32),
            pltpu.VMEM((ACC_R * 16,), F32),
            pltpu.SemaphoreType.DMA,
        ]
        return pl.kernel(_edge_body_deg, out_type=out_type, mesh=mesh,
                         scratch_types=scratch,
                         compiler_params=pltpu.CompilerParams(
                             needs_layout_passes=False))
    out_type = jax.ShapeDtypeStruct((NPAD, D), F32)
    scratch = [
        pltpu.VMEM((48 * 16,), I32),
        pltpu.VMEM((CH,), I32),
        pltpu.VMEM((CH,), I32),
        pltpu.VMEM((CH, D), F32),
        pltpu.VMEM((ACC_R, D), F32),
        pltpu.SemaphoreType.DMA,
    ]
    return pl.kernel(_edge_body_nodeg, out_type=out_type, mesh=mesh,
                     scratch_types=scratch,
                     compiler_params=pltpu.CompilerParams(
                         needs_layout_passes=False))



def _encoder_body(opc_ref, feats_ref, emb_ref, wf_ref, lng_ref, lnb_ref,
                  wpre_ref, bpre_ref, x_ref):
    opc = opc_ref[0, 0, :]
    onehot = (opc[:, None] == lax.broadcasted_iota(I32, (BLK, HID), 1))
    e = jnp.dot(onehot.astype(F32), emb_ref[...], preferred_element_type=F32,
                precision=lax.Precision.HIGHEST)
    xf = jnp.dot(feats_ref[...], wf_ref[...], preferred_element_type=F32)
    x = e + xf
    mu = jnp.mean(x, axis=-1, keepdims=True)
    var = jnp.mean((x - mu) ** 2, axis=-1, keepdims=True)
    x = (x - mu) * lax.rsqrt(var + 1e-12) * lng_ref[...] + lnb_ref[...]
    x_ref[...] = jnp.maximum(
        jnp.dot(x, wpre_ref[...], preferred_element_type=F32)
        + bpre_ref[...], 0.0)


def _layer_body(acc_ref, deg_ref, x_ref, wl_ref, bl_ref, wr_ref, xn_ref):
    deg = jnp.maximum(deg_ref[:, 0:1], 1.0)
    agg = acc_ref[...] / deg
    al = jnp.dot(agg, wl_ref[...], preferred_element_type=F32)
    r = jnp.dot(x_ref[...], wr_ref[...], preferred_element_type=F32)
    xn_ref[...] = jnp.maximum(al + bl_ref[...] + r, 0.0)


def _pool_body(x_ref, bi_ref, wh1_ref, bh1_ref, wh2_ref, bh2_ref, out_ref,
               sum_s, max_s, cnt_s):
    i = pl.program_id(0)

    @pl.when(i == 0)
    def _():
        sum_s[...] = jnp.zeros((16, D), F32)
        max_s[...] = jnp.full((16, D), -jnp.inf, F32)
        cnt_s[...] = jnp.zeros((16, 128), F32)

    x = x_ref[...]
    bi = bi_ref[0, 0, :]
    onehot = (bi[:, None] == lax.broadcasted_iota(I32, (BLK, 16), 1)
              ).astype(F32)
    sum_s[...] += lax.dot_general(onehot, x, (((0,), (0,)), ((), ())),
                                  preferred_element_type=F32,
                                  precision=lax.Precision.HIGHEST)
    cnt_s[...] += jnp.sum(onehot, axis=0)[:, None]
    parts = []
    for g in range(16):
        parts.append(jnp.max(jnp.where(bi[:, None] == g, x, -jnp.inf),
                             axis=0, keepdims=True))
    max_s[...] = jnp.maximum(max_s[...], jnp.concatenate(parts, axis=0))

    @pl.when(i == NBLK - 1)
    def _():
        cnt = jnp.maximum(cnt_s[:, 0:1], 1.0)
        be = max_s[...] + sum_s[...] / cnt
        nrm = jnp.sqrt(jnp.sum(be * be, axis=-1, keepdims=True))
        ge = be / nrm
        h = jnp.maximum(jnp.dot(ge, wh1_ref[...], preferred_element_type=F32)
                        + bh1_ref[...], 0.0)
        out_ref[...] = (jnp.dot(h, wh2_ref[...], preferred_element_type=F32)
                        + bh2_ref[...])


def _encoder_call(opc3, feats, emb_pad, wf, lng, lnb, wpre, bpre):
    return pl.pallas_call(
        _encoder_body,
        grid=(NBLK,),
        in_specs=[
            pl.BlockSpec((1, 1, BLK), lambda i: (i, 0, 0)),
            pl.BlockSpec((BLK, 140), lambda i: (i, 0)),
            pl.BlockSpec((HID, HID), lambda i: (0, 0)),
            pl.BlockSpec((140, HID), lambda i: (0, 0)),
            pl.BlockSpec((1, HID), lambda i: (0, 0)),
            pl.BlockSpec((1, HID), lambda i: (0, 0)),
            pl.BlockSpec((HID, D), lambda i: (0, 0)),
            pl.BlockSpec((1, D), lambda i: (0, 0)),
        ],
        out_specs=pl.BlockSpec((BLK, D), lambda i: (i, 0)),
        out_shape=jax.ShapeDtypeStruct((NPAD, D), F32),
    )(opc3, feats, emb_pad, wf, lng, lnb, wpre, bpre)


def _layer_call(acc, deg, x, wl, bl, wr):
    specs = [
        pl.BlockSpec((BLK, D), lambda i: (i, 0)),
        pl.BlockSpec((BLK, 16), lambda i: (i, 0)),
        pl.BlockSpec((BLK, D), lambda i: (i, 0)),
        pl.BlockSpec((D, D), lambda i: (0, 0)),
        pl.BlockSpec((1, D), lambda i: (0, 0)),
        pl.BlockSpec((D, D), lambda i: (0, 0)),
    ]
    return pl.pallas_call(
        _layer_body,
        grid=(NBLK,),
        in_specs=specs,
        out_specs=pl.BlockSpec((BLK, D), lambda i: (i, 0)),
        out_shape=jax.ShapeDtypeStruct((NPAD, D), F32),
    )(acc, deg, x, wl, bl, wr)


def _pool_call(x3, bi3, wh1, bh1, wh2, bh2):
    return pl.pallas_call(
        _pool_body,
        grid=(NBLK,),
        in_specs=[
            pl.BlockSpec((BLK, D), lambda i: (i, 0)),
            pl.BlockSpec((1, 1, BLK), lambda i: (i, 0, 0)),
            pl.BlockSpec((D, D), lambda i: (0, 0)),
            pl.BlockSpec((1, D), lambda i: (0, 0)),
            pl.BlockSpec((D, 1), lambda i: (0, 0)),
            pl.BlockSpec((1, 1), lambda i: (0, 0)),
        ],
        out_specs=pl.BlockSpec((16, 1), lambda i: (0, 0)),
        out_shape=jax.ShapeDtypeStruct((16, 1), F32),
        scratch_shapes=[pltpu.VMEM((16, D), F32),
                        pltpu.VMEM((16, D), F32),
                        pltpu.VMEM((16, 128), F32)],
    )(x3, bi3, wh1, bh1, wh2, bh2)



def kernel(op_code, op_feats, edge_index, batch_idx, emb, W_feat, ln_g, ln_b,
           W_pre, b_pre, Wl0, bl0, Wr0, Wl1, bl1, Wr1, Wl2, bl2, Wr2,
           Wh1, bh1, Wh2, bh2):
    pad_i = jnp.full((HALF_PAD - HALF,), 120, I32)
    pad_b = jnp.full((HALF_PAD - HALF,), 16, I32)
    pad_f = jnp.zeros((HALF_PAD - HALF, 140), F32)
    opc_pad = jnp.concatenate([op_code[:HALF], pad_i, op_code[HALF:], pad_i])
    feats_pad = jnp.concatenate([op_feats[:HALF], pad_f,
                                 op_feats[HALF:], pad_f])
    bi_pad = jnp.concatenate([batch_idx[:HALF], pad_b, batch_idx[HALF:], pad_b])
    emb_pad = jnp.zeros((HID, HID), F32).at[:emb.shape[0]].set(emb)

    opc3 = opc_pad.reshape(NBLK, 1, BLK)
    bi3 = bi_pad.reshape(NBLK, 1, BLK)

    src = edge_index[0]
    dst = edge_index[1]
    spad = src + jnp.where(src >= HALF, HALF_PAD - HALF, 0)
    dpad = dst + jnp.where(dst >= HALF, HALF_PAD - HALF, 0)
    order = jnp.argsort(dpad)
    ssrc = jnp.concatenate([spad[order], jnp.zeros((CH,), I32)])
    sdst = jnp.concatenate([dpad[order], jnp.zeros((CH,), I32)])
    spans = jnp.searchsorted(sdst[:E], jnp.arange(33, dtype=I32) * TPR
                             ).astype(I32)
    spans = jnp.concatenate([spans, jnp.full((15,), E, I32)])
    spans = jnp.repeat(spans, 16)

    zacc = jnp.zeros((ACC_R, D), F32)
    zdeg = jnp.zeros((ACC_R * 16,), F32)

    lng = ln_g.reshape(1, HID)
    lnb = ln_b.reshape(1, HID)
    bpre = b_pre.reshape(1, D)
    bh1r = bh1.reshape(1, D)
    bh2r = bh2.reshape(1, 1)

    x0 = _encoder_call(opc3, feats_pad, emb_pad, W_feat, lng, lnb,
                       W_pre, bpre)

    edge_deg = _make_edge_kernel(True)
    edge_nodeg = _make_edge_kernel(False)

    acc0, deg = edge_deg(ssrc, sdst, spans, x0, zacc, zdeg)
    deg = deg.reshape(NPAD, 16)
    x1 = _layer_call(acc0, deg, x0, Wl0, bl0.reshape(1, D), Wr0)
    acc1 = edge_nodeg(ssrc, sdst, spans, x1, zacc)
    x2 = _layer_call(acc1, deg, x1, Wl1, bl1.reshape(1, D), Wr1)
    acc2 = edge_nodeg(ssrc, sdst, spans, x2, zacc)
    x3 = _layer_call(acc2, deg, x2, Wl2, bl2.reshape(1, D), Wr2)

    return _pool_call(x3, bi3, Wh1, bh1r, Wh2, bh2r)

# --- scband reference (transcript-rebuilt; emitter-appended) ---
"""Pipeline reference for scband-layout-tpugnn-22686017257476 (READ-ONLY COPY).

The authoritative reference and input builder live on the scoring server;
editing this copy changes nothing except your own understanding.
"""

import jax, jax.numpy as jnp
import numpy as np

NODE_OP_CODES = 120
NODE_FEATS = 140
HID = 128
INNER = 256
LAYERS_MP = 3
NUM_GRAPHS = 16
N = 10000
E = 320000


def setup_inputs(seed: int = 0) -> dict:
    key = jax.random.key(seed)
    ks = jax.random.split(key, 32)
    op_code = jax.random.randint(ks[0], (N,), 0, NODE_OP_CODES, dtype=jnp.int32)
    op_feats = jax.random.normal(ks[1], (N, NODE_FEATS), dtype=jnp.float32)
    edge_index = jax.random.randint(ks[2], (2, E), 0, N, dtype=jnp.int32)
    batch_idx = jnp.sort(jax.random.randint(ks[3], (N,), 0, NUM_GRAPHS, dtype=jnp.int32))
    # NodeEncoder params
    emb = 0.02 * jax.random.normal(ks[4], (NODE_OP_CODES + 1, HID), dtype=jnp.float32)
    emb = emb.at[NODE_OP_CODES].set(0.0)  # padding_idx
    W_feat = jax.random.normal(ks[5], (NODE_FEATS, HID), dtype=jnp.float32) / np.sqrt(NODE_FEATS)
    ln_g = jnp.ones((HID,), dtype=jnp.float32)
    ln_b = jnp.zeros((HID,), dtype=jnp.float32)
    # pre-MP linear (hidden -> dim_inner) + ReLU
    W_pre = jax.random.normal(ks[6], (HID, INNER), dtype=jnp.float32) / np.sqrt(HID)
    b_pre = jnp.zeros((INNER,), dtype=jnp.float32)
    inp = {
        'op_code': op_code, 'op_feats': op_feats, 'edge_index': edge_index,
        'batch_idx': batch_idx, 'emb': emb, 'W_feat': W_feat, 'ln_g': ln_g,
        'ln_b': ln_b, 'W_pre': W_pre, 'b_pre': b_pre,
    }
    # 3 SAGEConv layers: lin_l (aggregated, with bias) and lin_r (root)
    for i in range(LAYERS_MP):
        inp[f'Wl{i}'] = jax.random.normal(ks[7 + 3 * i], (INNER, INNER), dtype=jnp.float32) / np.sqrt(INNER)
        inp[f'bl{i}'] = jnp.zeros((INNER,), dtype=jnp.float32)
        inp[f'Wr{i}'] = jax.random.normal(ks[8 + 3 * i], (INNER, INNER), dtype=jnp.float32) / np.sqrt(INNER)
    # post-MP head MLP: Linear(256,256)+ReLU, Linear(256,1)
    inp['Wh1'] = jax.random.normal(ks[20], (INNER, INNER), dtype=jnp.float32) / np.sqrt(INNER)
    inp['bh1'] = jnp.zeros((INNER,), dtype=jnp.float32)
    inp['Wh2'] = jax.random.normal(ks[21], (INNER, 1), dtype=jnp.float32) / np.sqrt(INNER)
    inp['bh2'] = jnp.zeros((1,), dtype=jnp.float32)
    return inp


def _layer_norm(x, g, b, eps=1e-12):
    mu = jnp.mean(x, axis=-1, keepdims=True)
    var = jnp.var(x, axis=-1, keepdims=True)
    return (x - mu) / jnp.sqrt(var + eps) * g + b


def reference(op_code, op_feats, edge_index, batch_idx, emb, W_feat, ln_g, ln_b,
              W_pre, b_pre, Wl0, bl0, Wr0, Wl1, bl1, Wr1, Wl2, bl2, Wr2,
              Wh1, bh1, Wh2, bh2):
    # NodeEncoder: opcode embedding + linear(node_feats), then LayerNorm
    x = jnp.take(emb, op_code, axis=0) + op_feats @ W_feat
    x = _layer_norm(x, ln_g, ln_b)
    # pre-MP layer
    x = jax.nn.relu(x @ W_pre + b_pre)
    # SAGEConv message-passing layers (mean aggregation) + ReLU
    src = edge_index[0]
    dst = edge_index[1]
    deg = jax.ops.segment_sum(jnp.ones((E, 1), dtype=x.dtype), dst, num_segments=N)
    deg = jnp.clip(deg, 1.0, None)
    for (Wl, bl, Wr) in ((Wl0, bl0, Wr0), (Wl1, bl1, Wr1), (Wl2, bl2, Wr2)):
        msg = jnp.take(x, src, axis=0)
        agg = jax.ops.segment_sum(msg, dst, num_segments=N) / deg
        x = jax.nn.relu(agg @ Wl + bl + x @ Wr)
    # global max + mean pooling over graphs in batch
    gmax = jax.ops.segment_max(x, batch_idx, num_segments=NUM_GRAPHS)
    gsum = jax.ops.segment_sum(x, batch_idx, num_segments=NUM_GRAPHS)
    cnt = jax.ops.segment_sum(jnp.ones((N, 1), dtype=x.dtype), batch_idx, num_segments=NUM_GRAPHS)
    batch_embed = gmax + gsum / jnp.clip(cnt, 1.0, None)
    graph_embed = batch_embed / jnp.linalg.norm(batch_embed, axis=-1, keepdims=True)
    # head MLP (layer_post_mp): Linear+ReLU then Linear
    h = jax.nn.relu(graph_embed @ Wh1 + bh1)
    out = h @ Wh2 + bh2
    return out

if __name__ == "__main__":
    import jax
    _d = setup_inputs()
    print(jax.jit(kernel)(*tuple(_d.values())))

</pallas_src>

<mosaic_0001>
#map = affine_map<(d0, d1) -> (0)>
#map1 = affine_map<(d0, d1) -> (0, 0)>
module attributes {stable_mosaic.version = 14 : i64} {
  func.func @_edge_body_nodeg(%arg0: i32, %arg1: i32, %arg2: memref<320128xi32, #tpu.memory_space<hbm>>, %arg3: memref<320128xi32, #tpu.memory_space<hbm>>, %arg4: memref<768xi32, #tpu.memory_space<hbm>>, %arg5: memref<10240x256xf32, #tpu.memory_space<hbm>>, %arg6: memref<328x256xf32, #tpu.memory_space<hbm>>, %arg7: memref<10240x256xf32, #tpu.memory_space<hbm>>, %arg8: memref<768xi32, #tpu.memory_space<vmem>>, %arg9: memref<128xi32, #tpu.memory_space<vmem>>, %arg10: memref<128xi32, #tpu.memory_space<vmem>>, %arg11: memref<128x256xf32, #tpu.memory_space<vmem>>, %arg12: memref<328x256xf32, #tpu.memory_space<vmem>>, %arg13: memref<!tpu.dma_semaphore, #tpu.memory_space<semaphore_mem>>) attributes {dimension_semantics = [#tpu.dimension_semantics<core_parallel>, #tpu.dimension_semantics<subcore_parallel>], iteration_bounds = array<i64: 2, 16>, scalar_prefetch = 0 : i64, scratch_operands = 6 : i64, tpu.core_type = #tpu.core_type<sc_vector_subcore>, window_params = [{transform_indices = #map}, {transform_indices = #map}, {transform_indices = #map}, {transform_indices = #map1}, {transform_indices = #map1}, {transform_indices = #map1}]} {
    %mul3A = arith.constant 16 : i32
    %mul3A_0 = arith.muli %arg0, %mul3A : i32
    %add3A = arith.addi %mul3A_0, %arg1 : i32
    %iota3A = tpu.iota {dimensions = array<i32: 0>} : vector<16xi32>
    %broadcast_in_dim3A = arith.constant 1.000000e+00 : f32
    %broadcast_in_dim3A_1 = vector.broadcast %broadcast_in_dim3A : f32 to vector<16xf32>
    "tpu.region"() ({
      %run_scoped3A = tpu.sem_alloc : memref<!tpu.dma_semaphore, #tpu.memory_space<semaphore_mem>>
      tpu.enqueue_dma source(%arg4 : memref<768xi32, #tpu.memory_space<hbm>>) target(%arg8 : memref<768xi32, #tpu.memory_space<vmem>>) target_semaphore(%run_scoped3A : memref<!tpu.dma_semaphore, #tpu.memory_space<semaphore_mem>>)
      tpu.wait_dma2 semaphore(%run_scoped3A : memref<!tpu.dma_semaphore, #tpu.memory_space<semaphore_mem>>) src(%arg4 : memref<768xi32, #tpu.memory_space<hbm>>) dst(%arg8 : memref<768xi32, #tpu.memory_space<vmem>>)
      tpu.yield
    }) : () -> ()
    "tpu.region"() ({
      %run_scoped3A = tpu.sem_alloc : memref<!tpu.dma_semaphore, #tpu.memory_space<semaphore_mem>>
      tpu.enqueue_dma source(%arg6 : memref<328x256xf32, #tpu.memory_space<hbm>>) target(%arg12 : memref<328x256xf32, #tpu.memory_space<vmem>>) target_semaphore(%run_scoped3A : memref<!tpu.dma_semaphore, #tpu.memory_space<semaphore_mem>>)
      tpu.wait_dma2 semaphore(%run_scoped3A : memref<!tpu.dma_semaphore, #tpu.memory_space<semaphore_mem>>) src(%arg6 : memref<328x256xf32, #tpu.memory_space<hbm>>) dst(%arg12 : memref<328x256xf32, #tpu.memory_space<vmem>>)
      tpu.yield
    }) : () -> ()
    %mul3A_2 = arith.constant 16 : i32
    %mul3A_3 = arith.muli %add3A, %mul3A_2 : i32
    %get3A = arith.index_cast %mul3A_3 : i32 to index
    %get3A_4 = tpu.vector_load %arg8[%get3A] {strides = array<i32>} : memref<768xi32, #tpu.memory_space<vmem>>, vector<16xi32>,
    %slice3A = vector.extract_strided_slice %get3A_4 {offsets = [0], sizes = [1], strides = [1]} : vector<16xi32> to vector<1xi32>
    %squeeze3A = vector.extract %slice3A[0] : i32 from vector<1xi32>
    %add3A_5 = arith.constant 1 : i32
    %add3A_6 = arith.addi %add3A, %add3A_5 : i32
    %mul3A_7 = arith.constant 16 : i32
    %mul3A_8 = arith.muli %add3A_6, %mul3A_7 : i32
    %get3A_9 = arith.index_cast %mul3A_8 : i32 to index
    %get3A_10 = tpu.vector_load %arg8[%get3A_9] {strides = array<i32>} : memref<768xi32, #tpu.memory_space<vmem>>, vector<16xi32>,
    %slice3A_11 = vector.extract_strided_slice %get3A_10 {offsets = [0], sizes = [1], strides = [1]} : vector<16xi32> to vector<1xi32>
    %squeeze3A_12 = vector.extract %slice3A_11[0] : i32 from vector<1xi32>
    %jit3A = arith.constant 128 : i32
    %div3A = arith.divsi %squeeze3A, %jit3A : i32
    %sign3A = arith.constant 0 : i32
    %sign3A_13 = arith.cmpi sgt, %squeeze3A, %sign3A : i32
    %sign3A_14 = arith.extui %sign3A_13 : i1 to i32
    %sign3A_15 = arith.constant 0 : i32
    %sign3A_16 = arith.cmpi slt, %squeeze3A, %sign3A_15 : i32
    %sign3A_17 = arith.extui %sign3A_16 : i1 to i32
    %sign3A_18 = arith.subi %sign3A_14, %sign3A_17 : i32
    %sign3A_19 = arith.constant 0 : i32
    %sign3A_20 = arith.cmpi sgt, %jit3A, %sign3A_19 : i32
    %sign3A_21 = arith.extui %sign3A_20 : i1 to i32
    %sign3A_22 = arith.constant 0 : i32
    %sign3A_23 = arith.cmpi slt, %jit3A, %sign3A_22 : i32
    %sign3A_24 = arith.extui %sign3A_23 : i1 to i32
    %sign3A_25 = arith.subi %sign3A_21, %sign3A_24 : i32
    %ne3A = arith.cmpi ne, %sign3A_18, %sign3A_25 : i32
    %rem3A = arith.remsi %squeeze3A, %jit3A : i32
    %ne3A_26 = arith.constant 0 : i32
    %ne3A_27 = arith.cmpi ne, %rem3A, %ne3A_26 : i32
    %and3A = arith.andi %ne3A, %ne3A_27 : i1
    %sub3A = arith.constant 1 : i32
    %sub3A_28 = arith.subi %div3A, %sub3A : i32
    %select_n3A = arith.select %and3A, %sub3A_28, %div3A : i32
    %mul3A_29 = arith.constant 128 : i32
    %mul3A_30 = arith.muli %select_n3A, %mul3A_29 : i32
    %sub3A_31 = arith.subi %squeeze3A_12, %mul3A_30 : i32
    %add3A_32 = arith.constant 128 : i32
    %add3A_33 = arith.addi %sub3A_31, %add3A_32 : i32
    %sub3A_34 = arith.constant 1 : i32
    %sub3A_35 = arith.subi %add3A_33, %sub3A_34 : i32
    %jit3A_36 = arith.constant 128 : i32
    %div3A_37 = arith.divsi %sub3A_35, %jit3A_36 : i32
    %sign3A_38 = arith.constant 0 : i32
    %sign3A_39 = arith.cmpi sgt, %sub3A_35, %sign3A_38 : i32
    %sign3A_40 = arith.extui %sign3A_39 : i1 to i32
    %sign3A_41 = arith.constant 0 : i32
    %sign3A_42 = arith.cmpi slt, %sub3A_35, %sign3A_41 : i32
    %sign3A_43 = arith.extui %sign3A_42 : i1 to i32
    %sign3A_44 = arith.subi %sign3A_40, %sign3A_43 : i32
    %sign3A_45 = arith.constant 0 : i32
    %sign3A_46 = arith.cmpi sgt, %jit3A_36, %sign3A_45 : i32
    %sign3A_47 = arith.extui %sign3A_46 : i1 to i32
    %sign3A_48 = arith.constant 0 : i32
    %sign3A_49 = arith.cmpi slt, %jit3A_36, %sign3A_48 : i32
    %sign3A_50 = arith.extui %sign3A_49 : i1 to i32
    %sign3A_51 = arith.subi %sign3A_47, %sign3A_50 : i32
    %ne3A_52 = arith.cmpi ne, %sign3A_44, %sign3A_51 : i32
    %rem3A_53 = arith.remsi %sub3A_35, %jit3A_36 : i32
    %ne3A_54 = arith.constant 0 : i32
    %ne3A_55 = arith.cmpi ne, %rem3A_53, %ne3A_54 : i32
    %and3A_56 = arith.andi %ne3A_52, %ne3A_55 : i1
    %sub3A_57 = arith.constant 1 : i32
    %sub3A_58 = arith.subi %div3A_37, %sub3A_57 : i32
    %select_n3A_59 = arith.select %and3A_56, %sub3A_58, %div3A_37 : i32
    %mul3A_60 = arith.constant 320 : i32
    %mul3A_61 = arith.muli %add3A, %mul3A_60 : i32
    %while3A = arith.constant 0 : i32
    %while3A_62 = arith.constant 0 : i32
    %while3A_63 = arith.subi %select_n3A_59, %while3A_62 : i32
    %while3A_64 = arith.addi %while3A_62, %while3A_63 : i32
    %while3A_65 = arith.constant 1 : i32
    %while3A_66 = arith.divsi %while3A_63, %while3A_65 : i32
    %while3A_67 = arith.muli %while3A_66, %while3A_65 : i32
    %while3A_68 = arith.addi %while3A_62, %while3A_67 : i32
    %while3A_69 = arith.constant 1 : i32
    scf.for %while3A_71 = %while3A_62 to %while3A_68 step %while3A_69  : i32 {
      %mul3A_72 = arith.constant 128 : i32
      %mul3A_73 = arith.muli %while3A_71, %mul3A_72 : i32
      %add3A_74 = arith.addi %mul3A_30, %mul3A_73 : i32
      "tpu.region"() ({
        %run_scoped3A = tpu.sem_alloc : memref<!tpu.dma_semaphore, #tpu.memory_space<semaphore_mem>>
        %dma_start3A_281 = tpu.memref_slice %arg2[%add3A_74] : memref<320128xi32, #tpu.memory_space<hbm>> -> memref<128xi32, #tpu.memory_space<hbm>>
        %dma_start3A_282 = tpu.memref_slice %arg2[%add3A_74] : memref<320128xi32, #tpu.memory_space<hbm>> -> memref<128xi32, #tpu.memory_space<hbm>>
        tpu.enqueue_dma source(%dma_start3A_282 : memref<128xi32, #tpu.memory_space<hbm>>) target(%arg9 : memref<128xi32, #tpu.memory_space<vmem>>) target_semaphore(%run_scoped3A : memref<!tpu.dma_semaphore, #tpu.memory_space<semaphore_mem>>)
        %dma_wait3A_283 = tpu.memref_slice %arg2[%add3A_74] : memref<320128xi32, #tpu.memory_space<hbm>> -> memref<128xi32, #tpu.memory_space<hbm>>
        %dma_wait3A_284 = tpu.memref_slice %arg2[%add3A_74] : memref<320128xi32, #tpu.memory_space<hbm>> -> memref<128xi32, #tpu.memory_space<hbm>>
        tpu.wait_dma2 semaphore(%run_scoped3A : memref<!tpu.dma_semaphore, #tpu.memory_space<semaphore_mem>>) src(%dma_wait3A_284 : memref<128xi32, #tpu.memory_space<hbm>>) dst(%arg9 : memref<128xi32, #tpu.memory_space<vmem>>)
        tpu.yield
      }) : () -> ()
      "tpu.region"() ({
        %run_scoped3A = tpu.sem_alloc : memref<!tpu.dma_semaphore, #tpu.memory_space<semaphore_mem>>
        %dma_start3A_281 = tpu.memref_slice %arg3[%add3A_74] : memref<320128xi32, #tpu.memory_space<hbm>> -> memref<128xi32, #tpu.memory_space<hbm>>
        %dma_start3A_282 = tpu.memref_slice %arg3[%add3A_74] : memref<320128xi32, #tpu.memory_space<hbm>> -> memref<128xi32, #tpu.memory_space<hbm>>
        tpu.enqueue_dma source(%dma_start3A_282 : memref<128xi32, #tpu.memory_space<hbm>>) target(%arg10 : memref<128xi32, #tpu.memory_space<vmem>>) target_semaphore(%run_scoped3A : memref<!tpu.dma_semaphore, #tpu.memory_space<semaphore_mem>>)
        %dma_wait3A_283 = tpu.memref_slice %arg3[%add3A_74] : memref<320128xi32, #tpu.memory_space<hbm>> -> memref<128xi32, #tpu.memory_space<hbm>>
        %dma_wait3A_284 = tpu.memref_slice %arg3[%add3A_74] : memref<320128xi32, #tpu.memory_space<hbm>> -> memref<128xi32, #tpu.memory_space<hbm>>
        tpu.wait_dma2 semaphore(%run_scoped3A : memref<!tpu.dma_semaphore, #tpu.memory_space<semaphore_mem>>) src(%dma_wait3A_284 : memref<128xi32, #tpu.memory_space<hbm>>) dst(%arg10 : memref<128xi32, #tpu.memory_space<vmem>>)
        tpu.yield
      }) : () -> ()
      %add3A_75 = arith.constant 0 : i32
      %add3A_76 = arith.addi %add3A_74, %add3A_75 : i32
      %add3A_77 = vector.broadcast %add3A_76 : i32 to vector<16xi32>
      %add3A_78 = arith.addi %add3A_77, %iota3A : vector<16xi32>
      %ge3A = vector.broadcast %squeeze3A : i32 to vector<16xi32>
      %ge3A_79 = arith.cmpi sge, %add3A_78, %ge3A : vector<16xi32>
      %lt3A = vector.broadcast %squeeze3A_12 : i32 to vector<16xi32>
      %lt3A_80 = arith.cmpi slt, %add3A_78, %lt3A : vector<16xi32>
      %and3A_81 = arith.andi %ge3A_79, %lt3A_80 : vector<16xi1>
      %get3A_82 = arith.constant 0 : index
      %get3A_83 = tpu.vector_load %arg10[%get3A_82] {strides = array<i32>} : memref<128xi32, #tpu.memory_space<vmem>>, vector<16xi32>,
      %sub3A_84 = vector.broadcast %mul3A_61 : i32 to vector<16xi32>
      %sub3A_85 = arith.subi %get3A_83, %sub3A_84 : vector<16xi32>
      %jit3A_86 = arith.constant 320 : i32
      %broadcast_in_dim3A_87 = vector.broadcast %jit3A_86 : i32 to vector<16xi32>
      %select_n3A_88 = arith.select %and3A_81, %sub3A_85, %broadcast_in_dim3A_87 : vector<16xi1>, vector<16xi32>
      %swap3A = arith.constant 0 : index
      %swap3A_89 = tpu.vector_load %arg10[%swap3A] {strides = array<i32>} : memref<128xi32, #tpu.memory_space<vmem>>, vector<16xi32>,
      tpu.vector_store %arg10[%swap3A], %select_n3A_88 {strides = array<i32>} : memref<128xi32, #tpu.memory_space<vmem>>, vector<16xi32>,
      %get3A_90 = arith.constant 0 : index
      %get3A_91 = tpu.vector_load %arg9[%get3A_90] {strides = array<i32>} : memref<128xi32, #tpu.memory_space<vmem>>, vector<16xi32>,
      %jit3A_92 = arith.constant 0 : i32
      %broadcast_in_dim3A_93 = vector.broadcast %jit3A_92 : i32 to vector<16xi32>
      %select_n3A_94 = arith.select %and3A_81, %get3A_91, %broadcast_in_dim3A_93 : vector<16xi1>, vector<16xi32>
      %swap3A_95 = arith.constant 0 : index
      %swap3A_96 = tpu.vector_load %arg9[%swap3A_95] {strides = array<i32>} : memref<128xi32, #tpu.memory_space<vmem>>, vector<16xi32>,
      tpu.vector_store %arg9[%swap3A_95], %select_n3A_94 {strides = array<i32>} : memref<128xi32, #tpu.memory_space<vmem>>, vector<16xi32>,
      %add3A_97 = arith.constant 16 : i32
      %add3A_98 = arith.addi %add3A_74, %add3A_97 : i32
      %add3A_99 = vector.broadcast %add3A_98 : i32 to vector<16xi32>
      %add3A_100 = arith.addi %add3A_99, %iota3A : vector<16xi32>
      %ge3A_101 = vector.broadcast %squeeze3A : i32 to vector<16xi32>
      %ge3A_102 = arith.cmpi sge, %add3A_100, %ge3A_101 : vector<16xi32>
      %lt3A_103 = vector.broadcast %squeeze3A_12 : i32 to vector<16xi32>
      %lt3A_104 = arith.cmpi slt, %add3A_100, %lt3A_103 : vector<16xi32>
      %and3A_105 = arith.andi %ge3A_102, %lt3A_104 : vector<16xi1>
      %get3A_106 = arith.constant 16 : index
      %get3A_107 = tpu.vector_load %arg10[%get3A_106] {strides = array<i32>} : memref<128xi32, #tpu.memory_space<vmem>>, vector<16xi32>,
      %sub3A_108 = vector.broadcast %mul3A_61 : i32 to vector<16xi32>
      %sub3A_109 = arith.subi %get3A_107, %sub3A_108 : vector<16xi32>
      %jit3A_110 = arith.constant 320 : i32
      %broadcast_in_dim3A_111 = vector.broadcast %jit3A_110 : i32 to vector<16xi32>
      %select_n3A_112 = arith.select %and3A_105, %sub3A_109, %broadcast_in_dim3A_111 : vector<16xi1>, vector<16xi32>
      %swap3A_113 = arith.constant 16 : index
      %swap3A_114 = tpu.vector_load %arg10[%swap3A_113] {strides = array<i32>} : memref<128xi32, #tpu.memory_space<vmem>>, vector<16xi32>,
      tpu.vector_store %arg10[%swap3A_113], %select_n3A_112 {strides = array<i32>} : memref<128xi32, #tpu.memory_space<vmem>>, vector<16xi32>,
      %get3A_115 = arith.constant 16 : index
      %get3A_116 = tpu.vector_load %arg9[%get3A_115] {strides = array<i32>} : memref<128xi32, #tpu.memory_space<vmem>>, vector<16xi32>,
      %jit3A_117 = arith.constant 0 : i32
      %broadcast_in_dim3A_118 = vector.broadcast %jit3A_117 : i32 to vector<16xi32>
      %select_n3A_119 = arith.select %and3A_105, %get3A_116, %broadcast_in_dim3A_118 : vector<16xi1>, vector<16xi32>
      %swap3A_120 = arith.constant 16 : index
      %swap3A_121 = tpu.vector_load %arg9[%swap3A_120] {strides = array<i32>} : memref<128xi32, #tpu.memory_space<vmem>>, vector<16xi32>,
      tpu.vector_store %arg9[%swap3A_120], %select_n3A_119 {strides = array<i32>} : memref<128xi32, #tpu.memory_space<vmem>>, vector<16xi32>,
      %add3A_122 = arith.constant 32 : i32
      %add3A_123 = arith.addi %add3A_74, %add3A_122 : i32
      %add3A_124 = vector.broadcast %add3A_123 : i32 to vector<16xi32>
      %add3A_125 = arith.addi %add3A_124, %iota3A : vector<16xi32>
      %ge3A_126 = vector.broadcast %squeeze3A : i32 to vector<16xi32>
      %ge3A_127 = arith.cmpi sge, %add3A_125, %ge3A_126 : vector<16xi32>
      %lt3A_128 = vector.broadcast %squeeze3A_12 : i32 to vector<16xi32>
      %lt3A_129 = arith.cmpi slt, %add3A_125, %lt3A_128 : vector<16xi32>
      %and3A_130 = arith.andi %ge3A_127, %lt3A_129 : vector<16xi1>
      %get3A_131 = arith.constant 32 : index
      %get3A_132 = tpu.vector_load %arg10[%get3A_131] {strides = array<i32>} : memref<128xi32, #tpu.memory_space<vmem>>, vector<16xi32>,
      %sub3A_133 = vector.broadcast %mul3A_61 : i32 to vector<16xi32>
      %sub3A_134 = arith.subi %get3A_132, %sub3A_133 : vector<16xi32>
      %jit3A_135 = arith.constant 320 : i32
      %broadcast_in_dim3A_136 = vector.broadcast %jit3A_135 : i32 to vector<16xi32>
      %select_n3A_137 = arith.select %and3A_130, %sub3A_134, %broadcast_in_dim3A_136 : vector<16xi1>, vector<16xi32>
      %swap3A_138 = arith.constant 32 : index
      %swap3A_139 = tpu.vector_load %arg10[%swap3A_138] {strides = array<i32>} : memref<128xi32, #tpu.memory_space<vmem>>, vector<16xi32>,
      tpu.vector_store %arg10[%swap3A_138], %select_n3A_137 {strides = array<i32>} : memref<128xi32, #tpu.memory_space<vmem>>, vector<16xi32>,
      %get3A_140 = arith.constant 32 : index
      %get3A_141 = tpu.vector_load %arg9[%get3A_140] {strides = array<i32>} : memref<128xi32, #tpu.memory_space<vmem>>, vector<16xi32>,
      %jit3A_142 = arith.constant 0 : i32
      %broadcast_in_dim3A_143 = vector.broadcast %jit3A_142 : i32 to vector<16xi32>
      %select_n3A_144 = arith.select %and3A_130, %get3A_141, %broadcast_in_dim3A_143 : vector<16xi1>, vector<16xi32>
      %swap3A_145 = arith.constant 32 : index
      %swap3A_146 = tpu.vector_load %arg9[%swap3A_145] {strides = array<i32>} : memref<128xi32, #tpu.memory_space<vmem>>, vector<16xi32>,
      tpu.vector_store %arg9[%swap3A_145], %select_n3A_144 {strides = array<i32>} : memref<128xi32, #tpu.memory_space<vmem>>, vector<16xi32>,
      %add3A_147 = arith.constant 48 : i32
      %add3A_148 = arith.addi %add3A_74, %add3A_147 : i32
      %add3A_149 = vector.broadcast %add3A_148 : i32 to vector<16xi32>
      %add3A_150 = arith.addi %add3A_149, %iota3A : vector<16xi32>
      %ge3A_151 = vector.broadcast %squeeze3A : i32 to vector<16xi32>
      %ge3A_152 = arith.cmpi sge, %add3A_150, %ge3A_151 : vector<16xi32>
      %lt3A_153 = vector.broadcast %squeeze3A_12 : i32 to vector<16xi32>
      %lt3A_154 = arith.cmpi slt, %add3A_150, %lt3A_153 : vector<16xi32>
      %and3A_155 = arith.andi %ge3A_152, %lt3A_154 : vector<16xi1>
      %get3A_156 = arith.constant 48 : index
      %get3A_157 = tpu.vector_load %arg10[%get3A_156] {strides = array<i32>} : memref<128xi32, #tpu.memory_space<vmem>>, vector<16xi32>,
      %sub3A_158 = vector.broadcast %mul3A_61 : i32 to vector<16xi32>
      %sub3A_159 = arith.subi %get3A_157, %sub3A_158 : vector<16xi32>
      %jit3A_160 = arith.constant 320 : i32
      %broadcast_in_dim3A_161 = vector.broadcast %jit3A_160 : i32 to vector<16xi32>
      %select_n3A_162 = arith.select %and3A_155, %sub3A_159, %broadcast_in_dim3A_161 : vector<16xi1>, vector<16xi32>
      %swap3A_163 = arith.constant 48 : index
      %swap3A_164 = tpu.vector_load %arg10[%swap3A_163] {strides = array<i32>} : memref<128xi32, #tpu.memory_space<vmem>>, vector<16xi32>,
      tpu.vector_store %arg10[%swap3A_163], %select_n3A_162 {strides = array<i32>} : memref<128xi32, #tpu.memory_space<vmem>>, vector<16xi32>,
      %get3A_165 = arith.constant 48 : index
      %get3A_166 = tpu.vector_load %arg9[%get3A_165] {strides = array<i32>} : memref<128xi32, #tpu.memory_space<vmem>>, vector<16xi32>,
      %jit3A_167 = arith.constant 0 : i32
      %broadcast_in_dim3A_168 = vector.broadcast %jit3A_167 : i32 to vector<16xi32>
      %select_n3A_169 = arith.select %and3A_155, %get3A_166, %broadcast_in_dim3A_168 : vector<16xi1>, vector<16xi32>
      %swap3A_170 = arith.constant 48 : index
      %swap3A_171 = tpu.vector_load %arg9[%swap3A_170] {strides = array<i32>} : memref<128xi32, #tpu.memory_space<vmem>>, vector<16xi32>,
      tpu.vector_store %arg9[%swap3A_170], %select_n3A_169 {strides = array<i32>} : memref<128xi32, #tpu.memory_space<vmem>>, vector<16xi32>,
      %add3A_172 = arith.constant 64 : i32
      %add3A_173 = arith.addi %add3A_74, %add3A_172 : i32
      %add3A_174 = vector.broadcast %add3A_173 : i32 to vector<16xi32>
      %add3A_175 = arith.addi %add3A_174, %iota3A : vector<16xi32>
      %ge3A_176 = vector.broadcast %squeeze3A : i32 to vector<16xi32>
      %ge3A_177 = arith.cmpi sge, %add3A_175, %ge3A_176 : vector<16xi32>
      %lt3A_178 = vector.broadcast %squeeze3A_12 : i32 to vector<16xi32>
      %lt3A_179 = arith.cmpi slt, %add3A_175, %lt3A_178 : vector<16xi32>
      %and3A_180 = arith.andi %ge3A_177, %lt3A_179 : vector<16xi1>
      %get3A_181 = arith.constant 64 : index
      %get3A_182 = tpu.vector_load %arg10[%get3A_181] {strides = array<i32>} : memref<128xi32, #tpu.memory_space<vmem>>, vector<16xi32>,
      %sub3A_183 = vector.broadcast %mul3A_61 : i32 to vector<16xi32>
      %sub3A_184 = arith.subi %get3A_182, %sub3A_183 : vector<16xi32>
      %jit3A_185 = arith.constant 320 : i32
      %broadcast_in_dim3A_186 = vector.broadcast %jit3A_185 : i32 to vector<16xi32>
      %select_n3A_187 = arith.select %and3A_180, %sub3A_184, %broadcast_in_dim3A_186 : vector<16xi1>, vector<16xi32>
      %swap3A_188 = arith.constant 64 : index
      %swap3A_189 = tpu.vector_load %arg10[%swap3A_188] {strides = array<i32>} : memref<128xi32, #tpu.memory_space<vmem>>, vector<16xi32>,
      tpu.vector_store %arg10[%swap3A_188], %select_n3A_187 {strides = array<i32>} : memref<128xi32, #tpu.memory_space<vmem>>, vector<16xi32>,
      %get3A_190 = arith.constant 64 : index
      %get3A_191 = tpu.vector_load %arg9[%get3A_190] {strides = array<i32>} : memref<128xi32, #tpu.memory_space<vmem>>, vector<16xi32>,
      %jit3A_192 = arith.constant 0 : i32
      %broadcast_in_dim3A_193 = vector.broadcast %jit3A_192 : i32 to vector<16xi32>
      %select_n3A_194 = arith.select %and3A_180, %get3A_191, %broadcast_in_dim3A_193 : vector<16xi1>, vector<16xi32>
      %swap3A_195 = arith.constant 64 : index
      %swap3A_196 = tpu.vector_load %arg9[%swap3A_195] {strides = array<i32>} : memref<128xi32, #tpu.memory_space<vmem>>, vector<16xi32>,
      tpu.vector_store %arg9[%swap3A_195], %select_n3A_194 {strides = array<i32>} : memref<128xi32, #tpu.memory_space<vmem>>, vector<16xi32>,
      %add3A_197 = arith.constant 80 : i32
      %add3A_198 = arith.addi %add3A_74, %add3A_197 : i32
      %add3A_199 = vector.broadcast %add3A_198 : i32 to vector<16xi32>
      %add3A_200 = arith.addi %add3A_199, %iota3A : vector<16xi32>
      %ge3A_201 = vector.broadcast %squeeze3A : i32 to vector<16xi32>
      %ge3A_202 = arith.cmpi sge, %add3A_200, %ge3A_201 : vector<16xi32>
      %lt3A_203 = vector.broadcast %squeeze3A_12 : i32 to vector<16xi32>
      %lt3A_204 = arith.cmpi slt, %add3A_200, %lt3A_203 : vector<16xi32>
      %and3A_205 = arith.andi %ge3A_202, %lt3A_204 : vector<16xi1>
      %get3A_206 = arith.constant 80 : index
      %get3A_207 = tpu.vector_load %arg10[%get3A_206] {strides = array<i32>} : memref<128xi32, #tpu.memory_space<vmem>>, vector<16xi32>,
      %sub3A_208 = vector.broadcast %mul3A_61 : i32 to vector<16xi32>
      %sub3A_209 = arith.subi %get3A_207, %sub3A_208 : vector<16xi32>
      %jit3A_210 = arith.constant 320 : i32
      %broadcast_in_dim3A_211 = vector.broadcast %jit3A_210 : i32 to vector<16xi32>
      %select_n3A_212 = arith.select %and3A_205, %sub3A_209, %broadcast_in_dim3A_211 : vector<16xi1>, vector<16xi32>
      %swap3A_213 = arith.constant 80 : index
      %swap3A_214 = tpu.vector_load %arg10[%swap3A_213] {strides = array<i32>} : memref<128xi32, #tpu.memory_space<vmem>>, vector<16xi32>,
      tpu.vector_store %arg10[%swap3A_213], %select_n3A_212 {strides = array<i32>} : memref<128xi32, #tpu.memory_space<vmem>>, vector<16xi32>,
      %get3A_215 = arith.constant 80 : index
      %get3A_216 = tpu.vector_load %arg9[%get3A_215] {strides = array<i32>} : memref<128xi32, #tpu.memory_space<vmem>>, vector<16xi32>,
      %jit3A_217 = arith.constant 0 : i32
      %broadcast_in_dim3A_218 = vector.broadcast %jit3A_217 : i32 to vector<16xi32>
      %select_n3A_219 = arith.select %and3A_205, %get3A_216, %broadcast_in_dim3A_218 : vector<16xi1>, vector<16xi32>
      %swap3A_220 = arith.constant 80 : index
      %swap3A_221 = tpu.vector_load %arg9[%swap3A_220] {strides = array<i32>} : memref<128xi32, #tpu.memory_space<vmem>>, vector<16xi32>,
      tpu.vector_store %arg9[%swap3A_220], %select_n3A_219 {strides = array<i32>} : memref<128xi32, #tpu.memory_space<vmem>>, vector<16xi32>,
      %add3A_222 = arith.constant 96 : i32
      %add3A_223 = arith.addi %add3A_74, %add3A_222 : i32
      %add3A_224 = vector.broadcast %add3A_223 : i32 to vector<16xi32>
      %add3A_225 = arith.addi %add3A_224, %iota3A : vector<16xi32>
      %ge3A_226 = vector.broadcast %squeeze3A : i32 to vector<16xi32>
      %ge3A_227 = arith.cmpi sge, %add3A_225, %ge3A_226 : vector<16xi32>
      %lt3A_228 = vector.broadcast %squeeze3A_12 : i32 to vector<16xi32>
      %lt3A_229 = arith.cmpi slt, %add3A_225, %lt3A_228 : vector<16xi32>
      %and3A_230 = arith.andi %ge3A_227, %lt3A_229 : vector<16xi1>
      %get3A_231 = arith.constant 96 : index
      %get3A_232 = tpu.vector_load %arg10[%get3A_231] {strides = array<i32>} : memref<128xi32, #tpu.memory_space<vmem>>, vector<16xi32>,
      %sub3A_233 = vector.broadcast %mul3A_61 : i32 to vector<16xi32>
      %sub3A_234 = arith.subi %get3A_232, %sub3A_233 : vector<16xi32>
      %jit3A_235 = arith.constant 320 : i32
      %broadcast_in_dim3A_236 = vector.broadcast %jit3A_235 : i32 to vector<16xi32>
      %select_n3A_237 = arith.select %and3A_230, %sub3A_234, %broadcast_in_dim3A_236 : vector<16xi1>, vector<16xi32>
      %swap3A_238 = arith.constant 96 : index
      %swap3A_239 = tpu.vector_load %arg10[%swap3A_238] {strides = array<i32>} : memref<128xi32, #tpu.memory_space<vmem>>, vector<16xi32>,
      tpu.vector_store %arg10[%swap3A_238], %select_n3A_237 {strides = array<i32>} : memref<128xi32, #tpu.memory_space<vmem>>, vector<16xi32>,
      %get3A_240 = arith.constant 96 : index
      %get3A_241 = tpu.vector_load %arg9[%get3A_240] {strides = array<i32>} : memref<128xi32, #tpu.memory_space<vmem>>, vector<16xi32>,
      %jit3A_242 = arith.constant 0 : i32
      %broadcast_in_dim3A_243 = vector.broadcast %jit3A_242 : i32 to vector<16xi32>
      %select_n3A_244 = arith.select %and3A_230, %get3A_241, %broadcast_in_dim3A_243 : vector<16xi1>, vector<16xi32>
      %swap3A_245 = arith.constant 96 : index
      %swap3A_246 = tpu.vector_load %arg9[%swap3A_245] {strides = array<i32>} : memref<128xi32, #tpu.memory_space<vmem>>, vector<16xi32>,
      tpu.vector_store %arg9[%swap3A_245], %select_n3A_244 {strides = array<i32>} : memref<128xi32, #tpu.memory_space<vmem>>, vector<16xi32>,
      %add3A_247 = arith.constant 112 : i32
      %add3A_248 = arith.addi %add3A_74, %add3A_247 : i32
      %add3A_249 = vector.broadcast %add3A_248 : i32 to vector<16xi32>
      %add3A_250 = arith.addi %add3A_249, %iota3A : vector<16xi32>
      %ge3A_251 = vector.broadcast %squeeze3A : i32 to vector<16xi32>
      %ge3A_252 = arith.cmpi sge, %add3A_250, %ge3A_251 : vector<16xi32>
      %lt3A_253 = vector.broadcast %squeeze3A_12 : i32 to vector<16xi32>
      %lt3A_254 = arith.cmpi slt, %add3A_250, %lt3A_253 : vector<16xi32>
      %and3A_255 = arith.andi %ge3A_252, %lt3A_254 : vector<16xi1>
      %get3A_256 = arith.constant 112 : index
      %get3A_257 = tpu.vector_load %arg10[%get3A_256] {strides = array<i32>} : memref<128xi32, #tpu.memory_space<vmem>>, vector<16xi32>,
      %sub3A_258 = vector.broadcast %mul3A_61 : i32 to vector<16xi32>
      %sub3A_259 = arith.subi %get3A_257, %sub3A_258 : vector<16xi32>
      %jit3A_260 = arith.constant 320 : i32
      %broadcast_in_dim3A_261 = vector.broadcast %jit3A_260 : i32 to vector<16xi32>
      %select_n3A_262 = arith.select %and3A_255, %sub3A_259, %broadcast_in_dim3A_261 : vector<16xi1>, vector<16xi32>
      %swap3A_263 = arith.constant 112 : index
      %swap3A_264 = tpu.vector_load %arg10[%swap3A_263] {strides = array<i32>} : memref<128xi32, #tpu.memory_space<vmem>>, vector<16xi32>,
      tpu.vector_store %arg10[%swap3A_263], %select_n3A_262 {strides = array<i32>} : memref<128xi32, #tpu.memory_space<vmem>>, vector<16xi32>,
      %get3A_265 = arith.constant 112 : index
      %get3A_266 = tpu.vector_load %arg9[%get3A_265] {strides = array<i32>} : memref<128xi32, #tpu.memory_space<vmem>>, vector<16xi32>,
      %jit3A_267 = arith.constant 0 : i32
      %broadcast_in_dim3A_268 = vector.broadcast %jit3A_267 : i32 to vector<16xi32>
      %select_n3A_269 = arith.select %and3A_255, %get3A_266, %broadcast_in_dim3A_268 : vector<16xi1>, vector<16xi32>
      %swap3A_270 = arith.constant 112 : index
      %swap3A_271 = tpu.vector_load %arg9[%swap3A_270] {strides = array<i32>} : memref<128xi32, #tpu.memory_space<vmem>>, vector<16xi32>,
      tpu.vector_store %arg9[%swap3A_270], %select_n3A_269 {strides = array<i32>} : memref<128xi32, #tpu.memory_space<vmem>>, vector<16xi32>,
      %dma_start3A = arith.constant 0 : i32
      %dma_start3A_272 = arith.constant 0 : i32
      %dma_start3A_273 = tpu.memref_slice %arg5[%dma_start3A, %dma_start3A_272] : memref<10240x256xf32, #tpu.memory_space<hbm>> -> memref<10240x256xf32, #tpu.memory_space<hbm>>
      tpu.enqueue_indirect_dma source(%dma_start3A_273 : memref<10240x256xf32, #tpu.memory_space<hbm>>) target(%arg11 : memref<128x256xf32, #tpu.memory_space<vmem>>) offsets(%arg9 : memref<128xi32, #tpu.memory_space<vmem>>) semaphore(%arg13 : memref<!tpu.dma_semaphore, #tpu.memory_space<semaphore_mem>>)
      %dma_wait3A = arith.constant 0 : i32
      %dma_wait3A_274 = arith.constant 0 : i32
      %dma_wait3A_275 = tpu.memref_slice %arg5[%dma_wait3A, %dma_wait3A_274] : memref<10240x256xf32, #tpu.memory_space<hbm>> -> memref<10240x256xf32, #tpu.memory_space<hbm>>
      tpu.wait_indirect_dma semaphore(%arg13 : memref<!tpu.dma_semaphore, #tpu.memory_space<semaphore_mem>>) src(%dma_wait3A_275 : memref<10240x256xf32, #tpu.memory_space<hbm>>) dst(%arg11 : memref<128x256xf32, #tpu.memory_space<vmem>>)
      %scan3A = arith.constant 0 : i32
      %scan3A_276 = arith.constant 0 : i32
      %scan3A_277 = arith.constant 128 : i32
      %scan3A_278 = arith.addi %scan3A_276, %scan3A_277 : i32
      %scan3A_279 = arith.constant 1 : i32
      scf.for %scan3A_281 = %scan3A_276 to %scan3A_278 step %scan3A_279  : i32 {
        %broadcast_in_dim3A_282 = vector.broadcast %scan3A_281 : i32 to vector<16xi32>
        %gather3A = tpu.vector_load_idx %arg10[%broadcast_in_dim3A_282] : memref<128xi32, #tpu.memory_space<vmem>>[vector<16xi32>], vector<16xi32>,
        %get3A_283 = arith.index_cast %scan3A_281 : i32 to index
        %get3A_284 = arith.constant 0 : index
        %get3A_285 = tpu.vector_load %arg11[%get3A_283, %get3A_284] {strides = array<i32>} : memref<128x256xf32, #tpu.memory_space<vmem>>, vector<16xf32>,
        %add3A_286 = arith.constant 0 : i32
        %add3A_287 = vector.broadcast %add3A_286 : i32 to vector<16xi32>
        %add3A_288 = arith.addi %add3A_287, %iota3A : vector<16xi32>
        tpu.vector_store_idx %arg12[%gather3A, %add3A_288], %get3A_285 {add = true} : memref<328x256xf32, #tpu.memory_space<vmem>>[vector<16xi32>, vector<16xi32>], vector<16xf32>,
        %get3A_289 = arith.index_cast %scan3A_281 : i32 to index
        %get3A_290 = arith.constant 16 : index
        %get3A_291 = tpu.vector_load %arg11[%get3A_289, %get3A_290] {strides = array<i32>} : memref<128x256xf32, #tpu.memory_space<vmem>>, vector<16xf32>,
        %add3A_292 = arith.constant 16 : i32
        %add3A_293 = vector.broadcast %add3A_292 : i32 to vector<16xi32>
        %add3A_294 = arith.addi %add3A_293, %iota3A : vector<16xi32>
        tpu.vector_store_idx %arg12[%gather3A, %add3A_294], %get3A_291 {add = true} : memref<328x256xf32, #tpu.memory_space<vmem>>[vector<16xi32>, vector<16xi32>], vector<16xf32>,
        %get3A_295 = arith.index_cast %scan3A_281 : i32 to index
        %get3A_296 = arith.constant 32 : index
        %get3A_297 = tpu.vector_load %arg11[%get3A_295, %get3A_296] {strides = array<i32>} : memref<128x256xf32, #tpu.memory_space<vmem>>, vector<16xf32>,
        %add3A_298 = arith.constant 32 : i32
        %add3A_299 = vector.broadcast %add3A_298 : i32 to vector<16xi32>
        %add3A_300 = arith.addi %add3A_299, %iota3A : vector<16xi32>
        tpu.vector_store_idx %arg12[%gather3A, %add3A_300], %get3A_297 {add = true} : memref<328x256xf32, #tpu.memory_space<vmem>>[vector<16xi32>, vector<16xi32>], vector<16xf32>,
        %get3A_301 = arith.index_cast %scan3A_281 : i32 to index
        %get3A_302 = arith.constant 48 : index
        %get3A_303 = tpu.vector_load %arg11[%get3A_301, %get3A_302] {strides = array<i32>} : memref<128x256xf32, #tpu.memory_space<vmem>>, vector<16xf32>,
        %add3A_304 = arith.constant 48 : i32
        %add3A_305 = vector.broadcast %add3A_304 : i32 to vector<16xi32>
        %add3A_306 = arith.addi %add3A_305, %iota3A : vector<16xi32>
        tpu.vector_store_idx %arg12[%gather3A, %add3A_306], %get3A_303 {add = true} : memref<328x256xf32, #tpu.memory_space<vmem>>[vector<16xi32>, vector<16xi32>], vector<16xf32>,
        %get3A_307 = arith.index_cast %scan3A_281 : i32 to index
        %get3A_308 = arith.constant 64 : index
        %get3A_309 = tpu.vector_load %arg11[%get3A_307, %get3A_308] {strides = array<i32>} : memref<128x256xf32, #tpu.memory_space<vmem>>, vector<16xf32>,
        %add3A_310 = arith.constant 64 : i32
        %add3A_311 = vector.broadcast %add3A_310 : i32 to vector<16xi32>
        %add3A_312 = arith.addi %add3A_311, %iota3A : vector<16xi32>
        tpu.vector_store_idx %arg12[%gather3A, %add3A_312], %get3A_309 {add = true} : memref<328x256xf32, #tpu.memory_space<vmem>>[vector<16xi32>, vector<16xi32>], vector<16xf32>,
        %get3A_313 = arith.index_cast %scan3A_281 : i32 to index
        %get3A_314 = arith.constant 80 : index
        %get3A_315 = tpu.vector_load %arg11[%get3A_313, %get3A_314] {strides = array<i32>} : memref<128x256xf32, #tpu.memory_space<vmem>>, vector<16xf32>,
        %add3A_316 = arith.constant 80 : i32
        %add3A_317 = vector.broadcast %add3A_316 : i32 to vector<16xi32>
        %add3A_318 = arith.addi %add3A_317, %iota3A : vector<16xi32>
        tpu.vector_store_idx %arg12[%gather3A, %add3A_318], %get3A_315 {add = true} : memref<328x256xf32, #tpu.memory_space<vmem>>[vector<16xi32>, vector<16xi32>], vector<16xf32>,
        %get3A_319 = arith.index_cast %scan3A_281 : i32 to index
        %get3A_320 = arith.constant 96 : index
        %get3A_321 = tpu.vector_load %arg11[%get3A_319, %get3A_320] {strides = array<i32>} : memref<128x256xf32, #tpu.memory_space<vmem>>, vector<16xf32>,
        %add3A_322 = arith.constant 96 : i32
        %add3A_323 = vector.broadcast %add3A_322 : i32 to vector<16xi32>
        %add3A_324 = arith.addi %add3A_323, %iota3A : vector<16xi32>
        tpu.vector_store_idx %arg12[%gather3A, %add3A_324], %get3A_321 {add = true} : memref<328x256xf32, #tpu.memory_space<vmem>>[vector<16xi32>, vector<16xi32>], vector<16xf32>,
        %get3A_325 = arith.index_cast %scan3A_281 : i32 to index
        %get3A_326 = arith.constant 112 : index
        %get3A_327 = tpu.vector_load %arg11[%get3A_325, %get3A_326] {strides = array<i32>} : memref<128x256xf32, #tpu.memory_space<vmem>>, vector<16xf32>,
        %add3A_328 = arith.constant 112 : i32
        %add3A_329 = vector.broadcast %add3A_328 : i32 to vector<16xi32>
        %add3A_330 = arith.addi %add3A_329, %iota3A : vector<16xi32>
        tpu.vector_store_idx %arg12[%gather3A, %add3A_330], %get3A_327 {add = true} : memref<328x256xf32, #tpu.memory_space<vmem>>[vector<16xi32>, vector<16xi32>], vector<16xf32>,
        %get3A_331 = arith.index_cast %scan3A_281 : i32 to index
        %get3A_332 = arith.constant 128 : index
        %get3A_333 = tpu.vector_load %arg11[%get3A_331, %get3A_332] {strides = array<i32>} : memref<128x256xf32, #tpu.memory_space<vmem>>, vector<16xf32>,
        %add3A_334 = arith.constant 128 : i32
        %add3A_335 = vector.broadcast %add3A_334 : i32 to vector<16xi32>
        %add3A_336 = arith.addi %add3A_335, %iota3A : vector<16xi32>
        tpu.vector_store_idx %arg12[%gather3A, %add3A_336], %get3A_333 {add = true} : memref<328x256xf32, #tpu.memory_space<vmem>>[vector<16xi32>, vector<16xi32>], vector<16xf32>,
        %get3A_337 = arith.index_cast %scan3A_281 : i32 to index
        %get3A_338 = arith.constant 144 : index
        %get3A_339 = tpu.vector_load %arg11[%get3A_337, %get3A_338] {strides = array<i32>} : memref<128x256xf32, #tpu.memory_space<vmem>>, vector<16xf32>,
        %add3A_340 = arith.constant 144 : i32
        %add3A_341 = vector.broadcast %add3A_340 : i32 to vector<16xi32>
        %add3A_342 = arith.addi %add3A_341, %iota3A : vector<16xi32>
        tpu.vector_store_idx %arg12[%gather3A, %add3A_342], %get3A_339 {add = true} : memref<328x256xf32, #tpu.memory_space<vmem>>[vector<16xi32>, vector<16xi32>], vector<16xf32>,
        %get3A_343 = arith.index_cast %scan3A_281 : i32 to index
        %get3A_344 = arith.constant 160 : index
        %get3A_345 = tpu.vector_load %arg11[%get3A_343, %get3A_344] {strides = array<i32>} : memref<128x256xf32, #tpu.memory_space<vmem>>, vector<16xf32>,
        %add3A_346 = arith.constant 160 : i32
        %add3A_347 = vector.broadcast %add3A_346 : i32 to vector<16xi32>
        %add3A_348 = arith.addi %add3A_347, %iota3A : vector<16xi32>
        tpu.vector_store_idx %arg12[%gather3A, %add3A_348], %get3A_345 {add = true} : memref<328x256xf32, #tpu.memory_space<vmem>>[vector<16xi32>, vector<16xi32>], vector<16xf32>,
        %get3A_349 = arith.index_cast %scan3A_281 : i32 to index
        %get3A_350 = arith.constant 176 : index
        %get3A_351 = tpu.vector_load %arg11[%get3A_349, %get3A_350] {strides = array<i32>} : memref<128x256xf32, #tpu.memory_space<vmem>>, vector<16xf32>,
        %add3A_352 = arith.constant 176 : i32
        %add3A_353 = vector.broadcast %add3A_352 : i32 to vector<16xi32>
        %add3A_354 = arith.addi %add3A_353, %iota3A : vector<16xi32>
        tpu.vector_store_idx %arg12[%gather3A, %add3A_354], %get3A_351 {add = true} : memref<328x256xf32, #tpu.memory_space<vmem>>[vector<16xi32>, vector<16xi32>], vector<16xf32>,
        %get3A_355 = arith.index_cast %scan3A_281 : i32 to index
        %get3A_356 = arith.constant 192 : index
        %get3A_357 = tpu.vector_load %arg11[%get3A_355, %get3A_356] {strides = array<i32>} : memref<128x256xf32, #tpu.memory_space<vmem>>, vector<16xf32>,
        %add3A_358 = arith.constant 192 : i32
        %add3A_359 = vector.broadcast %add3A_358 : i32 to vector<16xi32>
        %add3A_360 = arith.addi %add3A_359, %iota3A : vector<16xi32>
        tpu.vector_store_idx %arg12[%gather3A, %add3A_360], %get3A_357 {add = true} : memref<328x256xf32, #tpu.memory_space<vmem>>[vector<16xi32>, vector<16xi32>], vector<16xf32>,
        %get3A_361 = arith.index_cast %scan3A_281 : i32 to index
        %get3A_362 = arith.constant 208 : index
        %get3A_363 = tpu.vector_load %arg11[%get3A_361, %get3A_362] {strides = array<i32>} : memref<128x256xf32, #tpu.memory_space<vmem>>, vector<16xf32>,
        %add3A_364 = arith.constant 208 : i32
        %add3A_365 = vector.broadcast %add3A_364 : i32 to vector<16xi32>
        %add3A_366 = arith.addi %add3A_365, %iota3A : vector<16xi32>
        tpu.vector_store_idx %arg12[%gather3A, %add3A_366], %get3A_363 {add = true} : memref<328x256xf32, #tpu.memory_space<vmem>>[vector<16xi32>, vector<16xi32>], vector<16xf32>,
        %get3A_367 = arith.index_cast %scan3A_281 : i32 to index
        %get3A_368 = arith.constant 224 : index
        %get3A_369 = tpu.vector_load %arg11[%get3A_367, %get3A_368] {strides = array<i32>} : memref<128x256xf32, #tpu.memory_space<vmem>>, vector<16xf32>,
        %add3A_370 = arith.constant 224 : i32
        %add3A_371 = vector.broadcast %add3A_370 : i32 to vector<16xi32>
        %add3A_372 = arith.addi %add3A_371, %iota3A : vector<16xi32>
        tpu.vector_store_idx %arg12[%gather3A, %add3A_372], %get3A_369 {add = true} : memref<328x256xf32, #tpu.memory_space<vmem>>[vector<16xi32>, vector<16xi32>], vector<16xf32>,
        %get3A_373 = arith.index_cast %scan3A_281 : i32 to index
        %get3A_374 = arith.constant 240 : index
        %get3A_375 = tpu.vector_load %arg11[%get3A_373, %get3A_374] {strides = array<i32>} : memref<128x256xf32, #tpu.memory_space<vmem>>, vector<16xf32>,
        %add3A_376 = arith.constant 240 : i32
        %add3A_377 = vector.broadcast %add3A_376 : i32 to vector<16xi32>
        %add3A_378 = arith.addi %add3A_377, %iota3A : vector<16xi32>
        tpu.vector_store_idx %arg12[%gather3A, %add3A_378], %get3A_375 {add = true} : memref<328x256xf32, #tpu.memory_space<vmem>>[vector<16xi32>, vector<16xi32>], vector<16xf32>,
      }
      %scan3A_280 = arith.constant 128 : i32
    }
    %while3A_70 = arith.constant 1 : i32
    scf.for %while3A_71 = %while3A_68 to %while3A_64 step %while3A_70  : i32 {
      %mul3A_72 = arith.constant 128 : i32
      %mul3A_73 = arith.muli %while3A_71, %mul3A_72 : i32
      %add3A_74 = arith.addi %mul3A_30, %mul3A_73 : i32
      "tpu.region"() ({
        %run_scoped3A = tpu.sem_alloc : memref<!tpu.dma_semaphore, #tpu.memory_space<semaphore_mem>>
        %dma_start3A_281 = tpu.memref_slice %arg2[%add3A_74] : memref<320128xi32, #tpu.memory_space<hbm>> -> memref<128xi32, #tpu.memory_space<hbm>>
        %dma_start3A_282 = tpu.memref_slice %arg2[%add3A_74] : memref<320128xi32, #tpu.memory_space<hbm>> -> memref<128xi32, #tpu.memory_space<hbm>>
        tpu.enqueue_dma source(%dma_start3A_282 : memref<128xi32, #tpu.memory_space<hbm>>) target(%arg9 : memref<128xi32, #tpu.memory_space<vmem>>) target_semaphore(%run_scoped3A : memref<!tpu.dma_semaphore, #tpu.memory_space<semaphore_mem>>)
        %dma_wait3A_283 = tpu.memref_slice %arg2[%add3A_74] : memref<320128xi32, #tpu.memory_space<hbm>> -> memref<128xi32, #tpu.memory_space<hbm>>
        %dma_wait3A_284 = tpu.memref_slice %arg2[%add3A_74] : memref<320128xi32, #tpu.memory_space<hbm>> -> memref<128xi32, #tpu.memory_space<hbm>>
        tpu.wait_dma2 semaphore(%run_scoped3A : memref<!tpu.dma_semaphore, #tpu.memory_space<semaphore_mem>>) src(%dma_wait3A_284 : memref<128xi32, #tpu.memory_space<hbm>>) dst(%arg9 : memref<128xi32, #tpu.memory_space<vmem>>)
        tpu.yield
      }) : () -> ()
      "tpu.region"() ({
        %run_scoped3A = tpu.sem_alloc : memref<!tpu.dma_semaphore, #tpu.memory_space<semaphore_mem>>
        %dma_start3A_281 = tpu.memref_slice %arg3[%add3A_74] : memref<320128xi32, #tpu.memory_space<hbm>> -> memref<128xi32, #tpu.memory_space<hbm>>
        %dma_start3A_282 = tpu.memref_slice %arg3[%add3A_74] : memref<320128xi32, #tpu.memory_space<hbm>> -> memref<128xi32, #tpu.memory_space<hbm>>
        tpu.enqueue_dma source(%dma_start3A_282 : memref<128xi32, #tpu.memory_space<hbm>>) target(%arg10 : memref<128xi32, #tpu.memory_space<vmem>>) target_semaphore(%run_scoped3A : memref<!tpu.dma_semaphore, #tpu.memory_space<semaphore_mem>>)
        %dma_wait3A_283 = tpu.memref_slice %arg3[%add3A_74] : memref<320128xi32, #tpu.memory_space<hbm>> -> memref<128xi32, #tpu.memory_space<hbm>>
        %dma_wait3A_284 = tpu.memref_slice %arg3[%add3A_74] : memref<320128xi32, #tpu.memory_space<hbm>> -> memref<128xi32, #tpu.memory_space<hbm>>
        tpu.wait_dma2 semaphore(%run_scoped3A : memref<!tpu.dma_semaphore, #tpu.memory_space<semaphore_mem>>) src(%dma_wait3A_284 : memref<128xi32, #tpu.memory_space<hbm>>) dst(%arg10 : memref<128xi32, #tpu.memory_space<vmem>>)
        tpu.yield
      }) : () -> ()
      %add3A_75 = arith.constant 0 : i32
      %add3A_76 = arith.addi %add3A_74, %add3A_75 : i32
      %add3A_77 = vector.broadcast %add3A_76 : i32 to vector<16xi32>
      %add3A_78 = arith.addi %add3A_77, %iota3A : vector<16xi32>
      %ge3A = vector.broadcast %squeeze3A : i32 to vector<16xi32>
      %ge3A_79 = arith.cmpi sge, %add3A_78, %ge3A : vector<16xi32>
      %lt3A = vector.broadcast %squeeze3A_12 : i32 to vector<16xi32>
      %lt3A_80 = arith.cmpi slt, %add3A_78, %lt3A : vector<16xi32>
      %and3A_81 = arith.andi %ge3A_79, %lt3A_80 : vector<16xi1>
      %get3A_82 = arith.constant 0 : index
      %get3A_83 = tpu.vector_load %arg10[%get3A_82] {strides = array<i32>} : memref<128xi32, #tpu.memory_space<vmem>>, vector<16xi32>,
      %sub3A_84 = vector.broadcast %mul3A_61 : i32 to vector<16xi32>
      %sub3A_85 = arith.subi %get3A_83, %sub3A_84 : vector<16xi32>
      %jit3A_86 = arith.constant 320 : i32
      %broadcast_in_dim3A_87 = vector.broadcast %jit3A_86 : i32 to vector<16xi32>
      %select_n3A_88 = arith.select %and3A_81, %sub3A_85, %broadcast_in_dim3A_87 : vector<16xi1>, vector<16xi32>
      %swap3A = arith.constant 0 : index
      %swap3A_89 = tpu.vector_load %arg10[%swap3A] {strides = array<i32>} : memref<128xi32, #tpu.memory_space<vmem>>, vector<16xi32>,
      tpu.vector_store %arg10[%swap3A], %select_n3A_88 {strides = array<i32>} : memref<128xi32, #tpu.memory_space<vmem>>, vector<16xi32>,
      %get3A_90 = arith.constant 0 : index
      %get3A_91 = tpu.vector_load %arg9[%get3A_90] {strides = array<i32>} : memref<128xi32, #tpu.memory_space<vmem>>, vector<16xi32>,
      %jit3A_92 = arith.constant 0 : i32
      %broadcast_in_dim3A_93 = vector.broadcast %jit3A_92 : i32 to vector<16xi32>
      %select_n3A_94 = arith.select %and3A_81, %get3A_91, %broadcast_in_dim3A_93 : vector<16xi1>, vector<16xi32>
      %swap3A_95 = arith.constant 0 : index
      %swap3A_96 = tpu.vector_load %arg9[%swap3A_95] {strides = array<i32>} : memref<128xi32, #tpu.memory_space<vmem>>, vector<16xi32>,
      tpu.vector_store %arg9[%swap3A_95], %select_n3A_94 {strides = array<i32>} : memref<128xi32, #tpu.memory_space<vmem>>, vector<16xi32>,
      %add3A_97 = arith.constant 16 : i32
      %add3A_98 = arith.addi %add3A_74, %add3A_97 : i32
      %add3A_99 = vector.broadcast %add3A_98 : i32 to vector<16xi32>
      %add3A_100 = arith.addi %add3A_99, %iota3A : vector<16xi32>
      %ge3A_101 = vector.broadcast %squeeze3A : i32 to vector<16xi32>
      %ge3A_102 = arith.cmpi sge, %add3A_100, %ge3A_101 : vector<16xi32>
      %lt3A_103 = vector.broadcast %squeeze3A_12 : i32 to vector<16xi32>
      %lt3A_104 = arith.cmpi slt, %add3A_100, %lt3A_103 : vector<16xi32>
      %and3A_105 = arith.andi %ge3A_102, %lt3A_104 : vector<16xi1>
      %get3A_106 = arith.constant 16 : index
      %get3A_107 = tpu.vector_load %arg10[%get3A_106] {strides = array<i32>} : memref<128xi32, #tpu.memory_space<vmem>>, vector<16xi32>,
      %sub3A_108 = vector.broadcast %mul3A_61 : i32 to vector<16xi32>
      %sub3A_109 = arith.subi %get3A_107, %sub3A_108 : vector<16xi32>
      %jit3A_110 = arith.constant 320 : i32
      %broadcast_in_dim3A_111 = vector.broadcast %jit3A_110 : i32 to vector<16xi32>
      %select_n3A_112 = arith.select %and3A_105, %sub3A_109, %broadcast_in_dim3A_111 : vector<16xi1>, vector<16xi32>
      %swap3A_113 = arith.constant 16 : index
      %swap3A_114 = tpu.vector_load %arg10[%swap3A_113] {strides = array<i32>} : memref<128xi32, #tpu.memory_space<vmem>>, vector<16xi32>,
      tpu.vector_store %arg10[%swap3A_113], %select_n3A_112 {strides = array<i32>} : memref<128xi32, #tpu.memory_space<vmem>>, vector<16xi32>,
      %get3A_115 = arith.constant 16 : index
      %get3A_116 = tpu.vector_load %arg9[%get3A_115] {strides = array<i32>} : memref<128xi32, #tpu.memory_space<vmem>>, vector<16xi32>,
      %jit3A_117 = arith.constant 0 : i32
      %broadcast_in_dim3A_118 = vector.broadcast %jit3A_117 : i32 to vector<16xi32>
      %select_n3A_119 = arith.select %and3A_105, %get3A_116, %broadcast_in_dim3A_118 : vector<16xi1>, vector<16xi32>
      %swap3A_120 = arith.constant 16 : index
      %swap3A_121 = tpu.vector_load %arg9[%swap3A_120] {strides = array<i32>} : memref<128xi32, #tpu.memory_space<vmem>>, vector<16xi32>,
      tpu.vector_store %arg9[%swap3A_120], %select_n3A_119 {strides = array<i32>} : memref<128xi32, #tpu.memory_space<vmem>>, vector<16xi32>,
      %add3A_122 = arith.constant 32 : i32
      %add3A_123 = arith.addi %add3A_74, %add3A_122 : i32
      %add3A_124 = vector.broadcast %add3A_123 : i32 to vector<16xi32>
      %add3A_125 = arith.addi %add3A_124, %iota3A : vector<16xi32>
      %ge3A_126 = vector.broadcast %squeeze3A : i32 to vector<16xi32>
      %ge3A_127 = arith.cmpi sge, %add3A_125, %ge3A_126 : vector<16xi32>
      %lt3A_128 = vector.broadcast %squeeze3A_12 : i32 to vector<16xi32>
      %lt3A_129 = arith.cmpi slt, %add3A_125, %lt3A_128 : vector<16xi32>
      %and3A_130 = arith.andi %ge3A_127, %lt3A_129 : vector<16xi1>
      %get3A_131 = arith.constant 32 : index
      %get3A_132 = tpu.vector_load %arg10[%get3A_131] {strides = array<i32>} : memref<128xi32, #tpu.memory_space<vmem>>, vector<16xi32>,
      %sub3A_133 = vector.broadcast %mul3A_61 : i32 to vector<16xi32>
      %sub3A_134 = arith.subi %get3A_132, %sub3A_133 : vector<16xi32>
      %jit3A_135 = arith.constant 320 : i32
      %broadcast_in_dim3A_136 = vector.broadcast %jit3A_135 : i32 to vector<16xi32>
      %select_n3A_137 = arith.select %and3A_130, %sub3A_134, %broadcast_in_dim3A_136 : vector<16xi1>, vector<16xi32>
      %swap3A_138 = arith.constant 32 : index
      %swap3A_139 = tpu.vector_load %arg10[%swap3A_138] {strides = array<i32>} : memref<128xi32, #tpu.memory_space<vmem>>, vector<16xi32>,
      tpu.vector_store %arg10[%swap3A_138], %select_n3A_137 {strides = array<i32>} : memref<128xi32, #tpu.memory_space<vmem>>, vector<16xi32>,
      %get3A_140 = arith.constant 32 : index
      %get3A_141 = tpu.vector_load %arg9[%get3A_140] {strides = array<i32>} : memref<128xi32, #tpu.memory_space<vmem>>, vector<16xi32>,
      %jit3A_142 = arith.constant 0 : i32
      %broadcast_in_dim3A_143 = vector.broadcast %jit3A_142 : i32 to vector<16xi32>
      %select_n3A_144 = arith.select %and3A_130, %get3A_141, %broadcast_in_dim3A_143 : vector<16xi1>, vector<16xi32>
      %swap3A_145 = arith.constant 32 : index
      %swap3A_146 = tpu.vector_load %arg9[%swap3A_145] {strides = array<i32>} : memref<128xi32, #tpu.memory_space<vmem>>, vector<16xi32>,
      tpu.vector_store %arg9[%swap3A_145], %select_n3A_144 {strides = array<i32>} : memref<128xi32, #tpu.memory_space<vmem>>, vector<16xi32>,
      %add3A_147 = arith.constant 48 : i32
      %add3A_148 = arith.addi %add3A_74, %add3A_147 : i32
      %add3A_149 = vector.broadcast %add3A_148 : i32 to vector<16xi32>
      %add3A_150 = arith.addi %add3A_149, %iota3A : vector<16xi32>
      %ge3A_151 = vector.broadcast %squeeze3A : i32 to vector<16xi32>
      %ge3A_152 = arith.cmpi sge, %add3A_150, %ge3A_151 : vector<16xi32>
      %lt3A_153 = vector.broadcast %squeeze3A_12 : i32 to vector<16xi32>
      %lt3A_154 = arith.cmpi slt, %add3A_150, %lt3A_153 : vector<16xi32>
      %and3A_155 = arith.andi %ge3A_152, %lt3A_154 : vector<16xi1>
      %get3A_156 = arith.constant 48 : index
      %get3A_157 = tpu.vector_load %arg10[%get3A_156] {strides = array<i32>} : memref<128xi32, #tpu.memory_space<vmem>>, vector<16xi32>,
      %sub3A_158 = vector.broadcast %mul3A_61 : i32 to vector<16xi32>
      %sub3A_159 = arith.subi %get3A_157, %sub3A_158 : vector<16xi32>
      %jit3A_160 = arith.constant 320 : i32
      %broadcast_in_dim3A_161 = vector.broadcast %jit3A_160 : i32 to vector<16xi32>
      %select_n3A_162 = arith.select %and3A_155, %sub3A_159, %broadcast_in_dim3A_161 : vector<16xi1>, vector<16xi32>
      %swap3A_163 = arith.constant 48 : index
      %swap3A_164 = tpu.vector_load %arg10[%swap3A_163] {strides = array<i32>} : memref<128xi32, #tpu.memory_space<vmem>>, vector<16xi32>,
      tpu.vector_store %arg10[%swap3A_163], %select_n3A_162 {strides = array<i32>} : memref<128xi32, #tpu.memory_space<vmem>>, vector<16xi32>,
      %get3A_165 = arith.constant 48 : index
      %get3A_166 = tpu.vector_load %arg9[%get3A_165] {strides = array<i32>} : memref<128xi32, #tpu.memory_space<vmem>>, vector<16xi32>,
      %jit3A_167 = arith.constant 0 : i32
      %broadcast_in_dim3A_168 = vector.broadcast %jit3A_167 : i32 to vector<16xi32>
      %select_n3A_169 = arith.select %and3A_155, %get3A_166, %broadcast_in_dim3A_168 : vector<16xi1>, vector<16xi32>
      %swap3A_170 = arith.constant 48 : index
      %swap3A_171 = tpu.vector_load %arg9[%swap3A_170] {strides = array<i32>} : memref<128xi32, #tpu.memory_space<vmem>>, vector<16xi32>,
      tpu.vector_store %arg9[%swap3A_170], %select_n3A_169 {strides = array<i32>} : memref<128xi32, #tpu.memory_space<vmem>>, vector<16xi32>,
      %add3A_172 = arith.constant 64 : i32
      %add3A_173 = arith.addi %add3A_74, %add3A_172 : i32
      %add3A_174 = vector.broadcast %add3A_173 : i32 to vector<16xi32>
      %add3A_175 = arith.addi %add3A_174, %iota3A : vector<16xi32>
      %ge3A_176 = vector.broadcast %squeeze3A : i32 to vector<16xi32>
      %ge3A_177 = arith.cmpi sge, %add3A_175, %ge3A_176 : vector<16xi32>
      %lt3A_178 = vector.broadcast %squeeze3A_12 : i32 to vector<16xi32>
      %lt3A_179 = arith.cmpi slt, %add3A_175, %lt3A_178 : vector<16xi32>
      %and3A_180 = arith.andi %ge3A_177, %lt3A_179 : vector<16xi1>
      %get3A_181 = arith.constant 64 : index
      %get3A_182 = tpu.vector_load %arg10[%get3A_181] {strides = array<i32>} : memref<128xi32, #tpu.memory_space<vmem>>, vector<16xi32>,
      %sub3A_183 = vector.broadcast %mul3A_61 : i32 to vector<16xi32>
      %sub3A_184 = arith.subi %get3A_182, %sub3A_183 : vector<16xi32>
      %jit3A_185 = arith.constant 320 : i32
      %broadcast_in_dim3A_186 = vector.broadcast %jit3A_185 : i32 to vector<16xi32>
      %select_n3A_187 = arith.select %and3A_180, %sub3A_184, %broadcast_in_dim3A_186 : vector<16xi1>, vector<16xi32>
      %swap3A_188 = arith.constant 64 : index
      %swap3A_189 = tpu.vector_load %arg10[%swap3A_188] {strides = array<i32>} : memref<128xi32, #tpu.memory_space<vmem>>, vector<16xi32>,
      tpu.vector_store %arg10[%swap3A_188], %select_n3A_187 {strides = array<i32>} : memref<128xi32, #tpu.memory_space<vmem>>, vector<16xi32>,
      %get3A_190 = arith.constant 64 : index
      %get3A_191 = tpu.vector_load %arg9[%get3A_190] {strides = array<i32>} : memref<128xi32, #tpu.memory_space<vmem>>, vector<16xi32>,
      %jit3A_192 = arith.constant 0 : i32
      %broadcast_in_dim3A_193 = vector.broadcast %jit3A_192 : i32 to vector<16xi32>
      %select_n3A_194 = arith.select %and3A_180, %get3A_191, %broadcast_in_dim3A_193 : vector<16xi1>, vector<16xi32>
      %swap3A_195 = arith.constant 64 : index
      %swap3A_196 = tpu.vector_load %arg9[%swap3A_195] {strides = array<i32>} : memref<128xi32, #tpu.memory_space<vmem>>, vector<16xi32>,
      tpu.vector_store %arg9[%swap3A_195], %select_n3A_194 {strides = array<i32>} : memref<128xi32, #tpu.memory_space<vmem>>, vector<16xi32>,
      %add3A_197 = arith.constant 80 : i32
      %add3A_198 = arith.addi %add3A_74, %add3A_197 : i32
      %add3A_199 = vector.broadcast %add3A_198 : i32 to vector<16xi32>
      %add3A_200 = arith.addi %add3A_199, %iota3A : vector<16xi32>
      %ge3A_201 = vector.broadcast %squeeze3A : i32 to vector<16xi32>
      %ge3A_202 = arith.cmpi sge, %add3A_200, %ge3A_201 : vector<16xi32>
      %lt3A_203 = vector.broadcast %squeeze3A_12 : i32 to vector<16xi32>
      %lt3A_204 = arith.cmpi slt, %add3A_200, %lt3A_203 : vector<16xi32>
      %and3A_205 = arith.andi %ge3A_202, %lt3A_204 : vector<16xi1>
      %get3A_206 = arith.constant 80 : index
      %get3A_207 = tpu.vector_load %arg10[%get3A_206] {strides = array<i32>} : memref<128xi32, #tpu.memory_space<vmem>>, vector<16xi32>,
      %sub3A_208 = vector.broadcast %mul3A_61 : i32 to vector<16xi32>
      %sub3A_209 = arith.subi %get3A_207, %sub3A_208 : vector<16xi32>
      %jit3A_210 = arith.constant 320 : i32
      %broadcast_in_dim3A_211 = vector.broadcast %jit3A_210 : i32 to vector<16xi32>
      %select_n3A_212 = arith.select %and3A_205, %sub3A_209, %broadcast_in_dim3A_211 : vector<16xi1>, vector<16xi32>
      %swap3A_213 = arith.constant 80 : index
      %swap3A_214 = tpu.vector_load %arg10[%swap3A_213] {strides = array<i32>} : memref<128xi32, #tpu.memory_space<vmem>>, vector<16xi32>,
      tpu.vector_store %arg10[%swap3A_213], %select_n3A_212 {strides = array<i32>} : memref<128xi32, #tpu.memory_space<vmem>>, vector<16xi32>,
      %get3A_215 = arith.constant 80 : index
      %get3A_216 = tpu.vector_load %arg9[%get3A_215] {strides = array<i32>} : memref<128xi32, #tpu.memory_space<vmem>>, vector<16xi32>,
      %jit3A_217 = arith.constant 0 : i32
      %broadcast_in_dim3A_218 = vector.broadcast %jit3A_217 : i32 to vector<16xi32>
      %select_n3A_219 = arith.select %and3A_205, %get3A_216, %broadcast_in_dim3A_218 : vector<16xi1>, vector<16xi32>
      %swap3A_220 = arith.constant 80 : index
      %swap3A_221 = tpu.vector_load %arg9[%swap3A_220] {strides = array<i32>} : memref<128xi32, #tpu.memory_space<vmem>>, vector<16xi32>,
      tpu.vector_store %arg9[%swap3A_220], %select_n3A_219 {strides = array<i32>} : memref<128xi32, #tpu.memory_space<vmem>>, vector<16xi32>,
      %add3A_222 = arith.constant 96 : i32
      %add3A_223 = arith.addi %add3A_74, %add3A_222 : i32
      %add3A_224 = vector.broadcast %add3A_223 : i32 to vector<16xi32>
      %add3A_225 = arith.addi %add3A_224, %iota3A : vector<16xi32>
      %ge3A_226 = vector.broadcast %squeeze3A : i32 to vector<16xi32>
      %ge3A_227 = arith.cmpi sge, %add3A_225, %ge3A_226 : vector<16xi32>
      %lt3A_228 = vector.broadcast %squeeze3A_12 : i32 to vector<16xi32>
      %lt3A_229 = arith.cmpi slt, %add3A_225, %lt3A_228 : vector<16xi32>
      %and3A_230 = arith.andi %ge3A_227, %lt3A_229 : vector<16xi1>
      %get3A_231 = arith.constant 96 : index
      %get3A_232 = tpu.vector_load %arg10[%get3A_231] {strides = array<i32>} : memref<128xi32, #tpu.memory_space<vmem>>, vector<16xi32>,
      %sub3A_233 = vector.broadcast %mul3A_61 : i32 to vector<16xi32>
      %sub3A_234 = arith.subi %get3A_232, %sub3A_233 : vector<16xi32>
      %jit3A_235 = arith.constant 320 : i32
      %broadcast_in_dim3A_236 = vector.broadcast %jit3A_235 : i32 to vector<16xi32>
      %select_n3A_237 = arith.select %and3A_230, %sub3A_234, %broadcast_in_dim3A_236 : vector<16xi1>, vector<16xi32>
      %swap3A_238 = arith.constant 96 : index
      %swap3A_239 = tpu.vector_load %arg10[%swap3A_238] {strides = array<i32>} : memref<128xi32, #tpu.memory_space<vmem>>, vector<16xi32>,
      tpu.vector_store %arg10[%swap3A_238], %select_n3A_237 {strides = array<i32>} : memref<128xi32, #tpu.memory_space<vmem>>, vector<16xi32>,
      %get3A_240 = arith.constant 96 : index
      %get3A_241 = tpu.vector_load %arg9[%get3A_240] {strides = array<i32>} : memref<128xi32, #tpu.memory_space<vmem>>, vector<16xi32>,
      %jit3A_242 = arith.constant 0 : i32
      %broadcast_in_dim3A_243 = vector.broadcast %jit3A_242 : i32 to vector<16xi32>
      %select_n3A_244 = arith.select %and3A_230, %get3A_241, %broadcast_in_dim3A_243 : vector<16xi1>, vector<16xi32>
      %swap3A_245 = arith.constant 96 : index
      %swap3A_246 = tpu.vector_load %arg9[%swap3A_245] {strides = array<i32>} : memref<128xi32, #tpu.memory_space<vmem>>, vector<16xi32>,
      tpu.vector_store %arg9[%swap3A_245], %select_n3A_244 {strides = array<i32>} : memref<128xi32, #tpu.memory_space<vmem>>, vector<16xi32>,
      %add3A_247 = arith.constant 112 : i32
      %add3A_248 = arith.addi %add3A_74, %add3A_247 : i32
      %add3A_249 = vector.broadcast %add3A_248 : i32 to vector<16xi32>
      %add3A_250 = arith.addi %add3A_249, %iota3A : vector<16xi32>
      %ge3A_251 = vector.broadcast %squeeze3A : i32 to vector<16xi32>
      %ge3A_252 = arith.cmpi sge, %add3A_250, %ge3A_251 : vector<16xi32>
      %lt3A_253 = vector.broadcast %squeeze3A_12 : i32 to vector<16xi32>
      %lt3A_254 = arith.cmpi slt, %add3A_250, %lt3A_253 : vector<16xi32>
      %and3A_255 = arith.andi %ge3A_252, %lt3A_254 : vector<16xi1>
      %get3A_256 = arith.constant 112 : index
      %get3A_257 = tpu.vector_load %arg10[%get3A_256] {strides = array<i32>} : memref<128xi32, #tpu.memory_space<vmem>>, vector<16xi32>,
      %sub3A_258 = vector.broadcast %mul3A_61 : i32 to vector<16xi32>
      %sub3A_259 = arith.subi %get3A_257, %sub3A_258 : vector<16xi32>
      %jit3A_260 = arith.constant 320 : i32
      %broadcast_in_dim3A_261 = vector.broadcast %jit3A_260 : i32 to vector<16xi32>
      %select_n3A_262 = arith.select %and3A_255, %sub3A_259, %broadcast_in_dim3A_261 : vector<16xi1>, vector<16xi32>
      %swap3A_263 = arith.constant 112 : index
      %swap3A_264 = tpu.vector_load %arg10[%swap3A_263] {strides = array<i32>} : memref<128xi32, #tpu.memory_space<vmem>>, vector<16xi32>,
      tpu.vector_store %arg10[%swap3A_263], %select_n3A_262 {strides = array<i32>} : memref<128xi32, #tpu.memory_space<vmem>>, vector<16xi32>,
      %get3A_265 = arith.constant 112 : index
      %get3A_266 = tpu.vector_load %arg9[%get3A_265] {strides = array<i32>} : memref<128xi32, #tpu.memory_space<vmem>>, vector<16xi32>,
      %jit3A_267 = arith.constant 0 : i32
      %broadcast_in_dim3A_268 = vector.broadcast %jit3A_267 : i32 to vector<16xi32>
      %select_n3A_269 = arith.select %and3A_255, %get3A_266, %broadcast_in_dim3A_268 : vector<16xi1>, vector<16xi32>
      %swap3A_270 = arith.constant 112 : index
      %swap3A_271 = tpu.vector_load %arg9[%swap3A_270] {strides = array<i32>} : memref<128xi32, #tpu.memory_space<vmem>>, vector<16xi32>,
      tpu.vector_store %arg9[%swap3A_270], %select_n3A_269 {strides = array<i32>} : memref<128xi32, #tpu.memory_space<vmem>>, vector<16xi32>,
      %dma_start3A = arith.constant 0 : i32
      %dma_start3A_272 = arith.constant 0 : i32
      %dma_start3A_273 = tpu.memref_slice %arg5[%dma_start3A, %dma_start3A_272] : memref<10240x256xf32, #tpu.memory_space<hbm>> -> memref<10240x256xf32, #tpu.memory_space<hbm>>
      tpu.enqueue_indirect_dma source(%dma_start3A_273 : memref<10240x256xf32, #tpu.memory_space<hbm>>) target(%arg11 : memref<128x256xf32, #tpu.memory_space<vmem>>) offsets(%arg9 : memref<128xi32, #tpu.memory_space<vmem>>) semaphore(%arg13 : memref<!tpu.dma_semaphore, #tpu.memory_space<semaphore_mem>>)
      %dma_wait3A = arith.constant 0 : i32
      %dma_wait3A_274 = arith.constant 0 : i32
      %dma_wait3A_275 = tpu.memref_slice %arg5[%dma_wait3A, %dma_wait3A_274] : memref<10240x256xf32, #tpu.memory_space<hbm>> -> memref<10240x256xf32, #tpu.memory_space<hbm>>
      tpu.wait_indirect_dma semaphore(%arg13 : memref<!tpu.dma_semaphore, #tpu.memory_space<semaphore_mem>>) src(%dma_wait3A_275 : memref<10240x256xf32, #tpu.memory_space<hbm>>) dst(%arg11 : memref<128x256xf32, #tpu.memory_space<vmem>>)
      %scan3A = arith.constant 0 : i32
      %scan3A_276 = arith.constant 0 : i32
      %scan3A_277 = arith.constant 128 : i32
      %scan3A_278 = arith.addi %scan3A_276, %scan3A_277 : i32
      %scan3A_279 = arith.constant 1 : i32
      scf.for %scan3A_281 = %scan3A_276 to %scan3A_278 step %scan3A_279  : i32 {
        %broadcast_in_dim3A_282 = vector.broadcast %scan3A_281 : i32 to vector<16xi32>
        %gather3A = tpu.vector_load_idx %arg10[%broadcast_in_dim3A_282] : memref<128xi32, #tpu.memory_space<vmem>>[vector<16xi32>], vector<16xi32>,
        %get3A_283 = arith.index_cast %scan3A_281 : i32 to index
        %get3A_284 = arith.constant 0 : index
        %get3A_285 = tpu.vector_load %arg11[%get3A_283, %get3A_284] {strides = array<i32>} : memref<128x256xf32, #tpu.memory_space<vmem>>, vector<16xf32>,
        %add3A_286 = arith.constant 0 : i32
        %add3A_287 = vector.broadcast %add3A_286 : i32 to vector<16xi32>
        %add3A_288 = arith.addi %add3A_287, %iota3A : vector<16xi32>
        tpu.vector_store_idx %arg12[%gather3A, %add3A_288], %get3A_285 {add = true} : memref<328x256xf32, #tpu.memory_space<vmem>>[vector<16xi32>, vector<16xi32>], vector<16xf32>,
        %get3A_289 = arith.index_cast %scan3A_281 : i32 to index
        %get3A_290 = arith.constant 16 : index
        %get3A_291 = tpu.vector_load %arg11[%get3A_289, %get3A_290] {strides = array<i32>} : memref<128x256xf32, #tpu.memory_space<vmem>>, vector<16xf32>,
        %add3A_292 = arith.constant 16 : i32
        %add3A_293 = vector.broadcast %add3A_292 : i32 to vector<16xi32>
        %add3A_294 = arith.addi %add3A_293, %iota3A : vector<16xi32>
        tpu.vector_store_idx %arg12[%gather3A, %add3A_294], %get3A_291 {add = true} : memref<328x256xf32, #tpu.memory_space<vmem>>[vector<16xi32>, vector<16xi32>], vector<16xf32>,
        %get3A_295 = arith.index_cast %scan3A_281 : i32 to index
        %get3A_296 = arith.constant 32 : index
        %get3A_297 = tpu.vector_load %arg11[%get3A_295, %get3A_296] {strides = array<i32>} : memref<128x256xf32, #tpu.memory_space<vmem>>, vector<16xf32>,
        %add3A_298 = arith.constant 32 : i32
        %add3A_299 = vector.broadcast %add3A_298 : i32 to vector<16xi32>
        %add3A_300 = arith.addi %add3A_299, %iota3A : vector<16xi32>
        tpu.vector_store_idx %arg12[%gather3A, %add3A_300], %get3A_297 {add = true} : memref<328x256xf32, #tpu.memory_space<vmem>>[vector<16xi32>, vector<16xi32>], vector<16xf32>,
        %get3A_301 = arith.index_cast %scan3A_281 : i32 to index
        %get3A_302 = arith.constant 48 : index
        %get3A_303 = tpu.vector_load %arg11[%get3A_301, %get3A_302] {strides = array<i32>} : memref<128x256xf32, #tpu.memory_space<vmem>>, vector<16xf32>,
        %add3A_304 = arith.constant 48 : i32
        %add3A_305 = vector.broadcast %add3A_304 : i32 to vector<16xi32>
        %add3A_306 = arith.addi %add3A_305, %iota3A : vector<16xi32>
        tpu.vector_store_idx %arg12[%gather3A, %add3A_306], %get3A_303 {add = true} : memref<328x256xf32, #tpu.memory_space<vmem>>[vector<16xi32>, vector<16xi32>], vector<16xf32>,
        %get3A_307 = arith.index_cast %scan3A_281 : i32 to index
        %get3A_308 = arith.constant 64 : index
        %get3A_309 = tpu.vector_load %arg11[%get3A_307, %get3A_308] {strides = array<i32>} : memref<128x256xf32, #tpu.memory_space<vmem>>, vector<16xf32>,
        %add3A_310 = arith.constant 64 : i32
        %add3A_311 = vector.broadcast %add3A_310 : i32 to vector<16xi32>
        %add3A_312 = arith.addi %add3A_311, %iota3A : vector<16xi32>
        tpu.vector_store_idx %arg12[%gather3A, %add3A_312], %get3A_309 {add = true} : memref<328x256xf32, #tpu.memory_space<vmem>>[vector<16xi32>, vector<16xi32>], vector<16xf32>,
        %get3A_313 = arith.index_cast %scan3A_281 : i32 to index
        %get3A_314 = arith.constant 80 : index
        %get3A_315 = tpu.vector_load %arg11[%get3A_313, %get3A_314] {strides = array<i32>} : memref<128x256xf32, #tpu.memory_space<vmem>>, vector<16xf32>,
        %add3A_316 = arith.constant 80 : i32
        %add3A_317 = vector.broadcast %add3A_316 : i32 to vector<16xi32>
        %add3A_318 = arith.addi %add3A_317, %iota3A : vector<16xi32>
        tpu.vector_store_idx %arg12[%gather3A, %add3A_318], %get3A_315 {add = true} : memref<328x256xf32, #tpu.memory_space<vmem>>[vector<16xi32>, vector<16xi32>], vector<16xf32>,
        %get3A_319 = arith.index_cast %scan3A_281 : i32 to index
        %get3A_320 = arith.constant 96 : index
        %get3A_321 = tpu.vector_load %arg11[%get3A_319, %get3A_320] {strides = array<i32>} : memref<128x256xf32, #tpu.memory_space<vmem>>, vector<16xf32>,
        %add3A_322 = arith.constant 96 : i32
        %add3A_323 = vector.broadcast %add3A_322 : i32 to vector<16xi32>
        %add3A_324 = arith.addi %add3A_323, %iota3A : vector<16xi32>
        tpu.vector_store_idx %arg12[%gather3A, %add3A_324], %get3A_321 {add = true} : memref<328x256xf32, #tpu.memory_space<vmem>>[vector<16xi32>, vector<16xi32>], vector<16xf32>,
        %get3A_325 = arith.index_cast %scan3A_281 : i32 to index
        %get3A_326 = arith.constant 112 : index
        %get3A_327 = tpu.vector_load %arg11[%get3A_325, %get3A_326] {strides = array<i32>} : memref<128x256xf32, #tpu.memory_space<vmem>>, vector<16xf32>,
        %add3A_328 = arith.constant 112 : i32
        %add3A_329 = vector.broadcast %add3A_328 : i32 to vector<16xi32>
        %add3A_330 = arith.addi %add3A_329, %iota3A : vector<16xi32>
        tpu.vector_store_idx %arg12[%gather3A, %add3A_330], %get3A_327 {add = true} : memref<328x256xf32, #tpu.memory_space<vmem>>[vector<16xi32>, vector<16xi32>], vector<16xf32>,
        %get3A_331 = arith.index_cast %scan3A_281 : i32 to index
        %get3A_332 = arith.constant 128 : index
        %get3A_333 = tpu.vector_load %arg11[%get3A_331, %get3A_332] {strides = array<i32>} : memref<128x256xf32, #tpu.memory_space<vmem>>, vector<16xf32>,
        %add3A_334 = arith.constant 128 : i32
        %add3A_335 = vector.broadcast %add3A_334 : i32 to vector<16xi32>
        %add3A_336 = arith.addi %add3A_335, %iota3A : vector<16xi32>
        tpu.vector_store_idx %arg12[%gather3A, %add3A_336], %get3A_333 {add = true} : memref<328x256xf32, #tpu.memory_space<vmem>>[vector<16xi32>, vector<16xi32>], vector<16xf32>,
        %get3A_337 = arith.index_cast %scan3A_281 : i32 to index
        %get3A_338 = arith.constant 144 : index
        %get3A_339 = tpu.vector_load %arg11[%get3A_337, %get3A_338] {strides = array<i32>} : memref<128x256xf32, #tpu.memory_space<vmem>>, vector<16xf32>,
        %add3A_340 = arith.constant 144 : i32
        %add3A_341 = vector.broadcast %add3A_340 : i32 to vector<16xi32>
        %add3A_342 = arith.addi %add3A_341, %iota3A : vector<16xi32>
        tpu.vector_store_idx %arg12[%gather3A, %add3A_342], %get3A_339 {add = true} : memref<328x256xf32, #tpu.memory_space<vmem>>[vector<16xi32>, vector<16xi32>], vector<16xf32>,
        %get3A_343 = arith.index_cast %scan3A_281 : i32 to index
        %get3A_344 = arith.constant 160 : index
        %get3A_345 = tpu.vector_load %arg11[%get3A_343, %get3A_344] {strides = array<i32>} : memref<128x256xf32, #tpu.memory_space<vmem>>, vector<16xf32>,
        %add3A_346 = arith.constant 160 : i32
        %add3A_347 = vector.broadcast %add3A_346 : i32 to vector<16xi32>
        %add3A_348 = arith.addi %add3A_347, %iota3A : vector<16xi32>
        tpu.vector_store_idx %arg12[%gather3A, %add3A_348], %get3A_345 {add = true} : memref<328x256xf32, #tpu.memory_space<vmem>>[vector<16xi32>, vector<16xi32>], vector<16xf32>,
        %get3A_349 = arith.index_cast %scan3A_281 : i32 to index
        %get3A_350 = arith.constant 176 : index
        %get3A_351 = tpu.vector_load %arg11[%get3A_349, %get3A_350] {strides = array<i32>} : memref<128x256xf32, #tpu.memory_space<vmem>>, vector<16xf32>,
        %add3A_352 = arith.constant 176 : i32
        %add3A_353 = vector.broadcast %add3A_352 : i32 to vector<16xi32>
        %add3A_354 = arith.addi %add3A_353, %iota3A : vector<16xi32>
        tpu.vector_store_idx %arg12[%gather3A, %add3A_354], %get3A_351 {add = true} : memref<328x256xf32, #tpu.memory_space<vmem>>[vector<16xi32>, vector<16xi32>], vector<16xf32>,
        %get3A_355 = arith.index_cast %scan3A_281 : i32 to index
        %get3A_356 = arith.constant 192 : index
        %get3A_357 = tpu.vector_load %arg11[%get3A_355, %get3A_356] {strides = array<i32>} : memref<128x256xf32, #tpu.memory_space<vmem>>, vector<16xf32>,
        %add3A_358 = arith.constant 192 : i32
        %add3A_359 = vector.broadcast %add3A_358 : i32 to vector<16xi32>
        %add3A_360 = arith.addi %add3A_359, %iota3A : vector<16xi32>
        tpu.vector_store_idx %arg12[%gather3A, %add3A_360], %get3A_357 {add = true} : memref<328x256xf32, #tpu.memory_space<vmem>>[vector<16xi32>, vector<16xi32>], vector<16xf32>,
        %get3A_361 = arith.index_cast %scan3A_281 : i32 to index
        %get3A_362 = arith.constant 208 : index
        %get3A_363 = tpu.vector_load %arg11[%get3A_361, %get3A_362] {strides = array<i32>} : memref<128x256xf32, #tpu.memory_space<vmem>>, vector<16xf32>,
        %add3A_364 = arith.constant 208 : i32
        %add3A_365 = vector.broadcast %add3A_364 : i32 to vector<16xi32>
        %add3A_366 = arith.addi %add3A_365, %iota3A : vector<16xi32>
        tpu.vector_store_idx %arg12[%gather3A, %add3A_366], %get3A_363 {add = true} : memref<328x256xf32, #tpu.memory_space<vmem>>[vector<16xi32>, vector<16xi32>], vector<16xf32>,
        %get3A_367 = arith.index_cast %scan3A_281 : i32 to index
        %get3A_368 = arith.constant 224 : index
        %get3A_369 = tpu.vector_load %arg11[%get3A_367, %get3A_368] {strides = array<i32>} : memref<128x256xf32, #tpu.memory_space<vmem>>, vector<16xf32>,
        %add3A_370 = arith.constant 224 : i32
        %add3A_371 = vector.broadcast %add3A_370 : i32 to vector<16xi32>
        %add3A_372 = arith.addi %add3A_371, %iota3A : vector<16xi32>
        tpu.vector_store_idx %arg12[%gather3A, %add3A_372], %get3A_369 {add = true} : memref<328x256xf32, #tpu.memory_space<vmem>>[vector<16xi32>, vector<16xi32>], vector<16xf32>,
        %get3A_373 = arith.index_cast %scan3A_281 : i32 to index
        %get3A_374 = arith.constant 240 : index
        %get3A_375 = tpu.vector_load %arg11[%get3A_373, %get3A_374] {strides = array<i32>} : memref<128x256xf32, #tpu.memory_space<vmem>>, vector<16xf32>,
        %add3A_376 = arith.constant 240 : i32
        %add3A_377 = vector.broadcast %add3A_376 : i32 to vector<16xi32>
        %add3A_378 = arith.addi %add3A_377, %iota3A : vector<16xi32>
        tpu.vector_store_idx %arg12[%gather3A, %add3A_378], %get3A_375 {add = true} : memref<328x256xf32, #tpu.memory_space<vmem>>[vector<16xi32>, vector<16xi32>], vector<16xf32>,
      }
      %scan3A_280 = arith.constant 128 : i32
    }
    "tpu.region"() ({
      %run_scoped3A = tpu.sem_alloc : memref<!tpu.dma_semaphore, #tpu.memory_space<semaphore_mem>>
      %dma_start3A = arith.constant 0 : i32
      %dma_start3A_71 = arith.constant 0 : i32
      %dma_start3A_72 = tpu.memref_slice %arg12[%dma_start3A, %dma_start3A_71] : memref<328x256xf32, #tpu.memory_space<vmem>> -> memref<320x256xf32, #tpu.memory_space<vmem>>
      %dma_start3A_73 = arith.constant 0 : i32
      %dma_start3A_74 = tpu.memref_slice %arg7[%mul3A_61, %dma_start3A_73] : memref<10240x256xf32, #tpu.memory_space<hbm>> -> memref<320x256xf32, #tpu.memory_space<hbm>>
      %dma_start3A_75 = arith.constant 0 : i32
      %dma_start3A_76 = tpu.memref_slice %arg7[%mul3A_61, %dma_start3A_75] : memref<10240x256xf32, #tpu.memory_space<hbm>> -> memref<320x256xf32, #tpu.memory_space<hbm>>
      %dma_start3A_77 = arith.constant 0 : i32
      %dma_start3A_78 = arith.constant 0 : i32
      %dma_start3A_79 = tpu.memref_slice %arg12[%dma_start3A_77, %dma_start3A_78] : memref<328x256xf32, #tpu.memory_space<vmem>> -> memref<320x256xf32, #tpu.memory_space<vmem>>
      tpu.enqueue_dma source(%dma_start3A_79 : memref<320x256xf32, #tpu.memory_space<vmem>>) target(%dma_start3A_76 : memref<320x256xf32, #tpu.memory_space<hbm>>) target_semaphore(%run_scoped3A : memref<!tpu.dma_semaphore, #tpu.memory_space<semaphore_mem>>)
      %dma_wait3A = arith.constant 0 : i32
      %dma_wait3A_80 = arith.constant 0 : i32
      %dma_wait3A_81 = tpu.memref_slice %arg12[%dma_wait3A, %dma_wait3A_80] : memref<328x256xf32, #tpu.memory_space<vmem>> -> memref<320x256xf32, #tpu.memory_space<vmem>>
      %dma_wait3A_82 = arith.constant 0 : i32
      %dma_wait3A_83 = tpu.memref_slice %arg7[%mul3A_61, %dma_wait3A_82] : memref<10240x256xf32, #tpu.memory_space<hbm>> -> memref<320x256xf32, #tpu.memory_space<hbm>>
      %dma_wait3A_84 = arith.constant 0 : i32
      %dma_wait3A_85 = tpu.memref_slice %arg7[%mul3A_61, %dma_wait3A_84] : memref<10240x256xf32, #tpu.memory_space<hbm>> -> memref<320x256xf32, #tpu.memory_space<hbm>>
      %dma_wait3A_86 = arith.constant 0 : i32
      %dma_wait3A_87 = arith.constant 0 : i32
      %dma_wait3A_88 = tpu.memref_slice %arg12[%dma_wait3A_86, %dma_wait3A_87] : memref<328x256xf32, #tpu.memory_space<vmem>> -> memref<320x256xf32, #tpu.memory_space<vmem>>
      tpu.wait_dma2 semaphore(%run_scoped3A : memref<!tpu.dma_semaphore, #tpu.memory_space<semaphore_mem>>) src(%dma_wait3A_88 : memref<320x256xf32, #tpu.memory_space<vmem>>) dst(%dma_wait3A_85 : memref<320x256xf32, #tpu.memory_space<hbm>>)
      tpu.yield
    }) : () -> ()
    return
  }
}

#map = affine_map<(d0, d1) -> (0)>
#map1 = affine_map<(d0, d1) -> (0, 0)>
module attributes {stable_mosaic.version = 14 : i64} {
  func.func @_edge_body_deg(%arg0: i32, %arg1: i32, %arg2: memref<320128xi32, #tpu.memory_space<hbm>>, %arg3: memref<320128xi32, #tpu.memory_space<hbm>>, %arg4: memref<768xi32, #tpu.memory_space<hbm>>, %arg5: memref<10240x256xf32, #tpu.memory_space<hbm>>, %arg6: memref<328x256xf32, #tpu.memory_space<hbm>>, %arg7: memref<5248xf32, #tpu.memory_space<hbm>>, %arg8: memref<10240x256xf32, #tpu.memory_space<hbm>>, %arg9: memref<163840xf32, #tpu.memory_space<hbm>>, %arg10: memref<768xi32, #tpu.memory_space<vmem>>, %arg11: memref<128xi32, #tpu.memory_space<vmem>>, %arg12: memref<128xi32, #tpu.memory_space<vmem>>, %arg13: memref<128x256xf32, #tpu.memory_space<vmem>>, %arg14: memref<328x256xf32, #tpu.memory_space<vmem>>, %arg15: memref<5248xf32, #tpu.memory_space<vmem>>, %arg16: memref<!tpu.dma_semaphore, #tpu.memory_space<semaphore_mem>>) attributes {dimension_semantics = [#tpu.dimension_semantics<core_parallel>, #tpu.dimension_semantics<subcore_parallel>], iteration_bounds = array<i64: 2, 16>, scalar_prefetch = 0 : i64, scratch_operands = 7 : i64, tpu.core_type = #tpu.core_type<sc_vector_subcore>, window_params = [{transform_indices = #map}, {transform_indices = #map}, {transform_indices = #map}, {transform_indices = #map1}, {transform_indices = #map1}, {transform_indices = #map}, {transform_indices = #map1}, {transform_indices = #map}]} {
    %mul3A = arith.constant 16 : i32
    %mul3A_0 = arith.muli %arg0, %mul3A : i32
    %add3A = arith.addi %mul3A_0, %arg1 : i32
    %iota3A = tpu.iota {dimensions = array<i32: 0>} : vector<16xi32>
    %broadcast_in_dim3A = arith.constant 1.000000e+00 : f32
    %broadcast_in_dim3A_1 = vector.broadcast %broadcast_in_dim3A : f32 to vector<16xf32>
    "tpu.region"() ({
      %run_scoped3A = tpu.sem_alloc : memref<!tpu.dma_semaphore, #tpu.memory_space<semaphore_mem>>
      tpu.enqueue_dma source(%arg4 : memref<768xi32, #tpu.memory_space<hbm>>) target(%arg10 : memref<768xi32, #tpu.memory_space<vmem>>) target_semaphore(%run_scoped3A : memref<!tpu.dma_semaphore, #tpu.memory_space<semaphore_mem>>)
      tpu.wait_dma2 semaphore(%run_scoped3A : memref<!tpu.dma_semaphore, #tpu.memory_space<semaphore_mem>>) src(%arg4 : memref<768xi32, #tpu.memory_space<hbm>>) dst(%arg10 : memref<768xi32, #tpu.memory_space<vmem>>)
      tpu.yield
    }) : () -> ()
    "tpu.region"() ({
      %run_scoped3A = tpu.sem_alloc : memref<!tpu.dma_semaphore, #tpu.memory_space<semaphore_mem>>
      tpu.enqueue_dma source(%arg6 : memref<328x256xf32, #tpu.memory_space<hbm>>) target(%arg14 : memref<328x256xf32, #tpu.memory_space<vmem>>) target_semaphore(%run_scoped3A : memref<!tpu.dma_semaphore, #tpu.memory_space<semaphore_mem>>)
      tpu.wait_dma2 semaphore(%run_scoped3A : memref<!tpu.dma_semaphore, #tpu.memory_space<semaphore_mem>>) src(%arg6 : memref<328x256xf32, #tpu.memory_space<hbm>>) dst(%arg14 : memref<328x256xf32, #tpu.memory_space<vmem>>)
      tpu.yield
    }) : () -> ()
    "tpu.region"() ({
      %run_scoped3A = tpu.sem_alloc : memref<!tpu.dma_semaphore, #tpu.memory_space<semaphore_mem>>
      tpu.enqueue_dma source(%arg7 : memref<5248xf32, #tpu.memory_space<hbm>>) target(%arg15 : memref<5248xf32, #tpu.memory_space<vmem>>) target_semaphore(%run_scoped3A : memref<!tpu.dma_semaphore, #tpu.memory_space<semaphore_mem>>)
      tpu.wait_dma2 semaphore(%run_scoped3A : memref<!tpu.dma_semaphore, #tpu.memory_space<semaphore_mem>>) src(%arg7 : memref<5248xf32, #tpu.memory_space<hbm>>) dst(%arg15 : memref<5248xf32, #tpu.memory_space<vmem>>)
      tpu.yield
    }) : () -> ()
    %mul3A_2 = arith.constant 16 : i32
    %mul3A_3 = arith.muli %add3A, %mul3A_2 : i32
    %get3A = arith.index_cast %mul3A_3 : i32 to index
    %get3A_4 = tpu.vector_load %arg10[%get3A] {strides = array<i32>} : memref<768xi32, #tpu.memory_space<vmem>>, vector<16xi32>,
    %slice3A = vector.extract_strided_slice %get3A_4 {offsets = [0], sizes = [1], strides = [1]} : vector<16xi32> to vector<1xi32>
    %squeeze3A = vector.extract %slice3A[0] : i32 from vector<1xi32>
    %add3A_5 = arith.constant 1 : i32
    %add3A_6 = arith.addi %add3A, %add3A_5 : i32
    %mul3A_7 = arith.constant 16 : i32
    %mul3A_8 = arith.muli %add3A_6, %mul3A_7 : i32
    %get3A_9 = arith.index_cast %mul3A_8 : i32 to index
    %get3A_10 = tpu.vector_load %arg10[%get3A_9] {strides = array<i32>} : memref<768xi32, #tpu.memory_space<vmem>>, vector<16xi32>,
    %slice3A_11 = vector.extract_strided_slice %get3A_10 {offsets = [0], sizes = [1], strides = [1]} : vector<16xi32> to vector<1xi32>
    %squeeze3A_12 = vector.extract %slice3A_11[0] : i32 from vector<1xi32>
    %jit3A = arith.constant 128 : i32
    %div3A = arith.divsi %squeeze3A, %jit3A : i32
    %sign3A = arith.constant 0 : i32
    %sign3A_13 = arith.cmpi sgt, %squeeze3A, %sign3A : i32
    %sign3A_14 = arith.extui %sign3A_13 : i1 to i32
    %sign3A_15 = arith.constant 0 : i32
    %sign3A_16 = arith.cmpi slt, %squeeze3A, %sign3A_15 : i32
    %sign3A_17 = arith.extui %sign3A_16 : i1 to i32
    %sign3A_18 = arith.subi %sign3A_14, %sign3A_17 : i32
    %sign3A_19 = arith.constant 0 : i32
    %sign3A_20 = arith.cmpi sgt, %jit3A, %sign3A_19 : i32
    %sign3A_21 = arith.extui %sign3A_20 : i1 to i32
    %sign3A_22 = arith.constant 0 : i32
    %sign3A_23 = arith.cmpi slt, %jit3A, %sign3A_22 : i32
    %sign3A_24 = arith.extui %sign3A_23 : i1 to i32
    %sign3A_25 = arith.subi %sign3A_21, %sign3A_24 : i32
    %ne3A = arith.cmpi ne, %sign3A_18, %sign3A_25 : i32
    %rem3A = arith.remsi %squeeze3A, %jit3A : i32
    %ne3A_26 = arith.constant 0 : i32
    %ne3A_27 = arith.cmpi ne, %rem3A, %ne3A_26 : i32
    %and3A = arith.andi %ne3A, %ne3A_27 : i1
    %sub3A = arith.constant 1 : i32
    %sub3A_28 = arith.subi %div3A, %sub3A : i32
    %select_n3A = arith.select %and3A, %sub3A_28, %div3A : i32
    %mul3A_29 = arith.constant 128 : i32
    %mul3A_30 = arith.muli %select_n3A, %mul3A_29 : i32
    %sub3A_31 = arith.subi %squeeze3A_12, %mul3A_30 : i32
    %add3A_32 = arith.constant 128 : i32
    %add3A_33 = arith.addi %sub3A_31, %add3A_32 : i32
    %sub3A_34 = arith.constant 1 : i32
    %sub3A_35 = arith.subi %add3A_33, %sub3A_34 : i32
    %jit3A_36 = arith.constant 128 : i32
    %div3A_37 = arith.divsi %sub3A_35, %jit3A_36 : i32
    %sign3A_38 = arith.constant 0 : i32
    %sign3A_39 = arith.cmpi sgt, %sub3A_35, %sign3A_38 : i32
    %sign3A_40 = arith.extui %sign3A_39 : i1 to i32
    %sign3A_41 = arith.constant 0 : i32
    %sign3A_42 = arith.cmpi slt, %sub3A_35, %sign3A_41 : i32
    %sign3A_43 = arith.extui %sign3A_42 : i1 to i32
    %sign3A_44 = arith.subi %sign3A_40, %sign3A_43 : i32
    %sign3A_45 = arith.constant 0 : i32
    %sign3A_46 = arith.cmpi sgt, %jit3A_36, %sign3A_45 : i32
    %sign3A_47 = arith.extui %sign3A_46 : i1 to i32
    %sign3A_48 = arith.constant 0 : i32
    %sign3A_49 = arith.cmpi slt, %jit3A_36, %sign3A_48 : i32
    %sign3A_50 = arith.extui %sign3A_49 : i1 to i32
    %sign3A_51 = arith.subi %sign3A_47, %sign3A_50 : i32
    %ne3A_52 = arith.cmpi ne, %sign3A_44, %sign3A_51 : i32
    %rem3A_53 = arith.remsi %sub3A_35, %jit3A_36 : i32
    %ne3A_54 = arith.constant 0 : i32
    %ne3A_55 = arith.cmpi ne, %rem3A_53, %ne3A_54 : i32
    %and3A_56 = arith.andi %ne3A_52, %ne3A_55 : i1
    %sub3A_57 = arith.constant 1 : i32
    %sub3A_58 = arith.subi %div3A_37, %sub3A_57 : i32
    %select_n3A_59 = arith.select %and3A_56, %sub3A_58, %div3A_37 : i32
    %mul3A_60 = arith.constant 320 : i32
    %mul3A_61 = arith.muli %add3A, %mul3A_60 : i32
    %while3A = arith.constant 0 : i32
    %while3A_62 = arith.constant 0 : i32
    %while3A_63 = arith.subi %select_n3A_59, %while3A_62 : i32
    %while3A_64 = arith.addi %while3A_62, %while3A_63 : i32
    %while3A_65 = arith.constant 1 : i32
    %while3A_66 = arith.divsi %while3A_63, %while3A_65 : i32
    %while3A_67 = arith.muli %while3A_66, %while3A_65 : i32
    %while3A_68 = arith.addi %while3A_62, %while3A_67 : i32
    %while3A_69 = arith.constant 1 : i32
    scf.for %while3A_73 = %while3A_62 to %while3A_68 step %while3A_69  : i32 {
      %mul3A_74 = arith.constant 128 : i32
      %mul3A_75 = arith.muli %while3A_73, %mul3A_74 : i32
      %add3A_76 = arith.addi %mul3A_30, %mul3A_75 : i32
      "tpu.region"() ({
        %run_scoped3A = tpu.sem_alloc : memref<!tpu.dma_semaphore, #tpu.memory_space<semaphore_mem>>
        %dma_start3A_283 = tpu.memref_slice %arg2[%add3A_76] : memref<320128xi32, #tpu.memory_space<hbm>> -> memref<128xi32, #tpu.memory_space<hbm>>
        %dma_start3A_284 = tpu.memref_slice %arg2[%add3A_76] : memref<320128xi32, #tpu.memory_space<hbm>> -> memref<128xi32, #tpu.memory_space<hbm>>
        tpu.enqueue_dma source(%dma_start3A_284 : memref<128xi32, #tpu.memory_space<hbm>>) target(%arg11 : memref<128xi32, #tpu.memory_space<vmem>>) target_semaphore(%run_scoped3A : memref<!tpu.dma_semaphore, #tpu.memory_space<semaphore_mem>>)
        %dma_wait3A_285 = tpu.memref_slice %arg2[%add3A_76] : memref<320128xi32, #tpu.memory_space<hbm>> -> memref<128xi32, #tpu.memory_space<hbm>>
        %dma_wait3A_286 = tpu.memref_slice %arg2[%add3A_76] : memref<320128xi32, #tpu.memory_space<hbm>> -> memref<128xi32, #tpu.memory_space<hbm>>
        tpu.wait_dma2 semaphore(%run_scoped3A : memref<!tpu.dma_semaphore, #tpu.memory_space<semaphore_mem>>) src(%dma_wait3A_286 : memref<128xi32, #tpu.memory_space<hbm>>) dst(%arg11 : memref<128xi32, #tpu.memory_space<vmem>>)
        tpu.yield
      }) : () -> ()
      "tpu.region"() ({
        %run_scoped3A = tpu.sem_alloc : memref<!tpu.dma_semaphore, #tpu.memory_space<semaphore_mem>>
        %dma_start3A_283 = tpu.memref_slice %arg3[%add3A_76] : memref<320128xi32, #tpu.memory_space<hbm>> -> memref<128xi32, #tpu.memory_space<hbm>>
        %dma_start3A_284 = tpu.memref_slice %arg3[%add3A_76] : memref<320128xi32, #tpu.memory_space<hbm>> -> memref<128xi32, #tpu.memory_space<hbm>>
        tpu.enqueue_dma source(%dma_start3A_284 : memref<128xi32, #tpu.memory_space<hbm>>) target(%arg12 : memref<128xi32, #tpu.memory_space<vmem>>) target_semaphore(%run_scoped3A : memref<!tpu.dma_semaphore, #tpu.memory_space<semaphore_mem>>)
        %dma_wait3A_285 = tpu.memref_slice %arg3[%add3A_76] : memref<320128xi32, #tpu.memory_space<hbm>> -> memref<128xi32, #tpu.memory_space<hbm>>
        %dma_wait3A_286 = tpu.memref_slice %arg3[%add3A_76] : memref<320128xi32, #tpu.memory_space<hbm>> -> memref<128xi32, #tpu.memory_space<hbm>>
        tpu.wait_dma2 semaphore(%run_scoped3A : memref<!tpu.dma_semaphore, #tpu.memory_space<semaphore_mem>>) src(%dma_wait3A_286 : memref<128xi32, #tpu.memory_space<hbm>>) dst(%arg12 : memref<128xi32, #tpu.memory_space<vmem>>)
        tpu.yield
      }) : () -> ()
      %add3A_77 = arith.constant 0 : i32
      %add3A_78 = arith.addi %add3A_76, %add3A_77 : i32
      %add3A_79 = vector.broadcast %add3A_78 : i32 to vector<16xi32>
      %add3A_80 = arith.addi %add3A_79, %iota3A : vector<16xi32>
      %ge3A = vector.broadcast %squeeze3A : i32 to vector<16xi32>
      %ge3A_81 = arith.cmpi sge, %add3A_80, %ge3A : vector<16xi32>
      %lt3A = vector.broadcast %squeeze3A_12 : i32 to vector<16xi32>
      %lt3A_82 = arith.cmpi slt, %add3A_80, %lt3A : vector<16xi32>
      %and3A_83 = arith.andi %ge3A_81, %lt3A_82 : vector<16xi1>
      %get3A_84 = arith.constant 0 : index
      %get3A_85 = tpu.vector_load %arg12[%get3A_84] {strides = array<i32>} : memref<128xi32, #tpu.memory_space<vmem>>, vector<16xi32>,
      %sub3A_86 = vector.broadcast %mul3A_61 : i32 to vector<16xi32>
      %sub3A_87 = arith.subi %get3A_85, %sub3A_86 : vector<16xi32>
      %jit3A_88 = arith.constant 320 : i32
      %broadcast_in_dim3A_89 = vector.broadcast %jit3A_88 : i32 to vector<16xi32>
      %select_n3A_90 = arith.select %and3A_83, %sub3A_87, %broadcast_in_dim3A_89 : vector<16xi1>, vector<16xi32>
      %swap3A = arith.constant 0 : index
      %swap3A_91 = tpu.vector_load %arg12[%swap3A] {strides = array<i32>} : memref<128xi32, #tpu.memory_space<vmem>>, vector<16xi32>,
      tpu.vector_store %arg12[%swap3A], %select_n3A_90 {strides = array<i32>} : memref<128xi32, #tpu.memory_space<vmem>>, vector<16xi32>,
      %get3A_92 = arith.constant 0 : index
      %get3A_93 = tpu.vector_load %arg11[%get3A_92] {strides = array<i32>} : memref<128xi32, #tpu.memory_space<vmem>>, vector<16xi32>,
      %jit3A_94 = arith.constant 0 : i32
      %broadcast_in_dim3A_95 = vector.broadcast %jit3A_94 : i32 to vector<16xi32>
      %select_n3A_96 = arith.select %and3A_83, %get3A_93, %broadcast_in_dim3A_95 : vector<16xi1>, vector<16xi32>
      %swap3A_97 = arith.constant 0 : index
      %swap3A_98 = tpu.vector_load %arg11[%swap3A_97] {strides = array<i32>} : memref<128xi32, #tpu.memory_space<vmem>>, vector<16xi32>,
      tpu.vector_store %arg11[%swap3A_97], %select_n3A_96 {strides = array<i32>} : memref<128xi32, #tpu.memory_space<vmem>>, vector<16xi32>,
      %add3A_99 = arith.constant 16 : i32
      %add3A_100 = arith.addi %add3A_76, %add3A_99 : i32
      %add3A_101 = vector.broadcast %add3A_100 : i32 to vector<16xi32>
      %add3A_102 = arith.addi %add3A_101, %iota3A : vector<16xi32>
      %ge3A_103 = vector.broadcast %squeeze3A : i32 to vector<16xi32>
      %ge3A_104 = arith.cmpi sge, %add3A_102, %ge3A_103 : vector<16xi32>
      %lt3A_105 = vector.broadcast %squeeze3A_12 : i32 to vector<16xi32>
      %lt3A_106 = arith.cmpi slt, %add3A_102, %lt3A_105 : vector<16xi32>
      %and3A_107 = arith.andi %ge3A_104, %lt3A_106 : vector<16xi1>
      %get3A_108 = arith.constant 16 : index
      %get3A_109 = tpu.vector_load %arg12[%get3A_108] {strides = array<i32>} : memref<128xi32, #tpu.memory_space<vmem>>, vector<16xi32>,
      %sub3A_110 = vector.broadcast %mul3A_61 : i32 to vector<16xi32>
      %sub3A_111 = arith.subi %get3A_109, %sub3A_110 : vector<16xi32>
      %jit3A_112 = arith.constant 320 : i32
      %broadcast_in_dim3A_113 = vector.broadcast %jit3A_112 : i32 to vector<16xi32>
      %select_n3A_114 = arith.select %and3A_107, %sub3A_111, %broadcast_in_dim3A_113 : vector<16xi1>, vector<16xi32>
      %swap3A_115 = arith.constant 16 : index
      %swap3A_116 = tpu.vector_load %arg12[%swap3A_115] {strides = array<i32>} : memref<128xi32, #tpu.memory_space<vmem>>, vector<16xi32>,
      tpu.vector_store %arg12[%swap3A_115], %select_n3A_114 {strides = array<i32>} : memref<128xi32, #tpu.memory_space<vmem>>, vector<16xi32>,
      %get3A_117 = arith.constant 16 : index
      %get3A_118 = tpu.vector_load %arg11[%get3A_117] {strides = array<i32>} : memref<128xi32, #tpu.memory_space<vmem>>, vector<16xi32>,
      %jit3A_119 = arith.constant 0 : i32
      %broadcast_in_dim3A_120 = vector.broadcast %jit3A_119 : i32 to vector<16xi32>
      %select_n3A_121 = arith.select %and3A_107, %get3A_118, %broadcast_in_dim3A_120 : vector<16xi1>, vector<16xi32>
      %swap3A_122 = arith.constant 16 : index
      %swap3A_123 = tpu.vector_load %arg11[%swap3A_122] {strides = array<i32>} : memref<128xi32, #tpu.memory_space<vmem>>, vector<16xi32>,
      tpu.vector_store %arg11[%swap3A_122], %select_n3A_121 {strides = array<i32>} : memref<128xi32, #tpu.memory_space<vmem>>, vector<16xi32>,
      %add3A_124 = arith.constant 32 : i32
      %add3A_125 = arith.addi %add3A_76, %add3A_124 : i32
      %add3A_126 = vector.broadcast %add3A_125 : i32 to vector<16xi32>
      %add3A_127 = arith.addi %add3A_126, %iota3A : vector<16xi32>
      %ge3A_128 = vector.broadcast %squeeze3A : i32 to vector<16xi32>
      %ge3A_129 = arith.cmpi sge, %add3A_127, %ge3A_128 : vector<16xi32>
      %lt3A_130 = vector.broadcast %squeeze3A_12 : i32 to vector<16xi32>
      %lt3A_131 = arith.cmpi slt, %add3A_127, %lt3A_130 : vector<16xi32>
      %and3A_132 = arith.andi %ge3A_129, %lt3A_131 : vector<16xi1>
      %get3A_133 = arith.constant 32 : index
      %get3A_134 = tpu.vector_load %arg12[%get3A_133] {strides = array<i32>} : memref<128xi32, #tpu.memory_space<vmem>>, vector<16xi32>,
      %sub3A_135 = vector.broadcast %mul3A_61 : i32 to vector<16xi32>
      %sub3A_136 = arith.subi %get3A_134, %sub3A_135 : vector<16xi32>
      %jit3A_137 = arith.constant 320 : i32
      %broadcast_in_dim3A_138 = vector.broadcast %jit3A_137 : i32 to vector<16xi32>
      %select_n3A_139 = arith.select %and3A_132, %sub3A_136, %broadcast_in_dim3A_138 : vector<16xi1>, vector<16xi32>
      %swap3A_140 = arith.constant 32 : index
      %swap3A_141 = tpu.vector_load %arg12[%swap3A_140] {strides = array<i32>} : memref<128xi32, #tpu.memory_space<vmem>>, vector<16xi32>,
      tpu.vector_store %arg12[%swap3A_140], %select_n3A_139 {strides = array<i32>} : memref<128xi32, #tpu.memory_space<vmem>>, vector<16xi32>,
      %get3A_142 = arith.constant 32 : index
      %get3A_143 = tpu.vector_load %arg11[%get3A_142] {strides = array<i32>} : memref<128xi32, #tpu.memory_space<vmem>>, vector<16xi32>,
      %jit3A_144 = arith.constant 0 : i32
      %broadcast_in_dim3A_145 = vector.broadcast %jit3A_144 : i32 to vector<16xi32>
      %select_n3A_146 = arith.select %and3A_132, %get3A_143, %broadcast_in_dim3A_145 : vector<16xi1>, vector<16xi32>
      %swap3A_147 = arith.constant 32 : index
      %swap3A_148 = tpu.vector_load %arg11[%swap3A_147] {strides = array<i32>} : memref<128xi32, #tpu.memory_space<vmem>>, vector<16xi32>,
      tpu.vector_store %arg11[%swap3A_147], %select_n3A_146 {strides = array<i32>} : memref<128xi32, #tpu.memory_space<vmem>>, vector<16xi32>,
      %add3A_149 = arith.constant 48 : i32
      %add3A_150 = arith.addi %add3A_76, %add3A_149 : i32
      %add3A_151 = vector.broadcast %add3A_150 : i32 to vector<16xi32>
      %add3A_152 = arith.addi %add3A_151, %iota3A : vector<16xi32>
      %ge3A_153 = vector.broadcast %squeeze3A : i32 to vector<16xi32>
      %ge3A_154 = arith.cmpi sge, %add3A_152, %ge3A_153 : vector<16xi32>
      %lt3A_155 = vector.broadcast %squeeze3A_12 : i32 to vector<16xi32>
      %lt3A_156 = arith.cmpi slt, %add3A_152, %lt3A_155 : vector<16xi32>
      %and3A_157 = arith.andi %ge3A_154, %lt3A_156 : vector<16xi1>
      %get3A_158 = arith.constant 48 : index
      %get3A_159 = tpu.vector_load %arg12[%get3A_158] {strides = array<i32>} : memref<128xi32, #tpu.memory_space<vmem>>, vector<16xi32>,
      %sub3A_160 = vector.broadcast %mul3A_61 : i32 to vector<16xi32>
      %sub3A_161 = arith.subi %get3A_159, %sub3A_160 : vector<16xi32>
      %jit3A_162 = arith.constant 320 : i32
      %broadcast_in_dim3A_163 = vector.broadcast %jit3A_162 : i32 to vector<16xi32>
      %select_n3A_164 = arith.select %and3A_157, %sub3A_161, %broadcast_in_dim3A_163 : vector<16xi1>, vector<16xi32>
      %swap3A_165 = arith.constant 48 : index
      %swap3A_166 = tpu.vector_load %arg12[%swap3A_165] {strides = array<i32>} : memref<128xi32, #tpu.memory_space<vmem>>, vector<16xi32>,
      tpu.vector_store %arg12[%swap3A_165], %select_n3A_164 {strides = array<i32>} : memref<128xi32, #tpu.memory_space<vmem>>, vector<16xi32>,
      %get3A_167 = arith.constant 48 : index
      %get3A_168 = tpu.vector_load %arg11[%get3A_167] {strides = array<i32>} : memref<128xi32, #tpu.memory_space<vmem>>, vector<16xi32>,
      %jit3A_169 = arith.constant 0 : i32
      %broadcast_in_dim3A_170 = vector.broadcast %jit3A_169 : i32 to vector<16xi32>
      %select_n3A_171 = arith.select %and3A_157, %get3A_168, %broadcast_in_dim3A_170 : vector<16xi1>, vector<16xi32>
      %swap3A_172 = arith.constant 48 : index
      %swap3A_173 = tpu.vector_load %arg11[%swap3A_172] {strides = array<i32>} : memref<128xi32, #tpu.memory_space<vmem>>, vector<16xi32>,
      tpu.vector_store %arg11[%swap3A_172], %select_n3A_171 {strides = array<i32>} : memref<128xi32, #tpu.memory_space<vmem>>, vector<16xi32>,
      %add3A_174 = arith.constant 64 : i32
      %add3A_175 = arith.addi %add3A_76, %add3A_174 : i32
      %add3A_176 = vector.broadcast %add3A_175 : i32 to vector<16xi32>
      %add3A_177 = arith.addi %add3A_176, %iota3A : vector<16xi32>
      %ge3A_178 = vector.broadcast %squeeze3A : i32 to vector<16xi32>
      %ge3A_179 = arith.cmpi sge, %add3A_177, %ge3A_178 : vector<16xi32>
      %lt3A_180 = vector.broadcast %squeeze3A_12 : i32 to vector<16xi32>
      %lt3A_181 = arith.cmpi slt, %add3A_177, %lt3A_180 : vector<16xi32>
      %and3A_182 = arith.andi %ge3A_179, %lt3A_181 : vector<16xi1>
      %get3A_183 = arith.constant 64 : index
      %get3A_184 = tpu.vector_load %arg12[%get3A_183] {strides = array<i32>} : memref<128xi32, #tpu.memory_space<vmem>>, vector<16xi32>,
      %sub3A_185 = vector.broadcast %mul3A_61 : i32 to vector<16xi32>
      %sub3A_186 = arith.subi %get3A_184, %sub3A_185 : vector<16xi32>
      %jit3A_187 = arith.constant 320 : i32
      %broadcast_in_dim3A_188 = vector.broadcast %jit3A_187 : i32 to vector<16xi32>
      %select_n3A_189 = arith.select %and3A_182, %sub3A_186, %broadcast_in_dim3A_188 : vector<16xi1>, vector<16xi32>
      %swap3A_190 = arith.constant 64 : index
      %swap3A_191 = tpu.vector_load %arg12[%swap3A_190] {strides = array<i32>} : memref<128xi32, #tpu.memory_space<vmem>>, vector<16xi32>,
      tpu.vector_store %arg12[%swap3A_190], %select_n3A_189 {strides = array<i32>} : memref<128xi32, #tpu.memory_space<vmem>>, vector<16xi32>,
      %get3A_192 = arith.constant 64 : index
      %get3A_193 = tpu.vector_load %arg11[%get3A_192] {strides = array<i32>} : memref<128xi32, #tpu.memory_space<vmem>>, vector<16xi32>,
      %jit3A_194 = arith.constant 0 : i32
      %broadcast_in_dim3A_195 = vector.broadcast %jit3A_194 : i32 to vector<16xi32>
      %select_n3A_196 = arith.select %and3A_182, %get3A_193, %broadcast_in_dim3A_195 : vector<16xi1>, vector<16xi32>
      %swap3A_197 = arith.constant 64 : index
      %swap3A_198 = tpu.vector_load %arg11[%swap3A_197] {strides = array<i32>} : memref<128xi32, #tpu.memory_space<vmem>>, vector<16xi32>,
      tpu.vector_store %arg11[%swap3A_197], %select_n3A_196 {strides = array<i32>} : memref<128xi32, #tpu.memory_space<vmem>>, vector<16xi32>,
      %add3A_199 = arith.constant 80 : i32
      %add3A_200 = arith.addi %add3A_76, %add3A_199 : i32
      %add3A_201 = vector.broadcast %add3A_200 : i32 to vector<16xi32>
      %add3A_202 = arith.addi %add3A_201, %iota3A : vector<16xi32>
      %ge3A_203 = vector.broadcast %squeeze3A : i32 to vector<16xi32>
      %ge3A_204 = arith.cmpi sge, %add3A_202, %ge3A_203 : vector<16xi32>
      %lt3A_205 = vector.broadcast %squeeze3A_12 : i32 to vector<16xi32>
      %lt3A_206 = arith.cmpi slt, %add3A_202, %lt3A_205 : vector<16xi32>
      %and3A_207 = arith.andi %ge3A_204, %lt3A_206 : vector<16xi1>
      %get3A_208 = arith.constant 80 : index
      %get3A_209 = tpu.vector_load %arg12[%get3A_208] {strides = array<i32>} : memref<128xi32, #tpu.memory_space<vmem>>, vector<16xi32>,
      %sub3A_210 = vector.broadcast %mul3A_61 : i32 to vector<16xi32>
      %sub3A_211 = arith.subi %get3A_209, %sub3A_210 : vector<16xi32>
      %jit3A_212 = arith.constant 320 : i32
      %broadcast_in_dim3A_213 = vector.broadcast %jit3A_212 : i32 to vector<16xi32>
      %select_n3A_214 = arith.select %and3A_207, %sub3A_211, %broadcast_in_dim3A_213 : vector<16xi1>, vector<16xi32>
      %swap3A_215 = arith.constant 80 : index
      %swap3A_216 = tpu.vector_load %arg12[%swap3A_215] {strides = array<i32>} : memref<128xi32, #tpu.memory_space<vmem>>, vector<16xi32>,
      tpu.vector_store %arg12[%swap3A_215], %select_n3A_214 {strides = array<i32>} : memref<128xi32, #tpu.memory_space<vmem>>, vector<16xi32>,
      %get3A_217 = arith.constant 80 : index
      %get3A_218 = tpu.vector_load %arg11[%get3A_217] {strides = array<i32>} : memref<128xi32, #tpu.memory_space<vmem>>, vector<16xi32>,
      %jit3A_219 = arith.constant 0 : i32
      %broadcast_in_dim3A_220 = vector.broadcast %jit3A_219 : i32 to vector<16xi32>
      %select_n3A_221 = arith.select %and3A_207, %get3A_218, %broadcast_in_dim3A_220 : vector<16xi1>, vector<16xi32>
      %swap3A_222 = arith.constant 80 : index
      %swap3A_223 = tpu.vector_load %arg11[%swap3A_222] {strides = array<i32>} : memref<128xi32, #tpu.memory_space<vmem>>, vector<16xi32>,
      tpu.vector_store %arg11[%swap3A_222], %select_n3A_221 {strides = array<i32>} : memref<128xi32, #tpu.memory_space<vmem>>, vector<16xi32>,
      %add3A_224 = arith.constant 96 : i32
      %add3A_225 = arith.addi %add3A_76, %add3A_224 : i32
      %add3A_226 = vector.broadcast %add3A_225 : i32 to vector<16xi32>
      %add3A_227 = arith.addi %add3A_226, %iota3A : vector<16xi32>
      %ge3A_228 = vector.broadcast %squeeze3A : i32 to vector<16xi32>
      %ge3A_229 = arith.cmpi sge, %add3A_227, %ge3A_228 : vector<16xi32>
      %lt3A_230 = vector.broadcast %squeeze3A_12 : i32 to vector<16xi32>
      %lt3A_231 = arith.cmpi slt, %add3A_227, %lt3A_230 : vector<16xi32>
      %and3A_232 = arith.andi %ge3A_229, %lt3A_231 : vector<16xi1>
      %get3A_233 = arith.constant 96 : index
      %get3A_234 = tpu.vector_load %arg12[%get3A_233] {strides = array<i32>} : memref<128xi32, #tpu.memory_space<vmem>>, vector<16xi32>,
      %sub3A_235 = vector.broadcast %mul3A_61 : i32 to vector<16xi32>
      %sub3A_236 = arith.subi %get3A_234, %sub3A_235 : vector<16xi32>
      %jit3A_237 = arith.constant 320 : i32
      %broadcast_in_dim3A_238 = vector.broadcast %jit3A_237 : i32 to vector<16xi32>
      %select_n3A_239 = arith.select %and3A_232, %sub3A_236, %broadcast_in_dim3A_238 : vector<16xi1>, vector<16xi32>
      %swap3A_240 = arith.constant 96 : index
      %swap3A_241 = tpu.vector_load %arg12[%swap3A_240] {strides = array<i32>} : memref<128xi32, #tpu.memory_space<vmem>>, vector<16xi32>,
      tpu.vector_store %arg12[%swap3A_240], %select_n3A_239 {strides = array<i32>} : memref<128xi32, #tpu.memory_space<vmem>>, vector<16xi32>,
      %get3A_242 = arith.constant 96 : index
      %get3A_243 = tpu.vector_load %arg11[%get3A_242] {strides = array<i32>} : memref<128xi32, #tpu.memory_space<vmem>>, vector<16xi32>,
      %jit3A_244 = arith.constant 0 : i32
      %broadcast_in_dim3A_245 = vector.broadcast %jit3A_244 : i32 to vector<16xi32>
      %select_n3A_246 = arith.select %and3A_232, %get3A_243, %broadcast_in_dim3A_245 : vector<16xi1>, vector<16xi32>
      %swap3A_247 = arith.constant 96 : index
      %swap3A_248 = tpu.vector_load %arg11[%swap3A_247] {strides = array<i32>} : memref<128xi32, #tpu.memory_space<vmem>>, vector<16xi32>,
      tpu.vector_store %arg11[%swap3A_247], %select_n3A_246 {strides = array<i32>} : memref<128xi32, #tpu.memory_space<vmem>>, vector<16xi32>,
      %add3A_249 = arith.constant 112 : i32
      %add3A_250 = arith.addi %add3A_76, %add3A_249 : i32
      %add3A_251 = vector.broadcast %add3A_250 : i32 to vector<16xi32>
      %add3A_252 = arith.addi %add3A_251, %iota3A : vector<16xi32>
      %ge3A_253 = vector.broadcast %squeeze3A : i32 to vector<16xi32>
      %ge3A_254 = arith.cmpi sge, %add3A_252, %ge3A_253 : vector<16xi32>
      %lt3A_255 = vector.broadcast %squeeze3A_12 : i32 to vector<16xi32>
      %lt3A_256 = arith.cmpi slt, %add3A_252, %lt3A_255 : vector<16xi32>
      %and3A_257 = arith.andi %ge3A_254, %lt3A_256 : vector<16xi1>
      %get3A_258 = arith.constant 112 : index
      %get3A_259 = tpu.vector_load %arg12[%get3A_258] {strides = array<i32>} : memref<128xi32, #tpu.memory_space<vmem>>, vector<16xi32>,
      %sub3A_260 = vector.broadcast %mul3A_61 : i32 to vector<16xi32>
      %sub3A_261 = arith.subi %get3A_259, %sub3A_260 : vector<16xi32>
      %jit3A_262 = arith.constant 320 : i32
      %broadcast_in_dim3A_263 = vector.broadcast %jit3A_262 : i32 to vector<16xi32>
      %select_n3A_264 = arith.select %and3A_257, %sub3A_261, %broadcast_in_dim3A_263 : vector<16xi1>, vector<16xi32>
      %swap3A_265 = arith.constant 112 : index
      %swap3A_266 = tpu.vector_load %arg12[%swap3A_265] {strides = array<i32>} : memref<128xi32, #tpu.memory_space<vmem>>, vector<16xi32>,
      tpu.vector_store %arg12[%swap3A_265], %select_n3A_264 {strides = array<i32>} : memref<128xi32, #tpu.memory_space<vmem>>, vector<16xi32>,
      %get3A_267 = arith.constant 112 : index
      %get3A_268 = tpu.vector_load %arg11[%get3A_267] {strides = array<i32>} : memref<128xi32, #tpu.memory_space<vmem>>, vector<16xi32>,
      %jit3A_269 = arith.constant 0 : i32
      %broadcast_in_dim3A_270 = vector.broadcast %jit3A_269 : i32 to vector<16xi32>
      %select_n3A_271 = arith.select %and3A_257, %get3A_268, %broadcast_in_dim3A_270 : vector<16xi1>, vector<16xi32>
      %swap3A_272 = arith.constant 112 : index
      %swap3A_273 = tpu.vector_load %arg11[%swap3A_272] {strides = array<i32>} : memref<128xi32, #tpu.memory_space<vmem>>, vector<16xi32>,
      tpu.vector_store %arg11[%swap3A_272], %select_n3A_271 {strides = array<i32>} : memref<128xi32, #tpu.memory_space<vmem>>, vector<16xi32>,
      %dma_start3A = arith.constant 0 : i32
      %dma_start3A_274 = arith.constant 0 : i32
      %dma_start3A_275 = tpu.memref_slice %arg5[%dma_start3A, %dma_start3A_274] : memref<10240x256xf32, #tpu.memory_space<hbm>> -> memref<10240x256xf32, #tpu.memory_space<hbm>>
      tpu.enqueue_indirect_dma source(%dma_start3A_275 : memref<10240x256xf32, #tpu.memory_space<hbm>>) target(%arg13 : memref<128x256xf32, #tpu.memory_space<vmem>>) offsets(%arg11 : memref<128xi32, #tpu.memory_space<vmem>>) semaphore(%arg16 : memref<!tpu.dma_semaphore, #tpu.memory_space<semaphore_mem>>)
      %dma_wait3A = arith.constant 0 : i32
      %dma_wait3A_276 = arith.constant 0 : i32
      %dma_wait3A_277 = tpu.memref_slice %arg5[%dma_wait3A, %dma_wait3A_276] : memref<10240x256xf32, #tpu.memory_space<hbm>> -> memref<10240x256xf32, #tpu.memory_space<hbm>>
      tpu.wait_indirect_dma semaphore(%arg16 : memref<!tpu.dma_semaphore, #tpu.memory_space<semaphore_mem>>) src(%dma_wait3A_277 : memref<10240x256xf32, #tpu.memory_space<hbm>>) dst(%arg13 : memref<128x256xf32, #tpu.memory_space<vmem>>)
      %scan3A = arith.constant 0 : i32
      %scan3A_278 = arith.constant 0 : i32
      %scan3A_279 = arith.constant 128 : i32
      %scan3A_280 = arith.addi %scan3A_278, %scan3A_279 : i32
      %scan3A_281 = arith.constant 1 : i32
      scf.for %scan3A_283 = %scan3A_278 to %scan3A_280 step %scan3A_281  : i32 {
        %broadcast_in_dim3A_284 = vector.broadcast %scan3A_283 : i32 to vector<16xi32>
        %gather3A = tpu.vector_load_idx %arg12[%broadcast_in_dim3A_284] : memref<128xi32, #tpu.memory_space<vmem>>[vector<16xi32>], vector<16xi32>,
        %mul3A_285 = arith.constant 16 : i32
        %mul3A_286 = vector.broadcast %mul3A_285 : i32 to vector<16xi32>
        %mul3A_287 = arith.muli %gather3A, %mul3A_286 : vector<16xi32>
        %add3A_288 = arith.addi %mul3A_287, %iota3A : vector<16xi32>
        tpu.vector_store_idx %arg15[%add3A_288], %broadcast_in_dim3A_1 {add = true} : memref<5248xf32, #tpu.memory_space<vmem>>[vector<16xi32>], vector<16xf32>,
        %get3A_289 = arith.index_cast %scan3A_283 : i32 to index
        %get3A_290 = arith.constant 0 : index
        %get3A_291 = tpu.vector_load %arg13[%get3A_289, %get3A_290] {strides = array<i32>} : memref<128x256xf32, #tpu.memory_space<vmem>>, vector<16xf32>,
        %add3A_292 = arith.constant 0 : i32
        %add3A_293 = vector.broadcast %add3A_292 : i32 to vector<16xi32>
        %add3A_294 = arith.addi %add3A_293, %iota3A : vector<16xi32>
        tpu.vector_store_idx %arg14[%gather3A, %add3A_294], %get3A_291 {add = true} : memref<328x256xf32, #tpu.memory_space<vmem>>[vector<16xi32>, vector<16xi32>], vector<16xf32>,
        %get3A_295 = arith.index_cast %scan3A_283 : i32 to index
        %get3A_296 = arith.constant 16 : index
        %get3A_297 = tpu.vector_load %arg13[%get3A_295, %get3A_296] {strides = array<i32>} : memref<128x256xf32, #tpu.memory_space<vmem>>, vector<16xf32>,
        %add3A_298 = arith.constant 16 : i32
        %add3A_299 = vector.broadcast %add3A_298 : i32 to vector<16xi32>
        %add3A_300 = arith.addi %add3A_299, %iota3A : vector<16xi32>
        tpu.vector_store_idx %arg14[%gather3A, %add3A_300], %get3A_297 {add = true} : memref<328x256xf32, #tpu.memory_space<vmem>>[vector<16xi32>, vector<16xi32>], vector<16xf32>,
        %get3A_301 = arith.index_cast %scan3A_283 : i32 to index
        %get3A_302 = arith.constant 32 : index
        %get3A_303 = tpu.vector_load %arg13[%get3A_301, %get3A_302] {strides = array<i32>} : memref<128x256xf32, #tpu.memory_space<vmem>>, vector<16xf32>,
        %add3A_304 = arith.constant 32 : i32
        %add3A_305 = vector.broadcast %add3A_304 : i32 to vector<16xi32>
        %add3A_306 = arith.addi %add3A_305, %iota3A : vector<16xi32>
        tpu.vector_store_idx %arg14[%gather3A, %add3A_306], %get3A_303 {add = true} : memref<328x256xf32, #tpu.memory_space<vmem>>[vector<16xi32>, vector<16xi32>], vector<16xf32>,
        %get3A_307 = arith.index_cast %scan3A_283 : i32 to index
        %get3A_308 = arith.constant 48 : index
        %get3A_309 = tpu.vector_load %arg13[%get3A_307, %get3A_308] {strides = array<i32>} : memref<128x256xf32, #tpu.memory_space<vmem>>, vector<16xf32>,
        %add3A_310 = arith.constant 48 : i32
        %add3A_311 = vector.broadcast %add3A_310 : i32 to vector<16xi32>
        %add3A_312 = arith.addi %add3A_311, %iota3A : vector<16xi32>
        tpu.vector_store_idx %arg14[%gather3A, %add3A_312], %get3A_309 {add = true} : memref<328x256xf32, #tpu.memory_space<vmem>>[vector<16xi32>, vector<16xi32>], vector<16xf32>,
        %get3A_313 = arith.index_cast %scan3A_283 : i32 to index
        %get3A_314 = arith.constant 64 : index
        %get3A_315 = tpu.vector_load %arg13[%get3A_313, %get3A_314] {strides = array<i32>} : memref<128x256xf32, #tpu.memory_space<vmem>>, vector<16xf32>,
        %add3A_316 = arith.constant 64 : i32
        %add3A_317 = vector.broadcast %add3A_316 : i32 to vector<16xi32>
        %add3A_318 = arith.addi %add3A_317, %iota3A : vector<16xi32>
        tpu.vector_store_idx %arg14[%gather3A, %add3A_318], %get3A_315 {add = true} : memref<328x256xf32, #tpu.memory_space<vmem>>[vector<16xi32>, vector<16xi32>], vector<16xf32>,
        %get3A_319 = arith.index_cast %scan3A_283 : i32 to index
        %get3A_320 = arith.constant 80 : index
        %get3A_321 = tpu.vector_load %arg13[%get3A_319, %get3A_320] {strides = array<i32>} : memref<128x256xf32, #tpu.memory_space<vmem>>, vector<16xf32>,
        %add3A_322 = arith.constant 80 : i32
        %add3A_323 = vector.broadcast %add3A_322 : i32 to vector<16xi32>
        %add3A_324 = arith.addi %add3A_323, %iota3A : vector<16xi32>
        tpu.vector_store_idx %arg14[%gather3A, %add3A_324], %get3A_321 {add = true} : memref<328x256xf32, #tpu.memory_space<vmem>>[vector<16xi32>, vector<16xi32>], vector<16xf32>,
        %get3A_325 = arith.index_cast %scan3A_283 : i32 to index
        %get3A_326 = arith.constant 96 : index
        %get3A_327 = tpu.vector_load %arg13[%get3A_325, %get3A_326] {strides = array<i32>} : memref<128x256xf32, #tpu.memory_space<vmem>>, vector<16xf32>,
        %add3A_328 = arith.constant 96 : i32
        %add3A_329 = vector.broadcast %add3A_328 : i32 to vector<16xi32>
        %add3A_330 = arith.addi %add3A_329, %iota3A : vector<16xi32>
        tpu.vector_store_idx %arg14[%gather3A, %add3A_330], %get3A_327 {add = true} : memref<328x256xf32, #tpu.memory_space<vmem>>[vector<16xi32>, vector<16xi32>], vector<16xf32>,
        %get3A_331 = arith.index_cast %scan3A_283 : i32 to index
        %get3A_332 = arith.constant 112 : index
        %get3A_333 = tpu.vector_load %arg13[%get3A_331, %get3A_332] {strides = array<i32>} : memref<128x256xf32, #tpu.memory_space<vmem>>, vector<16xf32>,
        %add3A_334 = arith.constant 112 : i32
        %add3A_335 = vector.broadcast %add3A_334 : i32 to vector<16xi32>
        %add3A_336 = arith.addi %add3A_335, %iota3A : vector<16xi32>
        tpu.vector_store_idx %arg14[%gather3A, %add3A_336], %get3A_333 {add = true} : memref<328x256xf32, #tpu.memory_space<vmem>>[vector<16xi32>, vector<16xi32>], vector<16xf32>,
        %get3A_337 = arith.index_cast %scan3A_283 : i32 to index
        %get3A_338 = arith.constant 128 : index
        %get3A_339 = tpu.vector_load %arg13[%get3A_337, %get3A_338] {strides = array<i32>} : memref<128x256xf32, #tpu.memory_space<vmem>>, vector<16xf32>,
        %add3A_340 = arith.constant 128 : i32
        %add3A_341 = vector.broadcast %add3A_340 : i32 to vector<16xi32>
        %add3A_342 = arith.addi %add3A_341, %iota3A : vector<16xi32>
        tpu.vector_store_idx %arg14[%gather3A, %add3A_342], %get3A_339 {add = true} : memref<328x256xf32, #tpu.memory_space<vmem>>[vector<16xi32>, vector<16xi32>], vector<16xf32>,
        %get3A_343 = arith.index_cast %scan3A_283 : i32 to index
        %get3A_344 = arith.constant 144 : index
        %get3A_345 = tpu.vector_load %arg13[%get3A_343, %get3A_344] {strides = array<i32>} : memref<128x256xf32, #tpu.memory_space<vmem>>, vector<16xf32>,
        %add3A_346 = arith.constant 144 : i32
        %add3A_347 = vector.broadcast %add3A_346 : i32 to vector<16xi32>
        %add3A_348 = arith.addi %add3A_347, %iota3A : vector<16xi32>
        tpu.vector_store_idx %arg14[%gather3A, %add3A_348], %get3A_345 {add = true} : memref<328x256xf32, #tpu.memory_space<vmem>>[vector<16xi32>, vector<16xi32>], vector<16xf32>,
        %get3A_349 = arith.index_cast %scan3A_283 : i32 to index
        %get3A_350 = arith.constant 160 : index
        %get3A_351 = tpu.vector_load %arg13[%get3A_349, %get3A_350] {strides = array<i32>} : memref<128x256xf32, #tpu.memory_space<vmem>>, vector<16xf32>,
        %add3A_352 = arith.constant 160 : i32
        %add3A_353 = vector.broadcast %add3A_352 : i32 to vector<16xi32>
        %add3A_354 = arith.addi %add3A_353, %iota3A : vector<16xi32>
        tpu.vector_store_idx %arg14[%gather3A, %add3A_354], %get3A_351 {add = true} : memref<328x256xf32, #tpu.memory_space<vmem>>[vector<16xi32>, vector<16xi32>], vector<16xf32>,
        %get3A_355 = arith.index_cast %scan3A_283 : i32 to index
        %get3A_356 = arith.constant 176 : index
        %get3A_357 = tpu.vector_load %arg13[%get3A_355, %get3A_356] {strides = array<i32>} : memref<128x256xf32, #tpu.memory_space<vmem>>, vector<16xf32>,
        %add3A_358 = arith.constant 176 : i32
        %add3A_359 = vector.broadcast %add3A_358 : i32 to vector<16xi32>
        %add3A_360 = arith.addi %add3A_359, %iota3A : vector<16xi32>
        tpu.vector_store_idx %arg14[%gather3A, %add3A_360], %get3A_357 {add = true} : memref<328x256xf32, #tpu.memory_space<vmem>>[vector<16xi32>, vector<16xi32>], vector<16xf32>,
        %get3A_361 = arith.index_cast %scan3A_283 : i32 to index
        %get3A_362 = arith.constant 192 : index
        %get3A_363 = tpu.vector_load %arg13[%get3A_361, %get3A_362] {strides = array<i32>} : memref<128x256xf32, #tpu.memory_space<vmem>>, vector<16xf32>,
        %add3A_364 = arith.constant 192 : i32
        %add3A_365 = vector.broadcast %add3A_364 : i32 to vector<16xi32>
        %add3A_366 = arith.addi %add3A_365, %iota3A : vector<16xi32>
        tpu.vector_store_idx %arg14[%gather3A, %add3A_366], %get3A_363 {add = true} : memref<328x256xf32, #tpu.memory_space<vmem>>[vector<16xi32>, vector<16xi32>], vector<16xf32>,
        %get3A_367 = arith.index_cast %scan3A_283 : i32 to index
        %get3A_368 = arith.constant 208 : index
        %get3A_369 = tpu.vector_load %arg13[%get3A_367, %get3A_368] {strides = array<i32>} : memref<128x256xf32, #tpu.memory_space<vmem>>, vector<16xf32>,
        %add3A_370 = arith.constant 208 : i32
        %add3A_371 = vector.broadcast %add3A_370 : i32 to vector<16xi32>
        %add3A_372 = arith.addi %add3A_371, %iota3A : vector<16xi32>
        tpu.vector_store_idx %arg14[%gather3A, %add3A_372], %get3A_369 {add = true} : memref<328x256xf32, #tpu.memory_space<vmem>>[vector<16xi32>, vector<16xi32>], vector<16xf32>,
        %get3A_373 = arith.index_cast %scan3A_283 : i32 to index
        %get3A_374 = arith.constant 224 : index
        %get3A_375 = tpu.vector_load %arg13[%get3A_373, %get3A_374] {strides = array<i32>} : memref<128x256xf32, #tpu.memory_space<vmem>>, vector<16xf32>,
        %add3A_376 = arith.constant 224 : i32
        %add3A_377 = vector.broadcast %add3A_376 : i32 to vector<16xi32>
        %add3A_378 = arith.addi %add3A_377, %iota3A : vector<16xi32>
        tpu.vector_store_idx %arg14[%gather3A, %add3A_378], %get3A_375 {add = true} : memref<328x256xf32, #tpu.memory_space<vmem>>[vector<16xi32>, vector<16xi32>], vector<16xf32>,
        %get3A_379 = arith.index_cast %scan3A_283 : i32 to index
        %get3A_380 = arith.constant 240 : index
        %get3A_381 = tpu.vector_load %arg13[%get3A_379, %get3A_380] {strides = array<i32>} : memref<128x256xf32, #tpu.memory_space<vmem>>, vector<16xf32>,
        %add3A_382 = arith.constant 240 : i32
        %add3A_383 = vector.broadcast %add3A_382 : i32 to vector<16xi32>
        %add3A_384 = arith.addi %add3A_383, %iota3A : vector<16xi32>
        tpu.vector_store_idx %arg14[%gather3A, %add3A_384], %get3A_381 {add = true} : memref<328x256xf32, #tpu.memory_space<vmem>>[vector<16xi32>, vector<16xi32>], vector<16xf32>,
      }
      %scan3A_282 = arith.constant 128 : i32
    }
    %while3A_70 = arith.constant 1 : i32
    scf.for %while3A_73 = %while3A_68 to %while3A_64 step %while3A_70  : i32 {
      %mul3A_74 = arith.constant 128 : i32
      %mul3A_75 = arith.muli %while3A_73, %mul3A_74 : i32
      %add3A_76 = arith.addi %mul3A_30, %mul3A_75 : i32
      "tpu.region"() ({
        %run_scoped3A = tpu.sem_alloc : memref<!tpu.dma_semaphore, #tpu.memory_space<semaphore_mem>>
        %dma_start3A_283 = tpu.memref_slice %arg2[%add3A_76] : memref<320128xi32, #tpu.memory_space<hbm>> -> memref<128xi32, #tpu.memory_space<hbm>>
        %dma_start3A_284 = tpu.memref_slice %arg2[%add3A_76] : memref<320128xi32, #tpu.memory_space<hbm>> -> memref<128xi32, #tpu.memory_space<hbm>>
        tpu.enqueue_dma source(%dma_start3A_284 : memref<128xi32, #tpu.memory_space<hbm>>) target(%arg11 : memref<128xi32, #tpu.memory_space<vmem>>) target_semaphore(%run_scoped3A : memref<!tpu.dma_semaphore, #tpu.memory_space<semaphore_mem>>)
        %dma_wait3A_285 = tpu.memref_slice %arg2[%add3A_76] : memref<320128xi32, #tpu.memory_space<hbm>> -> memref<128xi32, #tpu.memory_space<hbm>>
        %dma_wait3A_286 = tpu.memref_slice %arg2[%add3A_76] : memref<320128xi32, #tpu.memory_space<hbm>> -> memref<128xi32, #tpu.memory_space<hbm>>
        tpu.wait_dma2 semaphore(%run_scoped3A : memref<!tpu.dma_semaphore, #tpu.memory_space<semaphore_mem>>) src(%dma_wait3A_286 : memref<128xi32, #tpu.memory_space<hbm>>) dst(%arg11 : memref<128xi32, #tpu.memory_space<vmem>>)
        tpu.yield
      }) : () -> ()
      "tpu.region"() ({
        %run_scoped3A = tpu.sem_alloc : memref<!tpu.dma_semaphore, #tpu.memory_space<semaphore_mem>>
        %dma_start3A_283 = tpu.memref_slice %arg3[%add3A_76] : memref<320128xi32, #tpu.memory_space<hbm>> -> memref<128xi32, #tpu.memory_space<hbm>>
        %dma_start3A_284 = tpu.memref_slice %arg3[%add3A_76] : memref<320128xi32, #tpu.memory_space<hbm>> -> memref<128xi32, #tpu.memory_space<hbm>>
        tpu.enqueue_dma source(%dma_start3A_284 : memref<128xi32, #tpu.memory_space<hbm>>) target(%arg12 : memref<128xi32, #tpu.memory_space<vmem>>) target_semaphore(%run_scoped3A : memref<!tpu.dma_semaphore, #tpu.memory_space<semaphore_mem>>)
        %dma_wait3A_285 = tpu.memref_slice %arg3[%add3A_76] : memref<320128xi32, #tpu.memory_space<hbm>> -> memref<128xi32, #tpu.memory_space<hbm>>
        %dma_wait3A_286 = tpu.memref_slice %arg3[%add3A_76] : memref<320128xi32, #tpu.memory_space<hbm>> -> memref<128xi32, #tpu.memory_space<hbm>>
        tpu.wait_dma2 semaphore(%run_scoped3A : memref<!tpu.dma_semaphore, #tpu.memory_space<semaphore_mem>>) src(%dma_wait3A_286 : memref<128xi32, #tpu.memory_space<hbm>>) dst(%arg12 : memref<128xi32, #tpu.memory_space<vmem>>)
        tpu.yield
      }) : () -> ()
      %add3A_77 = arith.constant 0 : i32
      %add3A_78 = arith.addi %add3A_76, %add3A_77 : i32
      %add3A_79 = vector.broadcast %add3A_78 : i32 to vector<16xi32>
      %add3A_80 = arith.addi %add3A_79, %iota3A : vector<16xi32>
      %ge3A = vector.broadcast %squeeze3A : i32 to vector<16xi32>
      %ge3A_81 = arith.cmpi sge, %add3A_80, %ge3A : vector<16xi32>
      %lt3A = vector.broadcast %squeeze3A_12 : i32 to vector<16xi32>
      %lt3A_82 = arith.cmpi slt, %add3A_80, %lt3A : vector<16xi32>
      %and3A_83 = arith.andi %ge3A_81, %lt3A_82 : vector<16xi1>
      %get3A_84 = arith.constant 0 : index
      %get3A_85 = tpu.vector_load %arg12[%get3A_84] {strides = array<i32>} : memref<128xi32, #tpu.memory_space<vmem>>, vector<16xi32>,
      %sub3A_86 = vector.broadcast %mul3A_61 : i32 to vector<16xi32>
      %sub3A_87 = arith.subi %get3A_85, %sub3A_86 : vector<16xi32>
      %jit3A_88 = arith.constant 320 : i32
      %broadcast_in_dim3A_89 = vector.broadcast %jit3A_88 : i32 to vector<16xi32>
      %select_n3A_90 = arith.select %and3A_83, %sub3A_87, %broadcast_in_dim3A_89 : vector<16xi1>, vector<16xi32>
      %swap3A = arith.constant 0 : index
      %swap3A_91 = tpu.vector_load %arg12[%swap3A] {strides = array<i32>} : memref<128xi32, #tpu.memory_space<vmem>>, vector<16xi32>,
      tpu.vector_store %arg12[%swap3A], %select_n3A_90 {strides = array<i32>} : memref<128xi32, #tpu.memory_space<vmem>>, vector<16xi32>,
      %get3A_92 = arith.constant 0 : index
      %get3A_93 = tpu.vector_load %arg11[%get3A_92] {strides = array<i32>} : memref<128xi32, #tpu.memory_space<vmem>>, vector<16xi32>,
      %jit3A_94 = arith.constant 0 : i32
      %broadcast_in_dim3A_95 = vector.broadcast %jit3A_94 : i32 to vector<16xi32>
      %select_n3A_96 = arith.select %and3A_83, %get3A_93, %broadcast_in_dim3A_95 : vector<16xi1>, vector<16xi32>
      %swap3A_97 = arith.constant 0 : index
      %swap3A_98 = tpu.vector_load %arg11[%swap3A_97] {strides = array<i32>} : memref<128xi32, #tpu.memory_space<vmem>>, vector<16xi32>,
      tpu.vector_store %arg11[%swap3A_97], %select_n3A_96 {strides = array<i32>} : memref<128xi32, #tpu.memory_space<vmem>>, vector<16xi32>,
      %add3A_99 = arith.constant 16 : i32
      %add3A_100 = arith.addi %add3A_76, %add3A_99 : i32
      %add3A_101 = vector.broadcast %add3A_100 : i32 to vector<16xi32>
      %add3A_102 = arith.addi %add3A_101, %iota3A : vector<16xi32>
      %ge3A_103 = vector.broadcast %squeeze3A : i32 to vector<16xi32>
      %ge3A_104 = arith.cmpi sge, %add3A_102, %ge3A_103 : vector<16xi32>
      %lt3A_105 = vector.broadcast %squeeze3A_12 : i32 to vector<16xi32>
      %lt3A_106 = arith.cmpi slt, %add3A_102, %lt3A_105 : vector<16xi32>
      %and3A_107 = arith.andi %ge3A_104, %lt3A_106 : vector<16xi1>
      %get3A_108 = arith.constant 16 : index
      %get3A_109 = tpu.vector_load %arg12[%get3A_108] {strides = array<i32>} : memref<128xi32, #tpu.memory_space<vmem>>, vector<16xi32>,
      %sub3A_110 = vector.broadcast %mul3A_61 : i32 to vector<16xi32>
      %sub3A_111 = arith.subi %get3A_109, %sub3A_110 : vector<16xi32>
      %jit3A_112 = arith.constant 320 : i32
      %broadcast_in_dim3A_113 = vector.broadcast %jit3A_112 : i32 to vector<16xi32>
      %select_n3A_114 = arith.select %and3A_107, %sub3A_111, %broadcast_in_dim3A_113 : vector<16xi1>, vector<16xi32>
      %swap3A_115 = arith.constant 16 : index
      %swap3A_116 = tpu.vector_load %arg12[%swap3A_115] {strides = array<i32>} : memref<128xi32, #tpu.memory_space<vmem>>, vector<16xi32>,
      tpu.vector_store %arg12[%swap3A_115], %select_n3A_114 {strides = array<i32>} : memref<128xi32, #tpu.memory_space<vmem>>, vector<16xi32>,
      %get3A_117 = arith.constant 16 : index
      %get3A_118 = tpu.vector_load %arg11[%get3A_117] {strides = array<i32>} : memref<128xi32, #tpu.memory_space<vmem>>, vector<16xi32>,
      %jit3A_119 = arith.constant 0 : i32
      %broadcast_in_dim3A_120 = vector.broadcast %jit3A_119 : i32 to vector<16xi32>
      %select_n3A_121 = arith.select %and3A_107, %get3A_118, %broadcast_in_dim3A_120 : vector<16xi1>, vector<16xi32>
      %swap3A_122 = arith.constant 16 : index
      %swap3A_123 = tpu.vector_load %arg11[%swap3A_122] {strides = array<i32>} : memref<128xi32, #tpu.memory_space<vmem>>, vector<16xi32>,
      tpu.vector_store %arg11[%swap3A_122], %select_n3A_121 {strides = array<i32>} : memref<128xi32, #tpu.memory_space<vmem>>, vector<16xi32>,
      %add3A_124 = arith.constant 32 : i32
      %add3A_125 = arith.addi %add3A_76, %add3A_124 : i32
      %add3A_126 = vector.broadcast %add3A_125 : i32 to vector<16xi32>
      %add3A_127 = arith.addi %add3A_126, %iota3A : vector<16xi32>
      %ge3A_128 = vector.broadcast %squeeze3A : i32 to vector<16xi32>
      %ge3A_129 = arith.cmpi sge, %add3A_127, %ge3A_128 : vector<16xi32>
      %lt3A_130 = vector.broadcast %squeeze3A_12 : i32 to vector<16xi32>
      %lt3A_131 = arith.cmpi slt, %add3A_127, %lt3A_130 : vector<16xi32>
      %and3A_132 = arith.andi %ge3A_129, %lt3A_131 : vector<16xi1>
      %get3A_133 = arith.constant 32 : index
      %get3A_134 = tpu.vector_load %arg12[%get3A_133] {strides = array<i32>} : memref<128xi32, #tpu.memory_space<vmem>>, vector<16xi32>,
      %sub3A_135 = vector.broadcast %mul3A_61 : i32 to vector<16xi32>
      %sub3A_136 = arith.subi %get3A_134, %sub3A_135 : vector<16xi32>
      %jit3A_137 = arith.constant 320 : i32
      %broadcast_in_dim3A_138 = vector.broadcast %jit3A_137 : i32 to vector<16xi32>
      %select_n3A_139 = arith.select %and3A_132, %sub3A_136, %broadcast_in_dim3A_138 : vector<16xi1>, vector<16xi32>
      %swap3A_140 = arith.constant 32 : index
      %swap3A_141 = tpu.vector_load %arg12[%swap3A_140] {strides = array<i32>} : memref<128xi32, #tpu.memory_space<vmem>>, vector<16xi32>,
      tpu.vector_store %arg12[%swap3A_140], %select_n3A_139 {strides = array<i32>} : memref<128xi32, #tpu.memory_space<vmem>>, vector<16xi32>,
      %get3A_142 = arith.constant 32 : index
      %get3A_143 = tpu.vector_load %arg11[%get3A_142] {strides = array<i32>} : memref<128xi32, #tpu.memory_space<vmem>>, vector<16xi32>,
      %jit3A_144 = arith.constant 0 : i32
      %broadcast_in_dim3A_145 = vector.broadcast %jit3A_144 : i32 to vector<16xi32>
      %select_n3A_146 = arith.select %and3A_132, %get3A_143, %broadcast_in_dim3A_145 : vector<16xi1>, vector<16xi32>
      %swap3A_147 = arith.constant 32 : index
      %swap3A_148 = tpu.vector_load %arg11[%swap3A_147] {strides = array<i32>} : memref<128xi32, #tpu.memory_space<vmem>>, vector<16xi32>,
      tpu.vector_store %arg11[%swap3A_147], %select_n3A_146 {strides = array<i32>} : memref<128xi32, #tpu.memory_space<vmem>>, vector<16xi32>,
      %add3A_149 = arith.constant 48 : i32
      %add3A_150 = arith.addi %add3A_76, %add3A_149 : i32
      %add3A_151 = vector.broadcast %add3A_150 : i32 to vector<16xi32>
      %add3A_152 = arith.addi %add3A_151, %iota3A : vector<16xi32>
      %ge3A_153 = vector.broadcast %squeeze3A : i32 to vector<16xi32>
      %ge3A_154 = arith.cmpi sge, %add3A_152, %ge3A_153 : vector<16xi32>
      %lt3A_155 = vector.broadcast %squeeze3A_12 : i32 to vector<16xi32>
      %lt3A_156 = arith.cmpi slt, %add3A_152, %lt3A_155 : vector<16xi32>
      %and3A_157 = arith.andi %ge3A_154, %lt3A_156 : vector<16xi1>
      %get3A_158 = arith.constant 48 : index
      %get3A_159 = tpu.vector_load %arg12[%get3A_158] {strides = array<i32>} : memref<128xi32, #tpu.memory_space<vmem>>, vector<16xi32>,
      %sub3A_160 = vector.broadcast %mul3A_61 : i32 to vector<16xi32>
      %sub3A_161 = arith.subi %get3A_159, %sub3A_160 : vector<16xi32>
      %jit3A_162 = arith.constant 320 : i32
      %broadcast_in_dim3A_163 = vector.broadcast %jit3A_162 : i32 to vector<16xi32>
      %select_n3A_164 = arith.select %and3A_157, %sub3A_161, %broadcast_in_dim3A_163 : vector<16xi1>, vector<16xi32>
      %swap3A_165 = arith.constant 48 : index
      %swap3A_166 = tpu.vector_load %arg12[%swap3A_165] {strides = array<i32>} : memref<128xi32, #tpu.memory_space<vmem>>, vector<16xi32>,
      tpu.vector_store %arg12[%swap3A_165], %select_n3A_164 {strides = array<i32>} : memref<128xi32, #tpu.memory_space<vmem>>, vector<16xi32>,
      %get3A_167 = arith.constant 48 : index
      %get3A_168 = tpu.vector_load %arg11[%get3A_167] {strides = array<i32>} : memref<128xi32, #tpu.memory_space<vmem>>, vector<16xi32>,
      %jit3A_169 = arith.constant 0 : i32
      %broadcast_in_dim3A_170 = vector.broadcast %jit3A_169 : i32 to vector<16xi32>
      %select_n3A_171 = arith.select %and3A_157, %get3A_168, %broadcast_in_dim3A_170 : vector<16xi1>, vector<16xi32>
      %swap3A_172 = arith.constant 48 : index
      %swap3A_173 = tpu.vector_load %arg11[%swap3A_172] {strides = array<i32>} : memref<128xi32, #tpu.memory_space<vmem>>, vector<16xi32>,
      tpu.vector_store %arg11[%swap3A_172], %select_n3A_171 {strides = array<i32>} : memref<128xi32, #tpu.memory_space<vmem>>, vector<16xi32>,
      %add3A_174 = arith.constant 64 : i32
      %add3A_175 = arith.addi %add3A_76, %add3A_174 : i32
      %add3A_176 = vector.broadcast %add3A_175 : i32 to vector<16xi32>
      %add3A_177 = arith.addi %add3A_176, %iota3A : vector<16xi32>
      %ge3A_178 = vector.broadcast %squeeze3A : i32 to vector<16xi32>
      %ge3A_179 = arith.cmpi sge, %add3A_177, %ge3A_178 : vector<16xi32>
      %lt3A_180 = vector.broadcast %squeeze3A_12 : i32 to vector<16xi32>
      %lt3A_181 = arith.cmpi slt, %add3A_177, %lt3A_180 : vector<16xi32>
      %and3A_182 = arith.andi %ge3A_179, %lt3A_181 : vector<16xi1>
      %get3A_183 = arith.constant 64 : index
      %get3A_184 = tpu.vector_load %arg12[%get3A_183] {strides = array<i32>} : memref<128xi32, #tpu.memory_space<vmem>>, vector<16xi32>,
      %sub3A_185 = vector.broadcast %mul3A_61 : i32 to vector<16xi32>
      %sub3A_186 = arith.subi %get3A_184, %sub3A_185 : vector<16xi32>
      %jit3A_187 = arith.constant 320 : i32
      %broadcast_in_dim3A_188 = vector.broadcast %jit3A_187 : i32 to vector<16xi32>
      %select_n3A_189 = arith.select %and3A_182, %sub3A_186, %broadcast_in_dim3A_188 : vector<16xi1>, vector<16xi32>
      %swap3A_190 = arith.constant 64 : index
      %swap3A_191 = tpu.vector_load %arg12[%swap3A_190] {strides = array<i32>} : memref<128xi32, #tpu.memory_space<vmem>>, vector<16xi32>,
      tpu.vector_store %arg12[%swap3A_190], %select_n3A_189 {strides = array<i32>} : memref<128xi32, #tpu.memory_space<vmem>>, vector<16xi32>,
      %get3A_192 = arith.constant 64 : index
      %get3A_193 = tpu.vector_load %arg11[%get3A_192] {strides = array<i32>} : memref<128xi32, #tpu.memory_space<vmem>>, vector<16xi32>,
      %jit3A_194 = arith.constant 0 : i32
      %broadcast_in_dim3A_195 = vector.broadcast %jit3A_194 : i32 to vector<16xi32>
      %select_n3A_196 = arith.select %and3A_182, %get3A_193, %broadcast_in_dim3A_195 : vector<16xi1>, vector<16xi32>
      %swap3A_197 = arith.constant 64 : index
      %swap3A_198 = tpu.vector_load %arg11[%swap3A_197] {strides = array<i32>} : memref<128xi32, #tpu.memory_space<vmem>>, vector<16xi32>,
      tpu.vector_store %arg11[%swap3A_197], %select_n3A_196 {strides = array<i32>} : memref<128xi32, #tpu.memory_space<vmem>>, vector<16xi32>,
      %add3A_199 = arith.constant 80 : i32
      %add3A_200 = arith.addi %add3A_76, %add3A_199 : i32
      %add3A_201 = vector.broadcast %add3A_200 : i32 to vector<16xi32>
      %add3A_202 = arith.addi %add3A_201, %iota3A : vector<16xi32>
      %ge3A_203 = vector.broadcast %squeeze3A : i32 to vector<16xi32>
      %ge3A_204 = arith.cmpi sge, %add3A_202, %ge3A_203 : vector<16xi32>
      %lt3A_205 = vector.broadcast %squeeze3A_12 : i32 to vector<16xi32>
      %lt3A_206 = arith.cmpi slt, %add3A_202, %lt3A_205 : vector<16xi32>
      %and3A_207 = arith.andi %ge3A_204, %lt3A_206 : vector<16xi1>
      %get3A_208 = arith.constant 80 : index
      %get3A_209 = tpu.vector_load %arg12[%get3A_208] {strides = array<i32>} : memref<128xi32, #tpu.memory_space<vmem>>, vector<16xi32>,
      %sub3A_210 = vector.broadcast %mul3A_61 : i32 to vector<16xi32>
      %sub3A_211 = arith.subi %get3A_209, %sub3A_210 : vector<16xi32>
      %jit3A_212 = arith.constant 320 : i32
      %broadcast_in_dim3A_213 = vector.broadcast %jit3A_212 : i32 to vector<16xi32>
      %select_n3A_214 = arith.select %and3A_207, %sub3A_211, %broadcast_in_dim3A_213 : vector<16xi1>, vector<16xi32>
      %swap3A_215 = arith.constant 80 : index
      %swap3A_216 = tpu.vector_load %arg12[%swap3A_215] {strides = array<i32>} : memref<128xi32, #tpu.memory_space<vmem>>, vector<16xi32>,
      tpu.vector_store %arg12[%swap3A_215], %select_n3A_214 {strides = array<i32>} : memref<128xi32, #tpu.memory_space<vmem>>, vector<16xi32>,
      %get3A_217 = arith.constant 80 : index
      %get3A_218 = tpu.vector_load %arg11[%get3A_217] {strides = array<i32>} : memref<128xi32, #tpu.memory_space<vmem>>, vector<16xi32>,
      %jit3A_219 = arith.constant 0 : i32
      %broadcast_in_dim3A_220 = vector.broadcast %jit3A_219 : i32 to vector<16xi32>
      %select_n3A_221 = arith.select %and3A_207, %get3A_218, %broadcast_in_dim3A_220 : vector<16xi1>, vector<16xi32>
      %swap3A_222 = arith.constant 80 : index
      %swap3A_223 = tpu.vector_load %arg11[%swap3A_222] {strides = array<i32>} : memref<128xi32, #tpu.memory_space<vmem>>, vector<16xi32>,
      tpu.vector_store %arg11[%swap3A_222], %select_n3A_221 {strides = array<i32>} : memref<128xi32, #tpu.memory_space<vmem>>, vector<16xi32>,
      %add3A_224 = arith.constant 96 : i32
      %add3A_225 = arith.addi %add3A_76, %add3A_224 : i32
      %add3A_226 = vector.broadcast %add3A_225 : i32 to vector<16xi32>
      %add3A_227 = arith.addi %add3A_226, %iota3A : vector<16xi32>
      %ge3A_228 = vector.broadcast %squeeze3A : i32 to vector<16xi32>
      %ge3A_229 = arith.cmpi sge, %add3A_227, %ge3A_228 : vector<16xi32>
      %lt3A_230 = vector.broadcast %squeeze3A_12 : i32 to vector<16xi32>
      %lt3A_231 = arith.cmpi slt, %add3A_227, %lt3A_230 : vector<16xi32>
      %and3A_232 = arith.andi %ge3A_229, %lt3A_231 : vector<16xi1>
      %get3A_233 = arith.constant 96 : index
      %get3A_234 = tpu.vector_load %arg12[%get3A_233] {strides = array<i32>} : memref<128xi32, #tpu.memory_space<vmem>>, vector<16xi32>,
      %sub3A_235 = vector.broadcast %mul3A_61 : i32 to vector<16xi32>
      %sub3A_236 = arith.subi %get3A_234, %sub3A_235 : vector<16xi32>
      %jit3A_237 = arith.constant 320 : i32
      %broadcast_in_dim3A_238 = vector.broadcast %jit3A_237 : i32 to vector<16xi32>
      %select_n3A_239 = arith.select %and3A_232, %sub3A_236, %broadcast_in_dim3A_238 : vector<16xi1>, vector<16xi32>
      %swap3A_240 = arith.constant 96 : index
      %swap3A_241 = tpu.vector_load %arg12[%swap3A_240] {strides = array<i32>} : memref<128xi32, #tpu.memory_space<vmem>>, vector<16xi32>,
      tpu.vector_store %arg12[%swap3A_240], %select_n3A_239 {strides = array<i32>} : memref<128xi32, #tpu.memory_space<vmem>>, vector<16xi32>,
      %get3A_242 = arith.constant 96 : index
      %get3A_243 = tpu.vector_load %arg11[%get3A_242] {strides = array<i32>} : memref<128xi32, #tpu.memory_space<vmem>>, vector<16xi32>,
      %jit3A_244 = arith.constant 0 : i32
      %broadcast_in_dim3A_245 = vector.broadcast %jit3A_244 : i32 to vector<16xi32>
      %select_n3A_246 = arith.select %and3A_232, %get3A_243, %broadcast_in_dim3A_245 : vector<16xi1>, vector<16xi32>
      %swap3A_247 = arith.constant 96 : index
      %swap3A_248 = tpu.vector_load %arg11[%swap3A_247] {strides = array<i32>} : memref<128xi32, #tpu.memory_space<vmem>>, vector<16xi32>,
      tpu.vector_store %arg11[%swap3A_247], %select_n3A_246 {strides = array<i32>} : memref<128xi32, #tpu.memory_space<vmem>>, vector<16xi32>,
      %add3A_249 = arith.constant 112 : i32
      %add3A_250 = arith.addi %add3A_76, %add3A_249 : i32
      %add3A_251 = vector.broadcast %add3A_250 : i32 to vector<16xi32>
      %add3A_252 = arith.addi %add3A_251, %iota3A : vector<16xi32>
      %ge3A_253 = vector.broadcast %squeeze3A : i32 to vector<16xi32>
      %ge3A_254 = arith.cmpi sge, %add3A_252, %ge3A_253 : vector<16xi32>
      %lt3A_255 = vector.broadcast %squeeze3A_12 : i32 to vector<16xi32>
      %lt3A_256 = arith.cmpi slt, %add3A_252, %lt3A_255 : vector<16xi32>
      %and3A_257 = arith.andi %ge3A_254, %lt3A_256 : vector<16xi1>
      %get3A_258 = arith.constant 112 : index
      %get3A_259 = tpu.vector_load %arg12[%get3A_258] {strides = array<i32>} : memref<128xi32, #tpu.memory_space<vmem>>, vector<16xi32>,
      %sub3A_260 = vector.broadcast %mul3A_61 : i32 to vector<16xi32>
      %sub3A_261 = arith.subi %get3A_259, %sub3A_260 : vector<16xi32>
      %jit3A_262 = arith.constant 320 : i32
      %broadcast_in_dim3A_263 = vector.broadcast %jit3A_262 : i32 to vector<16xi32>
      %select_n3A_264 = arith.select %and3A_257, %sub3A_261, %broadcast_in_dim3A_263 : vector<16xi1>, vector<16xi32>
      %swap3A_265 = arith.constant 112 : index
      %swap3A_266 = tpu.vector_load %arg12[%swap3A_265] {strides = array<i32>} : memref<128xi32, #tpu.memory_space<vmem>>, vector<16xi32>,
      tpu.vector_store %arg12[%swap3A_265], %select_n3A_264 {strides = array<i32>} : memref<128xi32, #tpu.memory_space<vmem>>, vector<16xi32>,
      %get3A_267 = arith.constant 112 : index
      %get3A_268 = tpu.vector_load %arg11[%get3A_267] {strides = array<i32>} : memref<128xi32, #tpu.memory_space<vmem>>, vector<16xi32>,
      %jit3A_269 = arith.constant 0 : i32
      %broadcast_in_dim3A_270 = vector.broadcast %jit3A_269 : i32 to vector<16xi32>
      %select_n3A_271 = arith.select %and3A_257, %get3A_268, %broadcast_in_dim3A_270 : vector<16xi1>, vector<16xi32>
      %swap3A_272 = arith.constant 112 : index
      %swap3A_273 = tpu.vector_load %arg11[%swap3A_272] {strides = array<i32>} : memref<128xi32, #tpu.memory_space<vmem>>, vector<16xi32>,
      tpu.vector_store %arg11[%swap3A_272], %select_n3A_271 {strides = array<i32>} : memref<128xi32, #tpu.memory_space<vmem>>, vector<16xi32>,
      %dma_start3A = arith.constant 0 : i32
      %dma_start3A_274 = arith.constant 0 : i32
      %dma_start3A_275 = tpu.memref_slice %arg5[%dma_start3A, %dma_start3A_274] : memref<10240x256xf32, #tpu.memory_space<hbm>> -> memref<10240x256xf32, #tpu.memory_space<hbm>>
      tpu.enqueue_indirect_dma source(%dma_start3A_275 : memref<10240x256xf32, #tpu.memory_space<hbm>>) target(%arg13 : memref<128x256xf32, #tpu.memory_space<vmem>>) offsets(%arg11 : memref<128xi32, #tpu.memory_space<vmem>>) semaphore(%arg16 : memref<!tpu.dma_semaphore, #tpu.memory_space<semaphore_mem>>)
      %dma_wait3A = arith.constant 0 : i32
      %dma_wait3A_276 = arith.constant 0 : i32
      %dma_wait3A_277 = tpu.memref_slice %arg5[%dma_wait3A, %dma_wait3A_276] : memref<10240x256xf32, #tpu.memory_space<hbm>> -> memref<10240x256xf32, #tpu.memory_space<hbm>>
      tpu.wait_indirect_dma semaphore(%arg16 : memref<!tpu.dma_semaphore, #tpu.memory_space<semaphore_mem>>) src(%dma_wait3A_277 : memref<10240x256xf32, #tpu.memory_space<hbm>>) dst(%arg13 : memref<128x256xf32, #tpu.memory_space<vmem>>)
      %scan3A = arith.constant 0 : i32
      %scan3A_278 = arith.constant 0 : i32
      %scan3A_279 = arith.constant 128 : i32
      %scan3A_280 = arith.addi %scan3A_278, %scan3A_279 : i32
      %scan3A_281 = arith.constant 1 : i32
      scf.for %scan3A_283 = %scan3A_278 to %scan3A_280 step %scan3A_281  : i32 {
        %broadcast_in_dim3A_284 = vector.broadcast %scan3A_283 : i32 to vector<16xi32>
        %gather3A = tpu.vector_load_idx %arg12[%broadcast_in_dim3A_284] : memref<128xi32, #tpu.memory_space<vmem>>[vector<16xi32>], vector<16xi32>,
        %mul3A_285 = arith.constant 16 : i32
        %mul3A_286 = vector.broadcast %mul3A_285 : i32 to vector<16xi32>
        %mul3A_287 = arith.muli %gather3A, %mul3A_286 : vector<16xi32>
        %add3A_288 = arith.addi %mul3A_287, %iota3A : vector<16xi32>
        tpu.vector_store_idx %arg15[%add3A_288], %broadcast_in_dim3A_1 {add = true} : memref<5248xf32, #tpu.memory_space<vmem>>[vector<16xi32>], vector<16xf32>,
        %get3A_289 = arith.index_cast %scan3A_283 : i32 to index
        %get3A_290 = arith.constant 0 : index
        %get3A_291 = tpu.vector_load %arg13[%get3A_289, %get3A_290] {strides = array<i32>} : memref<128x256xf32, #tpu.memory_space<vmem>>, vector<16xf32>,
        %add3A_292 = arith.constant 0 : i32
        %add3A_293 = vector.broadcast %add3A_292 : i32 to vector<16xi32>
        %add3A_294 = arith.addi %add3A_293, %iota3A : vector<16xi32>
        tpu.vector_store_idx %arg14[%gather3A, %add3A_294], %get3A_291 {add = true} : memref<328x256xf32, #tpu.memory_space<vmem>>[vector<16xi32>, vector<16xi32>], vector<16xf32>,
        %get3A_295 = arith.index_cast %scan3A_283 : i32 to index
        %get3A_296 = arith.constant 16 : index
        %get3A_297 = tpu.vector_load %arg13[%get3A_295, %get3A_296] {strides = array<i32>} : memref<128x256xf32, #tpu.memory_space<vmem>>, vector<16xf32>,
        %add3A_298 = arith.constant 16 : i32
        %add3A_299 = vector.broadcast %add3A_298 : i32 to vector<16xi32>
        %add3A_300 = arith.addi %add3A_299, %iota3A : vector<16xi32>
        tpu.vector_store_idx %arg14[%gather3A, %add3A_300], %get3A_297 {add = true} : memref<328x256xf32, #tpu.memory_space<vmem>>[vector<16xi32>, vector<16xi32>], vector<16xf32>,
        %get3A_301 = arith.index_cast %scan3A_283 : i32 to index
        %get3A_302 = arith.constant 32 : index
        %get3A_303 = tpu.vector_load %arg13[%get3A_301, %get3A_302] {strides = array<i32>} : memref<128x256xf32, #tpu.memory_space<vmem>>, vector<16xf32>,
        %add3A_304 = arith.constant 32 : i32
        %add3A_305 = vector.broadcast %add3A_304 : i32 to vector<16xi32>
        %add3A_306 = arith.addi %add3A_305, %iota3A : vector<16xi32>
        tpu.vector_store_idx %arg14[%gather3A, %add3A_306], %get3A_303 {add = true} : memref<328x256xf32, #tpu.memory_space<vmem>>[vector<16xi32>, vector<16xi32>], vector<16xf32>,
        %get3A_307 = arith.index_cast %scan3A_283 : i32 to index
        %get3A_308 = arith.constant 48 : index
        %get3A_309 = tpu.vector_load %arg13[%get3A_307, %get3A_308] {strides = array<i32>} : memref<128x256xf32, #tpu.memory_space<vmem>>, vector<16xf32>,
        %add3A_310 = arith.constant 48 : i32
        %add3A_311 = vector.broadcast %add3A_310 : i32 to vector<16xi32>
        %add3A_312 = arith.addi %add3A_311, %iota3A : vector<16xi32>
        tpu.vector_store_idx %arg14[%gather3A, %add3A_312], %get3A_309 {add = true} : memref<328x256xf32, #tpu.memory_space<vmem>>[vector<16xi32>, vector<16xi32>], vector<16xf32>,
        %get3A_313 = arith.index_cast %scan3A_283 : i32 to index
        %get3A_314 = arith.constant 64 : index
        %get3A_315 = tpu.vector_load %arg13[%get3A_313, %get3A_314] {strides = array<i32>} : memref<128x256xf32, #tpu.memory_space<vmem>>, vector<16xf32>,
        %add3A_316 = arith.constant 64 : i32
        %add3A_317 = vector.broadcast %add3A_316 : i32 to vector<16xi32>
        %add3A_318 = arith.addi %add3A_317, %iota3A : vector<16xi32>
        tpu.vector_store_idx %arg14[%gather3A, %add3A_318], %get3A_315 {add = true} : memref<328x256xf32, #tpu.memory_space<vmem>>[vector<16xi32>, vector<16xi32>], vector<16xf32>,
        %get3A_319 = arith.index_cast %scan3A_283 : i32 to index
        %get3A_320 = arith.constant 80 : index
        %get3A_321 = tpu.vector_load %arg13[%get3A_319, %get3A_320] {strides = array<i32>} : memref<128x256xf32, #tpu.memory_space<vmem>>, vector<16xf32>,
        %add3A_322 = arith.constant 80 : i32
        %add3A_323 = vector.broadcast %add3A_322 : i32 to vector<16xi32>
        %add3A_324 = arith.addi %add3A_323, %iota3A : vector<16xi32>
        tpu.vector_store_idx %arg14[%gather3A, %add3A_324], %get3A_321 {add = true} : memref<328x256xf32, #tpu.memory_space<vmem>>[vector<16xi32>, vector<16xi32>], vector<16xf32>,
        %get3A_325 = arith.index_cast %scan3A_283 : i32 to index
        %get3A_326 = arith.constant 96 : index
        %get3A_327 = tpu.vector_load %arg13[%get3A_325, %get3A_326] {strides = array<i32>} : memref<128x256xf32, #tpu.memory_space<vmem>>, vector<16xf32>,
        %add3A_328 = arith.constant 96 : i32
        %add3A_329 = vector.broadcast %add3A_328 : i32 to vector<16xi32>
        %add3A_330 = arith.addi %add3A_329, %iota3A : vector<16xi32>
        tpu.vector_store_idx %arg14[%gather3A, %add3A_330], %get3A_327 {add = true} : memref<328x256xf32, #tpu.memory_space<vmem>>[vector<16xi32>, vector<16xi32>], vector<16xf32>,
        %get3A_331 = arith.index_cast %scan3A_283 : i32 to index
        %get3A_332 = arith.constant 112 : index
        %get3A_333 = tpu.vector_load %arg13[%get3A_331, %get3A_332] {strides = array<i32>} : memref<128x256xf32, #tpu.memory_space<vmem>>, vector<16xf32>,
        %add3A_334 = arith.constant 112 : i32
        %add3A_335 = vector.broadcast %add3A_334 : i32 to vector<16xi32>
        %add3A_336 = arith.addi %add3A_335, %iota3A : vector<16xi32>
        tpu.vector_store_idx %arg14[%gather3A, %add3A_336], %get3A_333 {add = true} : memref<328x256xf32, #tpu.memory_space<vmem>>[vector<16xi32>, vector<16xi32>], vector<16xf32>,
        %get3A_337 = arith.index_cast %scan3A_283 : i32 to index
        %get3A_338 = arith.constant 128 : index
        %get3A_339 = tpu.vector_load %arg13[%get3A_337, %get3A_338] {strides = array<i32>} : memref<128x256xf32, #tpu.memory_space<vmem>>, vector<16xf32>,
        %add3A_340 = arith.constant 128 : i32
        %add3A_341 = vector.broadcast %add3A_340 : i32 to vector<16xi32>
        %add3A_342 = arith.addi %add3A_341, %iota3A : vector<16xi32>
        tpu.vector_store_idx %arg14[%gather3A, %add3A_342], %get3A_339 {add = true} : memref<328x256xf32, #tpu.memory_space<vmem>>[vector<16xi32>, vector<16xi32>], vector<16xf32>,
        %get3A_343 = arith.index_cast %scan3A_283 : i32 to index
        %get3A_344 = arith.constant 144 : index
        %get3A_345 = tpu.vector_load %arg13[%get3A_343, %get3A_344] {strides = array<i32>} : memref<128x256xf32, #tpu.memory_space<vmem>>, vector<16xf32>,
        %add3A_346 = arith.constant 144 : i32
        %add3A_347 = vector.broadcast %add3A_346 : i32 to vector<16xi32>
        %add3A_348 = arith.addi %add3A_347, %iota3A : vector<16xi32>
        tpu.vector_store_idx %arg14[%gather3A, %add3A_348], %get3A_345 {add = true} : memref<328x256xf32, #tpu.memory_space<vmem>>[vector<16xi32>, vector<16xi32>], vector<16xf32>,
        %get3A_349 = arith.index_cast %scan3A_283 : i32 to index
        %get3A_350 = arith.constant 160 : index
        %get3A_351 = tpu.vector_load %arg13[%get3A_349, %get3A_350] {strides = array<i32>} : memref<128x256xf32, #tpu.memory_space<vmem>>, vector<16xf32>,
        %add3A_352 = arith.constant 160 : i32
        %add3A_353 = vector.broadcast %add3A_352 : i32 to vector<16xi32>
        %add3A_354 = arith.addi %add3A_353, %iota3A : vector<16xi32>
        tpu.vector_store_idx %arg14[%gather3A, %add3A_354], %get3A_351 {add = true} : memref<328x256xf32, #tpu.memory_space<vmem>>[vector<16xi32>, vector<16xi32>], vector<16xf32>,
        %get3A_355 = arith.index_cast %scan3A_283 : i32 to index
        %get3A_356 = arith.constant 176 : index
        %get3A_357 = tpu.vector_load %arg13[%get3A_355, %get3A_356] {strides = array<i32>} : memref<128x256xf32, #tpu.memory_space<vmem>>, vector<16xf32>,
        %add3A_358 = arith.constant 176 : i32
        %add3A_359 = vector.broadcast %add3A_358 : i32 to vector<16xi32>
        %add3A_360 = arith.addi %add3A_359, %iota3A : vector<16xi32>
        tpu.vector_store_idx %arg14[%gather3A, %add3A_360], %get3A_357 {add = true} : memref<328x256xf32, #tpu.memory_space<vmem>>[vector<16xi32>, vector<16xi32>], vector<16xf32>,
        %get3A_361 = arith.index_cast %scan3A_283 : i32 to index
        %get3A_362 = arith.constant 192 : index
        %get3A_363 = tpu.vector_load %arg13[%get3A_361, %get3A_362] {strides = array<i32>} : memref<128x256xf32, #tpu.memory_space<vmem>>, vector<16xf32>,
        %add3A_364 = arith.constant 192 : i32
        %add3A_365 = vector.broadcast %add3A_364 : i32 to vector<16xi32>
        %add3A_366 = arith.addi %add3A_365, %iota3A : vector<16xi32>
        tpu.vector_store_idx %arg14[%gather3A, %add3A_366], %get3A_363 {add = true} : memref<328x256xf32, #tpu.memory_space<vmem>>[vector<16xi32>, vector<16xi32>], vector<16xf32>,
        %get3A_367 = arith.index_cast %scan3A_283 : i32 to index
        %get3A_368 = arith.constant 208 : index
        %get3A_369 = tpu.vector_load %arg13[%get3A_367, %get3A_368] {strides = array<i32>} : memref<128x256xf32, #tpu.memory_space<vmem>>, vector<16xf32>,
        %add3A_370 = arith.constant 208 : i32
        %add3A_371 = vector.broadcast %add3A_370 : i32 to vector<16xi32>
        %add3A_372 = arith.addi %add3A_371, %iota3A : vector<16xi32>
        tpu.vector_store_idx %arg14[%gather3A, %add3A_372], %get3A_369 {add = true} : memref<328x256xf32, #tpu.memory_space<vmem>>[vector<16xi32>, vector<16xi32>], vector<16xf32>,
        %get3A_373 = arith.index_cast %scan3A_283 : i32 to index
        %get3A_374 = arith.constant 224 : index
        %get3A_375 = tpu.vector_load %arg13[%get3A_373, %get3A_374] {strides = array<i32>} : memref<128x256xf32, #tpu.memory_space<vmem>>, vector<16xf32>,
        %add3A_376 = arith.constant 224 : i32
        %add3A_377 = vector.broadcast %add3A_376 : i32 to vector<16xi32>
        %add3A_378 = arith.addi %add3A_377, %iota3A : vector<16xi32>
        tpu.vector_store_idx %arg14[%gather3A, %add3A_378], %get3A_375 {add = true} : memref<328x256xf32, #tpu.memory_space<vmem>>[vector<16xi32>, vector<16xi32>], vector<16xf32>,
        %get3A_379 = arith.index_cast %scan3A_283 : i32 to index
        %get3A_380 = arith.constant 240 : index
        %get3A_381 = tpu.vector_load %arg13[%get3A_379, %get3A_380] {strides = array<i32>} : memref<128x256xf32, #tpu.memory_space<vmem>>, vector<16xf32>,
        %add3A_382 = arith.constant 240 : i32
        %add3A_383 = vector.broadcast %add3A_382 : i32 to vector<16xi32>
        %add3A_384 = arith.addi %add3A_383, %iota3A : vector<16xi32>
        tpu.vector_store_idx %arg14[%gather3A, %add3A_384], %get3A_381 {add = true} : memref<328x256xf32, #tpu.memory_space<vmem>>[vector<16xi32>, vector<16xi32>], vector<16xf32>,
      }
      %scan3A_282 = arith.constant 128 : i32
    }
    "tpu.region"() ({
      %run_scoped3A = tpu.sem_alloc : memref<!tpu.dma_semaphore, #tpu.memory_space<semaphore_mem>>
      %dma_start3A = arith.constant 0 : i32
      %dma_start3A_73 = arith.constant 0 : i32
      %dma_start3A_74 = tpu.memref_slice %arg14[%dma_start3A, %dma_start3A_73] : memref<328x256xf32, #tpu.memory_space<vmem>> -> memref<320x256xf32, #tpu.memory_space<vmem>>
      %dma_start3A_75 = arith.constant 0 : i32
      %dma_start3A_76 = tpu.memref_slice %arg8[%mul3A_61, %dma_start3A_75] : memref<10240x256xf32, #tpu.memory_space<hbm>> -> memref<320x256xf32, #tpu.memory_space<hbm>>
      %dma_start3A_77 = arith.constant 0 : i32
      %dma_start3A_78 = tpu.memref_slice %arg8[%mul3A_61, %dma_start3A_77] : memref<10240x256xf32, #tpu.memory_space<hbm>> -> memref<320x256xf32, #tpu.memory_space<hbm>>
      %dma_start3A_79 = arith.constant 0 : i32
      %dma_start3A_80 = arith.constant 0 : i32
      %dma_start3A_81 = tpu.memref_slice %arg14[%dma_start3A_79, %dma_start3A_80] : memref<328x256xf32, #tpu.memory_space<vmem>> -> memref<320x256xf32, #tpu.memory_space<vmem>>
      tpu.enqueue_dma source(%dma_start3A_81 : memref<320x256xf32, #tpu.memory_space<vmem>>) target(%dma_start3A_78 : memref<320x256xf32, #tpu.memory_space<hbm>>) target_semaphore(%run_scoped3A : memref<!tpu.dma_semaphore, #tpu.memory_space<semaphore_mem>>)
      %dma_wait3A = arith.constant 0 : i32
      %dma_wait3A_82 = arith.constant 0 : i32
      %dma_wait3A_83 = tpu.memref_slice %arg14[%dma_wait3A, %dma_wait3A_82] : memref<328x256xf32, #tpu.memory_space<vmem>> -> memref<320x256xf32, #tpu.memory_space<vmem>>
      %dma_wait3A_84 = arith.constant 0 : i32
      %dma_wait3A_85 = tpu.memref_slice %arg8[%mul3A_61, %dma_wait3A_84] : memref<10240x256xf32, #tpu.memory_space<hbm>> -> memref<320x256xf32, #tpu.memory_space<hbm>>
      %dma_wait3A_86 = arith.constant 0 : i32
      %dma_wait3A_87 = tpu.memref_slice %arg8[%mul3A_61, %dma_wait3A_86] : memref<10240x256xf32, #tpu.memory_space<hbm>> -> memref<320x256xf32, #tpu.memory_space<hbm>>
      %dma_wait3A_88 = arith.constant 0 : i32
      %dma_wait3A_89 = arith.constant 0 : i32
      %dma_wait3A_90 = tpu.memref_slice %arg14[%dma_wait3A_88, %dma_wait3A_89] : memref<328x256xf32, #tpu.memory_space<vmem>> -> memref<320x256xf32, #tpu.memory_space<vmem>>
      tpu.wait_dma2 semaphore(%run_scoped3A : memref<!tpu.dma_semaphore, #tpu.memory_space<semaphore_mem>>) src(%dma_wait3A_90 : memref<320x256xf32, #tpu.memory_space<vmem>>) dst(%dma_wait3A_87 : memref<320x256xf32, #tpu.memory_space<hbm>>)
      tpu.yield
    }) : () -> ()
    %mul3A_71 = arith.constant 16 : i32
    %mul3A_72 = arith.muli %mul3A_61, %mul3A_71 : i32
    "tpu.region"() ({
      %run_scoped3A = tpu.sem_alloc : memref<!tpu.dma_semaphore, #tpu.memory_space<semaphore_mem>>
      %dma_start3A = arith.constant 0 : i32
      %dma_start3A_73 = tpu.memref_slice %arg15[%dma_start3A] : memref<5248xf32, #tpu.memory_space<vmem>> -> memref<5120xf32, #tpu.memory_space<vmem>>
      %dma_start3A_74 = tpu.memref_slice %arg9[%mul3A_72] : memref<163840xf32, #tpu.memory_space<hbm>> -> memref<5120xf32, #tpu.memory_space<hbm>>
      %dma_start3A_75 = tpu.memref_slice %arg9[%mul3A_72] : memref<163840xf32, #tpu.memory_space<hbm>> -> memref<5120xf32, #tpu.memory_space<hbm>>
      %dma_start3A_76 = arith.constant 0 : i32
      %dma_start3A_77 = tpu.memref_slice %arg15[%dma_start3A_76] : memref<5248xf32, #tpu.memory_space<vmem>> -> memref<5120xf32, #tpu.memory_space<vmem>>
      tpu.enqueue_dma source(%dma_start3A_77 : memref<5120xf32, #tpu.memory_space<vmem>>) target(%dma_start3A_75 : memref<5120xf32, #tpu.memory_space<hbm>>) target_semaphore(%run_scoped3A : memref<!tpu.dma_semaphore, #tpu.memory_space<semaphore_mem>>)
      %dma_wait3A = arith.constant 0 : i32
      %dma_wait3A_78 = tpu.memref_slice %arg15[%dma_wait3A] : memref<5248xf32, #tpu.memory_space<vmem>> -> memref<5120xf32, #tpu.memory_space<vmem>>
      %dma_wait3A_79 = tpu.memref_slice %arg9[%mul3A_72] : memref<163840xf32, #tpu.memory_space<hbm>> -> memref<5120xf32, #tpu.memory_space<hbm>>
      %dma_wait3A_80 = tpu.memref_slice %arg9[%mul3A_72] : memref<163840xf32, #tpu.memory_space<hbm>> -> memref<5120xf32, #tpu.memory_space<hbm>>
      %dma_wait3A_81 = arith.constant 0 : i32
      %dma_wait3A_82 = tpu.memref_slice %arg15[%dma_wait3A_81] : memref<5248xf32, #tpu.memory_space<vmem>> -> memref<5120xf32, #tpu.memory_space<vmem>>
      tpu.wait_dma2 semaphore(%run_scoped3A : memref<!tpu.dma_semaphore, #tpu.memory_space<semaphore_mem>>) src(%dma_wait3A_82 : memref<5120xf32, #tpu.memory_space<vmem>>) dst(%dma_wait3A_80 : memref<5120xf32, #tpu.memory_space<hbm>>)
      tpu.yield
    }) : () -> ()
    return
  }
}

#map = affine_map<(d0, d1) -> (0)>
#map1 = affine_map<(d0, d1) -> (0, 0)>
module attributes {stable_mosaic.version = 14 : i64} {
  func.func @_edge_body_nodeg(%arg0: i32, %arg1: i32, %arg2: memref<320128xi32, #tpu.memory_space<hbm>>, %arg3: memref<320128xi32, #tpu.memory_space<hbm>>, %arg4: memref<768xi32, #tpu.memory_space<hbm>>, %arg5: memref<10240x256xf32, #tpu.memory_space<hbm>>, %arg6: memref<328x256xf32, #tpu.memory_space<hbm>>, %arg7: memref<10240x256xf32, #tpu.memory_space<hbm>>, %arg8: memref<768xi32, #tpu.memory_space<vmem>>, %arg9: memref<128xi32, #tpu.memory_space<vmem>>, %arg10: memref<128xi32, #tpu.memory_space<vmem>>, %arg11: memref<128x256xf32, #tpu.memory_space<vmem>>, %arg12: memref<328x256xf32, #tpu.memory_space<vmem>>, %arg13: memref<!tpu.dma_semaphore, #tpu.memory_space<semaphore_mem>>) attributes {dimension_semantics = [#tpu.dimension_semantics<core_parallel>, #tpu.dimension_semantics<subcore_parallel>], iteration_bounds = array<i64: 2, 16>, scalar_prefetch = 0 : i64, scratch_operands = 6 : i64, tpu.core_type = #tpu.core_type<sc_vector_subcore>, window_params = [{transform_indices = #map}, {transform_indices = #map}, {transform_indices = #map}, {transform_indices = #map1}, {transform_indices = #map1}, {transform_indices = #map1}]} {
    %mul3A = arith.constant 16 : i32
    %mul3A_0 = arith.muli %arg0, %mul3A : i32
    %add3A = arith.addi %mul3A_0, %arg1 : i32
    %iota3A = tpu.iota {dimensions = array<i32: 0>} : vector<16xi32>
    %broadcast_in_dim3A = arith.constant 1.000000e+00 : f32
    %broadcast_in_dim3A_1 = vector.broadcast %broadcast_in_dim3A : f32 to vector<16xf32>
    "tpu.region"() ({
      %run_scoped3A = tpu.sem_alloc : memref<!tpu.dma_semaphore, #tpu.memory_space<semaphore_mem>>
      tpu.enqueue_dma source(%arg4 : memref<768xi32, #tpu.memory_space<hbm>>) target(%arg8 : memref<768xi32, #tpu.memory_space<vmem>>) target_semaphore(%run_scoped3A : memref<!tpu.dma_semaphore, #tpu.memory_space<semaphore_mem>>)
      tpu.wait_dma2 semaphore(%run_scoped3A : memref<!tpu.dma_semaphore, #tpu.memory_space<semaphore_mem>>) src(%arg4 : memref<768xi32, #tpu.memory_space<hbm>>) dst(%arg8 : memref<768xi32, #tpu.memory_space<vmem>>)
      tpu.yield
    }) : () -> ()
    "tpu.region"() ({
      %run_scoped3A = tpu.sem_alloc : memref<!tpu.dma_semaphore, #tpu.memory_space<semaphore_mem>>
      tpu.enqueue_dma source(%arg6 : memref<328x256xf32, #tpu.memory_space<hbm>>) target(%arg12 : memref<328x256xf32, #tpu.memory_space<vmem>>) target_semaphore(%run_scoped3A : memref<!tpu.dma_semaphore, #tpu.memory_space<semaphore_mem>>)
      tpu.wait_dma2 semaphore(%run_scoped3A : memref<!tpu.dma_semaphore, #tpu.memory_space<semaphore_mem>>) src(%arg6 : memref<328x256xf32, #tpu.memory_space<hbm>>) dst(%arg12 : memref<328x256xf32, #tpu.memory_space<vmem>>)
      tpu.yield
    }) : () -> ()
    %mul3A_2 = arith.constant 16 : i32
    %mul3A_3 = arith.muli %add3A, %mul3A_2 : i32
    %get3A = arith.index_cast %mul3A_3 : i32 to index
    %get3A_4 = tpu.vector_load %arg8[%get3A] {strides = array<i32>} : memref<768xi32, #tpu.memory_space<vmem>>, vector<16xi32>,
    %slice3A = vector.extract_strided_slice %get3A_4 {offsets = [0], sizes = [1], strides = [1]} : vector<16xi32> to vector<1xi32>
    %squeeze3A = vector.extract %slice3A[0] : i32 from vector<1xi32>
    %add3A_5 = arith.constant 1 : i32
    %add3A_6 = arith.addi %add3A, %add3A_5 : i32
    %mul3A_7 = arith.constant 16 : i32
    %mul3A_8 = arith.muli %add3A_6, %mul3A_7 : i32
    %get3A_9 = arith.index_cast %mul3A_8 : i32 to index
    %get3A_10 = tpu.vector_load %arg8[%get3A_9] {strides = array<i32>} : memref<768xi32, #tpu.memory_space<vmem>>, vector<16xi32>,
    %slice3A_11 = vector.extract_strided_slice %get3A_10 {offsets = [0], sizes = [1], strides = [1]} : vector<16xi32> to vector<1xi32>
    %squeeze3A_12 = vector.extract %slice3A_11[0] : i32 from vector<1xi32>
    %jit3A = arith.constant 128 : i32
    %div3A = arith.divsi %squeeze3A, %jit3A : i32
    %sign3A = arith.constant 0 : i32
    %sign3A_13 = arith.cmpi sgt, %squeeze3A, %sign3A : i32
    %sign3A_14 = arith.extui %sign3A_13 : i1 to i32
    %sign3A_15 = arith.constant 0 : i32
    %sign3A_16 = arith.cmpi slt, %squeeze3A, %sign3A_15 : i32
    %sign3A_17 = arith.extui %sign3A_16 : i1 to i32
    %sign3A_18 = arith.subi %sign3A_14, %sign3A_17 : i32
    %sign3A_19 = arith.constant 0 : i32
    %sign3A_20 = arith.cmpi sgt, %jit3A, %sign3A_19 : i32
    %sign3A_21 = arith.extui %sign3A_20 : i1 to i32
    %sign3A_22 = arith.constant 0 : i32
    %sign3A_23 = arith.cmpi slt, %jit3A, %sign3A_22 : i32
    %sign3A_24 = arith.extui %sign3A_23 : i1 to i32
    %sign3A_25 = arith.subi %sign3A_21, %sign3A_24 : i32
    %ne3A = arith.cmpi ne, %sign3A_18, %sign3A_25 : i32
    %rem3A = arith.remsi %squeeze3A, %jit3A : i32
    %ne3A_26 = arith.constant 0 : i32
    %ne3A_27 = arith.cmpi ne, %rem3A, %ne3A_26 : i32
    %and3A = arith.andi %ne3A, %ne3A_27 : i1
    %sub3A = arith.constant 1 : i32
    %sub3A_28 = arith.subi %div3A, %sub3A : i32
    %select_n3A = arith.select %and3A, %sub3A_28, %div3A : i32
    %mul3A_29 = arith.constant 128 : i32
    %mul3A_30 = arith.muli %select_n3A, %mul3A_29 : i32
    %sub3A_31 = arith.subi %squeeze3A_12, %mul3A_30 : i32
    %add3A_32 = arith.constant 128 : i32
    %add3A_33 = arith.addi %sub3A_31, %add3A_32 : i32
    %sub3A_34 = arith.constant 1 : i32
    %sub3A_35 = arith.subi %add3A_33, %sub3A_34 : i32
    %jit3A_36 = arith.constant 128 : i32
    %div3A_37 = arith.divsi %sub3A_35, %jit3A_36 : i32
    %sign3A_38 = arith.constant 0 : i32
    %sign3A_39 = arith.cmpi sgt, %sub3A_35, %sign3A_38 : i32
    %sign3A_40 = arith.extui %sign3A_39 : i1 to i32
    %sign3A_41 = arith.constant 0 : i32
    %sign3A_42 = arith.cmpi slt, %sub3A_35, %sign3A_41 : i32
    %sign3A_43 = arith.extui %sign3A_42 : i1 to i32
    %sign3A_44 = arith.subi %sign3A_40, %sign3A_43 : i32
    %sign3A_45 = arith.constant 0 : i32
    %sign3A_46 = arith.cmpi sgt, %jit3A_36, %sign3A_45 : i32
    %sign3A_47 = arith.extui %sign3A_46 : i1 to i32
    %sign3A_48 = arith.constant 0 : i32
    %sign3A_49 = arith.cmpi slt, %jit3A_36, %sign3A_48 : i32
    %sign3A_50 = arith.extui %sign3A_49 : i1 to i32
    %sign3A_51 = arith.subi %sign3A_47, %sign3A_50 : i32
    %ne3A_52 = arith.cmpi ne, %sign3A_44, %sign3A_51 : i32
    %rem3A_53 = arith.remsi %sub3A_35, %jit3A_36 : i32
    %ne3A_54 = arith.constant 0 : i32
    %ne3A_55 = arith.cmpi ne, %rem3A_53, %ne3A_54 : i32
    %and3A_56 = arith.andi %ne3A_52, %ne3A_55 : i1
    %sub3A_57 = arith.constant 1 : i32
    %sub3A_58 = arith.subi %div3A_37, %sub3A_57 : i32
    %select_n3A_59 = arith.select %and3A_56, %sub3A_58, %div3A_37 : i32
    %mul3A_60 = arith.constant 320 : i32
    %mul3A_61 = arith.muli %add3A, %mul3A_60 : i32
    %while3A = arith.constant 0 : i32
    %while3A_62 = arith.constant 0 : i32
    %while3A_63 = arith.subi %select_n3A_59, %while3A_62 : i32
    %while3A_64 = arith.addi %while3A_62, %while3A_63 : i32
    %while3A_65 = arith.constant 1 : i32
    %while3A_66 = arith.divsi %while3A_63, %while3A_65 : i32
    %while3A_67 = arith.muli %while3A_66, %while3A_65 : i32
    %while3A_68 = arith.addi %while3A_62, %while3A_67 : i32
    %while3A_69 = arith.constant 1 : i32
    scf.for %while3A_71 = %while3A_62 to %while3A_68 step %while3A_69  : i32 {
      %mul3A_72 = arith.constant 128 : i32
      %mul3A_73 = arith.muli %while3A_71, %mul3A_72 : i32
      %add3A_74 = arith.addi %mul3A_30, %mul3A_73 : i32
      "tpu.region"() ({
        %run_scoped3A = tpu.sem_alloc : memref<!tpu.dma_semaphore, #tpu.memory_space<semaphore_mem>>
        %dma_start3A_281 = tpu.memref_slice %arg2[%add3A_74] : memref<320128xi32, #tpu.memory_space<hbm>> -> memref<128xi32, #tpu.memory_space<hbm>>
        %dma_start3A_282 = tpu.memref_slice %arg2[%add3A_74] : memref<320128xi32, #tpu.memory_space<hbm>> -> memref<128xi32, #tpu.memory_space<hbm>>
        tpu.enqueue_dma source(%dma_start3A_282 : memref<128xi32, #tpu.memory_space<hbm>>) target(%arg9 : memref<128xi32, #tpu.memory_space<vmem>>) target_semaphore(%run_scoped3A : memref<!tpu.dma_semaphore, #tpu.memory_space<semaphore_mem>>)
        %dma_wait3A_283 = tpu.memref_slice %arg2[%add3A_74] : memref<320128xi32, #tpu.memory_space<hbm>> -> memref<128xi32, #tpu.memory_space<hbm>>
        %dma_wait3A_284 = tpu.memref_slice %arg2[%add3A_74] : memref<320128xi32, #tpu.memory_space<hbm>> -> memref<128xi32, #tpu.memory_space<hbm>>
        tpu.wait_dma2 semaphore(%run_scoped3A : memref<!tpu.dma_semaphore, #tpu.memory_space<semaphore_mem>>) src(%dma_wait3A_284 : memref<128xi32, #tpu.memory_space<hbm>>) dst(%arg9 : memref<128xi32, #tpu.memory_space<vmem>>)
        tpu.yield
      }) : () -> ()
      "tpu.region"() ({
        %run_scoped3A = tpu.sem_alloc : memref<!tpu.dma_semaphore, #tpu.memory_space<semaphore_mem>>
        %dma_start3A_281 = tpu.memref_slice %arg3[%add3A_74] : memref<320128xi32, #tpu.memory_space<hbm>> -> memref<128xi32, #tpu.memory_space<hbm>>
        %dma_start3A_282 = tpu.memref_slice %arg3[%add3A_74] : memref<320128xi32, #tpu.memory_space<hbm>> -> memref<128xi32, #tpu.memory_space<hbm>>
        tpu.enqueue_dma source(%dma_start3A_282 : memref<128xi32, #tpu.memory_space<hbm>>) target(%arg10 : memref<128xi32, #tpu.memory_space<vmem>>) target_semaphore(%run_scoped3A : memref<!tpu.dma_semaphore, #tpu.memory_space<semaphore_mem>>)
        %dma_wait3A_283 = tpu.memref_slice %arg3[%add3A_74] : memref<320128xi32, #tpu.memory_space<hbm>> -> memref<128xi32, #tpu.memory_space<hbm>>
        %dma_wait3A_284 = tpu.memref_slice %arg3[%add3A_74] : memref<320128xi32, #tpu.memory_space<hbm>> -> memref<128xi32, #tpu.memory_space<hbm>>
        tpu.wait_dma2 semaphore(%run_scoped3A : memref<!tpu.dma_semaphore, #tpu.memory_space<semaphore_mem>>) src(%dma_wait3A_284 : memref<128xi32, #tpu.memory_space<hbm>>) dst(%arg10 : memref<128xi32, #tpu.memory_space<vmem>>)
        tpu.yield
      }) : () -> ()
      %add3A_75 = arith.constant 0 : i32
      %add3A_76 = arith.addi %add3A_74, %add3A_75 : i32
      %add3A_77 = vector.broadcast %add3A_76 : i32 to vector<16xi32>
      %add3A_78 = arith.addi %add3A_77, %iota3A : vector<16xi32>
      %ge3A = vector.broadcast %squeeze3A : i32 to vector<16xi32>
      %ge3A_79 = arith.cmpi sge, %add3A_78, %ge3A : vector<16xi32>
      %lt3A = vector.broadcast %squeeze3A_12 : i32 to vector<16xi32>
      %lt3A_80 = arith.cmpi slt, %add3A_78, %lt3A : vector<16xi32>
      %and3A_81 = arith.andi %ge3A_79, %lt3A_80 : vector<16xi1>
      %get3A_82 = arith.constant 0 : index
      %get3A_83 = tpu.vector_load %arg10[%get3A_82] {strides = array<i32>} : memref<128xi32, #tpu.memory_space<vmem>>, vector<16xi32>,
      %sub3A_84 = vector.broadcast %mul3A_61 : i32 to vector<16xi32>
      %sub3A_85 = arith.subi %get3A_83, %sub3A_84 : vector<16xi32>
      %jit3A_86 = arith.constant 320 : i32
      %broadcast_in_dim3A_87 = vector.broadcast %jit3A_86 : i32 to vector<16xi32>
      %select_n3A_88 = arith.select %and3A_81, %sub3A_85, %broadcast_in_dim3A_87 : vector<16xi1>, vector<16xi32>
      %swap3A = arith.constant 0 : index
      %swap3A_89 = tpu.vector_load %arg10[%swap3A] {strides = array<i32>} : memref<128xi32, #tpu.memory_space<vmem>>, vector<16xi32>,
      tpu.vector_store %arg10[%swap3A], %select_n3A_88 {strides = array<i32>} : memref<128xi32, #tpu.memory_space<vmem>>, vector<16xi32>,
      %get3A_90 = arith.constant 0 : index
      %get3A_91 = tpu.vector_load %arg9[%get3A_90] {strides = array<i32>} : memref<128xi32, #tpu.memory_space<vmem>>, vector<16xi32>,
      %jit3A_92 = arith.constant 0 : i32
      %broadcast_in_dim3A_93 = vector.broadcast %jit3A_92 : i32 to vector<16xi32>
      %select_n3A_94 = arith.select %and3A_81, %get3A_91, %broadcast_in_dim3A_93 : vector<16xi1>, vector<16xi32>
      %swap3A_95 = arith.constant 0 : index
      %swap3A_96 = tpu.vector_load %arg9[%swap3A_95] {strides = array<i32>} : memref<128xi32, #tpu.memory_space<vmem>>, vector<16xi32>,
      tpu.vector_store %arg9[%swap3A_95], %select_n3A_94 {strides = array<i32>} : memref<128xi32, #tpu.memory_space<vmem>>, vector<16xi32>,
      %add3A_97 = arith.constant 16 : i32
      %add3A_98 = arith.addi %add3A_74, %add3A_97 : i32
      %add3A_99 = vector.broadcast %add3A_98 : i32 to vector<16xi32>
      %add3A_100 = arith.addi %add3A_99, %iota3A : vector<16xi32>
      %ge3A_101 = vector.broadcast %squeeze3A : i32 to vector<16xi32>
      %ge3A_102 = arith.cmpi sge, %add3A_100, %ge3A_101 : vector<16xi32>
      %lt3A_103 = vector.broadcast %squeeze3A_12 : i32 to vector<16xi32>
      %lt3A_104 = arith.cmpi slt, %add3A_100, %lt3A_103 : vector<16xi32>
      %and3A_105 = arith.andi %ge3A_102, %lt3A_104 : vector<16xi1>
      %get3A_106 = arith.constant 16 : index
      %get3A_107 = tpu.vector_load %arg10[%get3A_106] {strides = array<i32>} : memref<128xi32, #tpu.memory_space<vmem>>, vector<16xi32>,
      %sub3A_108 = vector.broadcast %mul3A_61 : i32 to vector<16xi32>
      %sub3A_109 = arith.subi %get3A_107, %sub3A_108 : vector<16xi32>
      %jit3A_110 = arith.constant 320 : i32
      %broadcast_in_dim3A_111 = vector.broadcast %jit3A_110 : i32 to vector<16xi32>
      %select_n3A_112 = arith.select %and3A_105, %sub3A_109, %broadcast_in_dim3A_111 : vector<16xi1>, vector<16xi32>
      %swap3A_113 = arith.constant 16 : index
      %swap3A_114 = tpu.vector_load %arg10[%swap3A_113] {strides = array<i32>} : memref<128xi32, #tpu.memory_space<vmem>>, vector<16xi32>,
      tpu.vector_store %arg10[%swap3A_113], %select_n3A_112 {strides = array<i32>} : memref<128xi32, #tpu.memory_space<vmem>>, vector<16xi32>,
      %get3A_115 = arith.constant 16 : index
      %get3A_116 = tpu.vector_load %arg9[%get3A_115] {strides = array<i32>} : memref<128xi32, #tpu.memory_space<vmem>>, vector<16xi32>,
      %jit3A_117 = arith.constant 0 : i32
      %broadcast_in_dim3A_118 = vector.broadcast %jit3A_117 : i32 to vector<16xi32>
      %select_n3A_119 = arith.select %and3A_105, %get3A_116, %broadcast_in_dim3A_118 : vector<16xi1>, vector<16xi32>
      %swap3A_120 = arith.constant 16 : index
      %swap3A_121 = tpu.vector_load %arg9[%swap3A_120] {strides = array<i32>} : memref<128xi32, #tpu.memory_space<vmem>>, vector<16xi32>,
      tpu.vector_store %arg9[%swap3A_120], %select_n3A_119 {strides = array<i32>} : memref<128xi32, #tpu.memory_space<vmem>>, vector<16xi32>,
      %add3A_122 = arith.constant 32 : i32
      %add3A_123 = arith.addi %add3A_74, %add3A_122 : i32
      %add3A_124 = vector.broadcast %add3A_123 : i32 to vector<16xi32>
      %add3A_125 = arith.addi %add3A_124, %iota3A : vector<16xi32>
      %ge3A_126 = vector.broadcast %squeeze3A : i32 to vector<16xi32>
      %ge3A_127 = arith.cmpi sge, %add3A_125, %ge3A_126 : vector<16xi32>
      %lt3A_128 = vector.broadcast %squeeze3A_12 : i32 to vector<16xi32>
      %lt3A_129 = arith.cmpi slt, %add3A_125, %lt3A_128 : vector<16xi32>
      %and3A_130 = arith.andi %ge3A_127, %lt3A_129 : vector<16xi1>
      %get3A_131 = arith.constant 32 : index
      %get3A_132 = tpu.vector_load %arg10[%get3A_131] {strides = array<i32>} : memref<128xi32, #tpu.memory_space<vmem>>, vector<16xi32>,
      %sub3A_133 = vector.broadcast %mul3A_61 : i32 to vector<16xi32>
      %sub3A_134 = arith.subi %get3A_132, %sub3A_133 : vector<16xi32>
      %jit3A_135 = arith.constant 320 : i32
      %broadcast_in_dim3A_136 = vector.broadcast %jit3A_135 : i32 to vector<16xi32>
      %select_n3A_137 = arith.select %and3A_130, %sub3A_134, %broadcast_in_dim3A_136 : vector<16xi1>, vector<16xi32>
      %swap3A_138 = arith.constant 32 : index
      %swap3A_139 = tpu.vector_load %arg10[%swap3A_138] {strides = array<i32>} : memref<128xi32, #tpu.memory_space<vmem>>, vector<16xi32>,
      tpu.vector_store %arg10[%swap3A_138], %select_n3A_137 {strides = array<i32>} : memref<128xi32, #tpu.memory_space<vmem>>, vector<16xi32>,
      %get3A_140 = arith.constant 32 : index
      %get3A_141 = tpu.vector_load %arg9[%get3A_140] {strides = array<i32>} : memref<128xi32, #tpu.memory_space<vmem>>, vector<16xi32>,
      %jit3A_142 = arith.constant 0 : i32
      %broadcast_in_dim3A_143 = vector.broadcast %jit3A_142 : i32 to vector<16xi32>
      %select_n3A_144 = arith.select %and3A_130, %get3A_141, %broadcast_in_dim3A_143 : vector<16xi1>, vector<16xi32>
      %swap3A_145 = arith.constant 32 : index
      %swap3A_146 = tpu.vector_load %arg9[%swap3A_145] {strides = array<i32>} : memref<128xi32, #tpu.memory_space<vmem>>, vector<16xi32>,
      tpu.vector_store %arg9[%swap3A_145], %select_n3A_144 {strides = array<i32>} : memref<128xi32, #tpu.memory_space<vmem>>, vector<16xi32>,
      %add3A_147 = arith.constant 48 : i32
      %add3A_148 = arith.addi %add3A_74, %add3A_147 : i32
      %add3A_149 = vector.broadcast %add3A_148 : i32 to vector<16xi32>
      %add3A_150 = arith.addi %add3A_149, %iota3A : vector<16xi32>
      %ge3A_151 = vector.broadcast %squeeze3A : i32 to vector<16xi32>
      %ge3A_152 = arith.cmpi sge, %add3A_150, %ge3A_151 : vector<16xi32>
      %lt3A_153 = vector.broadcast %squeeze3A_12 : i32 to vector<16xi32>
      %lt3A_154 = arith.cmpi slt, %add3A_150, %lt3A_153 : vector<16xi32>
      %and3A_155 = arith.andi %ge3A_152, %lt3A_154 : vector<16xi1>
      %get3A_156 = arith.constant 48 : index
      %get3A_157 = tpu.vector_load %arg10[%get3A_156] {strides = array<i32>} : memref<128xi32, #tpu.memory_space<vmem>>, vector<16xi32>,
      %sub3A_158 = vector.broadcast %mul3A_61 : i32 to vector<16xi32>
      %sub3A_159 = arith.subi %get3A_157, %sub3A_158 : vector<16xi32>
      %jit3A_160 = arith.constant 320 : i32
      %broadcast_in_dim3A_161 = vector.broadcast %jit3A_160 : i32 to vector<16xi32>
      %select_n3A_162 = arith.select %and3A_155, %sub3A_159, %broadcast_in_dim3A_161 : vector<16xi1>, vector<16xi32>
      %swap3A_163 = arith.constant 48 : index
      %swap3A_164 = tpu.vector_load %arg10[%swap3A_163] {strides = array<i32>} : memref<128xi32, #tpu.memory_space<vmem>>, vector<16xi32>,
      tpu.vector_store %arg10[%swap3A_163], %select_n3A_162 {strides = array<i32>} : memref<128xi32, #tpu.memory_space<vmem>>, vector<16xi32>,
      %get3A_165 = arith.constant 48 : index
      %get3A_166 = tpu.vector_load %arg9[%get3A_165] {strides = array<i32>} : memref<128xi32, #tpu.memory_space<vmem>>, vector<16xi32>,
      %jit3A_167 = arith.constant 0 : i32
      %broadcast_in_dim3A_168 = vector.broadcast %jit3A_167 : i32 to vector<16xi32>
      %select_n3A_169 = arith.select %and3A_155, %get3A_166, %broadcast_in_dim3A_168 : vector<16xi1>, vector<16xi32>
      %swap3A_170 = arith.constant 48 : index
      %swap3A_171 = tpu.vector_load %arg9[%swap3A_170] {strides = array<i32>} : memref<128xi32, #tpu.memory_space<vmem>>, vector<16xi32>,
      tpu.vector_store %arg9[%swap3A_170], %select_n3A_169 {strides = array<i32>} : memref<128xi32, #tpu.memory_space<vmem>>, vector<16xi32>,
      %add3A_172 = arith.constant 64 : i32
      %add3A_173 = arith.addi %add3A_74, %add3A_172 : i32
      %add3A_174 = vector.broadcast %add3A_173 : i32 to vector<16xi32>
      %add3A_175 = arith.addi %add3A_174, %iota3A : vector<16xi32>
      %ge3A_176 = vector.broadcast %squeeze3A : i32 to vector<16xi32>
      %ge3A_177 = arith.cmpi sge, %add3A_175, %ge3A_176 : vector<16xi32>
      %lt3A_178 = vector.broadcast %squeeze3A_12 : i32 to vector<16xi32>
      %lt3A_179 = arith.cmpi slt, %add3A_175, %lt3A_178 : vector<16xi32>
      %and3A_180 = arith.andi %ge3A_177, %lt3A_179 : vector<16xi1>
      %get3A_181 = arith.constant 64 : index
      %get3A_182 = tpu.vector_load %arg10[%get3A_181] {strides = array<i32>} : memref<128xi32, #tpu.memory_space<vmem>>, vector<16xi32>,
      %sub3A_183 = vector.broadcast %mul3A_61 : i32 to vector<16xi32>
      %sub3A_184 = arith.subi %get3A_182, %sub3A_183 : vector<16xi32>
      %jit3A_185 = arith.constant 320 : i32
      %broadcast_in_dim3A_186 = vector.broadcast %jit3A_185 : i32 to vector<16xi32>
      %select_n3A_187 = arith.select %and3A_180, %sub3A_184, %broadcast_in_dim3A_186 : vector<16xi1>, vector<16xi32>
      %swap3A_188 = arith.constant 64 : index
      %swap3A_189 = tpu.vector_load %arg10[%swap3A_188] {strides = array<i32>} : memref<128xi32, #tpu.memory_space<vmem>>, vector<16xi32>,
      tpu.vector_store %arg10[%swap3A_188], %select_n3A_187 {strides = array<i32>} : memref<128xi32, #tpu.memory_space<vmem>>, vector<16xi32>,
      %get3A_190 = arith.constant 64 : index
      %get3A_191 = tpu.vector_load %arg9[%get3A_190] {strides = array<i32>} : memref<128xi32, #tpu.memory_space<vmem>>, vector<16xi32>,
      %jit3A_192 = arith.constant 0 : i32
      %broadcast_in_dim3A_193 = vector.broadcast %jit3A_192 : i32 to vector<16xi32>
      %select_n3A_194 = arith.select %and3A_180, %get3A_191, %broadcast_in_dim3A_193 : vector<16xi1>, vector<16xi32>
      %swap3A_195 = arith.constant 64 : index
      %swap3A_196 = tpu.vector_load %arg9[%swap3A_195] {strides = array<i32>} : memref<128xi32, #tpu.memory_space<vmem>>, vector<16xi32>,
      tpu.vector_store %arg9[%swap3A_195], %select_n3A_194 {strides = array<i32>} : memref<128xi32, #tpu.memory_space<vmem>>, vector<16xi32>,
      %add3A_197 = arith.constant 80 : i32
      %add3A_198 = arith.addi %add3A_74, %add3A_197 : i32
      %add3A_199 = vector.broadcast %add3A_198 : i32 to vector<16xi32>
      %add3A_200 = arith.addi %add3A_199, %iota3A : vector<16xi32>
      %ge3A_201 = vector.broadcast %squeeze3A : i32 to vector<16xi32>
      %ge3A_202 = arith.cmpi sge, %add3A_200, %ge3A_201 : vector<16xi32>
      %lt3A_203 = vector.broadcast %squeeze3A_12 : i32 to vector<16xi32>
      %lt3A_204 = arith.cmpi slt, %add3A_200, %lt3A_203 : vector<16xi32>
      %and3A_205 = arith.andi %ge3A_202, %lt3A_204 : vector<16xi1>
      %get3A_206 = arith.constant 80 : index
      %get3A_207 = tpu.vector_load %arg10[%get3A_206] {strides = array<i32>} : memref<128xi32, #tpu.memory_space<vmem>>, vector<16xi32>,
      %sub3A_208 = vector.broadcast %mul3A_61 : i32 to vector<16xi32>
      %sub3A_209 = arith.subi %get3A_207, %sub3A_208 : vector<16xi32>
      %jit3A_210 = arith.constant 320 : i32
      %broadcast_in_dim3A_211 = vector.broadcast %jit3A_210 : i32 to vector<16xi32>
      %select_n3A_212 = arith.select %and3A_205, %sub3A_209, %broadcast_in_dim3A_211 : vector<16xi1>, vector<16xi32>
      %swap3A_213 = arith.constant 80 : index
      %swap3A_214 = tpu.vector_load %arg10[%swap3A_213] {strides = array<i32>} : memref<128xi32, #tpu.memory_space<vmem>>, vector<16xi32>,
      tpu.vector_store %arg10[%swap3A_213], %select_n3A_212 {strides = array<i32>} : memref<128xi32, #tpu.memory_space<vmem>>, vector<16xi32>,
      %get3A_215 = arith.constant 80 : index
      %get3A_216 = tpu.vector_load %arg9[%get3A_215] {strides = array<i32>} : memref<128xi32, #tpu.memory_space<vmem>>, vector<16xi32>,
      %jit3A_217 = arith.constant 0 : i32
      %broadcast_in_dim3A_218 = vector.broadcast %jit3A_217 : i32 to vector<16xi32>
      %select_n3A_219 = arith.select %and3A_205, %get3A_216, %broadcast_in_dim3A_218 : vector<16xi1>, vector<16xi32>
      %swap3A_220 = arith.constant 80 : index
      %swap3A_221 = tpu.vector_load %arg9[%swap3A_220] {strides = array<i32>} : memref<128xi32, #tpu.memory_space<vmem>>, vector<16xi32>,
      tpu.vector_store %arg9[%swap3A_220], %select_n3A_219 {strides = array<i32>} : memref<128xi32, #tpu.memory_space<vmem>>, vector<16xi32>,
      %add3A_222 = arith.constant 96 : i32
      %add3A_223 = arith.addi %add3A_74, %add3A_222 : i32
      %add3A_224 = vector.broadcast %add3A_223 : i32 to vector<16xi32>
      %add3A_225 = arith.addi %add3A_224, %iota3A : vector<16xi32>
      %ge3A_226 = vector.broadcast %squeeze3A : i32 to vector<16xi32>
      %ge3A_227 = arith.cmpi sge, %add3A_225, %ge3A_226 : vector<16xi32>
      %lt3A_228 = vector.broadcast %squeeze3A_12 : i32 to vector<16xi32>
      %lt3A_229 = arith.cmpi slt, %add3A_225, %lt3A_228 : vector<16xi32>
      %and3A_230 = arith.andi %ge3A_227, %lt3A_229 : vector<16xi1>
      %get3A_231 = arith.constant 96 : index
      %get3A_232 = tpu.vector_load %arg10[%get3A_231] {strides = array<i32>} : memref<128xi32, #tpu.memory_space<vmem>>, vector<16xi32>,
      %sub3A_233 = vector.broadcast %mul3A_61 : i32 to vector<16xi32>
      %sub3A_234 = arith.subi %get3A_232, %sub3A_233 : vector<16xi32>
      %jit3A_235 = arith.constant 320 : i32
      %broadcast_in_dim3A_236 = vector.broadcast %jit3A_235 : i32 to vector<16xi32>
      %select_n3A_237 = arith.select %and3A_230, %sub3A_234, %broadcast_in_dim3A_236 : vector<16xi1>, vector<16xi32>
      %swap3A_238 = arith.constant 96 : index
      %swap3A_239 = tpu.vector_load %arg10[%swap3A_238] {strides = array<i32>} : memref<128xi32, #tpu.memory_space<vmem>>, vector<16xi32>,
      tpu.vector_store %arg10[%swap3A_238], %select_n3A_237 {strides = array<i32>} : memref<128xi32, #tpu.memory_space<vmem>>, vector<16xi32>,
      %get3A_240 = arith.constant 96 : index
      %get3A_241 = tpu.vector_load %arg9[%get3A_240] {strides = array<i32>} : memref<128xi32, #tpu.memory_space<vmem>>, vector<16xi32>,
      %jit3A_242 = arith.constant 0 : i32
      %broadcast_in_dim3A_243 = vector.broadcast %jit3A_242 : i32 to vector<16xi32>
      %select_n3A_244 = arith.select %and3A_230, %get3A_241, %broadcast_in_dim3A_243 : vector<16xi1>, vector<16xi32>
      %swap3A_245 = arith.constant 96 : index
      %swap3A_246 = tpu.vector_load %arg9[%swap3A_245] {strides = array<i32>} : memref<128xi32, #tpu.memory_space<vmem>>, vector<16xi32>,
      tpu.vector_store %arg9[%swap3A_245], %select_n3A_244 {strides = array<i32>} : memref<128xi32, #tpu.memory_space<vmem>>, vector<16xi32>,
      %add3A_247 = arith.constant 112 : i32
      %add3A_248 = arith.addi %add3A_74, %add3A_247 : i32
      %add3A_249 = vector.broadcast %add3A_248 : i32 to vector<16xi32>
      %add3A_250 = arith.addi %add3A_249, %iota3A : vector<16xi32>
      %ge3A_251 = vector.broadcast %squeeze3A : i32 to vector<16xi32>
      %ge3A_252 = arith.cmpi sge, %add3A_250, %ge3A_251 : vector<16xi32>
      %lt3A_253 = vector.broadcast %squeeze3A_12 : i32 to vector<16xi32>
      %lt3A_254 = arith.cmpi slt, %add3A_250, %lt3A_253 : vector<16xi32>
      %and3A_255 = arith.andi %ge3A_252, %lt3A_254 : vector<16xi1>
      %get3A_256 = arith.constant 112 : index
      %get3A_257 = tpu.vector_load %arg10[%get3A_256] {strides = array<i32>} : memref<128xi32, #tpu.memory_space<vmem>>, vector<16xi32>,
      %sub3A_258 = vector.broadcast %mul3A_61 : i32 to vector<16xi32>
      %sub3A_259 = arith.subi %get3A_257, %sub3A_258 : vector<16xi32>
      %jit3A_260 = arith.constant 320 : i32
      %broadcast_in_dim3A_261 = vector.broadcast %jit3A_260 : i32 to vector<16xi32>
      %select_n3A_262 = arith.select %and3A_255, %sub3A_259, %broadcast_in_dim3A_261 : vector<16xi1>, vector<16xi32>
      %swap3A_263 = arith.constant 112 : index
      %swap3A_264 = tpu.vector_load %arg10[%swap3A_263] {strides = array<i32>} : memref<128xi32, #tpu.memory_space<vmem>>, vector<16xi32>,
      tpu.vector_store %arg10[%swap3A_263], %select_n3A_262 {strides = array<i32>} : memref<128xi32, #tpu.memory_space<vmem>>, vector<16xi32>,
      %get3A_265 = arith.constant 112 : index
      %get3A_266 = tpu.vector_load %arg9[%get3A_265] {strides = array<i32>} : memref<128xi32, #tpu.memory_space<vmem>>, vector<16xi32>,
      %jit3A_267 = arith.constant 0 : i32
      %broadcast_in_dim3A_268 = vector.broadcast %jit3A_267 : i32 to vector<16xi32>
      %select_n3A_269 = arith.select %and3A_255, %get3A_266, %broadcast_in_dim3A_268 : vector<16xi1>, vector<16xi32>
      %swap3A_270 = arith.constant 112 : index
      %swap3A_271 = tpu.vector_load %arg9[%swap3A_270] {strides = array<i32>} : memref<128xi32, #tpu.memory_space<vmem>>, vector<16xi32>,
      tpu.vector_store %arg9[%swap3A_270], %select_n3A_269 {strides = array<i32>} : memref<128xi32, #tpu.memory_space<vmem>>, vector<16xi32>,
      %dma_start3A = arith.constant 0 : i32
      %dma_start3A_272 = arith.constant 0 : i32
      %dma_start3A_273 = tpu.memref_slice %arg5[%dma_start3A, %dma_start3A_272] : memref<10240x256xf32, #tpu.memory_space<hbm>> -> memref<10240x256xf32, #tpu.memory_space<hbm>>
      tpu.enqueue_indirect_dma source(%dma_start3A_273 : memref<10240x256xf32, #tpu.memory_space<hbm>>) target(%arg11 : memref<128x256xf32, #tpu.memory_space<vmem>>) offsets(%arg9 : memref<128xi32, #tpu.memory_space<vmem>>) semaphore(%arg13 : memref<!tpu.dma_semaphore, #tpu.memory_space<semaphore_mem>>)
      %dma_wait3A = arith.constant 0 : i32
      %dma_wait3A_274 = arith.constant 0 : i32
      %dma_wait3A_275 = tpu.memref_slice %arg5[%dma_wait3A, %dma_wait3A_274] : memref<10240x256xf32, #tpu.memory_space<hbm>> -> memref<10240x256xf32, #tpu.memory_space<hbm>>
      tpu.wait_indirect_dma semaphore(%arg13 : memref<!tpu.dma_semaphore, #tpu.memory_space<semaphore_mem>>) src(%dma_wait3A_275 : memref<10240x256xf32, #tpu.memory_space<hbm>>) dst(%arg11 : memref<128x256xf32, #tpu.memory_space<vmem>>)
      %scan3A = arith.constant 0 : i32
      %scan3A_276 = arith.constant 0 : i32
      %scan3A_277 = arith.constant 128 : i32
      %scan3A_278 = arith.addi %scan3A_276, %scan3A_277 : i32
      %scan3A_279 = arith.constant 1 : i32
      scf.for %scan3A_281 = %scan3A_276 to %scan3A_278 step %scan3A_279  : i32 {
        %broadcast_in_dim3A_282 = vector.broadcast %scan3A_281 : i32 to vector<16xi32>
        %gather3A = tpu.vector_load_idx %arg10[%broadcast_in_dim3A_282] : memref<128xi32, #tpu.memory_space<vmem>>[vector<16xi32>], vector<16xi32>,
        %get3A_283 = arith.index_cast %scan3A_281 : i32 to index
        %get3A_284 = arith.constant 0 : index
        %get3A_285 = tpu.vector_load %arg11[%get3A_283, %get3A_284] {strides = array<i32>} : memref<128x256xf32, #tpu.memory_space<vmem>>, vector<16xf32>,
        %add3A_286 = arith.constant 0 : i32
        %add3A_287 = vector.broadcast %add3A_286 : i32 to vector<16xi32>
        %add3A_288 = arith.addi %add3A_287, %iota3A : vector<16xi32>
        tpu.vector_store_idx %arg12[%gather3A, %add3A_288], %get3A_285 {add = true} : memref<328x256xf32, #tpu.memory_space<vmem>>[vector<16xi32>, vector<16xi32>], vector<16xf32>,
        %get3A_289 = arith.index_cast %scan3A_281 : i32 to index
        %get3A_290 = arith.constant 16 : index
        %get3A_291 = tpu.vector_load %arg11[%get3A_289, %get3A_290] {strides = array<i32>} : memref<128x256xf32, #tpu.memory_space<vmem>>, vector<16xf32>,
        %add3A_292 = arith.constant 16 : i32
        %add3A_293 = vector.broadcast %add3A_292 : i32 to vector<16xi32>
        %add3A_294 = arith.addi %add3A_293, %iota3A : vector<16xi32>
        tpu.vector_store_idx %arg12[%gather3A, %add3A_294], %get3A_291 {add = true} : memref<328x256xf32, #tpu.memory_space<vmem>>[vector<16xi32>, vector<16xi32>], vector<16xf32>,
        %get3A_295 = arith.index_cast %scan3A_281 : i32 to index
        %get3A_296 = arith.constant 32 : index
        %get3A_297 = tpu.vector_load %arg11[%get3A_295, %get3A_296] {strides = array<i32>} : memref<128x256xf32, #tpu.memory_space<vmem>>, vector<16xf32>,
        %add3A_298 = arith.constant 32 : i32
        %add3A_299 = vector.broadcast %add3A_298 : i32 to vector<16xi32>
        %add3A_300 = arith.addi %add3A_299, %iota3A : vector<16xi32>
        tpu.vector_store_idx %arg12[%gather3A, %add3A_300], %get3A_297 {add = true} : memref<328x256xf32, #tpu.memory_space<vmem>>[vector<16xi32>, vector<16xi32>], vector<16xf32>,
        %get3A_301 = arith.index_cast %scan3A_281 : i32 to index
        %get3A_302 = arith.constant 48 : index
        %get3A_303 = tpu.vector_load %arg11[%get3A_301, %get3A_302] {strides = array<i32>} : memref<128x256xf32, #tpu.memory_space<vmem>>, vector<16xf32>,
        %add3A_304 = arith.constant 48 : i32
        %add3A_305 = vector.broadcast %add3A_304 : i32 to vector<16xi32>
        %add3A_306 = arith.addi %add3A_305, %iota3A : vector<16xi32>
        tpu.vector_store_idx %arg12[%gather3A, %add3A_306], %get3A_303 {add = true} : memref<328x256xf32, #tpu.memory_space<vmem>>[vector<16xi32>, vector<16xi32>], vector<16xf32>,
        %get3A_307 = arith.index_cast %scan3A_281 : i32 to index
        %get3A_308 = arith.constant 64 : index
        %get3A_309 = tpu.vector_load %arg11[%get3A_307, %get3A_308] {strides = array<i32>} : memref<128x256xf32, #tpu.memory_space<vmem>>, vector<16xf32>,
        %add3A_310 = arith.constant 64 : i32
        %add3A_311 = vector.broadcast %add3A_310 : i32 to vector<16xi32>
        %add3A_312 = arith.addi %add3A_311, %iota3A : vector<16xi32>
        tpu.vector_store_idx %arg12[%gather3A, %add3A_312], %get3A_309 {add = true} : memref<328x256xf32, #tpu.memory_space<vmem>>[vector<16xi32>, vector<16xi32>], vector<16xf32>,
        %get3A_313 = arith.index_cast %scan3A_281 : i32 to index
        %get3A_314 = arith.constant 80 : index
        %get3A_315 = tpu.vector_load %arg11[%get3A_313, %get3A_314] {strides = array<i32>} : memref<128x256xf32, #tpu.memory_space<vmem>>, vector<16xf32>,
        %add3A_316 = arith.constant 80 : i32
        %add3A_317 = vector.broadcast %add3A_316 : i32 to vector<16xi32>
        %add3A_318 = arith.addi %add3A_317, %iota3A : vector<16xi32>
        tpu.vector_store_idx %arg12[%gather3A, %add3A_318], %get3A_315 {add = true} : memref<328x256xf32, #tpu.memory_space<vmem>>[vector<16xi32>, vector<16xi32>], vector<16xf32>,
        %get3A_319 = arith.index_cast %scan3A_281 : i32 to index
        %get3A_320 = arith.constant 96 : index
        %get3A_321 = tpu.vector_load %arg11[%get3A_319, %get3A_320] {strides = array<i32>} : memref<128x256xf32, #tpu.memory_space<vmem>>, vector<16xf32>,
        %add3A_322 = arith.constant 96 : i32
        %add3A_323 = vector.broadcast %add3A_322 : i32 to vector<16xi32>
        %add3A_324 = arith.addi %add3A_323, %iota3A : vector<16xi32>
        tpu.vector_store_idx %arg12[%gather3A, %add3A_324], %get3A_321 {add = true} : memref<328x256xf32, #tpu.memory_space<vmem>>[vector<16xi32>, vector<16xi32>], vector<16xf32>,
        %get3A_325 = arith.index_cast %scan3A_281 : i32 to index
        %get3A_326 = arith.constant 112 : index
        %get3A_327 = tpu.vector_load %arg11[%get3A_325, %get3A_326] {strides = array<i32>} : memref<128x256xf32, #tpu.memory_space<vmem>>, vector<16xf32>,
        %add3A_328 = arith.constant 112 : i32
        %add3A_329 = vector.broadcast %add3A_328 : i32 to vector<16xi32>
        %add3A_330 = arith.addi %add3A_329, %iota3A : vector<16xi32>
        tpu.vector_store_idx %arg12[%gather3A, %add3A_330], %get3A_327 {add = true} : memref<328x256xf32, #tpu.memory_space<vmem>>[vector<16xi32>, vector<16xi32>], vector<16xf32>,
        %get3A_331 = arith.index_cast %scan3A_281 : i32 to index
        %get3A_332 = arith.constant 128 : index
        %get3A_333 = tpu.vector_load %arg11[%get3A_331, %get3A_332] {strides = array<i32>} : memref<128x256xf32, #tpu.memory_space<vmem>>, vector<16xf32>,
        %add3A_334 = arith.constant 128 : i32
        %add3A_335 = vector.broadcast %add3A_334 : i32 to vector<16xi32>
        %add3A_336 = arith.addi %add3A_335, %iota3A : vector<16xi32>
        tpu.vector_store_idx %arg12[%gather3A, %add3A_336], %get3A_333 {add = true} : memref<328x256xf32, #tpu.memory_space<vmem>>[vector<16xi32>, vector<16xi32>], vector<16xf32>,
        %get3A_337 = arith.index_cast %scan3A_281 : i32 to index
        %get3A_338 = arith.constant 144 : index
        %get3A_339 = tpu.vector_load %arg11[%get3A_337, %get3A_338] {strides = array<i32>} : memref<128x256xf32, #tpu.memory_space<vmem>>, vector<16xf32>,
        %add3A_340 = arith.constant 144 : i32
        %add3A_341 = vector.broadcast %add3A_340 : i32 to vector<16xi32>
        %add3A_342 = arith.addi %add3A_341, %iota3A : vector<16xi32>
        tpu.vector_store_idx %arg12[%gather3A, %add3A_342], %get3A_339 {add = true} : memref<328x256xf32, #tpu.memory_space<vmem>>[vector<16xi32>, vector<16xi32>], vector<16xf32>,
        %get3A_343 = arith.index_cast %scan3A_281 : i32 to index
        %get3A_344 = arith.constant 160 : index
        %get3A_345 = tpu.vector_load %arg11[%get3A_343, %get3A_344] {strides = array<i32>} : memref<128x256xf32, #tpu.memory_space<vmem>>, vector<16xf32>,
        %add3A_346 = arith.constant 160 : i32
        %add3A_347 = vector.broadcast %add3A_346 : i32 to vector<16xi32>
        %add3A_348 = arith.addi %add3A_347, %iota3A : vector<16xi32>
        tpu.vector_store_idx %arg12[%gather3A, %add3A_348], %get3A_345 {add = true} : memref<328x256xf32, #tpu.memory_space<vmem>>[vector<16xi32>, vector<16xi32>], vector<16xf32>,
        %get3A_349 = arith.index_cast %scan3A_281 : i32 to index
        %get3A_350 = arith.constant 176 : index
        %get3A_351 = tpu.vector_load %arg11[%get3A_349, %get3A_350] {strides = array<i32>} : memref<128x256xf32, #tpu.memory_space<vmem>>, vector<16xf32>,
        %add3A_352 = arith.constant 176 : i32
        %add3A_353 = vector.broadcast %add3A_352 : i32 to vector<16xi32>
        %add3A_354 = arith.addi %add3A_353, %iota3A : vector<16xi32>
        tpu.vector_store_idx %arg12[%gather3A, %add3A_354], %get3A_351 {add = true} : memref<328x256xf32, #tpu.memory_space<vmem>>[vector<16xi32>, vector<16xi32>], vector<16xf32>,
        %get3A_355 = arith.index_cast %scan3A_281 : i32 to index
        %get3A_356 = arith.constant 192 : index
        %get3A_357 = tpu.vector_load %arg11[%get3A_355, %get3A_356] {strides = array<i32>} : memref<128x256xf32, #tpu.memory_space<vmem>>, vector<16xf32>,
        %add3A_358 = arith.constant 192 : i32
        %add3A_359 = vector.broadcast %add3A_358 : i32 to vector<16xi32>
        %add3A_360 = arith.addi %add3A_359, %iota3A : vector<16xi32>
        tpu.vector_store_idx %arg12[%gather3A, %add3A_360], %get3A_357 {add = true} : memref<328x256xf32, #tpu.memory_space<vmem>>[vector<16xi32>, vector<16xi32>], vector<16xf32>,
        %get3A_361 = arith.index_cast %scan3A_281 : i32 to index
        %get3A_362 = arith.constant 208 : index
        %get3A_363 = tpu.vector_load %arg11[%get3A_361, %get3A_362] {strides = array<i32>} : memref<128x256xf32, #tpu.memory_space<vmem>>, vector<16xf32>,
        %add3A_364 = arith.constant 208 : i32
        %add3A_365 = vector.broadcast %add3A_364 : i32 to vector<16xi32>
        %add3A_366 = arith.addi %add3A_365, %iota3A : vector<16xi32>
        tpu.vector_store_idx %arg12[%gather3A, %add3A_366], %get3A_363 {add = true} : memref<328x256xf32, #tpu.memory_space<vmem>>[vector<16xi32>, vector<16xi32>], vector<16xf32>,
        %get3A_367 = arith.index_cast %scan3A_281 : i32 to index
        %get3A_368 = arith.constant 224 : index
        %get3A_369 = tpu.vector_load %arg11[%get3A_367, %get3A_368] {strides = array<i32>} : memref<128x256xf32, #tpu.memory_space<vmem>>, vector<16xf32>,
        %add3A_370 = arith.constant 224 : i32
        %add3A_371 = vector.broadcast %add3A_370 : i32 to vector<16xi32>
        %add3A_372 = arith.addi %add3A_371, %iota3A : vector<16xi32>
        tpu.vector_store_idx %arg12[%gather3A, %add3A_372], %get3A_369 {add = true} : memref<328x256xf32, #tpu.memory_space<vmem>>[vector<16xi32>, vector<16xi32>], vector<16xf32>,
        %get3A_373 = arith.index_cast %scan3A_281 : i32 to index
        %get3A_374 = arith.constant 240 : index
        %get3A_375 = tpu.vector_load %arg11[%get3A_373, %get3A_374] {strides = array<i32>} : memref<128x256xf32, #tpu.memory_space<vmem>>, vector<16xf32>,
        %add3A_376 = arith.constant 240 : i32
        %add3A_377 = vector.broadcast %add3A_376 : i32 to vector<16xi32>
        %add3A_378 = arith.addi %add3A_377, %iota3A : vector<16xi32>
        tpu.vector_store_idx %arg12[%gather3A, %add3A_378], %get3A_375 {add = true} : memref<328x256xf32, #tpu.memory_space<vmem>>[vector<16xi32>, vector<16xi32>], vector<16xf32>,
      }
      %scan3A_280 = arith.constant 128 : i32
    }
    %while3A_70 = arith.constant 1 : i32
    scf.for %while3A_71 = %while3A_68 to %while3A_64 step %while3A_70  : i32 {
      %mul3A_72 = arith.constant 128 : i32
      %mul3A_73 = arith.muli %while3A_71, %mul3A_72 : i32
      %add3A_74 = arith.addi %mul3A_30, %mul3A_73 : i32
      "tpu.region"() ({
        %run_scoped3A = tpu.sem_alloc : memref<!tpu.dma_semaphore, #tpu.memory_space<semaphore_mem>>
        %dma_start3A_281 = tpu.memref_slice %arg2[%add3A_74] : memref<320128xi32, #tpu.memory_space<hbm>> -> memref<128xi32, #tpu.memory_space<hbm>>
        %dma_start3A_282 = tpu.memref_slice %arg2[%add3A_74] : memref<320128xi32, #tpu.memory_space<hbm>> -> memref<128xi32, #tpu.memory_space<hbm>>
        tpu.enqueue_dma source(%dma_start3A_282 : memref<128xi32, #tpu.memory_space<hbm>>) target(%arg9 : memref<128xi32, #tpu.memory_space<vmem>>) target_semaphore(%run_scoped3A : memref<!tpu.dma_semaphore, #tpu.memory_space<semaphore_mem>>)
        %dma_wait3A_283 = tpu.memref_slice %arg2[%add3A_74] : memref<320128xi32, #tpu.memory_space<hbm>> -> memref<128xi32, #tpu.memory_space<hbm>>
        %dma_wait3A_284 = tpu.memref_slice %arg2[%add3A_74] : memref<320128xi32, #tpu.memory_space<hbm>> -> memref<128xi32, #tpu.memory_space<hbm>>
        tpu.wait_dma2 semaphore(%run_scoped3A : memref<!tpu.dma_semaphore, #tpu.memory_space<semaphore_mem>>) src(%dma_wait3A_284 : memref<128xi32, #tpu.memory_space<hbm>>) dst(%arg9 : memref<128xi32, #tpu.memory_space<vmem>>)
        tpu.yield
      }) : () -> ()
      "tpu.region"() ({
        %run_scoped3A = tpu.sem_alloc : memref<!tpu.dma_semaphore, #tpu.memory_space<semaphore_mem>>
        %dma_start3A_281 = tpu.memref_slice %arg3[%add3A_74] : memref<320128xi32, #tpu.memory_space<hbm>> -> memref<128xi32, #tpu.memory_space<hbm>>
        %dma_start3A_282 = tpu.memref_slice %arg3[%add3A_74] : memref<320128xi32, #tpu.memory_space<hbm>> -> memref<128xi32, #tpu.memory_space<hbm>>
        tpu.enqueue_dma source(%dma_start3A_282 : memref<128xi32, #tpu.memory_space<hbm>>) target(%arg10 : memref<128xi32, #tpu.memory_space<vmem>>) target_semaphore(%run_scoped3A : memref<!tpu.dma_semaphore, #tpu.memory_space<semaphore_mem>>)
        %dma_wait3A_283 = tpu.memref_slice %arg3[%add3A_74] : memref<320128xi32, #tpu.memory_space<hbm>> -> memref<128xi32, #tpu.memory_space<hbm>>
        %dma_wait3A_284 = tpu.memref_slice %arg3[%add3A_74] : memref<320128xi32, #tpu.memory_space<hbm>> -> memref<128xi32, #tpu.memory_space<hbm>>
        tpu.wait_dma2 semaphore(%run_scoped3A : memref<!tpu.dma_semaphore, #tpu.memory_space<semaphore_mem>>) src(%dma_wait3A_284 : memref<128xi32, #tpu.memory_space<hbm>>) dst(%arg10 : memref<128xi32, #tpu.memory_space<vmem>>)
        tpu.yield
      }) : () -> ()
      %add3A_75 = arith.constant 0 : i32
      %add3A_76 = arith.addi %add3A_74, %add3A_75 : i32
      %add3A_77 = vector.broadcast %add3A_76 : i32 to vector<16xi32>
      %add3A_78 = arith.addi %add3A_77, %iota3A : vector<16xi32>
      %ge3A = vector.broadcast %squeeze3A : i32 to vector<16xi32>
      %ge3A_79 = arith.cmpi sge, %add3A_78, %ge3A : vector<16xi32>
      %lt3A = vector.broadcast %squeeze3A_12 : i32 to vector<16xi32>
      %lt3A_80 = arith.cmpi slt, %add3A_78, %lt3A : vector<16xi32>
      %and3A_81 = arith.andi %ge3A_79, %lt3A_80 : vector<16xi1>
      %get3A_82 = arith.constant 0 : index
      %get3A_83 = tpu.vector_load %arg10[%get3A_82] {strides = array<i32>} : memref<128xi32, #tpu.memory_space<vmem>>, vector<16xi32>,
      %sub3A_84 = vector.broadcast %mul3A_61 : i32 to vector<16xi32>
      %sub3A_85 = arith.subi %get3A_83, %sub3A_84 : vector<16xi32>
      %jit3A_86 = arith.constant 320 : i32
      %broadcast_in_dim3A_87 = vector.broadcast %jit3A_86 : i32 to vector<16xi32>
      %select_n3A_88 = arith.select %and3A_81, %sub3A_85, %broadcast_in_dim3A_87 : vector<16xi1>, vector<16xi32>
      %swap3A = arith.constant 0 : index
      %swap3A_89 = tpu.vector_load %arg10[%swap3A] {strides = array<i32>} : memref<128xi32, #tpu.memory_space<vmem>>, vector<16xi32>,
      tpu.vector_store %arg10[%swap3A], %select_n3A_88 {strides = array<i32>} : memref<128xi32, #tpu.memory_space<vmem>>, vector<16xi32>,
      %get3A_90 = arith.constant 0 : index
      %get3A_91 = tpu.vector_load %arg9[%get3A_90] {strides = array<i32>} : memref<128xi32, #tpu.memory_space<vmem>>, vector<16xi32>,
      %jit3A_92 = arith.constant 0 : i32
      %broadcast_in_dim3A_93 = vector.broadcast %jit3A_92 : i32 to vector<16xi32>
      %select_n3A_94 = arith.select %and3A_81, %get3A_91, %broadcast_in_dim3A_93 : vector<16xi1>, vector<16xi32>
      %swap3A_95 = arith.constant 0 : index
      %swap3A_96 = tpu.vector_load %arg9[%swap3A_95] {strides = array<i32>} : memref<128xi32, #tpu.memory_space<vmem>>, vector<16xi32>,
      tpu.vector_store %arg9[%swap3A_95], %select_n3A_94 {strides = array<i32>} : memref<128xi32, #tpu.memory_space<vmem>>, vector<16xi32>,
      %add3A_97 = arith.constant 16 : i32
      %add3A_98 = arith.addi %add3A_74, %add3A_97 : i32
      %add3A_99 = vector.broadcast %add3A_98 : i32 to vector<16xi32>
      %add3A_100 = arith.addi %add3A_99, %iota3A : vector<16xi32>
      %ge3A_101 = vector.broadcast %squeeze3A : i32 to vector<16xi32>
      %ge3A_102 = arith.cmpi sge, %add3A_100, %ge3A_101 : vector<16xi32>
      %lt3A_103 = vector.broadcast %squeeze3A_12 : i32 to vector<16xi32>
      %lt3A_104 = arith.cmpi slt, %add3A_100, %lt3A_103 : vector<16xi32>
      %and3A_105 = arith.andi %ge3A_102, %lt3A_104 : vector<16xi1>
      %get3A_106 = arith.constant 16 : index
      %get3A_107 = tpu.vector_load %arg10[%get3A_106] {strides = array<i32>} : memref<128xi32, #tpu.memory_space<vmem>>, vector<16xi32>,
      %sub3A_108 = vector.broadcast %mul3A_61 : i32 to vector<16xi32>
      %sub3A_109 = arith.subi %get3A_107, %sub3A_108 : vector<16xi32>
      %jit3A_110 = arith.constant 320 : i32
      %broadcast_in_dim3A_111 = vector.broadcast %jit3A_110 : i32 to vector<16xi32>
      %select_n3A_112 = arith.select %and3A_105, %sub3A_109, %broadcast_in_dim3A_111 : vector<16xi1>, vector<16xi32>
      %swap3A_113 = arith.constant 16 : index
      %swap3A_114 = tpu.vector_load %arg10[%swap3A_113] {strides = array<i32>} : memref<128xi32, #tpu.memory_space<vmem>>, vector<16xi32>,
      tpu.vector_store %arg10[%swap3A_113], %select_n3A_112 {strides = array<i32>} : memref<128xi32, #tpu.memory_space<vmem>>, vector<16xi32>,
      %get3A_115 = arith.constant 16 : index
      %get3A_116 = tpu.vector_load %arg9[%get3A_115] {strides = array<i32>} : memref<128xi32, #tpu.memory_space<vmem>>, vector<16xi32>,
      %jit3A_117 = arith.constant 0 : i32
      %broadcast_in_dim3A_118 = vector.broadcast %jit3A_117 : i32 to vector<16xi32>
      %select_n3A_119 = arith.select %and3A_105, %get3A_116, %broadcast_in_dim3A_118 : vector<16xi1>, vector<16xi32>
      %swap3A_120 = arith.constant 16 : index
      %swap3A_121 = tpu.vector_load %arg9[%swap3A_120] {strides = array<i32>} : memref<128xi32, #tpu.memory_space<vmem>>, vector<16xi32>,
      tpu.vector_store %arg9[%swap3A_120], %select_n3A_119 {strides = array<i32>} : memref<128xi32, #tpu.memory_space<vmem>>, vector<16xi32>,
      %add3A_122 = arith.constant 32 : i32
      %add3A_123 = arith.addi %add3A_74, %add3A_122 : i32
      %add3A_124 = vector.broadcast %add3A_123 : i32 to vector<16xi32>
      %add3A_125 = arith.addi %add3A_124, %iota3A : vector<16xi32>
      %ge3A_126 = vector.broadcast %squeeze3A : i32 to vector<16xi32>
      %ge3A_127 = arith.cmpi sge, %add3A_125, %ge3A_126 : vector<16xi32>
      %lt3A_128 = vector.broadcast %squeeze3A_12 : i32 to vector<16xi32>
      %lt3A_129 = arith.cmpi slt, %add3A_125, %lt3A_128 : vector<16xi32>
      %and3A_130 = arith.andi %ge3A_127, %lt3A_129 : vector<16xi1>
      %get3A_131 = arith.constant 32 : index
      %get3A_132 = tpu.vector_load %arg10[%get3A_131] {strides = array<i32>} : memref<128xi32, #tpu.memory_space<vmem>>, vector<16xi32>,
      %sub3A_133 = vector.broadcast %mul3A_61 : i32 to vector<16xi32>
      %sub3A_134 = arith.subi %get3A_132, %sub3A_133 : vector<16xi32>
      %jit3A_135 = arith.constant 320 : i32
      %broadcast_in_dim3A_136 = vector.broadcast %jit3A_135 : i32 to vector<16xi32>
      %select_n3A_137 = arith.select %and3A_130, %sub3A_134, %broadcast_in_dim3A_136 : vector<16xi1>, vector<16xi32>
      %swap3A_138 = arith.constant 32 : index
      %swap3A_139 = tpu.vector_load %arg10[%swap3A_138] {strides = array<i32>} : memref<128xi32, #tpu.memory_space<vmem>>, vector<16xi32>,
      tpu.vector_store %arg10[%swap3A_138], %select_n3A_137 {strides = array<i32>} : memref<128xi32, #tpu.memory_space<vmem>>, vector<16xi32>,
      %get3A_140 = arith.constant 32 : index
      %get3A_141 = tpu.vector_load %arg9[%get3A_140] {strides = array<i32>} : memref<128xi32, #tpu.memory_space<vmem>>, vector<16xi32>,
      %jit3A_142 = arith.constant 0 : i32
      %broadcast_in_dim3A_143 = vector.broadcast %jit3A_142 : i32 to vector<16xi32>
      %select_n3A_144 = arith.select %and3A_130, %get3A_141, %broadcast_in_dim3A_143 : vector<16xi1>, vector<16xi32>
      %swap3A_145 = arith.constant 32 : index
      %swap3A_146 = tpu.vector_load %arg9[%swap3A_145] {strides = array<i32>} : memref<128xi32, #tpu.memory_space<vmem>>, vector<16xi32>,
      tpu.vector_store %arg9[%swap3A_145], %select_n3A_144 {strides = array<i32>} : memref<128xi32, #tpu.memory_space<vmem>>, vector<16xi32>,
      %add3A_147 = arith.constant 48 : i32
      %add3A_148 = arith.addi %add3A_74, %add3A_147 : i32
      %add3A_149 = vector.broadcast %add3A_148 : i32 to vector<16xi32>
      %add3A_150 = arith.addi %add3A_149, %iota3A : vector<16xi32>
      %ge3A_151 = vector.broadcast %squeeze3A : i32 to vector<16xi32>
      %ge3A_152 = arith.cmpi sge, %add3A_150, %ge3A_151 : vector<16xi32>
      %lt3A_153 = vector.broadcast %squeeze3A_12 : i32 to vector<16xi32>
      %lt3A_154 = arith.cmpi slt, %add3A_150, %lt3A_153 : vector<16xi32>
      %and3A_155 = arith.andi %ge3A_152, %lt3A_154 : vector<16xi1>
      %get3A_156 = arith.constant 48 : index
      %get3A_157 = tpu.vector_load %arg10[%get3A_156] {strides = array<i32>} : memref<128xi32, #tpu.memory_space<vmem>>, vector<16xi32>,
      %sub3A_158 = vector.broadcast %mul3A_61 : i32 to vector<16xi32>
      %sub3A_159 = arith.subi %get3A_157, %sub3A_158 : vector<16xi32>
      %jit3A_160 = arith.constant 320 : i32
      %broadcast_in_dim3A_161 = vector.broadcast %jit3A_160 : i32 to vector<16xi32>
      %select_n3A_162 = arith.select %and3A_155, %sub3A_159, %broadcast_in_dim3A_161 : vector<16xi1>, vector<16xi32>
      %swap3A_163 = arith.constant 48 : index
      %swap3A_164 = tpu.vector_load %arg10[%swap3A_163] {strides = array<i32>} : memref<128xi32, #tpu.memory_space<vmem>>, vector<16xi32>,
      tpu.vector_store %arg10[%swap3A_163], %select_n3A_162 {strides = array<i32>} : memref<128xi32, #tpu.memory_space<vmem>>, vector<16xi32>,
      %get3A_165 = arith.constant 48 : index
      %get3A_166 = tpu.vector_load %arg9[%get3A_165] {strides = array<i32>} : memref<128xi32, #tpu.memory_space<vmem>>, vector<16xi32>,
      %jit3A_167 = arith.constant 0 : i32
      %broadcast_in_dim3A_168 = vector.broadcast %jit3A_167 : i32 to vector<16xi32>
      %select_n3A_169 = arith.select %and3A_155, %get3A_166, %broadcast_in_dim3A_168 : vector<16xi1>, vector<16xi32>
      %swap3A_170 = arith.constant 48 : index
      %swap3A_171 = tpu.vector_load %arg9[%swap3A_170] {strides = array<i32>} : memref<128xi32, #tpu.memory_space<vmem>>, vector<16xi32>,
      tpu.vector_store %arg9[%swap3A_170], %select_n3A_169 {strides = array<i32>} : memref<128xi32, #tpu.memory_space<vmem>>, vector<16xi32>,
      %add3A_172 = arith.constant 64 : i32
      %add3A_173 = arith.addi %add3A_74, %add3A_172 : i32
      %add3A_174 = vector.broadcast %add3A_173 : i32 to vector<16xi32>
      %add3A_175 = arith.addi %add3A_174, %iota3A : vector<16xi32>
      %ge3A_176 = vector.broadcast %squeeze3A : i32 to vector<16xi32>
      %ge3A_177 = arith.cmpi sge, %add3A_175, %ge3A_176 : vector<16xi32>
      %lt3A_178 = vector.broadcast %squeeze3A_12 : i32 to vector<16xi32>
      %lt3A_179 = arith.cmpi slt, %add3A_175, %lt3A_178 : vector<16xi32>
      %and3A_180 = arith.andi %ge3A_177, %lt3A_179 : vector<16xi1>
      %get3A_181 = arith.constant 64 : index
      %get3A_182 = tpu.vector_load %arg10[%get3A_181] {strides = array<i32>} : memref<128xi32, #tpu.memory_space<vmem>>, vector<16xi32>,
      %sub3A_183 = vector.broadcast %mul3A_61 : i32 to vector<16xi32>
      %sub3A_184 = arith.subi %get3A_182, %sub3A_183 : vector<16xi32>
      %jit3A_185 = arith.constant 320 : i32
      %broadcast_in_dim3A_186 = vector.broadcast %jit3A_185 : i32 to vector<16xi32>
      %select_n3A_187 = arith.select %and3A_180, %sub3A_184, %broadcast_in_dim3A_186 : vector<16xi1>, vector<16xi32>
      %swap3A_188 = arith.constant 64 : index
      %swap3A_189 = tpu.vector_load %arg10[%swap3A_188] {strides = array<i32>} : memref<128xi32, #tpu.memory_space<vmem>>, vector<16xi32>,
      tpu.vector_store %arg10[%swap3A_188], %select_n3A_187 {strides = array<i32>} : memref<128xi32, #tpu.memory_space<vmem>>, vector<16xi32>,
      %get3A_190 = arith.constant 64 : index
      %get3A_191 = tpu.vector_load %arg9[%get3A_190] {strides = array<i32>} : memref<128xi32, #tpu.memory_space<vmem>>, vector<16xi32>,
      %jit3A_192 = arith.constant 0 : i32
      %broadcast_in_dim3A_193 = vector.broadcast %jit3A_192 : i32 to vector<16xi32>
      %select_n3A_194 = arith.select %and3A_180, %get3A_191, %broadcast_in_dim3A_193 : vector<16xi1>, vector<16xi32>
      %swap3A_195 = arith.constant 64 : index
      %swap3A_196 = tpu.vector_load %arg9[%swap3A_195] {strides = array<i32>} : memref<128xi32, #tpu.memory_space<vmem>>, vector<16xi32>,
      tpu.vector_store %arg9[%swap3A_195], %select_n3A_194 {strides = array<i32>} : memref<128xi32, #tpu.memory_space<vmem>>, vector<16xi32>,
      %add3A_197 = arith.constant 80 : i32
      %add3A_198 = arith.addi %add3A_74, %add3A_197 : i32
      %add3A_199 = vector.broadcast %add3A_198 : i32 to vector<16xi32>
      %add3A_200 = arith.addi %add3A_199, %iota3A : vector<16xi32>
      %ge3A_201 = vector.broadcast %squeeze3A : i32 to vector<16xi32>
      %ge3A_202 = arith.cmpi sge, %add3A_200, %ge3A_201 : vector<16xi32>
      %lt3A_203 = vector.broadcast %squeeze3A_12 : i32 to vector<16xi32>
      %lt3A_204 = arith.cmpi slt, %add3A_200, %lt3A_203 : vector<16xi32>
      %and3A_205 = arith.andi %ge3A_202, %lt3A_204 : vector<16xi1>
      %get3A_206 = arith.constant 80 : index
      %get3A_207 = tpu.vector_load %arg10[%get3A_206] {strides = array<i32>} : memref<128xi32, #tpu.memory_space<vmem>>, vector<16xi32>,
      %sub3A_208 = vector.broadcast %mul3A_61 : i32 to vector<16xi32>
      %sub3A_209 = arith.subi %get3A_207, %sub3A_208 : vector<16xi32>
      %jit3A_210 = arith.constant 320 : i32
      %broadcast_in_dim3A_211 = vector.broadcast %jit3A_210 : i32 to vector<16xi32>
      %select_n3A_212 = arith.select %and3A_205, %sub3A_209, %broadcast_in_dim3A_211 : vector<16xi1>, vector<16xi32>
      %swap3A_213 = arith.constant 80 : index
      %swap3A_214 = tpu.vector_load %arg10[%swap3A_213] {strides = array<i32>} : memref<128xi32, #tpu.memory_space<vmem>>, vector<16xi32>,
      tpu.vector_store %arg10[%swap3A_213], %select_n3A_212 {strides = array<i32>} : memref<128xi32, #tpu.memory_space<vmem>>, vector<16xi32>,
      %get3A_215 = arith.constant 80 : index
      %get3A_216 = tpu.vector_load %arg9[%get3A_215] {strides = array<i32>} : memref<128xi32, #tpu.memory_space<vmem>>, vector<16xi32>,
      %jit3A_217 = arith.constant 0 : i32
      %broadcast_in_dim3A_218 = vector.broadcast %jit3A_217 : i32 to vector<16xi32>
      %select_n3A_219 = arith.select %and3A_205, %get3A_216, %broadcast_in_dim3A_218 : vector<16xi1>, vector<16xi32>
      %swap3A_220 = arith.constant 80 : index
      %swap3A_221 = tpu.vector_load %arg9[%swap3A_220] {strides = array<i32>} : memref<128xi32, #tpu.memory_space<vmem>>, vector<16xi32>,
      tpu.vector_store %arg9[%swap3A_220], %select_n3A_219 {strides = array<i32>} : memref<128xi32, #tpu.memory_space<vmem>>, vector<16xi32>,
      %add3A_222 = arith.constant 96 : i32
      %add3A_223 = arith.addi %add3A_74, %add3A_222 : i32
      %add3A_224 = vector.broadcast %add3A_223 : i32 to vector<16xi32>
      %add3A_225 = arith.addi %add3A_224, %iota3A : vector<16xi32>
      %ge3A_226 = vector.broadcast %squeeze3A : i32 to vector<16xi32>
      %ge3A_227 = arith.cmpi sge, %add3A_225, %ge3A_226 : vector<16xi32>
      %lt3A_228 = vector.broadcast %squeeze3A_12 : i32 to vector<16xi32>
      %lt3A_229 = arith.cmpi slt, %add3A_225, %lt3A_228 : vector<16xi32>
      %and3A_230 = arith.andi %ge3A_227, %lt3A_229 : vector<16xi1>
      %get3A_231 = arith.constant 96 : index
      %get3A_232 = tpu.vector_load %arg10[%get3A_231] {strides = array<i32>} : memref<128xi32, #tpu.memory_space<vmem>>, vector<16xi32>,
      %sub3A_233 = vector.broadcast %mul3A_61 : i32 to vector<16xi32>
      %sub3A_234 = arith.subi %get3A_232, %sub3A_233 : vector<16xi32>
      %jit3A_235 = arith.constant 320 : i32
      %broadcast_in_dim3A_236 = vector.broadcast %jit3A_235 : i32 to vector<16xi32>
      %select_n3A_237 = arith.select %and3A_230, %sub3A_234, %broadcast_in_dim3A_236 : vector<16xi1>, vector<16xi32>
      %swap3A_238 = arith.constant 96 : index
      %swap3A_239 = tpu.vector_load %arg10[%swap3A_238] {strides = array<i32>} : memref<128xi32, #tpu.memory_space<vmem>>, vector<16xi32>,
      tpu.vector_store %arg10[%swap3A_238], %select_n3A_237 {strides = array<i32>} : memref<128xi32, #tpu.memory_space<vmem>>, vector<16xi32>,
      %get3A_240 = arith.constant 96 : index
      %get3A_241 = tpu.vector_load %arg9[%get3A_240] {strides = array<i32>} : memref<128xi32, #tpu.memory_space<vmem>>, vector<16xi32>,
      %jit3A_242 = arith.constant 0 : i32
      %broadcast_in_dim3A_243 = vector.broadcast %jit3A_242 : i32 to vector<16xi32>
      %select_n3A_244 = arith.select %and3A_230, %get3A_241, %broadcast_in_dim3A_243 : vector<16xi1>, vector<16xi32>
      %swap3A_245 = arith.constant 96 : index
      %swap3A_246 = tpu.vector_load %arg9[%swap3A_245] {strides = array<i32>} : memref<128xi32, #tpu.memory_space<vmem>>, vector<16xi32>,
      tpu.vector_store %arg9[%swap3A_245], %select_n3A_244 {strides = array<i32>} : memref<128xi32, #tpu.memory_space<vmem>>, vector<16xi32>,
      %add3A_247 = arith.constant 112 : i32
      %add3A_248 = arith.addi %add3A_74, %add3A_247 : i32
      %add3A_249 = vector.broadcast %add3A_248 : i32 to vector<16xi32>
      %add3A_250 = arith.addi %add3A_249, %iota3A : vector<16xi32>
      %ge3A_251 = vector.broadcast %squeeze3A : i32 to vector<16xi32>
      %ge3A_252 = arith.cmpi sge, %add3A_250, %ge3A_251 : vector<16xi32>
      %lt3A_253 = vector.broadcast %squeeze3A_12 : i32 to vector<16xi32>
      %lt3A_254 = arith.cmpi slt, %add3A_250, %lt3A_253 : vector<16xi32>
      %and3A_255 = arith.andi %ge3A_252, %lt3A_254 : vector<16xi1>
      %get3A_256 = arith.constant 112 : index
      %get3A_257 = tpu.vector_load %arg10[%get3A_256] {strides = array<i32>} : memref<128xi32, #tpu.memory_space<vmem>>, vector<16xi32>,
      %sub3A_258 = vector.broadcast %mul3A_61 : i32 to vector<16xi32>
      %sub3A_259 = arith.subi %get3A_257, %sub3A_258 : vector<16xi32>
      %jit3A_260 = arith.constant 320 : i32
      %broadcast_in_dim3A_261 = vector.broadcast %jit3A_260 : i32 to vector<16xi32>
      %select_n3A_262 = arith.select %and3A_255, %sub3A_259, %broadcast_in_dim3A_261 : vector<16xi1>, vector<16xi32>
      %swap3A_263 = arith.constant 112 : index
      %swap3A_264 = tpu.vector_load %arg10[%swap3A_263] {strides = array<i32>} : memref<128xi32, #tpu.memory_space<vmem>>, vector<16xi32>,
      tpu.vector_store %arg10[%swap3A_263], %select_n3A_262 {strides = array<i32>} : memref<128xi32, #tpu.memory_space<vmem>>, vector<16xi32>,
      %get3A_265 = arith.constant 112 : index
      %get3A_266 = tpu.vector_load %arg9[%get3A_265] {strides = array<i32>} : memref<128xi32, #tpu.memory_space<vmem>>, vector<16xi32>,
      %jit3A_267 = arith.constant 0 : i32
      %broadcast_in_dim3A_268 = vector.broadcast %jit3A_267 : i32 to vector<16xi32>
      %select_n3A_269 = arith.select %and3A_255, %get3A_266, %broadcast_in_dim3A_268 : vector<16xi1>, vector<16xi32>
      %swap3A_270 = arith.constant 112 : index
      %swap3A_271 = tpu.vector_load %arg9[%swap3A_270] {strides = array<i32>} : memref<128xi32, #tpu.memory_space<vmem>>, vector<16xi32>,
      tpu.vector_store %arg9[%swap3A_270], %select_n3A_269 {strides = array<i32>} : memref<128xi32, #tpu.memory_space<vmem>>, vector<16xi32>,
      %dma_start3A = arith.constant 0 : i32
      %dma_start3A_272 = arith.constant 0 : i32
      %dma_start3A_273 = tpu.memref_slice %arg5[%dma_start3A, %dma_start3A_272] : memref<10240x256xf32, #tpu.memory_space<hbm>> -> memref<10240x256xf32, #tpu.memory_space<hbm>>
      tpu.enqueue_indirect_dma source(%dma_start3A_273 : memref<10240x256xf32, #tpu.memory_space<hbm>>) target(%arg11 : memref<128x256xf32, #tpu.memory_space<vmem>>) offsets(%arg9 : memref<128xi32, #tpu.memory_space<vmem>>) semaphore(%arg13 : memref<!tpu.dma_semaphore, #tpu.memory_space<semaphore_mem>>)
      %dma_wait3A = arith.constant 0 : i32
      %dma_wait3A_274 = arith.constant 0 : i32
      %dma_wait3A_275 = tpu.memref_slice %arg5[%dma_wait3A, %dma_wait3A_274] : memref<10240x256xf32, #tpu.memory_space<hbm>> -> memref<10240x256xf32, #tpu.memory_space<hbm>>
      tpu.wait_indirect_dma semaphore(%arg13 : memref<!tpu.dma_semaphore, #tpu.memory_space<semaphore_mem>>) src(%dma_wait3A_275 : memref<10240x256xf32, #tpu.memory_space<hbm>>) dst(%arg11 : memref<128x256xf32, #tpu.memory_space<vmem>>)
      %scan3A = arith.constant 0 : i32
      %scan3A_276 = arith.constant 0 : i32
      %scan3A_277 = arith.constant 128 : i32
      %scan3A_278 = arith.addi %scan3A_276, %scan3A_277 : i32
      %scan3A_279 = arith.constant 1 : i32
      scf.for %scan3A_281 = %scan3A_276 to %scan3A_278 step %scan3A_279  : i32 {
        %broadcast_in_dim3A_282 = vector.broadcast %scan3A_281 : i32 to vector<16xi32>
        %gather3A = tpu.vector_load_idx %arg10[%broadcast_in_dim3A_282] : memref<128xi32, #tpu.memory_space<vmem>>[vector<16xi32>], vector<16xi32>,
        %get3A_283 = arith.index_cast %scan3A_281 : i32 to index
        %get3A_284 = arith.constant 0 : index
        %get3A_285 = tpu.vector_load %arg11[%get3A_283, %get3A_284] {strides = array<i32>} : memref<128x256xf32, #tpu.memory_space<vmem>>, vector<16xf32>,
        %add3A_286 = arith.constant 0 : i32
        %add3A_287 = vector.broadcast %add3A_286 : i32 to vector<16xi32>
        %add3A_288 = arith.addi %add3A_287, %iota3A : vector<16xi32>
        tpu.vector_store_idx %arg12[%gather3A, %add3A_288], %get3A_285 {add = true} : memref<328x256xf32, #tpu.memory_space<vmem>>[vector<16xi32>, vector<16xi32>], vector<16xf32>,
        %get3A_289 = arith.index_cast %scan3A_281 : i32 to index
        %get3A_290 = arith.constant 16 : index
        %get3A_291 = tpu.vector_load %arg11[%get3A_289, %get3A_290] {strides = array<i32>} : memref<128x256xf32, #tpu.memory_space<vmem>>, vector<16xf32>,
        %add3A_292 = arith.constant 16 : i32
        %add3A_293 = vector.broadcast %add3A_292 : i32 to vector<16xi32>
        %add3A_294 = arith.addi %add3A_293, %iota3A : vector<16xi32>
        tpu.vector_store_idx %arg12[%gather3A, %add3A_294], %get3A_291 {add = true} : memref<328x256xf32, #tpu.memory_space<vmem>>[vector<16xi32>, vector<16xi32>], vector<16xf32>,
        %get3A_295 = arith.index_cast %scan3A_281 : i32 to index
        %get3A_296 = arith.constant 32 : index
        %get3A_297 = tpu.vector_load %arg11[%get3A_295, %get3A_296] {strides = array<i32>} : memref<128x256xf32, #tpu.memory_space<vmem>>, vector<16xf32>,
        %add3A_298 = arith.constant 32 : i32
        %add3A_299 = vector.broadcast %add3A_298 : i32 to vector<16xi32>
        %add3A_300 = arith.addi %add3A_299, %iota3A : vector<16xi32>
        tpu.vector_store_idx %arg12[%gather3A, %add3A_300], %get3A_297 {add = true} : memref<328x256xf32, #tpu.memory_space<vmem>>[vector<16xi32>, vector<16xi32>], vector<16xf32>,
        %get3A_301 = arith.index_cast %scan3A_281 : i32 to index
        %get3A_302 = arith.constant 48 : index
        %get3A_303 = tpu.vector_load %arg11[%get3A_301, %get3A_302] {strides = array<i32>} : memref<128x256xf32, #tpu.memory_space<vmem>>, vector<16xf32>,
        %add3A_304 = arith.constant 48 : i32
        %add3A_305 = vector.broadcast %add3A_304 : i32 to vector<16xi32>
        %add3A_306 = arith.addi %add3A_305, %iota3A : vector<16xi32>
        tpu.vector_store_idx %arg12[%gather3A, %add3A_306], %get3A_303 {add = true} : memref<328x256xf32, #tpu.memory_space<vmem>>[vector<16xi32>, vector<16xi32>], vector<16xf32>,
        %get3A_307 = arith.index_cast %scan3A_281 : i32 to index
        %get3A_308 = arith.constant 64 : index
        %get3A_309 = tpu.vector_load %arg11[%get3A_307, %get3A_308] {strides = array<i32>} : memref<128x256xf32, #tpu.memory_space<vmem>>, vector<16xf32>,
        %add3A_310 = arith.constant 64 : i32
        %add3A_311 = vector.broadcast %add3A_310 : i32 to vector<16xi32>
        %add3A_312 = arith.addi %add3A_311, %iota3A : vector<16xi32>
        tpu.vector_store_idx %arg12[%gather3A, %add3A_312], %get3A_309 {add = true} : memref<328x256xf32, #tpu.memory_space<vmem>>[vector<16xi32>, vector<16xi32>], vector<16xf32>,
        %get3A_313 = arith.index_cast %scan3A_281 : i32 to index
        %get3A_314 = arith.constant 80 : index
        %get3A_315 = tpu.vector_load %arg11[%get3A_313, %get3A_314] {strides = array<i32>} : memref<128x256xf32, #tpu.memory_space<vmem>>, vector<16xf32>,
        %add3A_316 = arith.constant 80 : i32
        %add3A_317 = vector.broadcast %add3A_316 : i32 to vector<16xi32>
        %add3A_318 = arith.addi %add3A_317, %iota3A : vector<16xi32>
        tpu.vector_store_idx %arg12[%gather3A, %add3A_318], %get3A_315 {add = true} : memref<328x256xf32, #tpu.memory_space<vmem>>[vector<16xi32>, vector<16xi32>], vector<16xf32>,
        %get3A_319 = arith.index_cast %scan3A_281 : i32 to index
        %get3A_320 = arith.constant 96 : index
        %get3A_321 = tpu.vector_load %arg11[%get3A_319, %get3A_320] {strides = array<i32>} : memref<128x256xf32, #tpu.memory_space<vmem>>, vector<16xf32>,
        %add3A_322 = arith.constant 96 : i32
        %add3A_323 = vector.broadcast %add3A_322 : i32 to vector<16xi32>
        %add3A_324 = arith.addi %add3A_323, %iota3A : vector<16xi32>
        tpu.vector_store_idx %arg12[%gather3A, %add3A_324], %get3A_321 {add = true} : memref<328x256xf32, #tpu.memory_space<vmem>>[vector<16xi32>, vector<16xi32>], vector<16xf32>,
        %get3A_325 = arith.index_cast %scan3A_281 : i32 to index
        %get3A_326 = arith.constant 112 : index
        %get3A_327 = tpu.vector_load %arg11[%get3A_325, %get3A_326] {strides = array<i32>} : memref<128x256xf32, #tpu.memory_space<vmem>>, vector<16xf32>,
        %add3A_328 = arith.constant 112 : i32
        %add3A_329 = vector.broadcast %add3A_328 : i32 to vector<16xi32>
        %add3A_330 = arith.addi %add3A_329, %iota3A : vector<16xi32>
        tpu.vector_store_idx %arg12[%gather3A, %add3A_330], %get3A_327 {add = true} : memref<328x256xf32, #tpu.memory_space<vmem>>[vector<16xi32>, vector<16xi32>], vector<16xf32>,
        %get3A_331 = arith.index_cast %scan3A_281 : i32 to index
        %get3A_332 = arith.constant 128 : index
        %get3A_333 = tpu.vector_load %arg11[%get3A_331, %get3A_332] {strides = array<i32>} : memref<128x256xf32, #tpu.memory_space<vmem>>, vector<16xf32>,
        %add3A_334 = arith.constant 128 : i32
        %add3A_335 = vector.broadcast %add3A_334 : i32 to vector<16xi32>
        %add3A_336 = arith.addi %add3A_335, %iota3A : vector<16xi32>
        tpu.vector_store_idx %arg12[%gather3A, %add3A_336], %get3A_333 {add = true} : memref<328x256xf32, #tpu.memory_space<vmem>>[vector<16xi32>, vector<16xi32>], vector<16xf32>,
        %get3A_337 = arith.index_cast %scan3A_281 : i32 to index
        %get3A_338 = arith.constant 144 : index
        %get3A_339 = tpu.vector_load %arg11[%get3A_337, %get3A_338] {strides = array<i32>} : memref<128x256xf32, #tpu.memory_space<vmem>>, vector<16xf32>,
        %add3A_340 = arith.constant 144 : i32
        %add3A_341 = vector.broadcast %add3A_340 : i32 to vector<16xi32>
        %add3A_342 = arith.addi %add3A_341, %iota3A : vector<16xi32>
        tpu.vector_store_idx %arg12[%gather3A, %add3A_342], %get3A_339 {add = true} : memref<328x256xf32, #tpu.memory_space<vmem>>[vector<16xi32>, vector<16xi32>], vector<16xf32>,
        %get3A_343 = arith.index_cast %scan3A_281 : i32 to index
        %get3A_344 = arith.constant 160 : index
        %get3A_345 = tpu.vector_load %arg11[%get3A_343, %get3A_344] {strides = array<i32>} : memref<128x256xf32, #tpu.memory_space<vmem>>, vector<16xf32>,
        %add3A_346 = arith.constant 160 : i32
        %add3A_347 = vector.broadcast %add3A_346 : i32 to vector<16xi32>
        %add3A_348 = arith.addi %add3A_347, %iota3A : vector<16xi32>
        tpu.vector_store_idx %arg12[%gather3A, %add3A_348], %get3A_345 {add = true} : memref<328x256xf32, #tpu.memory_space<vmem>>[vector<16xi32>, vector<16xi32>], vector<16xf32>,
        %get3A_349 = arith.index_cast %scan3A_281 : i32 to index
        %get3A_350 = arith.constant 176 : index
        %get3A_351 = tpu.vector_load %arg11[%get3A_349, %get3A_350] {strides = array<i32>} : memref<128x256xf32, #tpu.memory_space<vmem>>, vector<16xf32>,
        %add3A_352 = arith.constant 176 : i32
        %add3A_353 = vector.broadcast %add3A_352 : i32 to vector<16xi32>
        %add3A_354 = arith.addi %add3A_353, %iota3A : vector<16xi32>
        tpu.vector_store_idx %arg12[%gather3A, %add3A_354], %get3A_351 {add = true} : memref<328x256xf32, #tpu.memory_space<vmem>>[vector<16xi32>, vector<16xi32>], vector<16xf32>,
        %get3A_355 = arith.index_cast %scan3A_281 : i32 to index
        %get3A_356 = arith.constant 192 : index
        %get3A_357 = tpu.vector_load %arg11[%get3A_355, %get3A_356] {strides = array<i32>} : memref<128x256xf32, #tpu.memory_space<vmem>>, vector<16xf32>,
        %add3A_358 = arith.constant 192 : i32
        %add3A_359 = vector.broadcast %add3A_358 : i32 to vector<16xi32>
        %add3A_360 = arith.addi %add3A_359, %iota3A : vector<16xi32>
        tpu.vector_store_idx %arg12[%gather3A, %add3A_360], %get3A_357 {add = true} : memref<328x256xf32, #tpu.memory_space<vmem>>[vector<16xi32>, vector<16xi32>], vector<16xf32>,
        %get3A_361 = arith.index_cast %scan3A_281 : i32 to index
        %get3A_362 = arith.constant 208 : index
        %get3A_363 = tpu.vector_load %arg11[%get3A_361, %get3A_362] {strides = array<i32>} : memref<128x256xf32, #tpu.memory_space<vmem>>, vector<16xf32>,
        %add3A_364 = arith.constant 208 : i32
        %add3A_365 = vector.broadcast %add3A_364 : i32 to vector<16xi32>
        %add3A_366 = arith.addi %add3A_365, %iota3A : vector<16xi32>
        tpu.vector_store_idx %arg12[%gather3A, %add3A_366], %get3A_363 {add = true} : memref<328x256xf32, #tpu.memory_space<vmem>>[vector<16xi32>, vector<16xi32>], vector<16xf32>,
        %get3A_367 = arith.index_cast %scan3A_281 : i32 to index
        %get3A_368 = arith.constant 224 : index
        %get3A_369 = tpu.vector_load %arg11[%get3A_367, %get3A_368] {strides = array<i32>} : memref<128x256xf32, #tpu.memory_space<vmem>>, vector<16xf32>,
        %add3A_370 = arith.constant 224 : i32
        %add3A_371 = vector.broadcast %add3A_370 : i32 to vector<16xi32>
        %add3A_372 = arith.addi %add3A_371, %iota3A : vector<16xi32>
        tpu.vector_store_idx %arg12[%gather3A, %add3A_372], %get3A_369 {add = true} : memref<328x256xf32, #tpu.memory_space<vmem>>[vector<16xi32>, vector<16xi32>], vector<16xf32>,
        %get3A_373 = arith.index_cast %scan3A_281 : i32 to index
        %get3A_374 = arith.constant 240 : index
        %get3A_375 = tpu.vector_load %arg11[%get3A_373, %get3A_374] {strides = array<i32>} : memref<128x256xf32, #tpu.memory_space<vmem>>, vector<16xf32>,
        %add3A_376 = arith.constant 240 : i32
        %add3A_377 = vector.broadcast %add3A_376 : i32 to vector<16xi32>
        %add3A_378 = arith.addi %add3A_377, %iota3A : vector<16xi32>
        tpu.vector_store_idx %arg12[%gather3A, %add3A_378], %get3A_375 {add = true} : memref<328x256xf32, #tpu.memory_space<vmem>>[vector<16xi32>, vector<16xi32>], vector<16xf32>,
      }
      %scan3A_280 = arith.constant 128 : i32
    }
    "tpu.region"() ({
      %run_scoped3A = tpu.sem_alloc : memref<!tpu.dma_semaphore, #tpu.memory_space<semaphore_mem>>
      %dma_start3A = arith.constant 0 : i32
      %dma_start3A_71 = arith.constant 0 : i32
      %dma_start3A_72 = tpu.memref_slice %arg12[%dma_start3A, %dma_start3A_71] : memref<328x256xf32, #tpu.memory_space<vmem>> -> memref<320x256xf32, #tpu.memory_space<vmem>>
      %dma_start3A_73 = arith.constant 0 : i32
      %dma_start3A_74 = tpu.memref_slice %arg7[%mul3A_61, %dma_start3A_73] : memref<10240x256xf32, #tpu.memory_space<hbm>> -> memref<320x256xf32, #tpu.memory_space<hbm>>
      %dma_start3A_75 = arith.constant 0 : i32
      %dma_start3A_76 = tpu.memref_slice %arg7[%mul3A_61, %dma_start3A_75] : memref<10240x256xf32, #tpu.memory_space<hbm>> -> memref<320x256xf32, #tpu.memory_space<hbm>>
      %dma_start3A_77 = arith.constant 0 : i32
      %dma_start3A_78 = arith.constant 0 : i32
      %dma_start3A_79 = tpu.memref_slice %arg12[%dma_start3A_77, %dma_start3A_78] : memref<328x256xf32, #tpu.memory_space<vmem>> -> memref<320x256xf32, #tpu.memory_space<vmem>>
      tpu.enqueue_dma source(%dma_start3A_79 : memref<320x256xf32, #tpu.memory_space<vmem>>) target(%dma_start3A_76 : memref<320x256xf32, #tpu.memory_space<hbm>>) target_semaphore(%run_scoped3A : memref<!tpu.dma_semaphore, #tpu.memory_space<semaphore_mem>>)
      %dma_wait3A = arith.constant 0 : i32
      %dma_wait3A_80 = arith.constant 0 : i32
      %dma_wait3A_81 = tpu.memref_slice %arg12[%dma_wait3A, %dma_wait3A_80] : memref<328x256xf32, #tpu.memory_space<vmem>> -> memref<320x256xf32, #tpu.memory_space<vmem>>
      %dma_wait3A_82 = arith.constant 0 : i32
      %dma_wait3A_83 = tpu.memref_slice %arg7[%mul3A_61, %dma_wait3A_82] : memref<10240x256xf32, #tpu.memory_space<hbm>> -> memref<320x256xf32, #tpu.memory_space<hbm>>
      %dma_wait3A_84 = arith.constant 0 : i32
      %dma_wait3A_85 = tpu.memref_slice %arg7[%mul3A_61, %dma_wait3A_84] : memref<10240x256xf32, #tpu.memory_space<hbm>> -> memref<320x256xf32, #tpu.memory_space<hbm>>
      %dma_wait3A_86 = arith.constant 0 : i32
      %dma_wait3A_87 = arith.constant 0 : i32
      %dma_wait3A_88 = tpu.memref_slice %arg12[%dma_wait3A_86, %dma_wait3A_87] : memref<328x256xf32, #tpu.memory_space<vmem>> -> memref<320x256xf32, #tpu.memory_space<vmem>>
      tpu.wait_dma2 semaphore(%run_scoped3A : memref<!tpu.dma_semaphore, #tpu.memory_space<semaphore_mem>>) src(%dma_wait3A_88 : memref<320x256xf32, #tpu.memory_space<vmem>>) dst(%dma_wait3A_85 : memref<320x256xf32, #tpu.memory_space<hbm>>)
      tpu.yield
    }) : () -> ()
    return
  }
}

module attributes {stable_mosaic.version = 14 : i64} {
  func.func @_encoder_body(%arg0: i32, %arg1: memref<1x1x1024xi32, #tpu.memory_space<vmem>>, %arg2: memref<1024x140xf32, #tpu.memory_space<vmem>>, %arg3: memref<128x128xf32, #tpu.memory_space<vmem>>, %arg4: memref<140x128xf32, #tpu.memory_space<vmem>>, %arg5: memref<1x128xf32, #tpu.memory_space<vmem>>, %arg6: memref<1x128xf32, #tpu.memory_space<vmem>>, %arg7: memref<128x256xf32, #tpu.memory_space<vmem>>, %arg8: memref<1x256xf32, #tpu.memory_space<vmem>>, %arg9: memref<1024x256xf32, #tpu.memory_space<vmem>>) attributes {dimension_semantics = [#tpu.dimension_semantics<arbitrary>], iteration_bounds = array<i64: 10>, scalar_prefetch = 0 : i64, scratch_operands = 0 : i64, tpu.core_type = #tpu.core_type<tc>, window_params = [{transform_indices = @transform_0, window_bounds = array<i64: 1, 1, 1024>}, {transform_indices = @transform_1, window_bounds = array<i64: 1024, 140>}, {pipeline_mode = #tpu.pipeline_mode<synchronous>, transform_indices = @transform_2, window_bounds = array<i64: 128, 128>}, {pipeline_mode = #tpu.pipeline_mode<synchronous>, transform_indices = @transform_3, window_bounds = array<i64: 140, 128>}, {pipeline_mode = #tpu.pipeline_mode<synchronous>, transform_indices = @transform_4, window_bounds = array<i64: 1, 128>}, {pipeline_mode = #tpu.pipeline_mode<synchronous>, transform_indices = @transform_5, window_bounds = array<i64: 1, 128>}, {pipeline_mode = #tpu.pipeline_mode<synchronous>, transform_indices = @transform_6, window_bounds = array<i64: 128, 256>}, {pipeline_mode = #tpu.pipeline_mode<synchronous>, transform_indices = @transform_7, window_bounds = array<i64: 1, 256>}, {transform_indices = @transform_8, window_bounds = array<i64: 1024, 256>}]} {
    %get3A = arith.constant 0 : index
    %get3A_0 = arith.constant 0 : index
    %get3A_1 = arith.constant 0 : index
    %get3A_2 = vector.load %arg1[%get3A, %get3A_0, %get3A_1] : memref<1x1x1024xi32, #tpu.memory_space<vmem>>, vector<1x1x1024xi32>
    %get3A_3 = vector.shape_cast %get3A_2 : vector<1x1x1024xi32> to vector<1024xi32>
    %broadcast_in_dim3A = vector.shape_cast %get3A_3 : vector<1024xi32> to vector<1024x1xi32>
    %iota3A = tpu.iota {dimensions = array<i32: 1>} : vector<1024x128xi32>
    %eq3A = vector.broadcast %broadcast_in_dim3A : vector<1024x1xi32> to vector<1024x128xi32>
    %eq3A_4 = arith.cmpi eq, %eq3A, %iota3A : vector<1024x128xi32>
    %convert_element_type3A = arith.extui %eq3A_4 : vector<1024x128xi1> to vector<1024x128xi32>
    %convert_element_type3A_5 = arith.sitofp %convert_element_type3A : vector<1024x128xi32> to vector<1024x128xf32>
    %get3A_6 = arith.constant 0 : index
    %get3A_7 = arith.constant 0 : index
    %get3A_8 = vector.load %arg3[%get3A_6, %get3A_7] : memref<128x128xf32, #tpu.memory_space<vmem>>, vector<128x128xf32>
    %dot_general3A = arith.constant dense<0.000000e+00> : vector<1024x128xf32>
    %dot_general3A_9 = tpu.matmul %convert_element_type3A_5, %get3A_8, %dot_general3A {dimension_numbers = #tpu.dot_dimension_numbers<[1], [0], [0], [1], [0, 0, 1, 1], [], []>, precision = #tpu.contract_precision<fp32>, transpose_lhs_hint = false} : vector<1024x128xf32>, vector<128x128xf32>, vector<1024x128xf32> -> vector<1024x128xf32>
    %get3A_10 = arith.constant 0 : index
    %get3A_11 = arith.constant 0 : index
    %get3A_12 = vector.load %arg2[%get3A_10, %get3A_11] : memref<1024x140xf32, #tpu.memory_space<vmem>>, vector<1024x140xf32>
    %get3A_13 = arith.constant 0 : index
    %get3A_14 = arith.constant 0 : index
    %get3A_15 = vector.load %arg4[%get3A_13, %get3A_14] : memref<140x128xf32, #tpu.memory_space<vmem>>, vector<140x128xf32>
    %dot_general3A_16 = arith.constant dense<0.000000e+00> : vector<1024x128xf32>
    %dot_general3A_17 = tpu.matmul %get3A_12, %get3A_15, %dot_general3A_16 {dimension_numbers = #tpu.dot_dimension_numbers<[1], [0], [0], [1], [0, 0, 1, 1], [], []>, transpose_lhs_hint = false} : vector<1024x140xf32>, vector<140x128xf32>, vector<1024x128xf32> -> vector<1024x128xf32>
    %add3A = arith.addf %dot_general3A_9, %dot_general3A_17 : vector<1024x128xf32>
    %reduce_sum3A = arith.constant dense<0.000000e+00> : vector<1024xf32>
    %reduce_sum3A_18 = vector.multi_reduction <add>, %add3A, %reduce_sum3A [1] : vector<1024x128xf32> to vector<1024xf32>
    %broadcast_in_dim3A_19 = vector.shape_cast %reduce_sum3A_18 : vector<1024xf32> to vector<1024x1xf32>
    %div3A = arith.constant 1.280000e+02 : f32
    %div3A_20 = vector.broadcast %div3A : f32 to vector<1024x1xf32>
    %div3A_21 = arith.divf %broadcast_in_dim3A_19, %div3A_20 : vector<1024x1xf32>
    %sub3A = vector.broadcast %div3A_21 : vector<1024x1xf32> to vector<1024x128xf32>
    %sub3A_22 = arith.subf %add3A, %sub3A : vector<1024x128xf32>
    %integer_pow3A = arith.mulf %sub3A_22, %sub3A_22 : vector<1024x128xf32>
    %reduce_sum3A_23 = arith.constant dense<0.000000e+00> : vector<1024xf32>
    %reduce_sum3A_24 = vector.multi_reduction <add>, %integer_pow3A, %reduce_sum3A_23 [1] : vector<1024x128xf32> to vector<1024xf32>
    %broadcast_in_dim3A_25 = vector.shape_cast %reduce_sum3A_24 : vector<1024xf32> to vector<1024x1xf32>
    %div3A_26 = arith.constant 1.280000e+02 : f32
    %div3A_27 = vector.broadcast %div3A_26 : f32 to vector<1024x1xf32>
    %div3A_28 = arith.divf %broadcast_in_dim3A_25, %div3A_27 : vector<1024x1xf32>
    %sub3A_29 = vector.broadcast %div3A_21 : vector<1024x1xf32> to vector<1024x128xf32>
    %sub3A_30 = arith.subf %add3A, %sub3A_29 : vector<1024x128xf32>
    %add3A_31 = arith.constant 9.99999996E-13 : f32
    %add3A_32 = vector.broadcast %add3A_31 : f32 to vector<1024x1xf32>
    %add3A_33 = arith.addf %div3A_28, %add3A_32 : vector<1024x1xf32>
    %rsqrt3A = math.rsqrt %add3A_33 : vector<1024x1xf32>
    %mul3A = vector.broadcast %rsqrt3A : vector<1024x1xf32> to vector<1024x128xf32>
    %mul3A_34 = arith.mulf %sub3A_30, %mul3A : vector<1024x128xf32>
    %get3A_35 = arith.constant 0 : index
    %get3A_36 = arith.constant 0 : index
    %get3A_37 = vector.load %arg5[%get3A_35, %get3A_36] : memref<1x128xf32, #tpu.memory_space<vmem>>, vector<1x128xf32>
    %mul3A_38 = vector.broadcast %get3A_37 : vector<1x128xf32> to vector<1024x128xf32>
    %mul3A_39 = arith.mulf %mul3A_34, %mul3A_38 : vector<1024x128xf32>
    %get3A_40 = arith.constant 0 : index
    %get3A_41 = arith.constant 0 : index
    %get3A_42 = vector.load %arg6[%get3A_40, %get3A_41] : memref<1x128xf32, #tpu.memory_space<vmem>>, vector<1x128xf32>
    %add3A_43 = vector.broadcast %get3A_42 : vector<1x128xf32> to vector<1024x128xf32>
    %add3A_44 = arith.addf %mul3A_39, %add3A_43 : vector<1024x128xf32>
    %get3A_45 = arith.constant 0 : index
    %get3A_46 = arith.constant 0 : index
    %get3A_47 = vector.load %arg7[%get3A_45, %get3A_46] : memref<128x256xf32, #tpu.memory_space<vmem>>, vector<128x256xf32>
    %dot_general3A_48 = arith.constant dense<0.000000e+00> : vector<1024x256xf32>
    %dot_general3A_49 = tpu.matmul %add3A_44, %get3A_47, %dot_general3A_48 {dimension_numbers = #tpu.dot_dimension_numbers<[1], [0], [0], [1], [0, 0, 1, 1], [], []>, transpose_lhs_hint = false} : vector<1024x128xf32>, vector<128x256xf32>, vector<1024x256xf32> -> vector<1024x256xf32>
    %get3A_50 = arith.constant 0 : index
    %get3A_51 = arith.constant 0 : index
    %get3A_52 = vector.load %arg8[%get3A_50, %get3A_51] : memref<1x256xf32, #tpu.memory_space<vmem>>, vector<1x256xf32>
    %add3A_53 = vector.broadcast %get3A_52 : vector<1x256xf32> to vector<1024x256xf32>
    %add3A_54 = arith.addf %dot_general3A_49, %add3A_53 : vector<1024x256xf32>
    %max3A = arith.constant 0.000000e+00 : f32
    %max3A_55 = vector.broadcast %max3A : f32 to vector<1024x256xf32>
    %max3A_56 = arith.maximumf %add3A_54, %max3A_55 : vector<1024x256xf32>
    %swap3A = arith.constant 0 : index
    %swap3A_57 = arith.constant 0 : index
    %swap3A_58 = vector.load %arg9[%swap3A, %swap3A_57] : memref<1024x256xf32, #tpu.memory_space<vmem>>, vector<1024x256xf32>
    tpu.vector_store %arg9[%swap3A, %swap3A_57], %max3A_56 {strides = array<i32>} : memref<1024x256xf32, #tpu.memory_space<vmem>>, vector<1024x256xf32>,
    return
  }
  func.func @transform_0(%arg0: i32) -> (i32, i32, i32) {
    %c0_i32 = arith.constant 0 : i32
    %c0_i32_0 = arith.constant 0 : i32
    %c0_i32_1 = arith.constant 0 : i32
    return %arg0, %c0_i32, %c0_i32_0 : i32, i32, i32
  }
  func.func @transform_1(%arg0: i32) -> (i32, i32) {
    %c0_i32 = arith.constant 0 : i32
    %c0_i32_0 = arith.constant 0 : i32
    return %arg0, %c0_i32 : i32, i32
  }
  func.func @transform_2(%arg0: i32) -> (i32, i32) {
    %c0_i32 = arith.constant 0 : i32
    %c0_i32_0 = arith.constant 0 : i32
    %c0_i32_1 = arith.constant 0 : i32
    return %c0_i32, %c0_i32_0 : i32, i32
  }
  func.func @transform_3(%arg0: i32) -> (i32, i32) {
    %c0_i32 = arith.constant 0 : i32
    %c0_i32_0 = arith.constant 0 : i32
    %c0_i32_1 = arith.constant 0 : i32
    return %c0_i32, %c0_i32_0 : i32, i32
  }
  func.func @transform_4(%arg0: i32) -> (i32, i32) {
    %c0_i32 = arith.constant 0 : i32
    %c0_i32_0 = arith.constant 0 : i32
    %c0_i32_1 = arith.constant 0 : i32
    return %c0_i32, %c0_i32_0 : i32, i32
  }
  func.func @transform_5(%arg0: i32) -> (i32, i32) {
    %c0_i32 = arith.constant 0 : i32
    %c0_i32_0 = arith.constant 0 : i32
    %c0_i32_1 = arith.constant 0 : i32
    return %c0_i32, %c0_i32_0 : i32, i32
  }
  func.func @transform_6(%arg0: i32) -> (i32, i32) {
    %c0_i32 = arith.constant 0 : i32
    %c0_i32_0 = arith.constant 0 : i32
    %c0_i32_1 = arith.constant 0 : i32
    return %c0_i32, %c0_i32_0 : i32, i32
  }
  func.func @transform_7(%arg0: i32) -> (i32, i32) {
    %c0_i32 = arith.constant 0 : i32
    %c0_i32_0 = arith.constant 0 : i32
    %c0_i32_1 = arith.constant 0 : i32
    return %c0_i32, %c0_i32_0 : i32, i32
  }
  func.func @transform_8(%arg0: i32) -> (i32, i32) {
    %c0_i32 = arith.constant 0 : i32
    %c0_i32_0 = arith.constant 0 : i32
    return %arg0, %c0_i32 : i32, i32
  }
}

module attributes {stable_mosaic.version = 14 : i64} {
  func.func @_layer_body(%arg0: i32, %arg1: memref<1024x256xf32, #tpu.memory_space<vmem>>, %arg2: memref<1024x16xf32, #tpu.memory_space<vmem>>, %arg3: memref<1024x256xf32, #tpu.memory_space<vmem>>, %arg4: memref<256x256xf32, #tpu.memory_space<vmem>>, %arg5: memref<1x256xf32, #tpu.memory_space<vmem>>, %arg6: memref<256x256xf32, #tpu.memory_space<vmem>>, %arg7: memref<1024x256xf32, #tpu.memory_space<vmem>>) attributes {dimension_semantics = [#tpu.dimension_semantics<arbitrary>], iteration_bounds = array<i64: 10>, scalar_prefetch = 0 : i64, scratch_operands = 0 : i64, tpu.core_type = #tpu.core_type<tc>, window_params = [{transform_indices = @transform_0, window_bounds = array<i64: 1024, 256>}, {transform_indices = @transform_1, window_bounds = array<i64: 1024, 16>}, {transform_indices = @transform_2, window_bounds = array<i64: 1024, 256>}, {pipeline_mode = #tpu.pipeline_mode<synchronous>, transform_indices = @transform_3, window_bounds = array<i64: 256, 256>}, {pipeline_mode = #tpu.pipeline_mode<synchronous>, transform_indices = @transform_4, window_bounds = array<i64: 1, 256>}, {pipeline_mode = #tpu.pipeline_mode<synchronous>, transform_indices = @transform_5, window_bounds = array<i64: 256, 256>}, {transform_indices = @transform_6, window_bounds = array<i64: 1024, 256>}]} {
    %get3A = arith.constant 0 : index
    %get3A_0 = arith.constant 0 : index
    %get3A_1 = vector.load %arg2[%get3A, %get3A_0] : memref<1024x16xf32, #tpu.memory_space<vmem>>, vector<1024x1xf32>
    %max3A = arith.constant 1.000000e+00 : f32
    %max3A_2 = vector.broadcast %max3A : f32 to vector<1024x1xf32>
    %max3A_3 = arith.maximumf %get3A_1, %max3A_2 : vector<1024x1xf32>
    %get3A_4 = arith.constant 0 : index
    %get3A_5 = arith.constant 0 : index
    %get3A_6 = vector.load %arg1[%get3A_4, %get3A_5] : memref<1024x256xf32, #tpu.memory_space<vmem>>, vector<1024x256xf32>
    %div3A = vector.broadcast %max3A_3 : vector<1024x1xf32> to vector<1024x256xf32>
    %div3A_7 = arith.divf %get3A_6, %div3A : vector<1024x256xf32>
    %get3A_8 = arith.constant 0 : index
    %get3A_9 = arith.constant 0 : index
    %get3A_10 = vector.load %arg4[%get3A_8, %get3A_9] : memref<256x256xf32, #tpu.memory_space<vmem>>, vector<256x256xf32>
    %dot_general3A = arith.constant dense<0.000000e+00> : vector<1024x256xf32>
    %dot_general3A_11 = tpu.matmul %div3A_7, %get3A_10, %dot_general3A {dimension_numbers = #tpu.dot_dimension_numbers<[1], [0], [0], [1], [0, 0, 1, 1], [], []>, transpose_lhs_hint = false} : vector<1024x256xf32>, vector<256x256xf32>, vector<1024x256xf32> -> vector<1024x256xf32>
    %get3A_12 = arith.constant 0 : index
    %get3A_13 = arith.constant 0 : index
    %get3A_14 = vector.load %arg3[%get3A_12, %get3A_13] : memref<1024x256xf32, #tpu.memory_space<vmem>>, vector<1024x256xf32>
    %get3A_15 = arith.constant 0 : index
    %get3A_16 = arith.constant 0 : index
    %get3A_17 = vector.load %arg6[%get3A_15, %get3A_16] : memref<256x256xf32, #tpu.memory_space<vmem>>, vector<256x256xf32>
    %dot_general3A_18 = arith.constant dense<0.000000e+00> : vector<1024x256xf32>
    %dot_general3A_19 = tpu.matmul %get3A_14, %get3A_17, %dot_general3A_18 {dimension_numbers = #tpu.dot_dimension_numbers<[1], [0], [0], [1], [0, 0, 1, 1], [], []>, transpose_lhs_hint = false} : vector<1024x256xf32>, vector<256x256xf32>, vector<1024x256xf32> -> vector<1024x256xf32>
    %get3A_20 = arith.constant 0 : index
    %get3A_21 = arith.constant 0 : index
    %get3A_22 = vector.load %arg5[%get3A_20, %get3A_21] : memref<1x256xf32, #tpu.memory_space<vmem>>, vector<1x256xf32>
    %add3A = vector.broadcast %get3A_22 : vector<1x256xf32> to vector<1024x256xf32>
    %add3A_23 = arith.addf %dot_general3A_11, %add3A : vector<1024x256xf32>
    %add3A_24 = arith.addf %add3A_23, %dot_general3A_19 : vector<1024x256xf32>
    %max3A_25 = arith.constant 0.000000e+00 : f32
    %max3A_26 = vector.broadcast %max3A_25 : f32 to vector<1024x256xf32>
    %max3A_27 = arith.maximumf %add3A_24, %max3A_26 : vector<1024x256xf32>
    %swap3A = arith.constant 0 : index
    %swap3A_28 = arith.constant 0 : index
    %swap3A_29 = vector.load %arg7[%swap3A, %swap3A_28] : memref<1024x256xf32, #tpu.memory_space<vmem>>, vector<1024x256xf32>
    tpu.vector_store %arg7[%swap3A, %swap3A_28], %max3A_27 {strides = array<i32>} : memref<1024x256xf32, #tpu.memory_space<vmem>>, vector<1024x256xf32>,
    return
  }
  func.func @transform_0(%arg0: i32) -> (i32, i32) {
    %c0_i32 = arith.constant 0 : i32
    %c0_i32_0 = arith.constant 0 : i32
    return %arg0, %c0_i32 : i32, i32
  }
  func.func @transform_1(%arg0: i32) -> (i32, i32) {
    %c0_i32 = arith.constant 0 : i32
    %c0_i32_0 = arith.constant 0 : i32
    return %arg0, %c0_i32 : i32, i32
  }
  func.func @transform_2(%arg0: i32) -> (i32, i32) {
    %c0_i32 = arith.constant 0 : i32
    %c0_i32_0 = arith.constant 0 : i32
    return %arg0, %c0_i32 : i32, i32
  }
  func.func @transform_3(%arg0: i32) -> (i32, i32) {
    %c0_i32 = arith.constant 0 : i32
    %c0_i32_0 = arith.constant 0 : i32
    %c0_i32_1 = arith.constant 0 : i32
    return %c0_i32, %c0_i32_0 : i32, i32
  }
  func.func @transform_4(%arg0: i32) -> (i32, i32) {
    %c0_i32 = arith.constant 0 : i32
    %c0_i32_0 = arith.constant 0 : i32
    %c0_i32_1 = arith.constant 0 : i32
    return %c0_i32, %c0_i32_0 : i32, i32
  }
  func.func @transform_5(%arg0: i32) -> (i32, i32) {
    %c0_i32 = arith.constant 0 : i32
    %c0_i32_0 = arith.constant 0 : i32
    %c0_i32_1 = arith.constant 0 : i32
    return %c0_i32, %c0_i32_0 : i32, i32
  }
  func.func @transform_6(%arg0: i32) -> (i32, i32) {
    %c0_i32 = arith.constant 0 : i32
    %c0_i32_0 = arith.constant 0 : i32
    return %arg0, %c0_i32 : i32, i32
  }
}

module attributes {stable_mosaic.version = 14 : i64} {
  func.func @_pool_body(%arg0: i32, %arg1: memref<1024x256xf32, #tpu.memory_space<vmem>>, %arg2: memref<1x1x1024xi32, #tpu.memory_space<vmem>>, %arg3: memref<256x256xf32, #tpu.memory_space<vmem>>, %arg4: memref<1x256xf32, #tpu.memory_space<vmem>>, %arg5: memref<256x1xf32, #tpu.memory_space<vmem>>, %arg6: memref<1x1xf32, #tpu.memory_space<vmem>>, %arg7: memref<16x1xf32, #tpu.memory_space<vmem>>, %arg8: memref<16x256xf32, #tpu.memory_space<vmem>>, %arg9: memref<16x256xf32, #tpu.memory_space<vmem>>, %arg10: memref<16x128xf32, #tpu.memory_space<vmem>>) attributes {dimension_semantics = [#tpu.dimension_semantics<arbitrary>], iteration_bounds = array<i64: 10>, scalar_prefetch = 0 : i64, scratch_operands = 3 : i64, tpu.core_type = #tpu.core_type<tc>, window_params = [{transform_indices = @transform_0, window_bounds = array<i64: 1024, 256>}, {transform_indices = @transform_1, window_bounds = array<i64: 1, 1, 1024>}, {pipeline_mode = #tpu.pipeline_mode<synchronous>, transform_indices = @transform_2, window_bounds = array<i64: 256, 256>}, {pipeline_mode = #tpu.pipeline_mode<synchronous>, transform_indices = @transform_3, window_bounds = array<i64: 1, 256>}, {pipeline_mode = #tpu.pipeline_mode<synchronous>, transform_indices = @transform_4, window_bounds = array<i64: 256, 1>}, {pipeline_mode = #tpu.pipeline_mode<synchronous>, transform_indices = @transform_5, window_bounds = array<i64: 1, 1>}, {pipeline_mode = #tpu.pipeline_mode<synchronous>, transform_indices = @transform_6, window_bounds = array<i64: 16, 1>}]} {
    %eq3A = arith.constant 0 : i32
    %eq3A_0 = arith.cmpi eq, %arg0, %eq3A : i32
    %convert_element_type3A = arith.extui %eq3A_0 : i1 to i32
    %cond3A = arith.constant 0 : i32
    %cond3A_1 = arith.cmpi ne, %convert_element_type3A, %cond3A : i32
    scf.if %cond3A_1 {
      %broadcast_in_dim3A_229 = arith.constant 0.000000e+00 : f32
      %broadcast_in_dim3A_230 = vector.broadcast %broadcast_in_dim3A_229 : f32 to vector<16x256xf32>
      %swap3A_231 = arith.constant 0 : index
      %swap3A_232 = arith.constant 0 : index
      %swap3A_233 = vector.load %arg8[%swap3A_231, %swap3A_232] : memref<16x256xf32, #tpu.memory_space<vmem>>, vector<16x256xf32>
      tpu.vector_store %arg8[%swap3A_231, %swap3A_232], %broadcast_in_dim3A_230 {strides = array<i32>} : memref<16x256xf32, #tpu.memory_space<vmem>>, vector<16x256xf32>,
      %broadcast_in_dim3A_234 = arith.constant 0xFF800000 : f32
      %broadcast_in_dim3A_235 = vector.broadcast %broadcast_in_dim3A_234 : f32 to vector<16x256xf32>
      %swap3A_236 = arith.constant 0 : index
      %swap3A_237 = arith.constant 0 : index
      %swap3A_238 = vector.load %arg9[%swap3A_236, %swap3A_237] : memref<16x256xf32, #tpu.memory_space<vmem>>, vector<16x256xf32>
      tpu.vector_store %arg9[%swap3A_236, %swap3A_237], %broadcast_in_dim3A_235 {strides = array<i32>} : memref<16x256xf32, #tpu.memory_space<vmem>>, vector<16x256xf32>,
      %broadcast_in_dim3A_239 = arith.constant 0.000000e+00 : f32
      %broadcast_in_dim3A_240 = vector.broadcast %broadcast_in_dim3A_239 : f32 to vector<16x128xf32>
      %swap3A_241 = arith.constant 0 : index
      %swap3A_242 = arith.constant 0 : index
      %swap3A_243 = vector.load %arg10[%swap3A_241, %swap3A_242] : memref<16x128xf32, #tpu.memory_space<vmem>>, vector<16x128xf32>
      tpu.vector_store %arg10[%swap3A_241, %swap3A_242], %broadcast_in_dim3A_240 {strides = array<i32>} : memref<16x128xf32, #tpu.memory_space<vmem>>, vector<16x128xf32>,
    } else {
    }
    %get3A = arith.constant 0 : index
    %get3A_2 = arith.constant 0 : index
    %get3A_3 = vector.load %arg1[%get3A, %get3A_2] : memref<1024x256xf32, #tpu.memory_space<vmem>>, vector<1024x256xf32>
    %get3A_4 = arith.constant 0 : index
    %get3A_5 = arith.constant 0 : index
    %get3A_6 = arith.constant 0 : index
    %get3A_7 = vector.load %arg2[%get3A_4, %get3A_5, %get3A_6] : memref<1x1x1024xi32, #tpu.memory_space<vmem>>, vector<1x1x1024xi32>
    %get3A_8 = vector.shape_cast %get3A_7 : vector<1x1x1024xi32> to vector<1024xi32>
    %broadcast_in_dim3A = vector.shape_cast %get3A_8 : vector<1024xi32> to vector<1024x1xi32>
    %iota3A = tpu.iota {dimensions = array<i32: 1>} : vector<1024x16xi32>
    %eq3A_9 = vector.broadcast %broadcast_in_dim3A : vector<1024x1xi32> to vector<1024x16xi32>
    %eq3A_10 = arith.cmpi eq, %eq3A_9, %iota3A : vector<1024x16xi32>
    %convert_element_type3A_11 = arith.extui %eq3A_10 : vector<1024x16xi1> to vector<1024x16xi32>
    %convert_element_type3A_12 = arith.sitofp %convert_element_type3A_11 : vector<1024x16xi32> to vector<1024x16xf32>
    %get3A_13 = arith.constant 0 : index
    %get3A_14 = arith.constant 0 : index
    %get3A_15 = vector.load %arg8[%get3A_13, %get3A_14] : memref<16x256xf32, #tpu.memory_space<vmem>>, vector<16x256xf32>
    %dot_general3A = arith.constant dense<0.000000e+00> : vector<16x256xf32>
    %dot_general3A_16 = tpu.matmul %convert_element_type3A_12, %get3A_3, %dot_general3A {dimension_numbers = #tpu.dot_dimension_numbers<[0], [0], [1], [1], [0, 1, 1, 1], [], []>, precision = #tpu.contract_precision<fp32>, transpose_lhs_hint = false} : vector<1024x16xf32>, vector<1024x256xf32>, vector<16x256xf32> -> vector<16x256xf32>
    %add3A = arith.addf %get3A_15, %dot_general3A_16 : vector<16x256xf32>
    %swap3A = arith.constant 0 : index
    %swap3A_17 = arith.constant 0 : index
    %swap3A_18 = vector.load %arg8[%swap3A, %swap3A_17] : memref<16x256xf32, #tpu.memory_space<vmem>>, vector<16x256xf32>
    tpu.vector_store %arg8[%swap3A, %swap3A_17], %add3A {strides = array<i32>} : memref<16x256xf32, #tpu.memory_space<vmem>>, vector<16x256xf32>,
    %get3A_19 = arith.constant 0 : index
    %get3A_20 = arith.constant 0 : index
    %get3A_21 = vector.load %arg10[%get3A_19, %get3A_20] : memref<16x128xf32, #tpu.memory_space<vmem>>, vector<16x128xf32>
    %reduce_sum3A = arith.constant dense<0.000000e+00> : vector<16xf32>
    %reduce_sum3A_22 = vector.multi_reduction <add>, %convert_element_type3A_12, %reduce_sum3A [0] : vector<1024x16xf32> to vector<16xf32>
    %broadcast_in_dim3A_23 = vector.shape_cast %reduce_sum3A_22 : vector<16xf32> to vector<16x1xf32>
    %add3A_24 = vector.broadcast %broadcast_in_dim3A_23 : vector<16x1xf32> to vector<16x128xf32>
    %add3A_25 = arith.addf %get3A_21, %add3A_24 : vector<16x128xf32>
    %swap3A_26 = arith.constant 0 : index
    %swap3A_27 = arith.constant 0 : index
    %swap3A_28 = vector.load %arg10[%swap3A_26, %swap3A_27] : memref<16x128xf32, #tpu.memory_space<vmem>>, vector<16x128xf32>
    tpu.vector_store %arg10[%swap3A_26, %swap3A_27], %add3A_25 {strides = array<i32>} : memref<16x128xf32, #tpu.memory_space<vmem>>, vector<16x128xf32>,
    %broadcast_in_dim3A_29 = vector.shape_cast %get3A_8 : vector<1024xi32> to vector<1024x1xi32>
    %eq3A_30 = arith.constant 0 : i32
    %eq3A_31 = vector.broadcast %eq3A_30 : i32 to vector<1024x1xi32>
    %eq3A_32 = arith.cmpi eq, %broadcast_in_dim3A_29, %eq3A_31 : vector<1024x1xi32>
    %jit3A = arith.constant 0xFF800000 : f32
    %broadcast_in_dim3A_33 = vector.shape_cast %eq3A_32 : vector<1024x1xi1> to vector<1024x1xi1>
    %broadcast_in_dim3A_34 = vector.broadcast %broadcast_in_dim3A_33 : vector<1024x1xi1> to vector<1024x256xi1>
    %broadcast_in_dim3A_35 = vector.broadcast %jit3A : f32 to vector<1024x256xf32>
    %select_n3A = arith.select %broadcast_in_dim3A_34, %get3A_3, %broadcast_in_dim3A_35 : vector<1024x256xi1>, vector<1024x256xf32>
    %reduce_max3A = arith.constant dense<0xFF800000> : vector<256xf32>
    %reduce_max3A_36 = vector.multi_reduction <maximumf>, %select_n3A, %reduce_max3A [0] : vector<1024x256xf32> to vector<256xf32>
    %broadcast_in_dim3A_37 = vector.shape_cast %reduce_max3A_36 : vector<256xf32> to vector<1x256xf32>
    %broadcast_in_dim3A_38 = vector.shape_cast %get3A_8 : vector<1024xi32> to vector<1024x1xi32>
    %eq3A_39 = arith.constant 1 : i32
    %eq3A_40 = vector.broadcast %eq3A_39 : i32 to vector<1024x1xi32>
    %eq3A_41 = arith.cmpi eq, %broadcast_in_dim3A_38, %eq3A_40 : vector<1024x1xi32>
    %jit3A_42 = arith.constant 0xFF800000 : f32
    %broadcast_in_dim3A_43 = vector.shape_cast %eq3A_41 : vector<1024x1xi1> to vector<1024x1xi1>
    %broadcast_in_dim3A_44 = vector.broadcast %broadcast_in_dim3A_43 : vector<1024x1xi1> to vector<1024x256xi1>
    %broadcast_in_dim3A_45 = vector.broadcast %jit3A_42 : f32 to vector<1024x256xf32>
    %select_n3A_46 = arith.select %broadcast_in_dim3A_44, %get3A_3, %broadcast_in_dim3A_45 : vector<1024x256xi1>, vector<1024x256xf32>
    %reduce_max3A_47 = arith.constant dense<0xFF800000> : vector<256xf32>
    %reduce_max3A_48 = vector.multi_reduction <maximumf>, %select_n3A_46, %reduce_max3A_47 [0] : vector<1024x256xf32> to vector<256xf32>
    %broadcast_in_dim3A_49 = vector.shape_cast %reduce_max3A_48 : vector<256xf32> to vector<1x256xf32>
    %broadcast_in_dim3A_50 = vector.shape_cast %get3A_8 : vector<1024xi32> to vector<1024x1xi32>
    %eq3A_51 = arith.constant 2 : i32
    %eq3A_52 = vector.broadcast %eq3A_51 : i32 to vector<1024x1xi32>
    %eq3A_53 = arith.cmpi eq, %broadcast_in_dim3A_50, %eq3A_52 : vector<1024x1xi32>
    %jit3A_54 = arith.constant 0xFF800000 : f32
    %broadcast_in_dim3A_55 = vector.shape_cast %eq3A_53 : vector<1024x1xi1> to vector<1024x1xi1>
    %broadcast_in_dim3A_56 = vector.broadcast %broadcast_in_dim3A_55 : vector<1024x1xi1> to vector<1024x256xi1>
    %broadcast_in_dim3A_57 = vector.broadcast %jit3A_54 : f32 to vector<1024x256xf32>
    %select_n3A_58 = arith.select %broadcast_in_dim3A_56, %get3A_3, %broadcast_in_dim3A_57 : vector<1024x256xi1>, vector<1024x256xf32>
    %reduce_max3A_59 = arith.constant dense<0xFF800000> : vector<256xf32>
    %reduce_max3A_60 = vector.multi_reduction <maximumf>, %select_n3A_58, %reduce_max3A_59 [0] : vector<1024x256xf32> to vector<256xf32>
    %broadcast_in_dim3A_61 = vector.shape_cast %reduce_max3A_60 : vector<256xf32> to vector<1x256xf32>
    %broadcast_in_dim3A_62 = vector.shape_cast %get3A_8 : vector<1024xi32> to vector<1024x1xi32>
    %eq3A_63 = arith.constant 3 : i32
    %eq3A_64 = vector.broadcast %eq3A_63 : i32 to vector<1024x1xi32>
    %eq3A_65 = arith.cmpi eq, %broadcast_in_dim3A_62, %eq3A_64 : vector<1024x1xi32>
    %jit3A_66 = arith.constant 0xFF800000 : f32
    %broadcast_in_dim3A_67 = vector.shape_cast %eq3A_65 : vector<1024x1xi1> to vector<1024x1xi1>
    %broadcast_in_dim3A_68 = vector.broadcast %broadcast_in_dim3A_67 : vector<1024x1xi1> to vector<1024x256xi1>
    %broadcast_in_dim3A_69 = vector.broadcast %jit3A_66 : f32 to vector<1024x256xf32>
    %select_n3A_70 = arith.select %broadcast_in_dim3A_68, %get3A_3, %broadcast_in_dim3A_69 : vector<1024x256xi1>, vector<1024x256xf32>
    %reduce_max3A_71 = arith.constant dense<0xFF800000> : vector<256xf32>
    %reduce_max3A_72 = vector.multi_reduction <maximumf>, %select_n3A_70, %reduce_max3A_71 [0] : vector<1024x256xf32> to vector<256xf32>
    %broadcast_in_dim3A_73 = vector.shape_cast %reduce_max3A_72 : vector<256xf32> to vector<1x256xf32>
    %broadcast_in_dim3A_74 = vector.shape_cast %get3A_8 : vector<1024xi32> to vector<1024x1xi32>
    %eq3A_75 = arith.constant 4 : i32
    %eq3A_76 = vector.broadcast %eq3A_75 : i32 to vector<1024x1xi32>
    %eq3A_77 = arith.cmpi eq, %broadcast_in_dim3A_74, %eq3A_76 : vector<1024x1xi32>
    %jit3A_78 = arith.constant 0xFF800000 : f32
    %broadcast_in_dim3A_79 = vector.shape_cast %eq3A_77 : vector<1024x1xi1> to vector<1024x1xi1>
    %broadcast_in_dim3A_80 = vector.broadcast %broadcast_in_dim3A_79 : vector<1024x1xi1> to vector<1024x256xi1>
    %broadcast_in_dim3A_81 = vector.broadcast %jit3A_78 : f32 to vector<1024x256xf32>
    %select_n3A_82 = arith.select %broadcast_in_dim3A_80, %get3A_3, %broadcast_in_dim3A_81 : vector<1024x256xi1>, vector<1024x256xf32>
    %reduce_max3A_83 = arith.constant dense<0xFF800000> : vector<256xf32>
    %reduce_max3A_84 = vector.multi_reduction <maximumf>, %select_n3A_82, %reduce_max3A_83 [0] : vector<1024x256xf32> to vector<256xf32>
    %broadcast_in_dim3A_85 = vector.shape_cast %reduce_max3A_84 : vector<256xf32> to vector<1x256xf32>
    %broadcast_in_dim3A_86 = vector.shape_cast %get3A_8 : vector<1024xi32> to vector<1024x1xi32>
    %eq3A_87 = arith.constant 5 : i32
    %eq3A_88 = vector.broadcast %eq3A_87 : i32 to vector<1024x1xi32>
    %eq3A_89 = arith.cmpi eq, %broadcast_in_dim3A_86, %eq3A_88 : vector<1024x1xi32>
    %jit3A_90 = arith.constant 0xFF800000 : f32
    %broadcast_in_dim3A_91 = vector.shape_cast %eq3A_89 : vector<1024x1xi1> to vector<1024x1xi1>
    %broadcast_in_dim3A_92 = vector.broadcast %broadcast_in_dim3A_91 : vector<1024x1xi1> to vector<1024x256xi1>
    %broadcast_in_dim3A_93 = vector.broadcast %jit3A_90 : f32 to vector<1024x256xf32>
    %select_n3A_94 = arith.select %broadcast_in_dim3A_92, %get3A_3, %broadcast_in_dim3A_93 : vector<1024x256xi1>, vector<1024x256xf32>
    %reduce_max3A_95 = arith.constant dense<0xFF800000> : vector<256xf32>
    %reduce_max3A_96 = vector.multi_reduction <maximumf>, %select_n3A_94, %reduce_max3A_95 [0] : vector<1024x256xf32> to vector<256xf32>
    %broadcast_in_dim3A_97 = vector.shape_cast %reduce_max3A_96 : vector<256xf32> to vector<1x256xf32>
    %broadcast_in_dim3A_98 = vector.shape_cast %get3A_8 : vector<1024xi32> to vector<1024x1xi32>
    %eq3A_99 = arith.constant 6 : i32
    %eq3A_100 = vector.broadcast %eq3A_99 : i32 to vector<1024x1xi32>
    %eq3A_101 = arith.cmpi eq, %broadcast_in_dim3A_98, %eq3A_100 : vector<1024x1xi32>
    %jit3A_102 = arith.constant 0xFF800000 : f32
    %broadcast_in_dim3A_103 = vector.shape_cast %eq3A_101 : vector<1024x1xi1> to vector<1024x1xi1>
    %broadcast_in_dim3A_104 = vector.broadcast %broadcast_in_dim3A_103 : vector<1024x1xi1> to vector<1024x256xi1>
    %broadcast_in_dim3A_105 = vector.broadcast %jit3A_102 : f32 to vector<1024x256xf32>
    %select_n3A_106 = arith.select %broadcast_in_dim3A_104, %get3A_3, %broadcast_in_dim3A_105 : vector<1024x256xi1>, vector<1024x256xf32>
    %reduce_max3A_107 = arith.constant dense<0xFF800000> : vector<256xf32>
    %reduce_max3A_108 = vector.multi_reduction <maximumf>, %select_n3A_106, %reduce_max3A_107 [0] : vector<1024x256xf32> to vector<256xf32>
    %broadcast_in_dim3A_109 = vector.shape_cast %reduce_max3A_108 : vector<256xf32> to vector<1x256xf32>
    %broadcast_in_dim3A_110 = vector.shape_cast %get3A_8 : vector<1024xi32> to vector<1024x1xi32>
    %eq3A_111 = arith.constant 7 : i32
    %eq3A_112 = vector.broadcast %eq3A_111 : i32 to vector<1024x1xi32>
    %eq3A_113 = arith.cmpi eq, %broadcast_in_dim3A_110, %eq3A_112 : vector<1024x1xi32>
    %jit3A_114 = arith.constant 0xFF800000 : f32
    %broadcast_in_dim3A_115 = vector.shape_cast %eq3A_113 : vector<1024x1xi1> to vector<1024x1xi1>
    %broadcast_in_dim3A_116 = vector.broadcast %broadcast_in_dim3A_115 : vector<1024x1xi1> to vector<1024x256xi1>
    %broadcast_in_dim3A_117 = vector.broadcast %jit3A_114 : f32 to vector<1024x256xf32>
    %select_n3A_118 = arith.select %broadcast_in_dim3A_116, %get3A_3, %broadcast_in_dim3A_117 : vector<1024x256xi1>, vector<1024x256xf32>
    %reduce_max3A_119 = arith.constant dense<0xFF800000> : vector<256xf32>
    %reduce_max3A_120 = vector.multi_reduction <maximumf>, %select_n3A_118, %reduce_max3A_119 [0] : vector<1024x256xf32> to vector<256xf32>
    %broadcast_in_dim3A_121 = vector.shape_cast %reduce_max3A_120 : vector<256xf32> to vector<1x256xf32>
    %broadcast_in_dim3A_122 = vector.shape_cast %get3A_8 : vector<1024xi32> to vector<1024x1xi32>
    %eq3A_123 = arith.constant 8 : i32
    %eq3A_124 = vector.broadcast %eq3A_123 : i32 to vector<1024x1xi32>
    %eq3A_125 = arith.cmpi eq, %broadcast_in_dim3A_122, %eq3A_124 : vector<1024x1xi32>
    %jit3A_126 = arith.constant 0xFF800000 : f32
    %broadcast_in_dim3A_127 = vector.shape_cast %eq3A_125 : vector<1024x1xi1> to vector<1024x1xi1>
    %broadcast_in_dim3A_128 = vector.broadcast %broadcast_in_dim3A_127 : vector<1024x1xi1> to vector<1024x256xi1>
    %broadcast_in_dim3A_129 = vector.broadcast %jit3A_126 : f32 to vector<1024x256xf32>
    %select_n3A_130 = arith.select %broadcast_in_dim3A_128, %get3A_3, %broadcast_in_dim3A_129 : vector<1024x256xi1>, vector<1024x256xf32>
    %reduce_max3A_131 = arith.constant dense<0xFF800000> : vector<256xf32>
    %reduce_max3A_132 = vector.multi_reduction <maximumf>, %select_n3A_130, %reduce_max3A_131 [0] : vector<1024x256xf32> to vector<256xf32>
    %broadcast_in_dim3A_133 = vector.shape_cast %reduce_max3A_132 : vector<256xf32> to vector<1x256xf32>
    %broadcast_in_dim3A_134 = vector.shape_cast %get3A_8 : vector<1024xi32> to vector<1024x1xi32>
    %eq3A_135 = arith.constant 9 : i32
    %eq3A_136 = vector.broadcast %eq3A_135 : i32 to vector<1024x1xi32>
    %eq3A_137 = arith.cmpi eq, %broadcast_in_dim3A_134, %eq3A_136 : vector<1024x1xi32>
    %jit3A_138 = arith.constant 0xFF800000 : f32
    %broadcast_in_dim3A_139 = vector.shape_cast %eq3A_137 : vector<1024x1xi1> to vector<1024x1xi1>
    %broadcast_in_dim3A_140 = vector.broadcast %broadcast_in_dim3A_139 : vector<1024x1xi1> to vector<1024x256xi1>
    %broadcast_in_dim3A_141 = vector.broadcast %jit3A_138 : f32 to vector<1024x256xf32>
    %select_n3A_142 = arith.select %broadcast_in_dim3A_140, %get3A_3, %broadcast_in_dim3A_141 : vector<1024x256xi1>, vector<1024x256xf32>
    %reduce_max3A_143 = arith.constant dense<0xFF800000> : vector<256xf32>
    %reduce_max3A_144 = vector.multi_reduction <maximumf>, %select_n3A_142, %reduce_max3A_143 [0] : vector<1024x256xf32> to vector<256xf32>
    %broadcast_in_dim3A_145 = vector.shape_cast %reduce_max3A_144 : vector<256xf32> to vector<1x256xf32>
    %broadcast_in_dim3A_146 = vector.shape_cast %get3A_8 : vector<1024xi32> to vector<1024x1xi32>
    %eq3A_147 = arith.constant 10 : i32
    %eq3A_148 = vector.broadcast %eq3A_147 : i32 to vector<1024x1xi32>
    %eq3A_149 = arith.cmpi eq, %broadcast_in_dim3A_146, %eq3A_148 : vector<1024x1xi32>
    %jit3A_150 = arith.constant 0xFF800000 : f32
    %broadcast_in_dim3A_151 = vector.shape_cast %eq3A_149 : vector<1024x1xi1> to vector<1024x1xi1>
    %broadcast_in_dim3A_152 = vector.broadcast %broadcast_in_dim3A_151 : vector<1024x1xi1> to vector<1024x256xi1>
    %broadcast_in_dim3A_153 = vector.broadcast %jit3A_150 : f32 to vector<1024x256xf32>
    %select_n3A_154 = arith.select %broadcast_in_dim3A_152, %get3A_3, %broadcast_in_dim3A_153 : vector<1024x256xi1>, vector<1024x256xf32>
    %reduce_max3A_155 = arith.constant dense<0xFF800000> : vector<256xf32>
    %reduce_max3A_156 = vector.multi_reduction <maximumf>, %select_n3A_154, %reduce_max3A_155 [0] : vector<1024x256xf32> to vector<256xf32>
    %broadcast_in_dim3A_157 = vector.shape_cast %reduce_max3A_156 : vector<256xf32> to vector<1x256xf32>
    %broadcast_in_dim3A_158 = vector.shape_cast %get3A_8 : vector<1024xi32> to vector<1024x1xi32>
    %eq3A_159 = arith.constant 11 : i32
    %eq3A_160 = vector.broadcast %eq3A_159 : i32 to vector<1024x1xi32>
    %eq3A_161 = arith.cmpi eq, %broadcast_in_dim3A_158, %eq3A_160 : vector<1024x1xi32>
    %jit3A_162 = arith.constant 0xFF800000 : f32
    %broadcast_in_dim3A_163 = vector.shape_cast %eq3A_161 : vector<1024x1xi1> to vector<1024x1xi1>
    %broadcast_in_dim3A_164 = vector.broadcast %broadcast_in_dim3A_163 : vector<1024x1xi1> to vector<1024x256xi1>
    %broadcast_in_dim3A_165 = vector.broadcast %jit3A_162 : f32 to vector<1024x256xf32>
    %select_n3A_166 = arith.select %broadcast_in_dim3A_164, %get3A_3, %broadcast_in_dim3A_165 : vector<1024x256xi1>, vector<1024x256xf32>
    %reduce_max3A_167 = arith.constant dense<0xFF800000> : vector<256xf32>
    %reduce_max3A_168 = vector.multi_reduction <maximumf>, %select_n3A_166, %reduce_max3A_167 [0] : vector<1024x256xf32> to vector<256xf32>
    %broadcast_in_dim3A_169 = vector.shape_cast %reduce_max3A_168 : vector<256xf32> to vector<1x256xf32>
    %broadcast_in_dim3A_170 = vector.shape_cast %get3A_8 : vector<1024xi32> to vector<1024x1xi32>
    %eq3A_171 = arith.constant 12 : i32
    %eq3A_172 = vector.broadcast %eq3A_171 : i32 to vector<1024x1xi32>
    %eq3A_173 = arith.cmpi eq, %broadcast_in_dim3A_170, %eq3A_172 : vector<1024x1xi32>
    %jit3A_174 = arith.constant 0xFF800000 : f32
    %broadcast_in_dim3A_175 = vector.shape_cast %eq3A_173 : vector<1024x1xi1> to vector<1024x1xi1>
    %broadcast_in_dim3A_176 = vector.broadcast %broadcast_in_dim3A_175 : vector<1024x1xi1> to vector<1024x256xi1>
    %broadcast_in_dim3A_177 = vector.broadcast %jit3A_174 : f32 to vector<1024x256xf32>
    %select_n3A_178 = arith.select %broadcast_in_dim3A_176, %get3A_3, %broadcast_in_dim3A_177 : vector<1024x256xi1>, vector<1024x256xf32>
    %reduce_max3A_179 = arith.constant dense<0xFF800000> : vector<256xf32>
    %reduce_max3A_180 = vector.multi_reduction <maximumf>, %select_n3A_178, %reduce_max3A_179 [0] : vector<1024x256xf32> to vector<256xf32>
    %broadcast_in_dim3A_181 = vector.shape_cast %reduce_max3A_180 : vector<256xf32> to vector<1x256xf32>
    %broadcast_in_dim3A_182 = vector.shape_cast %get3A_8 : vector<1024xi32> to vector<1024x1xi32>
    %eq3A_183 = arith.constant 13 : i32
    %eq3A_184 = vector.broadcast %eq3A_183 : i32 to vector<1024x1xi32>
    %eq3A_185 = arith.cmpi eq, %broadcast_in_dim3A_182, %eq3A_184 : vector<1024x1xi32>
    %jit3A_186 = arith.constant 0xFF800000 : f32
    %broadcast_in_dim3A_187 = vector.shape_cast %eq3A_185 : vector<1024x1xi1> to vector<1024x1xi1>
    %broadcast_in_dim3A_188 = vector.broadcast %broadcast_in_dim3A_187 : vector<1024x1xi1> to vector<1024x256xi1>
    %broadcast_in_dim3A_189 = vector.broadcast %jit3A_186 : f32 to vector<1024x256xf32>
    %select_n3A_190 = arith.select %broadcast_in_dim3A_188, %get3A_3, %broadcast_in_dim3A_189 : vector<1024x256xi1>, vector<1024x256xf32>
    %reduce_max3A_191 = arith.constant dense<0xFF800000> : vector<256xf32>
    %reduce_max3A_192 = vector.multi_reduction <maximumf>, %select_n3A_190, %reduce_max3A_191 [0] : vector<1024x256xf32> to vector<256xf32>
    %broadcast_in_dim3A_193 = vector.shape_cast %reduce_max3A_192 : vector<256xf32> to vector<1x256xf32>
    %broadcast_in_dim3A_194 = vector.shape_cast %get3A_8 : vector<1024xi32> to vector<1024x1xi32>
    %eq3A_195 = arith.constant 14 : i32
    %eq3A_196 = vector.broadcast %eq3A_195 : i32 to vector<1024x1xi32>
    %eq3A_197 = arith.cmpi eq, %broadcast_in_dim3A_194, %eq3A_196 : vector<1024x1xi32>
    %jit3A_198 = arith.constant 0xFF800000 : f32
    %broadcast_in_dim3A_199 = vector.shape_cast %eq3A_197 : vector<1024x1xi1> to vector<1024x1xi1>
    %broadcast_in_dim3A_200 = vector.broadcast %broadcast_in_dim3A_199 : vector<1024x1xi1> to vector<1024x256xi1>
    %broadcast_in_dim3A_201 = vector.broadcast %jit3A_198 : f32 to vector<1024x256xf32>
    %select_n3A_202 = arith.select %broadcast_in_dim3A_200, %get3A_3, %broadcast_in_dim3A_201 : vector<1024x256xi1>, vector<1024x256xf32>
    %reduce_max3A_203 = arith.constant dense<0xFF800000> : vector<256xf32>
    %reduce_max3A_204 = vector.multi_reduction <maximumf>, %select_n3A_202, %reduce_max3A_203 [0] : vector<1024x256xf32> to vector<256xf32>
    %broadcast_in_dim3A_205 = vector.shape_cast %reduce_max3A_204 : vector<256xf32> to vector<1x256xf32>
    %broadcast_in_dim3A_206 = vector.shape_cast %get3A_8 : vector<1024xi32> to vector<1024x1xi32>
    %eq3A_207 = arith.constant 15 : i32
    %eq3A_208 = vector.broadcast %eq3A_207 : i32 to vector<1024x1xi32>
    %eq3A_209 = arith.cmpi eq, %broadcast_in_dim3A_206, %eq3A_208 : vector<1024x1xi32>
    %jit3A_210 = arith.constant 0xFF800000 : f32
    %broadcast_in_dim3A_211 = vector.shape_cast %eq3A_209 : vector<1024x1xi1> to vector<1024x1xi1>
    %broadcast_in_dim3A_212 = vector.broadcast %broadcast_in_dim3A_211 : vector<1024x1xi1> to vector<1024x256xi1>
    %broadcast_in_dim3A_213 = vector.broadcast %jit3A_210 : f32 to vector<1024x256xf32>
    %select_n3A_214 = arith.select %broadcast_in_dim3A_212, %get3A_3, %broadcast_in_dim3A_213 : vector<1024x256xi1>, vector<1024x256xf32>
    %reduce_max3A_215 = arith.constant dense<0xFF800000> : vector<256xf32>
    %reduce_max3A_216 = vector.multi_reduction <maximumf>, %select_n3A_214, %reduce_max3A_215 [0] : vector<1024x256xf32> to vector<256xf32>
    %broadcast_in_dim3A_217 = vector.shape_cast %reduce_max3A_216 : vector<256xf32> to vector<1x256xf32>
    %get3A_218 = arith.constant 0 : index
    %get3A_219 = arith.constant 0 : index
    %get3A_220 = vector.load %arg9[%get3A_218, %get3A_219] : memref<16x256xf32, #tpu.memory_space<vmem>>, vector<16x256xf32>
    %concatenate3A = tpu.concatenate %broadcast_in_dim3A_37, %broadcast_in_dim3A_49, %broadcast_in_dim3A_61, %broadcast_in_dim3A_73, %broadcast_in_dim3A_85, %broadcast_in_dim3A_97, %broadcast_in_dim3A_109, %broadcast_in_dim3A_121, %broadcast_in_dim3A_133, %broadcast_in_dim3A_145, %broadcast_in_dim3A_157, %broadcast_in_dim3A_169, %broadcast_in_dim3A_181, %broadcast_in_dim3A_193, %broadcast_in_dim3A_205, %broadcast_in_dim3A_217 in 0 : vector<1x256xf32>, vector<1x256xf32>, vector<1x256xf32>, vector<1x256xf32>, vector<1x256xf32>, vector<1x256xf32>, vector<1x256xf32>, vector<1x256xf32>, vector<1x256xf32>, vector<1x256xf32>, vector<1x256xf32>, vector<1x256xf32>, vector<1x256xf32>, vector<1x256xf32>, vector<1x256xf32>, vector<1x256xf32> -> vector<16x256xf32>
    %max3A = arith.maximumf %get3A_220, %concatenate3A : vector<16x256xf32>
    %swap3A_221 = arith.constant 0 : index
    %swap3A_222 = arith.constant 0 : index
    %swap3A_223 = vector.load %arg9[%swap3A_221, %swap3A_222] : memref<16x256xf32, #tpu.memory_space<vmem>>, vector<16x256xf32>
    tpu.vector_store %arg9[%swap3A_221, %swap3A_222], %max3A {strides = array<i32>} : memref<16x256xf32, #tpu.memory_space<vmem>>, vector<16x256xf32>,
    %eq3A_224 = arith.constant 9 : i32
    %eq3A_225 = arith.cmpi eq, %arg0, %eq3A_224 : i32
    %convert_element_type3A_226 = arith.extui %eq3A_225 : i1 to i32
    %cond3A_227 = arith.constant 0 : i32
    %cond3A_228 = arith.cmpi ne, %convert_element_type3A_226, %cond3A_227 : i32
    scf.if %cond3A_228 {
      %get3A_229 = arith.constant 0 : index
      %get3A_230 = arith.constant 0 : index
      %get3A_231 = vector.load %arg10[%get3A_229, %get3A_230] : memref<16x128xf32, #tpu.memory_space<vmem>>, vector<16x1xf32>
      %max3A_232 = arith.constant 1.000000e+00 : f32
      %max3A_233 = vector.broadcast %max3A_232 : f32 to vector<16x1xf32>
      %max3A_234 = arith.maximumf %get3A_231, %max3A_233 : vector<16x1xf32>
      %get3A_235 = arith.constant 0 : index
      %get3A_236 = arith.constant 0 : index
      %get3A_237 = vector.load %arg9[%get3A_235, %get3A_236] : memref<16x256xf32, #tpu.memory_space<vmem>>, vector<16x256xf32>
      %get3A_238 = arith.constant 0 : index
      %get3A_239 = arith.constant 0 : index
      %get3A_240 = vector.load %arg8[%get3A_238, %get3A_239] : memref<16x256xf32, #tpu.memory_space<vmem>>, vector<16x256xf32>
      %div3A = vector.broadcast %max3A_234 : vector<16x1xf32> to vector<16x256xf32>
      %div3A_241 = arith.divf %get3A_240, %div3A : vector<16x256xf32>
      %add3A_242 = arith.addf %get3A_237, %div3A_241 : vector<16x256xf32>
      %mul3A = arith.mulf %add3A_242, %add3A_242 : vector<16x256xf32>
      %reduce_sum3A_243 = arith.constant dense<0.000000e+00> : vector<16xf32>
      %reduce_sum3A_244 = vector.multi_reduction <add>, %mul3A, %reduce_sum3A_243 [1] : vector<16x256xf32> to vector<16xf32>
      %broadcast_in_dim3A_245 = vector.shape_cast %reduce_sum3A_244 : vector<16xf32> to vector<16x1xf32>
      %sqrt3A = math.sqrt %broadcast_in_dim3A_245 : vector<16x1xf32>
      %div3A_246 = vector.broadcast %sqrt3A : vector<16x1xf32> to vector<16x256xf32>
      %div3A_247 = arith.divf %add3A_242, %div3A_246 : vector<16x256xf32>
      %get3A_248 = arith.constant 0 : index
      %get3A_249 = arith.constant 0 : index
      %get3A_250 = vector.load %arg3[%get3A_248, %get3A_249] : memref<256x256xf32, #tpu.memory_space<vmem>>, vector<256x256xf32>
      %dot_general3A_251 = arith.constant dense<0.000000e+00> : vector<16x256xf32>
      %dot_general3A_252 = tpu.matmul %div3A_247, %get3A_250, %dot_general3A_251 {dimension_numbers = #tpu.dot_dimension_numbers<[1], [0], [0], [1], [0, 0, 1, 1], [], []>, transpose_lhs_hint = false} : vector<16x256xf32>, vector<256x256xf32>, vector<16x256xf32> -> vector<16x256xf32>
      %get3A_253 = arith.constant 0 : index
      %get3A_254 = arith.constant 0 : index
      %get3A_255 = vector.load %arg4[%get3A_253, %get3A_254] : memref<1x256xf32, #tpu.memory_space<vmem>>, vector<1x256xf32>
      %add3A_256 = vector.broadcast %get3A_255 : vector<1x256xf32> to vector<16x256xf32>
      %add3A_257 = arith.addf %dot_general3A_252, %add3A_256 : vector<16x256xf32>
      %max3A_258 = arith.constant 0.000000e+00 : f32
      %max3A_259 = vector.broadcast %max3A_258 : f32 to vector<16x256xf32>
      %max3A_260 = arith.maximumf %add3A_257, %max3A_259 : vector<16x256xf32>
      %get3A_261 = arith.constant 0 : index
      %get3A_262 = arith.constant 0 : index
      %get3A_263 = vector.load %arg5[%get3A_261, %get3A_262] : memref<256x1xf32, #tpu.memory_space<vmem>>, vector<256x1xf32>
      %dot_general3A_264 = arith.constant dense<0.000000e+00> : vector<16x1xf32>
      %dot_general3A_265 = tpu.matmul %max3A_260, %get3A_263, %dot_general3A_264 {dimension_numbers = #tpu.dot_dimension_numbers<[1], [0], [0], [1], [0, 0, 1, 1], [], []>, transpose_lhs_hint = false} : vector<16x256xf32>, vector<256x1xf32>, vector<16x1xf32> -> vector<16x1xf32>
      %get3A_266 = arith.constant 0 : index
      %get3A_267 = arith.constant 0 : index
      %get3A_268 = vector.load %arg6[%get3A_266, %get3A_267] : memref<1x1xf32, #tpu.memory_space<vmem>>, vector<1x1xf32>
      %add3A_269 = vector.broadcast %get3A_268 : vector<1x1xf32> to vector<16x1xf32>
      %add3A_270 = arith.addf %dot_general3A_265, %add3A_269 : vector<16x1xf32>
      %swap3A_271 = arith.constant 0 : index
      %swap3A_272 = arith.constant 0 : index
      %swap3A_273 = vector.load %arg7[%swap3A_271, %swap3A_272] : memref<16x1xf32, #tpu.memory_space<vmem>>, vector<16x1xf32>
      tpu.vector_store %arg7[%swap3A_271, %swap3A_272], %add3A_270 {strides = array<i32>} : memref<16x1xf32, #tpu.memory_space<vmem>>, vector<16x1xf32>,
    } else {
    }
    return
  }
  func.func @transform_0(%arg0: i32) -> (i32, i32) {
    %c0_i32 = arith.constant 0 : i32
    %c0_i32_0 = arith.constant 0 : i32
    return %arg0, %c0_i32 : i32, i32
  }
  func.func @transform_1(%arg0: i32) -> (i32, i32, i32) {
    %c0_i32 = arith.constant 0 : i32
    %c0_i32_0 = arith.constant 0 : i32
    %c0_i32_1 = arith.constant 0 : i32
    return %arg0, %c0_i32, %c0_i32_0 : i32, i32, i32
  }
  func.func @transform_2(%arg0: i32) -> (i32, i32) {
    %c0_i32 = arith.constant 0 : i32
    %c0_i32_0 = arith.constant 0 : i32
    %c0_i32_1 = arith.constant 0 : i32
    return %c0_i32, %c0_i32_0 : i32, i32
  }
  func.func @transform_3(%arg0: i32) -> (i32, i32) {
    %c0_i32 = arith.constant 0 : i32
    %c0_i32_0 = arith.constant 0 : i32
    %c0_i32_1 = arith.constant 0 : i32
    return %c0_i32, %c0_i32_0 : i32, i32
  }
  func.func @transform_4(%arg0: i32) -> (i32, i32) {
    %c0_i32 = arith.constant 0 : i32
    %c0_i32_0 = arith.constant 0 : i32
    %c0_i32_1 = arith.constant 0 : i32
    return %c0_i32, %c0_i32_0 : i32, i32
  }
  func.func @transform_5(%arg0: i32) -> (i32, i32) {
    %c0_i32 = arith.constant 0 : i32
    %c0_i32_0 = arith.constant 0 : i32
    %c0_i32_1 = arith.constant 0 : i32
    return %c0_i32, %c0_i32_0 : i32, i32
  }
  func.func @transform_6(%arg0: i32) -> (i32, i32) {
    %c0_i32 = arith.constant 0 : i32
    %c0_i32_0 = arith.constant 0 : i32
    %c0_i32_1 = arith.constant 0 : i32
    return %c0_i32, %c0_i32_0 : i32, i32
  }
}

</mosaic_0001>

<sc_bundles>
// kernel: gather_offload_async_start.1
scs
__scs_entry_jumppad:
0x0: {  	(pc) =	sbr.rel $0x88, $3  }
0x1: {  	(tag) =	ssettag $0x0;
	lr =	simm.s32 $0x1  }
0x2: {  	[smem:$0x3F8A] =	sst lr;
	_ =	strace $0xD0000000  }
0x3: {  	_ = 	snop  }
0x4: {  	_ = 	snop  }
0x5: {  	_ = 	snop  }
0x6: {  	_ = 	snop  }
0x7: {  	_ = 	snop  }
__scs_overlays_trampoline_lowered:
0x8: {  	[smem:$0x3F99] =	sst s0  }
0x9: {  	[smem:$0x3F9A] =	sst s1  }
0xa: {  	[smem:$0x3F9B] =	sst s2  }
0xb: {  	[smem:$0x3F9C] =	sst s3  }
0xc: {  	[smem:$0x3F9D] =	sst s4  }
0xd: {  	[smem:$0x3F9E] =	sst s5  }
0xe: {  	[smem:$0x3F9F] =	sst s6  }
0xf: {  	[smem:$0x3FA0] =	sst s7  }
0x10: {  	[smem:$0x3FA1] =	sst s8  }
0x11: {  	[smem:$0x3FA2] =	sst s9;
	s0 =	simm.s32 @!p0 $0x0  }
0x12: {  	s1 =	sld [smem:$0x3F88];
	s0 =	simm.s32 @p0 $0x1  }
0x13: {  	[smem:$0x3FA3] =	sst s0;
	s0 =	simm.s32 @!p1 $0x0  }
0x14: {  	s2 =	sld [smem:$0x3F87];
	s0 =	simm.s32 @p1 $0x1  }
0x15: {  	[smem:$0x3FA4] =	sst s0;
	s0 =	simm.s32 @!p2 $0x0  }
0x16: {  	s3 =	sld [smem:$0x3FDB];
	s0 =	simm.s32 @p2 $0x1  }
0x17: {  	s4 =	simm.s32 $0x1BF5;
	[smem:$0x3FA6] =	sst s0  }
0x18: {  	s0 =	sld [smem:$0x3F89];
	_ =	swait.ge [sflag:s4], $0x0  }
0x19: {  	s7 =	sld [smem:$0x3F8A]  }
0x1a: {  	s8 =	sadd.s32 $0xFFFFE003, lr  }
0x1b: {  	s9 =	sadd.s32 $0xFFFFFEF7, lr;
	s5 =	simm.s32 $0xFFFFFFFF;
	p2 =	slt.u32 s8, $0xFFFFF086  }
0x1c: {  	p1 =	slt.u32 s9, $0xF7A;
	s5 =	simm.s32 @!p2 $0x0  }
0x1d: {  	s5 =	simm.s32 @p1 $0x1;
	p0 =	seq.s32 s7, s2  }
0x1e: {  	s7 =	smul.u32 @!p0 $0xF7A, s2;
	p2 =	seq.s32 @!p0 s5, $0x0  }
0x1f: {  	s9 =	smul.u32 $0xF7A, s1;
	s8 =	simm.s32 @!p0 $0x1BF5;
	p2 =	por !p2, p0  }
0x20: {  	[sflag:s8] =	ssyncset.s32 @!p0 $0xFFFFF086;
	s6 =	sadd.s32 @!p0 s3, s7;
	s7 =	simm.s32 @!p0 $0x108  }
0x21: {  	s3 =	sadd.s32 s3, s9;
	s6 =	sadd.s32 @!p0 $0x88, s6;
	s7 =	simm.s32 @p2 $0x1082  }
0x22: {  	[simem:s7], [sflag:s8] =	dma.local @!p0 [hbm:s6], $0xF7A  }
0x23: {  	s9 =	sor.u32 $0xD0000000, s2;
	s6 =	simm.s32 $0x108;
	_ =	swait.ge @!p0 [sflag:s8], $0x0  }
0x24: {  	s3 =	sadd.s32 $0x88, s3;
	s6 =	simm.s32 @!p1 $0x1082;
	[sflag:s4] =	ssyncset.s32 $0xFFFFF086  }
0x25: {  	[simem:s6], [sflag:s4] =	dma.local [hbm:s3], $0xF7A  }
0x26: {  	[smem:$0x3F8A] =	sst s1;
	(tag) =	ssettag s2;
	_ =	strace s9  }
0x27: {  	s1 =	sld [smem:$0x3F9A]  }
0x28: {  	s2 =	sld [smem:$0x3F9B]  }
0x29: {  	s4 =	sld [smem:$0x3F9D]  }
0x2a: {  	p0 =	seq.s32 s5, $0x0;
	s5 =	sld [smem:$0x3F9E]  }
0x2b: {  	s6 =	sld [smem:$0x3F9F]  }
0x2c: {  	s7 =	sld [smem:$0x3FA0]  }
0x2d: {  	s3 =	simm.s32 $0x108;
	s8 =	sld [smem:$0x3FA1]  }
0x2e: {  	s3 =	simm.s32 @!p0 $0x1082;
	s9 =	sld [smem:$0x3FA2]  }
0x2f: {  	lr =	sadd.s32 s0, s3;
	s0 =	sld [smem:$0x3F99]  }
0x30: {  	s3 =	sld [smem:$0x3F9C]  }
0x31: {  	[smem:$0x3FA5] =	sst s10  }
0x32: {  	s10 =	sld [smem:$0x3FA3];
	_ =	sdelay $0x3  }
0x33: {  	p0 =	seq.s32 s10, $0x1;
	s10 =	sld [smem:$0x3FA5];
	_ =	sdelay $0x3  }
0x34: {  	[smem:$0x3FA5] =	sst s10  }
0x35: {  	s10 =	sld [smem:$0x3FA4];
	_ =	sdelay $0x3  }
0x36: {  	p1 =	seq.s32 s10, $0x1;
	s10 =	sld [smem:$0x3FA5];
	_ =	sdelay $0x3  }
0x37: {  	[smem:$0x3FA5] =	sst s10  }
0x38: {  	s10 =	sld [smem:$0x3FA6]  }
0x39: {  	_ = 	snop;
	(pc) =	sbr.ind lr, $3  }
0x3a: {  	_ = 	snop  }
0x3b: {  	_ = 	snop  }
0x3c: {  	p2 =	seq.s32 s10, $0x1;
	s10 =	sld [smem:$0x3FA5]  }
0x3d: {  	_ =	shalt  }
0x3e: {  	_ =	shalt  }
0x3f: {  	_ =	shalt  }
0x40: {  	_ =	shalt  }
0x41: {  	_ =	shalt  }
0x42: {  	_ =	shalt  }
0x43: {  	_ =	shalt  }
0x44: {  	_ =	shalt  }
0x45: {  	_ =	shalt  }
0x46: {  	_ =	shalt  }
0x47: {  	_ =	shalt  }
0x48: {  	_ =	shalt  }
0x49: {  	_ =	shalt  }
0x4a: {  	_ =	shalt  }
0x4b: {  	_ =	shalt  }
0x4c: {  	_ =	shalt  }
0x4d: {  	_ =	shalt  }
0x4e: {  	_ =	shalt  }
0x4f: {  	_ =	shalt  }
0x50: {  	_ =	shalt  }
0x51: {  	_ =	shalt  }
0x52: {  	_ =	shalt  }
0x53: {  	_ =	shalt  }
0x54: {  	_ =	shalt  }
0x55: {  	_ =	shalt  }
0x56: {  	_ =	shalt  }
0x57: {  	_ =	shalt  }
0x58: {  	_ =	shalt  }
0x59: {  	_ =	shalt  }
0x5a: {  	_ =	shalt  }
0x5b: {  	_ =	shalt  }
0x5c: {  	_ =	shalt  }
0x5d: {  	_ =	shalt  }
0x5e: {  	_ =	shalt  }
0x5f: {  	_ =	shalt  }
0x60: {  	_ =	shalt  }
0x61: {  	_ =	shalt  }
0x62: {  	_ =	shalt  }
0x63: {  	_ =	shalt  }
0x64: {  	_ =	shalt  }
0x65: {  	_ =	shalt  }
0x66: {  	_ =	shalt  }
0x67: {  	_ =	shalt  }
0x68: {  	_ =	shalt  }
0x69: {  	_ =	shalt  }
0x6a: {  	_ =	shalt  }
0x6b: {  	_ =	shalt  }
0x6c: {  	_ =	shalt  }
0x6d: {  	_ =	shalt  }
0x6e: {  	_ =	shalt  }
0x6f: {  	_ =	shalt  }
0x70: {  	_ =	shalt  }
0x71: {  	_ =	shalt  }
0x72: {  	_ =	shalt  }
0x73: {  	_ =	shalt  }
0x74: {  	_ =	shalt  }
0x75: {  	_ =	shalt  }
0x76: {  	_ =	shalt  }
0x77: {  	_ =	shalt  }
0x78: {  	_ =	shalt  }
0x79: {  	_ =	shalt  }
0x7a: {  	_ =	shalt  }
0x7b: {  	_ =	shalt  }
0x7c: {  	_ =	shalt  }
0x7d: {  	_ =	shalt  }
0x7e: {  	_ =	shalt  }
0x7f: {  	_ =	shalt  }
0x80: {  	_ =	shalt  }
0x81: {  	_ =	shalt  }
0x82: {  	_ =	shalt  }
0x83: {  	_ =	shalt  }
0x84: {  	_ =	shalt  }
0x85: {  	_ =	shalt  }
0x86: {  	_ =	shalt  }
0x87: {  	_ =	shalt  }
.Lfunc_end0:
.L_simem_size_0:
called_computation.1_lowered:
.L_overlay_start_0:
0x88: {  	s2 =	sld [smem:$0x3FD9]  }
0x89: {  	s3 =	sld [smem:$0x3FFE];
	_ =	sdelay $0x1  }
0x8a: {  	s1 =	srdreg.scid  }
0x8b: {  	s0 =	sand.u32 $0x1, s1  }
0x8c: {  	s16 =	sshll.u32 s0, $0xA;
	s2 =	sadd.s32 s3, s2  }
0x8d: {  	s2 =	sadd.s32 s2, s16  }
0x8e: {  	[smem:$0x3FB1] =	sst s2  }
0x8f: {  	_ = 	snop  }
0x90: {  	(tm) =	ssettm $0x1  }
0x91: {  	s17 =	sld [smem:$0x3FFB];
	_ =	sdelay $0x3  }
0x92: {  	_ =	strace s17  }
0x93: {  	s2 =	sld [smem:$0x3FFC];
	_ =	sdelay $0x3  }
0x94: {  	_ =	strace s2  }
0x95: {  	s2 =	sld [smem:$0x3FFD];
	_ =	sdelay $0x3  }
0x96: {  	_ =	strace s2  }
0x97: {  	_ =	strace $0x8FFFFFFF  }
0x98: {  	s18 =	sld [smem:$0x3FDB];
	_ =	sdelay $0x1  }
0x99: {  	s19 =	simm.s32 $_scs_section_size  }
0x9a: {  	s4 =	simm.s32 $_size__tile_overlayer_lowered;
	s5 =	simm.s32 $_tile_overlayer_lowered  }
0x9b: {  	s22 =	simm.s32 $0x1BFF;
	s21 =	sshll.u32 s5, $0x1;
	s2 =	sadd.s32 s19, s18  }
0x9c: {  	s6 =	simm.s32 $0x0;
	s20 =	sshll.u32 s4, $0x1;
	s4 =	sadd.s32 s21, s2  }
0x9d: {  	[timem:s6], [sflag:s22] =	dma.local [hbm:s4], s20  }
0x9e: {  	_ =	swait.ge [sflag:s22], s20  }
0x9f: {  	s3 =	ssub.s32 $0x0, s20;
	[sflag:s22] =	ssyncset.done $0x0  }
0xa0: {  	[sflag:s22] =	ssyncadd.s32 s3;
	_ =	sdelay $0x1  }
0xa1: {  	s23 =	simm.s32 $0x1B8B  }
0xa2: {  	_ =	swait.ge [sflag:s23], $0x1  }
0xa3: {  	[sflag:s23] =	ssyncset.done $0x0  }
0xa4: {  	s25 =	simm.s32 $0x1B8E;
	s24 =	sld [smem:$0x3FFE];
	[sflag:s23] =	ssyncadd.s32 $0xFFFFFFFF  }
0xa5: {  	s26 =	simm.s32 $execute0_lowered;
	[smem:$0x3FD2] =	sst s25  }
0xa6: {  	s4 =	sshll.u32 s26, $0x1;
	_ =	strace $0x80000046;
	[dreg:$0x1] =	wrdreg $0xFFFFFFFF  }
0xa7: {  	s28 =	simm.s32 $_size_execute0_lowered;
	s2 =	sadd.s32 s2, s4;
	[dreg:$0x0] =	wrdreg $0x0  }
0xa8: {  	s4 =	sshll.u32 s28, $0x1;
	[dreg:$0x2] =	wrdreg s2  }
0xa9: {  	[dreg:$0x3] =	wrdreg s4  }
0xaa: {  	[dreg:$0x4] =	wrdreg $0xC0  }
0xab: {  	_ =	task [dreg:s6], $0x5FFFF  }
0xac: {  	[dreg:$0x1] =	wrdreg $0xFFFFFFFF  }
0xad: {  	[dreg:$0x0] =	wrdreg $0x60  }
0xae: {  	[dreg:$0x2] =	wrdreg s24  }
0xaf: {  	[dreg:$0x3] =	wrdreg $0x9  }
0xb0: {  	_ =	task.clear_ibuf [dreg:s6], $0x4FFFF;
	_ =	strace $0x90000046  }
0xb1: {  	s29 =	simm.s32 $0x9;
	_ =	strace $0x80000048  }
0xb2: {  	_ =	swait.ge [sflag:s29], $0x1  }
0xb3: {  	[sflag:s29] =	ssyncadd.s32 $0xFFFFFFFF  }
0xb4: {  	_ =	strace $0x90000048  }
0xb5: {  	_ =	sfence  }
0xb6: {  	s30 =	sld [smem:$0x0];
	_ =	sdelay $0x2  }
0xb7: {  	s31 =	sshll.u32 s1, $0xD;
	s1 =	sshrl.u32 s1, $0x2  }
0xb8: {  	s3 =	sand.u32 $0x4000, s31;
	s1 =	sadd.s32 s1, s30  }
0xb9: {  	s0 =	sor.u32 s3, s0;
	s1 =	sshll.u32 s1, $0x11  }
0xba: {  	s0 =	sor.u32 s1, s0  }
0xbb: {  	s0 =	sadd.s32 $0x8F2B, s0  }
0xbc: {  	[sflag:s0] =	ssyncadd.remote.s32 $0x1  }
0xbd: {  	_ =	sfence.sel $0xFFFF  }
0xbe: {  	[dreg:$0x0] =	wrdreg $0xFFFFFFFF;
	(pc) =	sbr.abs _section_cstart, $3  }
0xbf: {  	[dreg:$0x1] =	wrdreg $0xFFFFFFFF  }
0xc0: {  	_ =	task.clear_ibuf [dreg:s6], $0x2FFFF;
	_ =	strace $0x9FFFFFFF  }
0xc1: {  	(tm) =	ssettm $0x7FFFFFFF  }
tec
execute0_lowered:
.L_overlay_start_1:
0x0: {  	(tag) =	ssettag $0x1  }
0x1: {  	s8 =	rddreg [dreg:$0x0]  }
0x2: {  	s0 =	rddreg [dreg:$0x1];
	_ =	strace $0x80000047;
	s1 =	stileid.u32  }
0x3: {  	s3 =	srdreg.scid;
	s4 =	simm.s32 $0x1;
	s7 =	simm.s32 $0x1  }
0x4: {  	s9 =	simm.s32 $0x1;
	s10 =	simm.s32 $0x3;
	s13 =	simm.s32 $0x0  }
0x5: {  	s12 =	simm.s32 $0x0;
	s5 =	sand.u32 $0x1, s3;
	s6 =	sshll.u32 s1, $0x1  }
0x6: {  	s2 =	sadd.s32 $0xF200, s8;
	s3 =	sadd.s32 $0x19000, s8;
	s5 =	sor.u32 s6, s5  }
.Ltmp0:
0x7: {  	[sflag:s4] =	ssyncpa.u1 $0x0;
	p0 =	slt.u32 s5, $0x9;
	(pc) =	sbr.rel .LBB2_1-.Ltmp0, $4  }
0x8: {  	s6 =	simm.s32 $0x2;
	s7 =	simm.s32 @!p0 $0x0;
	p0 =	sne.s32 s5, $0x8  }
0x9: {  	[sflag:s6] =	ssyncpa.u1 $0x0;
	s5 =	smul.u32 $0x1F40, s5;
	s9 =	simm.s32 @!p0 $0x0  }
0xa: {  	s8 =	sadd.s32 $0x73C00, s8;
	[sflag:s10] =	ssyncpa.u1 $0x0;
	s7 =	sadd.s32 s9, s7  }
0xb: {  	vm0 =	vmmov $0xffff;
	s10 =	simm.s32 $0x0;
	s11 =	smov.u32 s5;
	s9 =	sadd.s32 $0x1, s7  }
.LBB2_4:
0xc: {  	v2 =	vnsel vm1, $0x0, v2  }
0xd: {  	vm1 =	vgt.s32 v0, $0x0;
	v2 =	vmin.u32 v2, $0x4E1FF  }
0xe: {  	v0 =	vnsel vm1, $0x0, v0  }
0xf: {  	v0 =	vmin.u32 v0, $0x4E1FF  }
0x10: {  	[tilespmem:s18], [sflag:$0x1] =	stream.indirect_vreg.gather [hbm4b:s2+s10], $0x1, v1, vm0, $0x4038;
	[tilespmem:$0x7D00] =	vst v63  }
0x11: {  	(ifvalue) =	ssetifvalue $0x7FFFFFFF  }
0x12: {  	[tilespmem:s15], [sflag:$0x1] =	stream.indirect_vreg.gather [hbm4b:s2+s10], $0x1, v2, vm0, $0x4038;
	[tilespmem:$0x7D00] =	vst v63  }
0x13: {  	s29 =	sadd.s32 $0x10, s15;
	(ifvalue) =	ssetifvalue $0x7FFFFFFF  }
0x14: {  	[tilespmem:s29], [sflag:$0x1] =	stream.indirect_vreg.gather [hbm4b:s2+s10], $0x1, v0, vm0, $0x4038;
	[tilespmem:$0x7D00] =	vst v63  }
0x15: {  	_ =	swait.ge [sflag:s4], $0x1F40  }
0x16: {  	s30 =	sshrl.u32 s13, $0x3;
	[sflag:s4] =	ssyncset.done $0x0  }
0x17: {  	s31 =	sand.u32 $0x7, s13;
	s15 =	sadd.s32 s8, s30;
	[sflag:s4] =	ssyncadd.s32 $0xFFFFE0C0  }
0x18: {  	[hbm4b:s15+s31] =	stream.linear.scatter [tilespmem:s14], [sflag:$0x3], $0x1F40, $0x38;
	[tilespmem:$0x7D00] =	vst v63  }
.LBB2_5:
0x19: {  	s15 =	sadd.s32 $0x3E800, s11  }
0x1a: {  	p1 =	sgt.s32 s15, $0x4E1FF  }
0x1b: {  	s15 =	smov.u32 @p1 s5;
	p1 =	sne.s32 s12, s9  }
.Ltmp1:
0x1c: {  	p0 =	slt.u32 s12, $0x2;
	(pc) =	sbr.rel @!p1 .LBB2_6-.Ltmp1, $4  }
0x1d: {  	s14 =	simm.s32 @!p0 $0x3  }
0x1e: {  	_ =	swait.ge @!p0 [sflag:s14], $0x1F40  }
0x1f: {  	s16 =	sadd.s32 $0x1, s12;
	s13 =	smov.u32 s11;
	[sflag:s14] =	ssyncset.done @!p0 $0x0  }
0x20: {  	s12 =	smov.u32 s16;
	s11 =	smov.u32 s15;
	[sflag:s14] =	ssyncadd.s32 @!p0 $0xFFFFE0C0  }
.LBB2_1:
0x21: {  	p0 =	sge.u32 s12, s7  }
0x22: {  	s14 =	sxor.u32 @!p0 $0x1, s12  }
0x23: {  	s14 =	smul.u32 @!p0 $0x7D00, s14  }
0x24: {  	s31 =	sadd.s32 $0xFFFFFFFF, s12;
	s15 =	sshrl.u32 @!p0 s11, $0x3  }
0x25: {  	s16 =	sand.u32 @!p0 $0x7, s11;
	s15 =	sadd.s32 @!p0 s3, s15;
	s14 =	sshra.s32 @!p0 s14, $0x2  }
0x26: {  	[tilespmem:s14], [sflag:$0x2] =	stream.linear.gather @!p0 [hbm4b:s15+s16], $0x1F40, $0x38;
	[tilespmem:$0x7D00] =	vst v63  }
0x27: {  	p0 =	sge.u32 s31, s7  }
.Ltmp2:
0x28: {  	_ = 	snop;
	(pc) =	sbr.rel @p0 .LBB2_5-.Ltmp2, $1  }
0x29: {  	_ =	sdelay $0x3  }
0x2a: {  	s14 =	sand.u32 $0x1, s12  }
0x2b: {  	_ =	swait.ge [sflag:s6], $0x1F40;
	p0 =	seq.s32 s14, $0x1;
	s14 =	simm.s32 $0x1F40  }
0x2c: {  	[sflag:s6] =	ssyncset.done $0x0;
	s14 =	simm.s32 @!p0 $0x0  }
0x2d: {  	[sflag:s6] =	ssyncadd.s32 $0xFFFFE0C0;
	(ifvalue) =	ssetifvalue $0x7FFFFFFF;
	v0 =	vld.msk [tilespmem:s14+$0x0 ss:$0x1], $0xffff;
	_ =	sdelay $0x4  }
0x2e: {  	s15 =	sadd.s32 $0x10, s14;
	vm1 =	vgt.s32 v0, $0x0  }
0x2f: {  	v2 =	vld.msk [tilespmem:s15+$0x0 ss:$0x1], $0xffff;
	v1 =	vnsel vm1, $0x0, v0  }
0x30: {  	v1 =	vmin.u32 v1, $0x4E1FF;
	_ =	sdelay $0x2  }
0x31: {  	s17 =	simm.s32 $0x20;
	s14 =	sadd.s32 $0x3E80, s14;
	s16 =	sadd.s32 $0x10, s15  }
0x32: {  	s15 =	sadd.s32 $0x10, s14;
	s18 =	smov.u32 s14;
	v0 =	vld.msk [tilespmem:s16+$0x0 ss:$0x1], $0xffff;
	vm1 =	vgt.s32 v2, $0x0;
	(ifvalue) =	ssetifvalue $0x7FFFFFFF  }
.LBB2_3:
0x33: {  	[tilespmem:s18], [sflag:$0x1] =	stream.indirect_vreg.gather [hbm4b:s2+s10], $0x1, v1, vm0, $0x4038;
	[tilespmem:$0x7D00] =	vst v63  }
0x34: {  	s17 =	sadd.s32 $0x10, s17  }
0x35: {  	v2 =	vnsel vm1, $0x0, v2;
	p0 =	slt.u32 s17, $0x1F30  }
.Ltmp3:
0x36: {  	s18 =	smov.u32 s15;
	v1 =	vmin.u32 v2, $0x4E1FF;
	(pc) =	sbr.rel @p0 .LBB2_3-.Ltmp3, $3  }
0x37: {  	_ =	sdelay $0x1  }
0x38: {  	s16 =	sadd.s32 $0x10, s16  }
0x39: {  	vm1 =	vgt.s32 v0, $0x0;
	s15 =	sadd.s32 $0x10, s15;
	v2 =	vmov v0;
	(ifvalue) =	ssetifvalue $0x7FFFFFFF;
	v0 =	vld.msk [tilespmem:s16+$0x0 ss:$0x1], $0xffff  }
.Ltmp4:
0x3a: {  	_ = 	snop;
	(pc) =	sbr.rel .LBB2_4-.Ltmp4, $1  }
0x3b: {  	_ =	sdelay $0x3  }
.LBB2_6:
0x3c: {  	_ =	sfence.sel $0x180000  }
0x3d: {  	s2 =	simm.s32 $0x2;
	[bflag:$0x0] =	sbarrier.arrive $0xFFFF  }
0x3e: {  	s30 =	simm.s32 $0x3;
	[sflag:s2] =	ssyncpa.u1 $0x1  }
0x3f: {  	s31 =	simm.s32 $0x1;
	[sflag:s30] =	ssyncpa.u1 $0x1  }
0x40: {  	[sflag:s31] =	ssyncpa.u1 $0x1  }
0x41: {  	p0 =	sne.s32 s1, $0x0;
	_ =	strace $0x90000047  }
0x42: {  	s0 =	sadd.s32 @!p0 $0x100000, s0;
	[bflag:$0x2] =	sbarrier.arrive $0xFFFF  }
0x43: {  	[sflag:s0] =	ssyncadd.tile.s32 @!p0 $0x1;
	_ =	shalt  }
.Lfunc_end2:
_tile_overlayer_lowered:
.L_overlay_start_2:
0x44: {  	(tag) =	ssettag $0x2  }
0x45: {  	s0 =	rddreg [dreg:$0x0];
	s2 =	stileid.u32  }
0x46: {  	s1 =	rddreg [dreg:$0x1];
	p0 =	sne.s32 s2, $0x0  }
0x47: {  	s3 =	rddreg [dreg:$0x2];
	[bflag:$0x3] =	sbarrier.arrive $0xFFFF;
	s2 =	simm.s32 @!p0 $0x1C01  }
0x48: {  	[timem:s3], [sflag:s2] =	dma.local @!p0 [hbm:s0], s1  }
0x49: {  	s0 =	simm.s32 @!p0 $0x1  }
0x4a: {  	_ =	swait.ge @!p0 [sflag:s0], s1  }
0x4b: {  	s1 =	ssub.s32 @!p0 $0x0, s1;
	[sflag:s0] =	ssyncset.done @!p0 $0x0  }
0x4c: {  	[sflag:s0] =	ssyncadd.s32 @!p0 s1  }
0x4d: {  	[bflag:$0x3] =	sbarrier.arrive $0xFFFF  }
0x4e: {  	_ =	shalt  }

// kernel: gather_offload_async_start
scs
__scs_entry_jumppad:
0x0: {  	(pc) =	sbr.rel $0x88, $3  }
0x1: {  	(tag) =	ssettag $0x0;
	lr =	simm.s32 $0x1  }
0x2: {  	[smem:$0x3F8A] =	sst lr;
	_ =	strace $0xD0000000  }
0x3: {  	_ = 	snop  }
0x4: {  	_ = 	snop  }
0x5: {  	_ = 	snop  }
0x6: {  	_ = 	snop  }
0x7: {  	_ = 	snop  }
__scs_overlays_trampoline_lowered:
0x8: {  	[smem:$0x3F99] =	sst s0  }
0x9: {  	[smem:$0x3F9A] =	sst s1  }
0xa: {  	[smem:$0x3F9B] =	sst s2  }
0xb: {  	[smem:$0x3F9C] =	sst s3  }
0xc: {  	[smem:$0x3F9D] =	sst s4  }
0xd: {  	[smem:$0x3F9E] =	sst s5  }
0xe: {  	[smem:$0x3F9F] =	sst s6  }
0xf: {  	[smem:$0x3FA0] =	sst s7  }
0x10: {  	[smem:$0x3FA1] =	sst s8  }
0x11: {  	[smem:$0x3FA2] =	sst s9;
	s0 =	simm.s32 @!p0 $0x0  }
0x12: {  	s1 =	sld [smem:$0x3F88];
	s0 =	simm.s32 @p0 $0x1  }
0x13: {  	[smem:$0x3FA3] =	sst s0;
	s0 =	simm.s32 @!p1 $0x0  }
0x14: {  	s2 =	sld [smem:$0x3F87];
	s0 =	simm.s32 @p1 $0x1  }
0x15: {  	[smem:$0x3FA4] =	sst s0;
	s0 =	simm.s32 @!p2 $0x0  }
0x16: {  	s3 =	sld [smem:$0x3FDB];
	s0 =	simm.s32 @p2 $0x1  }
0x17: {  	s4 =	simm.s32 $0x1BF5;
	[smem:$0x3FA6] =	sst s0  }
0x18: {  	s0 =	sld [smem:$0x3F89];
	_ =	swait.ge [sflag:s4], $0x0  }
0x19: {  	s7 =	sld [smem:$0x3F8A]  }
0x1a: {  	s8 =	sadd.s32 $0xFFFFE003, lr  }
0x1b: {  	s9 =	sadd.s32 $0xFFFFFEF7, lr;
	s5 =	simm.s32 $0xFFFFFFFF;
	p2 =	slt.u32 s8, $0xFFFFF086  }
0x1c: {  	p1 =	slt.u32 s9, $0xF7A;
	s5 =	simm.s32 @!p2 $0x0  }
0x1d: {  	s5 =	simm.s32 @p1 $0x1;
	p0 =	seq.s32 s7, s2  }
0x1e: {  	s7 =	smul.u32 @!p0 $0xF7A, s2;
	p2 =	seq.s32 @!p0 s5, $0x0  }
0x1f: {  	s9 =	smul.u32 $0xF7A, s1;
	s8 =	simm.s32 @!p0 $0x1BF5;
	p2 =	por !p2, p0  }
0x20: {  	[sflag:s8] =	ssyncset.s32 @!p0 $0xFFFFF086;
	s6 =	sadd.s32 @!p0 s3, s7;
	s7 =	simm.s32 @!p0 $0x108  }
0x21: {  	s3 =	sadd.s32 s3, s9;
	s6 =	sadd.s32 @!p0 $0x88, s6;
	s7 =	simm.s32 @p2 $0x1082  }
0x22: {  	[simem:s7], [sflag:s8] =	dma.local @!p0 [hbm:s6], $0xF7A  }
0x23: {  	s9 =	sor.u32 $0xD0000000, s2;
	s6 =	simm.s32 $0x108;
	_ =	swait.ge @!p0 [sflag:s8], $0x0  }
0x24: {  	s3 =	sadd.s32 $0x88, s3;
	s6 =	simm.s32 @!p1 $0x1082;
	[sflag:s4] =	ssyncset.s32 $0xFFFFF086  }
0x25: {  	[simem:s6], [sflag:s4] =	dma.local [hbm:s3], $0xF7A  }
0x26: {  	[smem:$0x3F8A] =	sst s1;
	(tag) =	ssettag s2;
	_ =	strace s9  }
0x27: {  	s1 =	sld [smem:$0x3F9A]  }
0x28: {  	s2 =	sld [smem:$0x3F9B]  }
0x29: {  	s4 =	sld [smem:$0x3F9D]  }
0x2a: {  	p0 =	seq.s32 s5, $0x0;
	s5 =	sld [smem:$0x3F9E]  }
0x2b: {  	s6 =	sld [smem:$0x3F9F]  }
0x2c: {  	s7 =	sld [smem:$0x3FA0]  }
0x2d: {  	s3 =	simm.s32 $0x108;
	s8 =	sld [smem:$0x3FA1]  }
0x2e: {  	s3 =	simm.s32 @!p0 $0x1082;
	s9 =	sld [smem:$0x3FA2]  }
0x2f: {  	lr =	sadd.s32 s0, s3;
	s0 =	sld [smem:$0x3F99]  }
0x30: {  	s3 =	sld [smem:$0x3F9C]  }
0x31: {  	[smem:$0x3FA5] =	sst s10  }
0x32: {  	s10 =	sld [smem:$0x3FA3];
	_ =	sdelay $0x3  }
0x33: {  	p0 =	seq.s32 s10, $0x1;
	s10 =	sld [smem:$0x3FA5];
	_ =	sdelay $0x3  }
0x34: {  	[smem:$0x3FA5] =	sst s10  }
0x35: {  	s10 =	sld [smem:$0x3FA4];
	_ =	sdelay $0x3  }
0x36: {  	p1 =	seq.s32 s10, $0x1;
	s10 =	sld [smem:$0x3FA5];
	_ =	sdelay $0x3  }
0x37: {  	[smem:$0x3FA5] =	sst s10  }
0x38: {  	s10 =	sld [smem:$0x3FA6]  }
0x39: {  	_ = 	snop;
	(pc) =	sbr.ind lr, $3  }
0x3a: {  	_ = 	snop  }
0x3b: {  	_ = 	snop  }
0x3c: {  	p2 =	seq.s32 s10, $0x1;
	s10 =	sld [smem:$0x3FA5]  }
0x3d: {  	_ =	shalt  }
0x3e: {  	_ =	shalt  }
0x3f: {  	_ =	shalt  }
0x40: {  	_ =	shalt  }
0x41: {  	_ =	shalt  }
0x42: {  	_ =	shalt  }
0x43: {  	_ =	shalt  }
0x44: {  	_ =	shalt  }
0x45: {  	_ =	shalt  }
0x46: {  	_ =	shalt  }
0x47: {  	_ =	shalt  }
0x48: {  	_ =	shalt  }
0x49: {  	_ =	shalt  }
0x4a: {  	_ =	shalt  }
0x4b: {  	_ =	shalt  }
0x4c: {  	_ =	shalt  }
0x4d: {  	_ =	shalt  }
0x4e: {  	_ =	shalt  }
0x4f: {  	_ =	shalt  }
0x50: {  	_ =	shalt  }
0x51: {  	_ =	shalt  }
0x52: {  	_ =	shalt  }
0x53: {  	_ =	shalt  }
0x54: {  	_ =	shalt  }
0x55: {  	_ =	shalt  }
0x56: {  	_ =	shalt  }
0x57: {  	_ =	shalt  }
0x58: {  	_ =	shalt  }
0x59: {  	_ =	shalt  }
0x5a: {  	_ =	shalt  }
0x5b: {  	_ =	shalt  }
0x5c: {  	_ =	shalt  }
0x5d: {  	_ =	shalt  }
0x5e: {  	_ =	shalt  }
0x5f: {  	_ =	shalt  }
0x60: {  	_ =	shalt  }
0x61: {  	_ =	shalt  }
0x62: {  	_ =	shalt  }
0x63: {  	_ =	shalt  }
0x64: {  	_ =	shalt  }
0x65: {  	_ =	shalt  }
0x66: {  	_ =	shalt  }
0x67: {  	_ =	shalt  }
0x68: {  	_ =	shalt  }
0x69: {  	_ =	shalt  }
0x6a: {  	_ =	shalt  }
0x6b: {  	_ =	shalt  }
0x6c: {  	_ =	shalt  }
0x6d: {  	_ =	shalt  }
0x6e: {  	_ =	shalt  }
0x6f: {  	_ =	shalt  }
0x70: {  	_ =	shalt  }
0x71: {  	_ =	shalt  }
0x72: {  	_ =	shalt  }
0x73: {  	_ =	shalt  }
0x74: {  	_ =	shalt  }
0x75: {  	_ =	shalt  }
0x76: {  	_ =	shalt  }
0x77: {  	_ =	shalt  }
0x78: {  	_ =	shalt  }
0x79: {  	_ =	shalt  }
0x7a: {  	_ =	shalt  }
0x7b: {  	_ =	shalt  }
0x7c: {  	_ =	shalt  }
0x7d: {  	_ =	shalt  }
0x7e: {  	_ =	shalt  }
0x7f: {  	_ =	shalt  }
0x80: {  	_ =	shalt  }
0x81: {  	_ =	shalt  }
0x82: {  	_ =	shalt  }
0x83: {  	_ =	shalt  }
0x84: {  	_ =	shalt  }
0x85: {  	_ =	shalt  }
0x86: {  	_ =	shalt  }
0x87: {  	_ =	shalt  }
.Lfunc_end0:
.L_simem_size_0:
called_computation_lowered:
.L_overlay_start_0:
0x88: {  	s2 =	sld [smem:$0x3FD9]  }
0x89: {  	s3 =	sld [smem:$0x3FFE];
	_ =	sdelay $0x1  }
0x8a: {  	s1 =	srdreg.scid  }
0x8b: {  	s0 =	sand.u32 $0x1, s1  }
0x8c: {  	s16 =	sshll.u32 s0, $0xA;
	s2 =	sadd.s32 s3, s2  }
0x8d: {  	s2 =	sadd.s32 s2, s16  }
0x8e: {  	[smem:$0x3FB1] =	sst s2  }
0x8f: {  	_ = 	snop  }
0x90: {  	(tm) =	ssettm $0x1  }
0x91: {  	s17 =	sld [smem:$0x3FFB];
	_ =	sdelay $0x3  }
0x92: {  	_ =	strace s17  }
0x93: {  	s2 =	sld [smem:$0x3FFC];
	_ =	sdelay $0x3  }
0x94: {  	_ =	strace s2  }
0x95: {  	s2 =	sld [smem:$0x3FFD];
	_ =	sdelay $0x3  }
0x96: {  	_ =	strace s2  }
0x97: {  	_ =	strace $0x8FFFFFFF  }
0x98: {  	s18 =	sld [smem:$0x3FDB];
	_ =	sdelay $0x1  }
0x99: {  	s19 =	simm.s32 $_scs_section_size  }
0x9a: {  	s4 =	simm.s32 $_size__tile_overlayer_lowered;
	s5 =	simm.s32 $_tile_overlayer_lowered  }
0x9b: {  	s22 =	simm.s32 $0x1BFF;
	s21 =	sshll.u32 s5, $0x1;
	s2 =	sadd.s32 s19, s18  }
0x9c: {  	s6 =	simm.s32 $0x0;
	s20 =	sshll.u32 s4, $0x1;
	s4 =	sadd.s32 s21, s2  }
0x9d: {  	[timem:s6], [sflag:s22] =	dma.local [hbm:s4], s20  }
0x9e: {  	_ =	swait.ge [sflag:s22], s20  }
0x9f: {  	s3 =	ssub.s32 $0x0, s20;
	[sflag:s22] =	ssyncset.done $0x0  }
0xa0: {  	[sflag:s22] =	ssyncadd.s32 s3;
	_ =	sdelay $0x1  }
0xa1: {  	s23 =	simm.s32 $0x1B8B  }
0xa2: {  	_ =	swait.ge [sflag:s23], $0x1  }
0xa3: {  	[sflag:s23] =	ssyncset.done $0x0  }
0xa4: {  	s25 =	simm.s32 $0x1B8E;
	s24 =	sld [smem:$0x3FFE];
	[sflag:s23] =	ssyncadd.s32 $0xFFFFFFFF  }
0xa5: {  	s26 =	simm.s32 $execute0_lowered;
	[smem:$0x3FD2] =	sst s25  }
0xa6: {  	s4 =	sshll.u32 s26, $0x1;
	_ =	strace $0x80000049;
	[dreg:$0x1] =	wrdreg $0xFFFFFFFF  }
0xa7: {  	s28 =	simm.s32 $_size_execute0_lowered;
	s2 =	sadd.s32 s2, s4;
	[dreg:$0x0] =	wrdreg $0x0  }
0xa8: {  	s4 =	sshll.u32 s28, $0x1;
	[dreg:$0x2] =	wrdreg s2  }
0xa9: {  	[dreg:$0x3] =	wrdreg s4  }
0xaa: {  	[dreg:$0x4] =	wrdreg $0xC0  }
0xab: {  	_ =	task [dreg:s6], $0x5FFFF  }
0xac: {  	[dreg:$0x1] =	wrdreg $0xFFFFFFFF  }
0xad: {  	[dreg:$0x0] =	wrdreg $0x60  }
0xae: {  	[dreg:$0x2] =	wrdreg s24  }
0xaf: {  	[dreg:$0x3] =	wrdreg $0x9  }
0xb0: {  	_ =	task.clear_ibuf [dreg:s6], $0x4FFFF;
	_ =	strace $0x90000049  }
0xb1: {  	s29 =	simm.s32 $0x9;
	_ =	strace $0x8000004B  }
0xb2: {  	_ =	swait.ge [sflag:s29], $0x1  }
0xb3: {  	[sflag:s29] =	ssyncadd.s32 $0xFFFFFFFF  }
0xb4: {  	_ =	strace $0x9000004B  }
0xb5: {  	_ =	sfence  }
0xb6: {  	s30 =	sld [smem:$0x0];
	_ =	sdelay $0x2  }
0xb7: {  	s31 =	sshll.u32 s1, $0xD;
	s1 =	sshrl.u32 s1, $0x2  }
0xb8: {  	s3 =	sand.u32 $0x4000, s31;
	s1 =	sadd.s32 s1, s30  }
0xb9: {  	s0 =	sor.u32 s3, s0;
	s1 =	sshll.u32 s1, $0x11  }
0xba: {  	s0 =	sor.u32 s1, s0  }
0xbb: {  	s0 =	sadd.s32 $0x8F2B, s0  }
0xbc: {  	[sflag:s0] =	ssyncadd.remote.s32 $0x1  }
0xbd: {  	_ =	sfence.sel $0xFFFF  }
0xbe: {  	[dreg:$0x0] =	wrdreg $0xFFFFFFFF;
	(pc) =	sbr.abs _section_cstart, $3  }
0xbf: {  	[dreg:$0x1] =	wrdreg $0xFFFFFFFF  }
0xc0: {  	_ =	task.clear_ibuf [dreg:s6], $0x2FFFF;
	_ =	strace $0x9FFFFFFF  }
0xc1: {  	(tm) =	ssettm $0x7FFFFFFF  }
tec
execute0_lowered:
.L_overlay_start_1:
0x0: {  	(tag) =	ssettag $0x1  }
0x1: {  	s8 =	rddreg [dreg:$0x0]  }
0x2: {  	s0 =	rddreg [dreg:$0x1];
	_ =	strace $0x8000004A;
	s1 =	stileid.u32  }
0x3: {  	s3 =	srdreg.scid;
	s4 =	simm.s32 $0x1;
	s7 =	simm.s32 $0x1  }
0x4: {  	s9 =	simm.s32 $0x1;
	s10 =	simm.s32 $0x3;
	s13 =	simm.s32 $0x0  }
0x5: {  	s12 =	simm.s32 $0x0;
	s5 =	sand.u32 $0x1, s3;
	s6 =	sshll.u32 s1, $0x1  }
0x6: {  	s2 =	sadd.s32 $0x5400, s8;
	s3 =	sadd.s32 $0x19000, s8;
	s5 =	sor.u32 s6, s5  }
.Ltmp0:
0x7: {  	[sflag:s4] =	ssyncpa.u1 $0x0;
	p0 =	slt.u32 s5, $0x9;
	(pc) =	sbr.rel .LBB2_1-.Ltmp0, $4  }
0x8: {  	s6 =	simm.s32 $0x2;
	s7 =	simm.s32 @!p0 $0x0;
	p0 =	sne.s32 s5, $0x8  }
0x9: {  	[sflag:s6] =	ssyncpa.u1 $0x0;
	s5 =	smul.u32 $0x1F40, s5;
	s9 =	simm.s32 @!p0 $0x0  }
0xa: {  	s8 =	sadd.s32 $0xF200, s8;
	[sflag:s10] =	ssyncpa.u1 $0x0;
	s7 =	sadd.s32 s9, s7  }
0xb: {  	vm0 =	vmmov $0xffff;
	s10 =	simm.s32 $0x0;
	s11 =	smov.u32 s5;
	s9 =	sadd.s32 $0x1, s7  }
.LBB2_4:
0xc: {  	v2 =	vnsel vm1, $0x0, v2  }
0xd: {  	vm1 =	vgt.s32 v0, $0x0;
	v2 =	vmin.u32 v2, $0x4E1FF  }
0xe: {  	v0 =	vnsel vm1, $0x0, v0  }
0xf: {  	v0 =	vmin.u32 v0, $0x4E1FF  }
0x10: {  	[tilespmem:s18], [sflag:$0x1] =	stream.indirect_vreg.gather [hbm4b:s2+s10], $0x1, v1, vm0, $0x4038;
	[tilespmem:$0x7D00] =	vst v63  }
0x11: {  	(ifvalue) =	ssetifvalue $0x7FFFFFFF  }
0x12: {  	[tilespmem:s15], [sflag:$0x1] =	stream.indirect_vreg.gather [hbm4b:s2+s10], $0x1, v2, vm0, $0x4038;
	[tilespmem:$0x7D00] =	vst v63  }
0x13: {  	s29 =	sadd.s32 $0x10, s15;
	(ifvalue) =	ssetifvalue $0x7FFFFFFF  }
0x14: {  	[tilespmem:s29], [sflag:$0x1] =	stream.indirect_vreg.gather [hbm4b:s2+s10], $0x1, v0, vm0, $0x4038;
	[tilespmem:$0x7D00] =	vst v63  }
0x15: {  	_ =	swait.ge [sflag:s4], $0x1F40  }
0x16: {  	s30 =	sshrl.u32 s13, $0x3;
	[sflag:s4] =	ssyncset.done $0x0  }
0x17: {  	s31 =	sand.u32 $0x7, s13;
	s15 =	sadd.s32 s8, s30;
	[sflag:s4] =	ssyncadd.s32 $0xFFFFE0C0  }
0x18: {  	[hbm4b:s15+s31] =	stream.linear.scatter [tilespmem:s14], [sflag:$0x3], $0x1F40, $0x38;
	[tilespmem:$0x7D00] =	vst v63  }
.LBB2_5:
0x19: {  	s15 =	sadd.s32 $0x3E800, s11  }
0x1a: {  	p1 =	sgt.s32 s15, $0x4E1FF  }
0x1b: {  	s15 =	smov.u32 @p1 s5;
	p1 =	sne.s32 s12, s9  }
.Ltmp1:
0x1c: {  	p0 =	slt.u32 s12, $0x2;
	(pc) =	sbr.rel @!p1 .LBB2_6-.Ltmp1, $4  }
0x1d: {  	s14 =	simm.s32 @!p0 $0x3  }
0x1e: {  	_ =	swait.ge @!p0 [sflag:s14], $0x1F40  }
0x1f: {  	s16 =	sadd.s32 $0x1, s12;
	s13 =	smov.u32 s11;
	[sflag:s14] =	ssyncset.done @!p0 $0x0  }
0x20: {  	s12 =	smov.u32 s16;
	s11 =	smov.u32 s15;
	[sflag:s14] =	ssyncadd.s32 @!p0 $0xFFFFE0C0  }
.LBB2_1:
0x21: {  	p0 =	sge.u32 s12, s7  }
0x22: {  	s14 =	sxor.u32 @!p0 $0x1, s12  }
0x23: {  	s14 =	smul.u32 @!p0 $0x7D00, s14  }
0x24: {  	s31 =	sadd.s32 $0xFFFFFFFF, s12;
	s15 =	sshrl.u32 @!p0 s11, $0x3  }
0x25: {  	s16 =	sand.u32 @!p0 $0x7, s11;
	s15 =	sadd.s32 @!p0 s3, s15;
	s14 =	sshra.s32 @!p0 s14, $0x2  }
0x26: {  	[tilespmem:s14], [sflag:$0x2] =	stream.linear.gather @!p0 [hbm4b:s15+s16], $0x1F40, $0x38;
	[tilespmem:$0x7D00] =	vst v63  }
0x27: {  	p0 =	sge.u32 s31, s7  }
.Ltmp2:
0x28: {  	_ = 	snop;
	(pc) =	sbr.rel @p0 .LBB2_5-.Ltmp2, $1  }
0x29: {  	_ =	sdelay $0x3  }
0x2a: {  	s14 =	sand.u32 $0x1, s12  }
0x2b: {  	_ =	swait.ge [sflag:s6], $0x1F40;
	p0 =	seq.s32 s14, $0x1;
	s14 =	simm.s32 $0x1F40  }
0x2c: {  	[sflag:s6] =	ssyncset.done $0x0;
	s14 =	simm.s32 @!p0 $0x0  }
0x2d: {  	[sflag:s6] =	ssyncadd.s32 $0xFFFFE0C0;
	(ifvalue) =	ssetifvalue $0x7FFFFFFF;
	v0 =	vld.msk [tilespmem:s14+$0x0 ss:$0x1], $0xffff;
	_ =	sdelay $0x4  }
0x2e: {  	s15 =	sadd.s32 $0x10, s14;
	vm1 =	vgt.s32 v0, $0x0  }
0x2f: {  	v2 =	vld.msk [tilespmem:s15+$0x0 ss:$0x1], $0xffff;
	v1 =	vnsel vm1, $0x0, v0  }
0x30: {  	v1 =	vmin.u32 v1, $0x4E1FF;
	_ =	sdelay $0x2  }
0x31: {  	s17 =	simm.s32 $0x20;
	s14 =	sadd.s32 $0x3E80, s14;
	s16 =	sadd.s32 $0x10, s15  }
0x32: {  	s15 =	sadd.s32 $0x10, s14;
	s18 =	smov.u32 s14;
	v0 =	vld.msk [tilespmem:s16+$0x0 ss:$0x1], $0xffff;
	vm1 =	vgt.s32 v2, $0x0;
	(ifvalue) =	ssetifvalue $0x7FFFFFFF  }
.LBB2_3:
0x33: {  	[tilespmem:s18], [sflag:$0x1] =	stream.indirect_vreg.gather [hbm4b:s2+s10], $0x1, v1, vm0, $0x4038;
	[tilespmem:$0x7D00] =	vst v63  }
0x34: {  	s17 =	sadd.s32 $0x10, s17  }
0x35: {  	v2 =	vnsel vm1, $0x0, v2;
	p0 =	slt.u32 s17, $0x1F30  }
.Ltmp3:
0x36: {  	s18 =	smov.u32 s15;
	v1 =	vmin.u32 v2, $0x4E1FF;
	(pc) =	sbr.rel @p0 .LBB2_3-.Ltmp3, $3  }
0x37: {  	_ =	sdelay $0x1  }
0x38: {  	s16 =	sadd.s32 $0x10, s16  }
0x39: {  	vm1 =	vgt.s32 v0, $0x0;
	s15 =	sadd.s32 $0x10, s15;
	v2 =	vmov v0;
	(ifvalue) =	ssetifvalue $0x7FFFFFFF;
	v0 =	vld.msk [tilespmem:s16+$0x0 ss:$0x1], $0xffff  }
.Ltmp4:
0x3a: {  	_ = 	snop;
	(pc) =	sbr.rel .LBB2_4-.Ltmp4, $1  }
0x3b: {  	_ =	sdelay $0x3  }
.LBB2_6:
0x3c: {  	_ =	sfence.sel $0x180000  }
0x3d: {  	s2 =	simm.s32 $0x2;
	[bflag:$0x0] =	sbarrier.arrive $0xFFFF  }
0x3e: {  	s30 =	simm.s32 $0x3;
	[sflag:s2] =	ssyncpa.u1 $0x1  }
0x3f: {  	s31 =	simm.s32 $0x1;
	[sflag:s30] =	ssyncpa.u1 $0x1  }
0x40: {  	[sflag:s31] =	ssyncpa.u1 $0x1  }
0x41: {  	p0 =	sne.s32 s1, $0x0;
	_ =	strace $0x9000004A  }
0x42: {  	s0 =	sadd.s32 @!p0 $0x100000, s0;
	[bflag:$0x2] =	sbarrier.arrive $0xFFFF  }
0x43: {  	[sflag:s0] =	ssyncadd.tile.s32 @!p0 $0x1;
	_ =	shalt  }
.Lfunc_end2:
_tile_overlayer_lowered:
.L_overlay_start_2:
0x44: {  	(tag) =	ssettag $0x2  }
0x45: {  	s0 =	rddreg [dreg:$0x0];
	s2 =	stileid.u32  }
0x46: {  	s1 =	rddreg [dreg:$0x1];
	p0 =	sne.s32 s2, $0x0  }
0x47: {  	s3 =	rddreg [dreg:$0x2];
	[bflag:$0x3] =	sbarrier.arrive $0xFFFF;
	s2 =	simm.s32 @!p0 $0x1C01  }
0x48: {  	[timem:s3], [sflag:s2] =	dma.local @!p0 [hbm:s0], s1  }
0x49: {  	s0 =	simm.s32 @!p0 $0x1  }
0x4a: {  	_ =	swait.ge @!p0 [sflag:s0], s1  }
0x4b: {  	s1 =	ssub.s32 @!p0 $0x0, s1;
	[sflag:s0] =	ssyncset.done @!p0 $0x0  }
0x4c: {  	[sflag:s0] =	ssyncadd.s32 @!p0 s1  }
0x4d: {  	[bflag:$0x3] =	sbarrier.arrive $0xFFFF  }
0x4e: {  	_ =	shalt  }

// kernel: kernel.10.cloned.1.call-start
scs
__scs_entry_jumppad:
0x0: {  	(pc) =	sbr.rel $0x88, $3  }
0x1: {  	(tag) =	ssettag $0x0;
	lr =	simm.s32 $0x1  }
0x2: {  	[smem:$0x3F8A] =	sst lr;
	_ =	strace $0xD0000000  }
0x3: {  	_ = 	snop  }
0x4: {  	_ = 	snop  }
0x5: {  	_ = 	snop  }
0x6: {  	_ = 	snop  }
0x7: {  	_ = 	snop  }
__scs_overlays_trampoline_lowered:
0x8: {  	[smem:$0x3F99] =	sst s0  }
0x9: {  	[smem:$0x3F9A] =	sst s1  }
0xa: {  	[smem:$0x3F9B] =	sst s2  }
0xb: {  	[smem:$0x3F9C] =	sst s3  }
0xc: {  	[smem:$0x3F9D] =	sst s4  }
0xd: {  	[smem:$0x3F9E] =	sst s5  }
0xe: {  	[smem:$0x3F9F] =	sst s6  }
0xf: {  	[smem:$0x3FA0] =	sst s7  }
0x10: {  	[smem:$0x3FA1] =	sst s8  }
0x11: {  	[smem:$0x3FA2] =	sst s9;
	s0 =	simm.s32 @!p0 $0x0  }
0x12: {  	s1 =	sld [smem:$0x3F88];
	s0 =	simm.s32 @p0 $0x1  }
0x13: {  	[smem:$0x3FA3] =	sst s0;
	s0 =	simm.s32 @!p1 $0x0  }
0x14: {  	s2 =	sld [smem:$0x3F87];
	s0 =	simm.s32 @p1 $0x1  }
0x15: {  	[smem:$0x3FA4] =	sst s0;
	s0 =	simm.s32 @!p2 $0x0  }
0x16: {  	s3 =	sld [smem:$0x3FDB];
	s0 =	simm.s32 @p2 $0x1  }
0x17: {  	s4 =	simm.s32 $0x1BF5;
	[smem:$0x3FA6] =	sst s0  }
0x18: {  	s0 =	sld [smem:$0x3F89];
	_ =	swait.ge [sflag:s4], $0x0  }
0x19: {  	s7 =	sld [smem:$0x3F8A]  }
0x1a: {  	s8 =	sadd.s32 $0xFFFFE003, lr  }
0x1b: {  	s9 =	sadd.s32 $0xFFFFFEF7, lr;
	s5 =	simm.s32 $0xFFFFFFFF;
	p2 =	slt.u32 s8, $0xFFFFF086  }
0x1c: {  	p1 =	slt.u32 s9, $0xF7A;
	s5 =	simm.s32 @!p2 $0x0  }
0x1d: {  	s5 =	simm.s32 @p1 $0x1;
	p0 =	seq.s32 s7, s2  }
0x1e: {  	s7 =	smul.u32 @!p0 $0xF7A, s2;
	p2 =	seq.s32 @!p0 s5, $0x0  }
0x1f: {  	s9 =	smul.u32 $0xF7A, s1;
	s8 =	simm.s32 @!p0 $0x1BF5;
	p2 =	por !p2, p0  }
0x20: {  	[sflag:s8] =	ssyncset.s32 @!p0 $0xFFFFF086;
	s6 =	sadd.s32 @!p0 s3, s7;
	s7 =	simm.s32 @!p0 $0x108  }
0x21: {  	s3 =	sadd.s32 s3, s9;
	s6 =	sadd.s32 @!p0 $0x88, s6;
	s7 =	simm.s32 @p2 $0x1082  }
0x22: {  	[simem:s7], [sflag:s8] =	dma.local @!p0 [hbm:s6], $0xF7A  }
0x23: {  	s9 =	sor.u32 $0xD0000000, s2;
	s6 =	simm.s32 $0x108;
	_ =	swait.ge @!p0 [sflag:s8], $0x0  }
0x24: {  	s3 =	sadd.s32 $0x88, s3;
	s6 =	simm.s32 @!p1 $0x1082;
	[sflag:s4] =	ssyncset.s32 $0xFFFFF086  }
0x25: {  	[simem:s6], [sflag:s4] =	dma.local [hbm:s3], $0xF7A  }
0x26: {  	[smem:$0x3F8A] =	sst s1;
	(tag) =	ssettag s2;
	_ =	strace s9  }
0x27: {  	s1 =	sld [smem:$0x3F9A]  }
0x28: {  	s2 =	sld [smem:$0x3F9B]  }
0x29: {  	s4 =	sld [smem:$0x3F9D]  }
0x2a: {  	p0 =	seq.s32 s5, $0x0;
	s5 =	sld [smem:$0x3F9E]  }
0x2b: {  	s6 =	sld [smem:$0x3F9F]  }
0x2c: {  	s7 =	sld [smem:$0x3FA0]  }
0x2d: {  	s3 =	simm.s32 $0x108;
	s8 =	sld [smem:$0x3FA1]  }
0x2e: {  	s3 =	simm.s32 @!p0 $0x1082;
	s9 =	sld [smem:$0x3FA2]  }
0x2f: {  	lr =	sadd.s32 s0, s3;
	s0 =	sld [smem:$0x3F99]  }
0x30: {  	s3 =	sld [smem:$0x3F9C]  }
0x31: {  	[smem:$0x3FA5] =	sst s10  }
0x32: {  	s10 =	sld [smem:$0x3FA3];
	_ =	sdelay $0x3  }
0x33: {  	p0 =	seq.s32 s10, $0x1;
	s10 =	sld [smem:$0x3FA5];
	_ =	sdelay $0x3  }
0x34: {  	[smem:$0x3FA5] =	sst s10  }
0x35: {  	s10 =	sld [smem:$0x3FA4];
	_ =	sdelay $0x3  }
0x36: {  	p1 =	seq.s32 s10, $0x1;
	s10 =	sld [smem:$0x3FA5];
	_ =	sdelay $0x3  }
0x37: {  	[smem:$0x3FA5] =	sst s10  }
0x38: {  	s10 =	sld [smem:$0x3FA6]  }
0x39: {  	_ = 	snop;
	(pc) =	sbr.ind lr, $3  }
0x3a: {  	_ = 	snop  }
0x3b: {  	_ = 	snop  }
0x3c: {  	p2 =	seq.s32 s10, $0x1;
	s10 =	sld [smem:$0x3FA5]  }
0x3d: {  	_ =	shalt  }
0x3e: {  	_ =	shalt  }
0x3f: {  	_ =	shalt  }
0x40: {  	_ =	shalt  }
0x41: {  	_ =	shalt  }
0x42: {  	_ =	shalt  }
0x43: {  	_ =	shalt  }
0x44: {  	_ =	shalt  }
0x45: {  	_ =	shalt  }
0x46: {  	_ =	shalt  }
0x47: {  	_ =	shalt  }
0x48: {  	_ =	shalt  }
0x49: {  	_ =	shalt  }
0x4a: {  	_ =	shalt  }
0x4b: {  	_ =	shalt  }
0x4c: {  	_ =	shalt  }
0x4d: {  	_ =	shalt  }
0x4e: {  	_ =	shalt  }
0x4f: {  	_ =	shalt  }
0x50: {  	_ =	shalt  }
0x51: {  	_ =	shalt  }
0x52: {  	_ =	shalt  }
0x53: {  	_ =	shalt  }
0x54: {  	_ =	shalt  }
0x55: {  	_ =	shalt  }
0x56: {  	_ =	shalt  }
0x57: {  	_ =	shalt  }
0x58: {  	_ =	shalt  }
0x59: {  	_ =	shalt  }
0x5a: {  	_ =	shalt  }
0x5b: {  	_ =	shalt  }
0x5c: {  	_ =	shalt  }
0x5d: {  	_ =	shalt  }
0x5e: {  	_ =	shalt  }
0x5f: {  	_ =	shalt  }
0x60: {  	_ =	shalt  }
0x61: {  	_ =	shalt  }
0x62: {  	_ =	shalt  }
0x63: {  	_ =	shalt  }
0x64: {  	_ =	shalt  }
0x65: {  	_ =	shalt  }
0x66: {  	_ =	shalt  }
0x67: {  	_ =	shalt  }
0x68: {  	_ =	shalt  }
0x69: {  	_ =	shalt  }
0x6a: {  	_ =	shalt  }
0x6b: {  	_ =	shalt  }
0x6c: {  	_ =	shalt  }
0x6d: {  	_ =	shalt  }
0x6e: {  	_ =	shalt  }
0x6f: {  	_ =	shalt  }
0x70: {  	_ =	shalt  }
0x71: {  	_ =	shalt  }
0x72: {  	_ =	shalt  }
0x73: {  	_ =	shalt  }
0x74: {  	_ =	shalt  }
0x75: {  	_ =	shalt  }
0x76: {  	_ =	shalt  }
0x77: {  	_ =	shalt  }
0x78: {  	_ =	shalt  }
0x79: {  	_ =	shalt  }
0x7a: {  	_ =	shalt  }
0x7b: {  	_ =	shalt  }
0x7c: {  	_ =	shalt  }
0x7d: {  	_ =	shalt  }
0x7e: {  	_ =	shalt  }
0x7f: {  	_ =	shalt  }
0x80: {  	_ =	shalt  }
0x81: {  	_ =	shalt  }
0x82: {  	_ =	shalt  }
0x83: {  	_ =	shalt  }
0x84: {  	_ =	shalt  }
0x85: {  	_ =	shalt  }
0x86: {  	_ =	shalt  }
0x87: {  	_ =	shalt  }
.Lfunc_end0:
.L_simem_size_0:
called_computation.2_lowered:
.L_overlay_start_0:
0x88: {  	s2 =	sld [smem:$0x3FD9]  }
0x89: {  	s3 =	sld [smem:$0x3FFE];
	_ =	sdelay $0x1  }
0x8a: {  	s1 =	srdreg.scid  }
0x8b: {  	s0 =	sand.u32 $0x1, s1  }
0x8c: {  	s16 =	sshll.u32 s0, $0xA;
	s2 =	sadd.s32 s3, s2  }
0x8d: {  	s2 =	sadd.s32 s2, s16  }
0x8e: {  	[smem:$0x3FB1] =	sst s2  }
0x8f: {  	_ = 	snop  }
0x90: {  	(tm) =	ssettm $0x1  }
0x91: {  	s17 =	sld [smem:$0x3FFB];
	_ =	sdelay $0x3  }
0x92: {  	_ =	strace s17  }
0x93: {  	s2 =	sld [smem:$0x3FFC];
	_ =	sdelay $0x3  }
0x94: {  	_ =	strace s2  }
0x95: {  	s2 =	sld [smem:$0x3FFD];
	_ =	sdelay $0x3  }
0x96: {  	_ =	strace s2  }
0x97: {  	_ =	strace $0x8FFFFFFF  }
0x98: {  	s18 =	sld [smem:$0x3FDB];
	_ =	sdelay $0x1  }
0x99: {  	s19 =	simm.s32 $_scs_section_size  }
0x9a: {  	s4 =	simm.s32 $_size__tile_overlayer_lowered;
	s5 =	simm.s32 $_tile_overlayer_lowered  }
0x9b: {  	s22 =	simm.s32 $0x1BFF;
	s21 =	sshll.u32 s5, $0x1;
	s2 =	sadd.s32 s19, s18  }
0x9c: {  	s6 =	simm.s32 $0x0;
	s20 =	sshll.u32 s4, $0x1;
	s4 =	sadd.s32 s21, s2  }
0x9d: {  	[timem:s6], [sflag:s22] =	dma.local [hbm:s4], s20  }
0x9e: {  	_ =	swait.ge [sflag:s22], s20  }
0x9f: {  	s3 =	ssub.s32 $0x0, s20;
	[sflag:s22] =	ssyncset.done $0x0  }
0xa0: {  	[sflag:s22] =	ssyncadd.s32 s3;
	_ =	sdelay $0x1  }
0xa1: {  	s23 =	simm.s32 $0x1B8B  }
0xa2: {  	_ =	swait.ge [sflag:s23], $0x1  }
0xa3: {  	[sflag:s23] =	ssyncset.done $0x0  }
0xa4: {  	s25 =	simm.s32 $0x1B8E;
	s24 =	sld [smem:$0x3FFE];
	[sflag:s23] =	ssyncadd.s32 $0xFFFFFFFF  }
0xa5: {  	s26 =	simm.s32 $execute0_lowered;
	[smem:$0x3FD2] =	sst s25  }
0xa6: {  	s4 =	sshll.u32 s26, $0x1;
	_ =	strace $0x8000004C;
	[dreg:$0x1] =	wrdreg $0xFFFFFFFF  }
0xa7: {  	s28 =	simm.s32 $_size_execute0_lowered;
	s2 =	sadd.s32 s2, s4;
	[dreg:$0x0] =	wrdreg $0x0  }
0xa8: {  	s4 =	sshll.u32 s28, $0x1;
	[dreg:$0x2] =	wrdreg s2  }
0xa9: {  	[dreg:$0x3] =	wrdreg s4  }
0xaa: {  	[dreg:$0x4] =	wrdreg $0xC0  }
0xab: {  	_ =	task [dreg:s6], $0x5FFFF  }
0xac: {  	[dreg:$0x1] =	wrdreg $0xFFFFFFFF  }
0xad: {  	[dreg:$0x0] =	wrdreg $0x60  }
0xae: {  	[dreg:$0x2] =	wrdreg s24  }
0xaf: {  	[dreg:$0x3] =	wrdreg $0x9  }
0xb0: {  	_ =	task.clear_ibuf [dreg:s6], $0x4FFFF;
	_ =	strace $0x9000004C  }
0xb1: {  	s29 =	simm.s32 $0x9;
	_ =	strace $0x8000004E  }
0xb2: {  	_ =	swait.ge [sflag:s29], $0x1  }
0xb3: {  	[sflag:s29] =	ssyncadd.s32 $0xFFFFFFFF  }
0xb4: {  	_ =	strace $0x9000004E  }
0xb5: {  	_ =	sfence  }
0xb6: {  	s30 =	sld [smem:$0x0];
	_ =	sdelay $0x2  }
0xb7: {  	s31 =	sshll.u32 s1, $0xD;
	s1 =	sshrl.u32 s1, $0x2  }
0xb8: {  	s3 =	sand.u32 $0x4000, s31;
	s1 =	sadd.s32 s1, s30  }
0xb9: {  	s0 =	sor.u32 s3, s0;
	s1 =	sshll.u32 s1, $0x11  }
0xba: {  	s0 =	sor.u32 s1, s0  }
0xbb: {  	s0 =	sadd.s32 $0x8F2B, s0  }
0xbc: {  	[sflag:s0] =	ssyncadd.remote.s32 $0x1  }
0xbd: {  	_ =	sfence.sel $0xFFFF  }
0xbe: {  	[dreg:$0x0] =	wrdreg $0xFFFFFFFF;
	(pc) =	sbr.abs _section_cstart, $3  }
0xbf: {  	[dreg:$0x1] =	wrdreg $0xFFFFFFFF  }
0xc0: {  	_ =	task.clear_ibuf [dreg:s6], $0x2FFFF;
	_ =	strace $0x9FFFFFFF  }
0xc1: {  	(tm) =	ssettm $0x7FFFFFFF  }
tec
execute0_lowered:
.L_overlay_start_1:
0x0: {  	(tag) =	ssettag $0x1  }
0x1: {  	s0 =	rddreg [dreg:$0x0]  }
0x2: {  	s9 =	simm.s32 $0x0;
	s1 =	srdreg.scid;
	s5 =	stileid.u32  }
0x3: {  	s13 =	simm.s32 $0x2;
	s14 =	simm.s32 $0x8400;
	s15 =	simm.s32 $0x1CC00  }
0x4: {  	s16 =	simm.s32 $0x1;
	s18 =	simm.s32 $0x380;
	s28 =	simm.s32 $0x4400  }
0x5: {  	s29 =	simm.s32 $0x4C00;
	s30 =	simm.s32 $0x5400;
	s31 =	simm.s32 $0x5C00  }
0x6: {  	s12 =	simm.s32 $0x0;
	[smem:$0x7FF] =	sst s9;
	s1 =	sand.u32 $0x1, s1  }
0x7: {  	s3 =	sadd.s32 $0x19000, s0;
	s4 =	sadd.s32 $0x72E00, s0;
	s21 =	sadd.s32 $0x5000, s0  }
0x8: {  	s6 =	sadd.s32 $0x22E00, s0;
	s7 =	sadd.s32 $0x5200, s0;
	s8 =	sadd.s32 $0x7C00, s0  }
0x9: {  	_ =	strace $0x8000004D;
	s2 =	sshll.u32 s1, $0x4;
	[dreg:$0x2] =	wrdreg s21  }
0xa: {  	[dreg:$0x3] =	wrdreg s7;
	s1 =	ssub.s32 $0x2, s1;
	s2 =	sor.u32 s5, s2  }
0xb: {  	[dreg:$0x4] =	wrdreg s8;
	s7 =	simm.s32 $0x7C00;
	s22 =	smul.u32 $0x2800, s2  }
0xc: {  	v0 =	vlaneseq.u32;
	vm0 =	vmmov $0xffff;
	s8 =	simm.s32 $0x0;
	s24 =	sshrl.u32 s1, $0x1;
	s23 =	smul.u32 $0x280, s2  }
0xd: {  	v5 =	vimm.f32 $1.000000000e+00;
	v3 =	vshrl.u32 v0, $0x3;
	v2 =	vand.u32 $0x7, v0;
	s1 =	ssub.s32 s1, s24;
	s25 =	sshll.u32 s2, $0x4;
	s2 =	smul.u32 $0x140, s2  }
0xe: {  	v4 =	vor.u32 $0x8, v0;
	v6 =	vor.u32 $0x10, v0;
	v7 =	vor.u32 $0x20, v0;
	s24 =	simm.s32 $0x2C00;
	[dreg:$0x5] =	wrdreg s25;
	s26 =	smax.u32 s1, $0x1  }
.Ltmp0:
0xf: {  	v8 =	vor.u32 $0x30, v0;
	v9 =	vor.u32 $0x40, v0;
	v10 =	vor.u32 $0x50, v0;
	s25 =	simm.s32 $0x3400;
	s5 =	sadd.s32 s22, s0;
	(pc) =	sbr.rel .LBB2_1-.Ltmp0, $4  }
0x10: {  	v11 =	vor.u32 $0x60, v0;
	v12 =	vor.u32 $0x70, v0;
	v13 =	vor.u32 $0x400, v0;
	s0 =	sadd.s32 s23, s0;
	[dreg:$0x8] =	wrdreg s26;
	s22 =	simm.s32 $0x1C00  }
0x11: {  	v14 =	vor.u32 $0x410, v0;
	v15 =	vor.u32 $0x420, v0;
	v16 =	vor.u32 $0x430, v0;
	s23 =	simm.s32 $0x2400;
	s26 =	simm.s32 $0x3C00;
	s5 =	sadd.s32 $0x7CC00, s5  }
0x12: {  	v17 =	vor.u32 $0x440, v0;
	v18 =	vor.u32 $0x450, v0;
	v1 =	vmov s2;
	s2 =	simm.s32 $0x6C00;
	s0 =	sadd.s32 $0x8000, s0;
	[dreg:$0x6] =	wrdreg s5  }
0x13: {  	v19 =	vor.u32 $0x460, v0;
	v20 =	vor.u32 $0x470, v0;
	v3 =	vmul.u32 $0x8, v3;
	[dreg:$0x7] =	wrdreg s0;
	s0 =	simm.s32 $0x6400;
	s5 =	simm.s32 $0x7400  }
.LBB2_6:
0x14: {  	s9 =	simm.s32 $0x0;
	s1 =	rddreg [dreg:$0x6]  }
0x15: {  	[hbm4b:s1+s9] =	stream.linear.scatter [tilespmem:s14], [sflag:$0x2], $0x14000, $0x38;
	[tilespmem:$0x1E080] =	vst v63  }
0x16: {  	_ =	swait.ge [sflag:s13], $0x14000  }
0x17: {  	[sflag:s13] =	ssyncset.done $0x0  }
0x18: {  	s20 =	rddreg [dreg:$0x7];
	[sflag:s13] =	ssyncadd.s32 $0xFFFEC000  }
0x19: {  	[hbm4b:s20+s9] =	stream.linear.scatter [tilespmem:s15], [sflag:$0x2], $0x1400, $0x38;
	[tilespmem:$0x1E080] =	vst v63  }
0x1a: {  	_ =	swait.ge [sflag:s13], $0x1400  }
0x1b: {  	s8 =	rddreg [dreg:$0x9]  }
0x1c: {  	s21 =	rddreg [dreg:$0x8];
	s8 =	sadd.s32 $0x1, s8  }
0x1d: {  	p0 =	sne.s32 s8, s21  }
.Ltmp1:
0x1e: {  	_ = 	snop;
	(pc) =	sbr.rel @!p0 .LBB2_7-.Ltmp1, $3  }
0x1f: {  	_ =	sdelay $0x1  }
0x20: {  	[sflag:s13] =	ssyncset.done $0x0  }
0x21: {  	[sflag:s13] =	ssyncadd.s32 $0xFFFFEC00  }
.LBB2_1:
0x22: {  	[dreg:$0x9] =	wrdreg s8  }
0x23: {  	s1 =	rddreg [dreg:$0x2]  }
0x24: {  	[tilespmem:s9], [sflag:$0x2] =	stream.linear.gather [hbm4b:s1+s9], $0x300, $0x38;
	[tilespmem:$0x1E080] =	vst v63  }
0x25: {  	_ =	swait.ge [sflag:s13], $0x300  }
0x26: {  	[sflag:s13] =	ssyncset.done $0x0  }
0x27: {  	s17 =	rddreg [dreg:$0x3];
	[sflag:s13] =	ssyncadd.s32 $0xFFFFFD00  }
0x28: {  	[tilespmem:s14], [sflag:$0x2] =	stream.linear.gather [hbm4b:s17+s9], $0x14800, $0x38;
	[tilespmem:$0x1E080] =	vst v63  }
0x29: {  	_ =	swait.ge [sflag:s13], $0x14800  }
0x2a: {  	[sflag:s13] =	ssyncset.done $0x0  }
0x2b: {  	s19 =	rddreg [dreg:$0x4];
	[sflag:s13] =	ssyncadd.s32 $0xFFFEB800  }
0x2c: {  	[tilespmem:s15], [sflag:$0x2] =	stream.linear.gather [hbm4b:s19+s9], $0x1480, $0x38;
	[tilespmem:$0x1E080] =	vst v63  }
0x2d: {  	_ =	swait.ge [sflag:s13], $0x1480  }
0x2e: {  	[sflag:s13] =	ssyncset.done $0x0  }
0x2f: {  	s20 =	rddreg [dreg:$0x5];
	[sflag:s13] =	ssyncadd.s32 $0xFFFFEB80  }
0x30: {  	v21 =	vld [tilespmem:s20+$0x0];
	_ =	sdelay $0x4  }
0x31: {  	(v2sf) =	vpush v21, $0x0;
	_ =	sdelay $0x1  }
0x32: {  	v22 =	vld [tilespmem:s20+$0x10];
	_ =	sdelay $0x4  }
0x33: {  	(v2sf) =	vpush v22, $0x0;
	_ =	sdelay $0x7  }
0x34: {  	s21 =	spop (v2sf)  }
0x35: {  	s10 =	sand.u32 $0x7F, s21  }
0x36: {  	s11 =	sshra.s32 s21, $0x1F;
	p0 =	slt.s32 s21, $0x1;
	p1 =	sne.s32 s10, $0x0  }
0x37: {  	s17 =	sshrl.u32 s11, $0x19;
	p0 =	por !p0, !p1  }
0x38: {  	s8 =	simm.s32 $0x1;
	s1 =	sadd.s32 s17, s21;
	p0 =	por !p0, !p0  }
0x39: {  	s1 =	sshra.s32 s1, $0x7;
	s8 =	simm.s32 @!p0 $0x0  }
0x3a: {  	s10 =	ssub.s32 s1, s8  }
0x3b: {  	s19 =	spop (v2sf);
	s8 =	sshll.u32 s10, $0x7  }
0x3c: {  	s1 =	ssub.s32 s19, s8  }
0x3d: {  	s1 =	sadd.s32 $0x7F, s1  }
0x3e: {  	s20 =	sand.u32 $0x7F, s1  }
0x3f: {  	s21 =	sshra.s32 s1, $0x1F;
	p6 =	slt.s32 s1, $0x1;
	p5 =	sne.s32 s20, $0x0  }
0x40: {  	s8 =	sshrl.u32 s21, $0x19;
	p0 =	por !p6, !p5  }
0x41: {  	s1 =	sadd.s32 s8, s1;
	s8 =	simm.s32 $0x1;
	p0 =	por !p0, !p0  }
0x42: {  	s1 =	sshra.s32 s1, $0x7;
	s8 =	simm.s32 @!p0 $0x0  }
0x43: {  	s11 =	ssub.s32 s1, s8  }
0x44: {  	p0 =	slt.s32 s11, $0x1  }
.Ltmp2:
0x45: {  	_ = 	snop;
	(pc) =	sbr.rel @p0 .LBB2_6-.Ltmp2, $1  }
0x46: {  	_ =	sdelay $0x3  }
0x47: {  	v21 =	vbroadcast v21, $0x0;
	v22 =	vbroadcast v22, $0x0;
	s9 =	simm.s32 $0x0  }
.LBB2_3:
0x48: {  	s1 =	sadd.s32 s10, s9  }
0x49: {  	s8 =	sshll.u32 s1, $0x4  }
0x4a: {  	s8 =	sand.u32 $0x1FFFFFF0, s8  }
0x4b: {  	s19 =	simm.s32 $0x300;
	s17 =	sadd.s32 s3, s8  }
0x4c: {  	[tilespmem:s19], [sflag:$0x2] =	stream.linear.gather [hbm4b:s17+s12], $0x80, $0x38;
	[tilespmem:$0x1E080] =	vst v63  }
0x4d: {  	_ =	swait.ge [sflag:s13], $0x80  }
0x4e: {  	[sflag:s13] =	ssyncset.done $0x0  }
0x4f: {  	s8 =	sadd.s32 s4, s8;
	[sflag:s13] =	ssyncadd.s32 $0xFFFFFF80  }
0x50: {  	[tilespmem:s18], [sflag:$0x2] =	stream.linear.gather [hbm4b:s8+s12], $0x80, $0x38;
	[tilespmem:$0x1E080] =	vst v63  }
0x51: {  	_ =	swait.ge [sflag:s13], $0x80  }
0x52: {  	[sflag:s13] =	ssyncset.done $0x0  }
0x53: {  	[sflag:s13] =	ssyncadd.s32 $0xFFFFFF80  }
0x54: {  	v23 =	vld [tilespmem:$0x380]  }
0x55: {  	v24 =	vld [tilespmem:$0x300]  }
0x56: {  	v26 =	vld [tilespmem:$0x390]  }
0x57: {  	s1 =	sshll.u32 s1, $0x7;
	v27 =	vld [tilespmem:$0x3A0]  }
0x58: {  	v25 =	vor.u32 s1, v0;
	s20 =	sor.u32 $0x20, s1  }
0x59: {  	s21 =	sor.u32 $0x30, s1;
	vm1 =	vge.s32 v25, v21;
	vm2 =	vlt.s32 v25, v22;
	v30 =	vor.u32 s20, v0;
	s19 =	sor.u32 $0x10, s1;
	v56 =	vld [tilespmem:$0x3B0]  }
0x5a: {  	v33 =	vor.u32 s21, v0;
	vm1 =	vmand vm1, vm2;
	v28 =	vor.u32 s19, v0;
	v25 =	vld [tilespmem:$0x310]  }
0x5b: {  	vm3 =	vlt.s32 v30, v22;
	vm2 =	vlt.s32 v28, v22;
	v29 =	vld [tilespmem:$0x320];
	v23 =	vsub.s32 v23, v1  }
0x5c: {  	s17 =	sor.u32 $0x40, s1;
	v57 =	vld [tilespmem:$0x3C0];
	v24 =	vnsel vm1, $0x0, v24;
	v26 =	vsub.s32 v26, v1;
	v27 =	vsub.s32 v27, v1  }
0x5d: {  	v31 =	vld [tilespmem:$0x330];
	v23 =	vnsel vm1, $0x140, v23;
	vm1 =	vge.s32 v28, v21;
	[tilespmem:$0x300] =	vst v24;
	v24 =	vor.u32 s17, v0  }
0x5e: {  	v34 =	vld [tilespmem:$0x3D0];
	vm1 =	vmand vm1, vm2;
	vm2 =	vge.s32 v30, v21;
	[tilespmem:$0x380] =	vst v23;
	v23 =	vsub.s32 v56, v1  }
0x5f: {  	v26 =	vnsel vm1, $0x140, v26;
	v25 =	vnsel vm1, $0x0, v25;
	vm1 =	vmand vm2, vm3  }
0x60: {  	v32 =	vld [tilespmem:$0x340];
	vm2 =	vlt.s32 v33, v22;
	vm3 =	vlt.s32 v24, v22;
	v27 =	vnsel vm1, $0x140, v27  }
0x61: {  	s19 =	sor.u32 $0x50, s1;
	v59 =	vld [tilespmem:$0x300];
	v29 =	vnsel vm1, $0x0, v29;
	vm1 =	vge.s32 v33, v21;
	[tilespmem:$0x310] =	vst v25;
	v25 =	vsub.s32 v57, v1  }
0x62: {  	v58 =	vld [tilespmem:$0x350];
	[tilespmem:$0x390] =	vst v26;
	v26 =	vor.u32 s19, v0;
	vm1 =	vmand vm1, vm2;
	vm2 =	vge.s32 v24, v21  }
0x63: {  	[tilespmem:$0x3A0] =	vst v27;
	v27 =	vsub.s32 v34, v1;
	v23 =	vnsel vm1, $0x140, v23;
	v24 =	vnsel vm1, $0x0, v31  }
0x64: {  	vm1 =	vmand vm2, vm3;
	vm2 =	vge.s32 v26, v21;
	vm3 =	vlt.s32 v26, v22  }
0x65: {  	s20 =	sor.u32 $0x60, s1;
	v60 =	vld [tilespmem:$0x3E0];
	[tilespmem:$0x320] =	vst v29;
	v25 =	vnsel vm1, $0x140, v25;
	v26 =	vnsel vm1, $0x0, v32;
	vm1 =	vmand vm2, vm3  }
0x66: {  	v61 =	vld [tilespmem:$0x360];
	v62 =	vshll.u32 v59, $0x1;
	[tilespmem:$0x330] =	vst v24;
	v24 =	vor.u32 s20, v0;
	v28 =	vand.u32 $0x7, v59  }
0x67: {  	v63 =	vld [tilespmem:$0x3F0];
	[tilespmem:$0x3B0] =	vst v23;
	v23 =	vnsel vm1, $0x140, v27;
	v27 =	vnsel vm1, $0x0, v58;
	v31 =	vand.u32 $0xFFFFFFF0, v62  }
0x68: {  	s1 =	sor.u32 $0x70, s1;
	[tilespmem:$0x3C0] =	vst v25;
	vm1 =	vge.s32 v24, v21;
	vm2 =	vlt.s32 v24, v22;
	v24 =	vor.u32 v28, v31  }
0x69: {  	[tilespmem:$0x340] =	vst v26;
	v25 =	vor.u32 s1, v0;
	v26 =	vld [tilespmem:$0x370];
	vm1 =	vmand vm1, vm2;
	v28 =	vperm.xlane v24, v2  }
0x6a: {  	[tilespmem:$0x3D0] =	vst v23;
	vm2 =	vge.s32 v25, v21;
	vm3 =	vlt.s32 v25, v22;
	v23 =	vsub.s32 v60, v1  }
0x6b: {  	[tilespmem:$0x350] =	vst v27;
	v23 =	vnsel vm1, $0x140, v23;
	v24 =	vperm.xlane v24, v4;
	v25 =	vadd.s32 v3, v28  }
0x6c: {  	v27 =	vnsel vm1, $0x0, v61;
	vm1 =	vmand vm2, vm3;
	[tilespmem:$0x3E0] =	vst v23;
	v23 =	vsub.s32 v63, v1  }
0x6d: {  	[tilespmem:$0x360] =	vst v27;
	v23 =	vnsel vm1, $0x140, v23;
	v24 =	vadd.s32 v3, v24  }
0x6e: {  	[tilespmem:$0x3F0] =	vst v23;
	v23 =	vnsel vm1, $0x0, v26  }
0x6f: {  	s21 =	simm.s32 $0x400;
	[tilespmem:$0x370] =	vst v23  }
0x70: {  	[tilespmem:s21], [sflag:$0x1] =	stream.indirect_vreg.gather [hbm4b:s6+s12], $0x80, v25, vm0, $0xb8;
	[tilespmem:$0x1E080] =	vst v63  }
0x71: {  	s8 =	simm.s32 $0xC00  }
0x72: {  	[tilespmem:s8], [sflag:$0x1] =	stream.indirect_vreg.gather [hbm4b:s6+s12], $0x80, v24, vm0, $0xb8;
	[tilespmem:$0x1E080] =	vst v63  }
0x73: {  	v23 =	vld [tilespmem:$0x310];
	_ =	sdelay $0x4  }
0x74: {  	v24 =	vshll.u32 v23, $0x1  }
0x75: {  	v23 =	vand.u32 $0x7, v23;
	v24 =	vand.u32 $0xFFFFFFF0, v24  }
0x76: {  	v23 =	vor.u32 v23, v24  }
0x77: {  	v24 =	vperm.xlane v23, v2;
	_ =	sdelay $0x1  }
0x78: {  	v23 =	vperm.xlane v23, v4;
	v24 =	vadd.s32 v3, v24;
	_ =	sdelay $0x1  }
0x79: {  	v23 =	vadd.s32 v3, v23;
	_ =	sdelay $0x1  }
0x7a: {  	s17 =	simm.s32 $0x1400  }
0x7b: {  	[tilespmem:s17], [sflag:$0x1] =	stream.indirect_vreg.gather [hbm4b:s6+s12], $0x80, v24, vm0, $0xb8;
	[tilespmem:$0x1E080] =	vst v63  }
0x7c: {  	_ = 	snop  }
0x7d: {  	[tilespmem:s22], [sflag:$0x1] =	stream.indirect_vreg.gather [hbm4b:s6+s12], $0x80, v23, vm0, $0xb8;
	[tilespmem:$0x1E080] =	vst v63  }
0x7e: {  	v23 =	vld [tilespmem:$0x320];
	_ =	sdelay $0x4  }
0x7f: {  	v24 =	vshll.u32 v23, $0x1  }
0x80: {  	v23 =	vand.u32 $0x7, v23;
	v24 =	vand.u32 $0xFFFFFFF0, v24  }
0x81: {  	v23 =	vor.u32 v23, v24  }
0x82: {  	v24 =	vperm.xlane v23, v2;
	_ =	sdelay $0x1  }
0x83: {  	v23 =	vperm.xlane v23, v4;
	v24 =	vadd.s32 v3, v24;
	_ =	sdelay $0x1  }
0x84: {  	v23 =	vadd.s32 v3, v23;
	_ =	sdelay $0x2  }
0x85: {  	[tilespmem:s23], [sflag:$0x1] =	stream.indirect_vreg.gather [hbm4b:s6+s12], $0x80, v24, vm0, $0xb8;
	[tilespmem:$0x1E080] =	vst v63  }
0x86: {  	_ = 	snop  }
0x87: {  	[tilespmem:s24], [sflag:$0x1] =	stream.indirect_vreg.gather [hbm4b:s6+s12], $0x80, v23, vm0, $0xb8;
	[tilespmem:$0x1E080] =	vst v63  }
0x88: {  	v23 =	vld [tilespmem:$0x330];
	_ =	sdelay $0x4  }
0x89: {  	v24 =	vshll.u32 v23, $0x1  }
0x8a: {  	v23 =	vand.u32 $0x7, v23;
	v24 =	vand.u32 $0xFFFFFFF0, v24  }
0x8b: {  	v23 =	vor.u32 v23, v24  }
0x8c: {  	v24 =	vperm.xlane v23, v2;
	_ =	sdelay $0x1  }
0x8d: {  	v23 =	vperm.xlane v23, v4;
	v24 =	vadd.s32 v3, v24;
	_ =	sdelay $0x1  }
0x8e: {  	v23 =	vadd.s32 v3, v23;
	_ =	sdelay $0x2  }
0x8f: {  	[tilespmem:s25], [sflag:$0x1] =	stream.indirect_vreg.gather [hbm4b:s6+s12], $0x80, v24, vm0, $0xb8;
	[tilespmem:$0x1E080] =	vst v63  }
0x90: {  	_ = 	snop  }
0x91: {  	[tilespmem:s26], [sflag:$0x1] =	stream.indirect_vreg.gather [hbm4b:s6+s12], $0x80, v23, vm0, $0xb8;
	[tilespmem:$0x1E080] =	vst v63  }
0x92: {  	v23 =	vld [tilespmem:$0x340];
	_ =	sdelay $0x4  }
0x93: {  	v24 =	vshll.u32 v23, $0x1  }
0x94: {  	v23 =	vand.u32 $0x7, v23;
	v24 =	vand.u32 $0xFFFFFFF0, v24  }
0x95: {  	v23 =	vor.u32 v23, v24  }
0x96: {  	v24 =	vperm.xlane v23, v2;
	_ =	sdelay $0x1  }
0x97: {  	v23 =	vperm.xlane v23, v4;
	v24 =	vadd.s32 v3, v24;
	_ =	sdelay $0x1  }
0x98: {  	v23 =	vadd.s32 v3, v23;
	_ =	sdelay $0x2  }
0x99: {  	[tilespmem:s28], [sflag:$0x1] =	stream.indirect_vreg.gather [hbm4b:s6+s12], $0x80, v24, vm0, $0xb8;
	[tilespmem:$0x1E080] =	vst v63  }
0x9a: {  	_ = 	snop  }
0x9b: {  	[tilespmem:s29], [sflag:$0x1] =	stream.indirect_vreg.gather [hbm4b:s6+s12], $0x80, v23, vm0, $0xb8;
	[tilespmem:$0x1E080] =	vst v63  }
0x9c: {  	v23 =	vld [tilespmem:$0x350];
	_ =	sdelay $0x4  }
0x9d: {  	v24 =	vshll.u32 v23, $0x1  }
0x9e: {  	v23 =	vand.u32 $0x7, v23;
	v24 =	vand.u32 $0xFFFFFFF0, v24  }
0x9f: {  	v23 =	vor.u32 v23, v24  }
0xa0: {  	v24 =	vperm.xlane v23, v2;
	_ =	sdelay $0x1  }
0xa1: {  	v23 =	vperm.xlane v23, v4;
	v24 =	vadd.s32 v3, v24;
	_ =	sdelay $0x1  }
0xa2: {  	v23 =	vadd.s32 v3, v23;
	_ =	sdelay $0x2  }
0xa3: {  	[tilespmem:s30], [sflag:$0x1] =	stream.indirect_vreg.gather [hbm4b:s6+s12], $0x80, v24, vm0, $0xb8;
	[tilespmem:$0x1E080] =	vst v63  }
0xa4: {  	_ = 	snop  }
0xa5: {  	[tilespmem:s31], [sflag:$0x1] =	stream.indirect_vreg.gather [hbm4b:s6+s12], $0x80, v23, vm0, $0xb8;
	[tilespmem:$0x1E080] =	vst v63  }
0xa6: {  	v23 =	vld [tilespmem:$0x360];
	_ =	sdelay $0x4  }
0xa7: {  	v24 =	vshll.u32 v23, $0x1  }
0xa8: {  	v23 =	vand.u32 $0x7, v23;
	v24 =	vand.u32 $0xFFFFFFF0, v24  }
0xa9: {  	v23 =	vor.u32 v23, v24  }
0xaa: {  	v24 =	vperm.xlane v23, v2;
	_ =	sdelay $0x1  }
0xab: {  	v23 =	vperm.xlane v23, v4;
	v24 =	vadd.s32 v3, v24;
	_ =	sdelay $0x1  }
0xac: {  	v23 =	vadd.s32 v3, v23;
	_ =	sdelay $0x2  }
0xad: {  	[tilespmem:s0], [sflag:$0x1] =	stream.indirect_vreg.gather [hbm4b:s6+s12], $0x80, v24, vm0, $0xb8;
	[tilespmem:$0x1E080] =	vst v63  }
0xae: {  	_ = 	snop  }
0xaf: {  	[tilespmem:s2], [sflag:$0x1] =	stream.indirect_vreg.gather [hbm4b:s6+s12], $0x80, v23, vm0, $0xb8;
	[tilespmem:$0x1E080] =	vst v63  }
0xb0: {  	v23 =	vld [tilespmem:$0x370];
	_ =	sdelay $0x4  }
0xb1: {  	v24 =	vshll.u32 v23, $0x1  }
0xb2: {  	v23 =	vand.u32 $0x7, v23;
	v24 =	vand.u32 $0xFFFFFFF0, v24  }
0xb3: {  	v23 =	vor.u32 v23, v24  }
0xb4: {  	v24 =	vperm.xlane v23, v2;
	_ =	sdelay $0x1  }
0xb5: {  	v23 =	vperm.xlane v23, v4;
	v24 =	vadd.s32 v3, v24;
	_ =	sdelay $0x1  }
0xb6: {  	v23 =	vadd.s32 v3, v23;
	_ =	sdelay $0x2  }
0xb7: {  	[tilespmem:s5], [sflag:$0x1] =	stream.indirect_vreg.gather [hbm4b:s6+s12], $0x80, v24, vm0, $0xb8;
	[tilespmem:$0x1E080] =	vst v63  }
0xb8: {  	v24 =	vmov s12  }
0xb9: {  	[tilespmem:s7], [sflag:$0x1] =	stream.indirect_vreg.gather [hbm4b:s6+s12], $0x80, v23, vm0, $0xb8;
	[tilespmem:$0x1E080] =	vst v63  }
0xba: {  	_ =	swait.ge [sflag:s16], $0x8000  }
0xbb: {  	[sflag:s16] =	ssyncset.done $0x0  }
0xbc: {  	[sflag:s16] =	ssyncadd.s32 $0xFFFF8000  }
0xbd: {  	v23 =	vld.idx.msk [tilespmem:v24+s18+$0x0], $0xffff;
	_ =	sdelay $0x4  }
0xbe: {  	v24 =	vshll.u32 v23, $0x4  }
0xbf: {  	v24 =	vor.u32 v0, v24;
	_ =	sdelay $0x2  }
0xc0: {  	v25 =	vshll.u32 v23, $0x8;
	v23 =	vshll.u32 v23, $0x7  }
0xc1: {  	s19 =	sand.u32 $0x7800, s12;
	s20 =	sand.u32 $0x380, s12;
	v25 =	vand.u32 $0xFFFFF800, v25;
	v23 =	vand.u32 $0x380, v23  }
0xc2: {  	s1 =	sor.u32 s20, s19;
	v23 =	vor.u32 v23, v25;
	[tilespmem:v24+s15+$0x0] =	vst.idx.add.f32.msk $0xffff, v5  }
0xc3: {  	v25 =	vor.u32 v0, v23;
	v24 =	vld [tilespmem:s1+$0x400];
	_ =	sdelay $0x4  }
0xc4: {  	[tilespmem:v25+s14+$0x0] =	vst.idx.add.f32.msk $0xffff, v24  }
0xc5: {  	v25 =	vor.u32 v6, v23;
	v24 =	vld [tilespmem:s1+$0x410];
	_ =	sdelay $0x4  }
0xc6: {  	[tilespmem:v25+s14+$0x0] =	vst.idx.add.f32.msk $0xffff, v24  }
0xc7: {  	v25 =	vor.u32 v7, v23;
	v24 =	vld [tilespmem:s1+$0x420];
	_ =	sdelay $0x4  }
0xc8: {  	[tilespmem:v25+s14+$0x0] =	vst.idx.add.f32.msk $0xffff, v24  }
0xc9: {  	v25 =	vor.u32 v8, v23;
	v24 =	vld [tilespmem:s1+$0x430];
	_ =	sdelay $0x4  }
0xca: {  	[tilespmem:v25+s14+$0x0] =	vst.idx.add.f32.msk $0xffff, v24  }
0xcb: {  	v25 =	vor.u32 v9, v23;
	v24 =	vld [tilespmem:s1+$0x440];
	_ =	sdelay $0x4  }
0xcc: {  	[tilespmem:v25+s14+$0x0] =	vst.idx.add.f32.msk $0xffff, v24  }
0xcd: {  	v25 =	vor.u32 v10, v23;
	v24 =	vld [tilespmem:s1+$0x450];
	_ =	sdelay $0x4  }
0xce: {  	[tilespmem:v25+s14+$0x0] =	vst.idx.add.f32.msk $0xffff, v24  }
0xcf: {  	v25 =	vor.u32 v11, v23;
	v24 =	vld [tilespmem:s1+$0x460];
	_ =	sdelay $0x4  }
0xd0: {  	[tilespmem:v25+s14+$0x0] =	vst.idx.add.f32.msk $0xffff, v24  }
0xd1: {  	v25 =	vor.u32 v12, v23;
	v24 =	vld [tilespmem:s1+$0x470];
	_ =	sdelay $0x4  }
0xd2: {  	[tilespmem:v25+s14+$0x0] =	vst.idx.add.f32.msk $0xffff, v24  }
0xd3: {  	v25 =	vor.u32 v13, v23;
	v24 =	vld [tilespmem:s1+$0x800];
	_ =	sdelay $0x4  }
0xd4: {  	[tilespmem:v25+s14+$0x0] =	vst.idx.add.f32.msk $0xffff, v24  }
0xd5: {  	v25 =	vor.u32 v14, v23;
	v24 =	vld [tilespmem:s1+$0x810];
	_ =	sdelay $0x4  }
0xd6: {  	[tilespmem:v25+s14+$0x0] =	vst.idx.add.f32.msk $0xffff, v24  }
0xd7: {  	v25 =	vor.u32 v15, v23;
	v24 =	vld [tilespmem:s1+$0x820];
	_ =	sdelay $0x4  }
0xd8: {  	[tilespmem:v25+s14+$0x0] =	vst.idx.add.f32.msk $0xffff, v24  }
0xd9: {  	v25 =	vor.u32 v16, v23;
	v24 =	vld [tilespmem:s1+$0x830];
	_ =	sdelay $0x4  }
0xda: {  	[tilespmem:v25+s14+$0x0] =	vst.idx.add.f32.msk $0xffff, v24  }
0xdb: {  	v25 =	vor.u32 v17, v23;
	v24 =	vld [tilespmem:s1+$0x840];
	_ =	sdelay $0x4  }
0xdc: {  	[tilespmem:v25+s14+$0x0] =	vst.idx.add.f32.msk $0xffff, v24  }
0xdd: {  	v25 =	vor.u32 v18, v23;
	v24 =	vld [tilespmem:s1+$0x850];
	_ =	sdelay $0x4  }
0xde: {  	[tilespmem:v25+s14+$0x0] =	vst.idx.add.f32.msk $0xffff, v24  }
0xdf: {  	v25 =	vor.u32 v19, v23;
	v24 =	vld [tilespmem:s1+$0x860];
	_ =	sdelay $0x4  }
0xe0: {  	[tilespmem:v25+s14+$0x0] =	vst.idx.add.f32.msk $0xffff, v24  }
0xe1: {  	s21 =	simm.s32 $0x1;
	v25 =	vor.u32 v20, v23;
	v24 =	vld [tilespmem:s1+$0x870]  }
0xe2: {  	s20 =	simm.s32 $0x2;
	s8 =	simm.s32 $0x0;
	v23 =	vmov s21;
	s1 =	simm.s32 $0x0  }
.LBB2_4:
0xe3: {  	_ =	sdelay $0x1  }
0xe4: {  	s1 =	sadd.s32 $0x80, s1  }
0xe5: {  	s8 =	sadd.s32 $0x100, s8;
	s17 =	smov.u32 s20;
	s19 =	sadd.s32 $0x1, s20;
	[tilespmem:v25+s14+$0x0] =	vst.idx.add.f32.msk $0xffff, v24  }
0xe6: {  	p0 =	sne.s32 s20, $0x7F;
	v23 =	vld.idx.msk [tilespmem:v23+s18+$0x0], $0xffff;
	_ =	sdelay $0x5  }
0xe7: {  	v24 =	vshll.u32 v23, $0x4;
	v25 =	vshll.u32 v23, $0x8;
	v23 =	vshll.u32 v23, $0x7  }
0xe8: {  	v24 =	vor.u32 v0, v24;
	v25 =	vand.u32 $0xFFFFF800, v25;
	v23 =	vand.u32 $0x380, v23  }
0xe9: {  	v23 =	vor.u32 v23, v25;
	_ =	sdelay $0x2  }
0xea: {  	s20 =	sand.u32 $0x7800, s8;
	s21 =	sand.u32 $0x380, s1  }
0xeb: {  	s20 =	sor.u32 s21, s20;
	[tilespmem:v24+s15+$0x0] =	vst.idx.add.f32.msk $0xffff, v5  }
0xec: {  	v25 =	vor.u32 v0, v23;
	v24 =	vld [tilespmem:s20+$0x400];
	_ =	sdelay $0x4  }
0xed: {  	[tilespmem:v25+s14+$0x0] =	vst.idx.add.f32.msk $0xffff, v24  }
0xee: {  	v25 =	vor.u32 v6, v23;
	v24 =	vld [tilespmem:s20+$0x410];
	_ =	sdelay $0x4  }
0xef: {  	[tilespmem:v25+s14+$0x0] =	vst.idx.add.f32.msk $0xffff, v24  }
0xf0: {  	v25 =	vor.u32 v7, v23;
	v24 =	vld [tilespmem:s20+$0x420];
	_ =	sdelay $0x4  }
0xf1: {  	[tilespmem:v25+s14+$0x0] =	vst.idx.add.f32.msk $0xffff, v24  }
0xf2: {  	v25 =	vor.u32 v8, v23;
	v24 =	vld [tilespmem:s20+$0x430];
	_ =	sdelay $0x4  }
0xf3: {  	[tilespmem:v25+s14+$0x0] =	vst.idx.add.f32.msk $0xffff, v24  }
0xf4: {  	v25 =	vor.u32 v9, v23;
	v24 =	vld [tilespmem:s20+$0x440];
	_ =	sdelay $0x4  }
0xf5: {  	[tilespmem:v25+s14+$0x0] =	vst.idx.add.f32.msk $0xffff, v24  }
0xf6: {  	v25 =	vor.u32 v10, v23;
	v24 =	vld [tilespmem:s20+$0x450];
	_ =	sdelay $0x4  }
0xf7: {  	[tilespmem:v25+s14+$0x0] =	vst.idx.add.f32.msk $0xffff, v24  }
0xf8: {  	v25 =	vor.u32 v11, v23;
	v24 =	vld [tilespmem:s20+$0x460];
	_ =	sdelay $0x4  }
0xf9: {  	[tilespmem:v25+s14+$0x0] =	vst.idx.add.f32.msk $0xffff, v24  }
0xfa: {  	v25 =	vor.u32 v12, v23;
	v24 =	vld [tilespmem:s20+$0x470];
	_ =	sdelay $0x4  }
0xfb: {  	[tilespmem:v25+s14+$0x0] =	vst.idx.add.f32.msk $0xffff, v24  }
0xfc: {  	v25 =	vor.u32 v13, v23;
	v24 =	vld [tilespmem:s20+$0x800];
	_ =	sdelay $0x4  }
0xfd: {  	[tilespmem:v25+s14+$0x0] =	vst.idx.add.f32.msk $0xffff, v24  }
0xfe: {  	v25 =	vor.u32 v14, v23;
	v24 =	vld [tilespmem:s20+$0x810];
	_ =	sdelay $0x4  }
0xff: {  	[tilespmem:v25+s14+$0x0] =	vst.idx.add.f32.msk $0xffff, v24  }
0x100: {  	v25 =	vor.u32 v15, v23;
	v24 =	vld [tilespmem:s20+$0x820];
	_ =	sdelay $0x4  }
0x101: {  	[tilespmem:v25+s14+$0x0] =	vst.idx.add.f32.msk $0xffff, v24  }
0x102: {  	v25 =	vor.u32 v16, v23;
	v24 =	vld [tilespmem:s20+$0x830];
	_ =	sdelay $0x4  }
0x103: {  	[tilespmem:v25+s14+$0x0] =	vst.idx.add.f32.msk $0xffff, v24  }
0x104: {  	v25 =	vor.u32 v17, v23;
	v24 =	vld [tilespmem:s20+$0x840];
	_ =	sdelay $0x4  }
0x105: {  	[tilespmem:v25+s14+$0x0] =	vst.idx.add.f32.msk $0xffff, v24  }
0x106: {  	v25 =	vor.u32 v18, v23;
	v24 =	vld [tilespmem:s20+$0x850];
	_ =	sdelay $0x4  }
0x107: {  	[tilespmem:v25+s14+$0x0] =	vst.idx.add.f32.msk $0xffff, v24  }
0x108: {  	v25 =	vor.u32 v19, v23;
	v24 =	vld [tilespmem:s20+$0x860];
	_ =	sdelay $0x2  }
.Ltmp3:
0x109: {  	(pc) =	sbr.rel @p0 .LBB2_4-.Ltmp3, $4  }
0x10a: {  	_ = 	snop  }
0x10b: {  	[tilespmem:v25+s14+$0x0] =	vst.idx.add.f32.msk $0xffff, v24  }
0x10c: {  	v25 =	vor.u32 v20, v23;
	v24 =	vld [tilespmem:s20+$0x870]  }
0x10d: {  	v23 =	vmov s17;
	s20 =	smov.u32 s19  }
0x10e: {  	_ =	sdelay $0x3  }
0x10f: {  	[tilespmem:v25+s14+$0x0] =	vst.idx.add.f32.msk $0xffff, v24  }
0x110: {  	v23 =	vld.idx.msk [tilespmem:v23+s18+$0x0], $0xffff;
	_ =	sdelay $0x4  }
0x111: {  	v48 =	vshll.u32 v23, $0x4  }
0x112: {  	v24 =	vor.u32 v0, v48;
	_ =	sdelay $0x2  }
0x113: {  	s1 =	sadd.s32 $0x80, s1;
	s8 =	sadd.s32 $0x100, s8;
	v49 =	vshll.u32 v23, $0x8;
	v23 =	vshll.u32 v23, $0x7  }
0x114: {  	s8 =	sand.u32 $0x7800, s8;
	s1 =	sand.u32 $0x380, s1;
	v25 =	vand.u32 $0xFFFFF800, v49;
	v23 =	vand.u32 $0x380, v23  }
0x115: {  	s1 =	sor.u32 s1, s8;
	v23 =	vor.u32 v23, v25;
	[tilespmem:v24+s15+$0x0] =	vst.idx.add.f32.msk $0xffff, v5  }
0x116: {  	v25 =	vor.u32 v0, v23;
	v24 =	vld [tilespmem:s1+$0x400];
	_ =	sdelay $0x4  }
0x117: {  	[tilespmem:v25+s14+$0x0] =	vst.idx.add.f32.msk $0xffff, v24  }
0x118: {  	v50 =	vor.u32 v6, v23;
	v24 =	vld [tilespmem:s1+$0x410];
	_ =	sdelay $0x4  }
0x119: {  	[tilespmem:v50+s14+$0x0] =	vst.idx.add.f32.msk $0xffff, v24  }
0x11a: {  	v51 =	vor.u32 v7, v23;
	v24 =	vld [tilespmem:s1+$0x420];
	_ =	sdelay $0x4  }
0x11b: {  	[tilespmem:v51+s14+$0x0] =	vst.idx.add.f32.msk $0xffff, v24  }
0x11c: {  	v52 =	vor.u32 v8, v23;
	v24 =	vld [tilespmem:s1+$0x430];
	_ =	sdelay $0x4  }
0x11d: {  	[tilespmem:v52+s14+$0x0] =	vst.idx.add.f32.msk $0xffff, v24  }
0x11e: {  	v53 =	vor.u32 v9, v23;
	v24 =	vld [tilespmem:s1+$0x440];
	_ =	sdelay $0x4  }
0x11f: {  	[tilespmem:v53+s14+$0x0] =	vst.idx.add.f32.msk $0xffff, v24  }
0x120: {  	v54 =	vor.u32 v10, v23;
	v24 =	vld [tilespmem:s1+$0x450];
	_ =	sdelay $0x4  }
0x121: {  	[tilespmem:v54+s14+$0x0] =	vst.idx.add.f32.msk $0xffff, v24  }
0x122: {  	v55 =	vor.u32 v11, v23;
	v24 =	vld [tilespmem:s1+$0x460];
	_ =	sdelay $0x4  }
0x123: {  	[tilespmem:v55+s14+$0x0] =	vst.idx.add.f32.msk $0xffff, v24  }
0x124: {  	v56 =	vor.u32 v12, v23;
	v24 =	vld [tilespmem:s1+$0x470];
	_ =	sdelay $0x4  }
0x125: {  	[tilespmem:v56+s14+$0x0] =	vst.idx.add.f32.msk $0xffff, v24  }
0x126: {  	v57 =	vor.u32 v13, v23;
	v24 =	vld [tilespmem:s1+$0x800];
	_ =	sdelay $0x4  }
0x127: {  	[tilespmem:v57+s14+$0x0] =	vst.idx.add.f32.msk $0xffff, v24  }
0x128: {  	v58 =	vor.u32 v14, v23;
	v24 =	vld [tilespmem:s1+$0x810];
	_ =	sdelay $0x4  }
0x129: {  	[tilespmem:v58+s14+$0x0] =	vst.idx.add.f32.msk $0xffff, v24  }
0x12a: {  	v59 =	vor.u32 v15, v23;
	v24 =	vld [tilespmem:s1+$0x820];
	_ =	sdelay $0x4  }
0x12b: {  	[tilespmem:v59+s14+$0x0] =	vst.idx.add.f32.msk $0xffff, v24  }
0x12c: {  	v60 =	vor.u32 v16, v23;
	v24 =	vld [tilespmem:s1+$0x830];
	_ =	sdelay $0x4  }
0x12d: {  	[tilespmem:v60+s14+$0x0] =	vst.idx.add.f32.msk $0xffff, v24  }
0x12e: {  	v61 =	vor.u32 v17, v23;
	v24 =	vld [tilespmem:s1+$0x840];
	_ =	sdelay $0x4  }
0x12f: {  	[tilespmem:v61+s14+$0x0] =	vst.idx.add.f32.msk $0xffff, v24  }
0x130: {  	v62 =	vor.u32 v18, v23;
	v24 =	vld [tilespmem:s1+$0x850];
	_ =	sdelay $0x4  }
0x131: {  	[tilespmem:v62+s14+$0x0] =	vst.idx.add.f32.msk $0xffff, v24  }
0x132: {  	v63 =	vor.u32 v19, v23;
	v24 =	vld [tilespmem:s1+$0x860];
	_ =	sdelay $0x4  }
0x133: {  	s9 =	sadd.s32 $0x1, s9;
	[tilespmem:v63+s14+$0x0] =	vst.idx.add.f32.msk $0xffff, v24  }
0x134: {  	p0 =	sne.s32 s9, s11;
	v23 =	vor.u32 v20, v23;
	v24 =	vld [tilespmem:s1+$0x870]  }
.Ltmp4:
0x135: {  	_ = 	snop;
	(pc) =	sbr.rel @p0 .LBB2_3-.Ltmp4, $4  }
.Ltmp5:
0x136: {  	_ = 	snop;
	(pc) =	sbr.rel @!p0 .LBB2_6-.Ltmp5, $4  }
0x137: {  	_ = 	snop  }
0x138: {  	_ = 	snop  }
0x139: {  	[tilespmem:v23+s14+$0x0] =	vst.idx.add.f32.msk $0xffff, v24  }
0x13a: {  	_ = 	snop  }
.LBB2_7:
0x13b: {  	_ =	sfence.sel $0x180000  }
0x13c: {  	[bflag:$0x0] =	sbarrier.arrive $0xFFFF  }
0x13d: {  	_ =	strace $0x9000004D  }
0x13e: {  	s0 =	stileid.u32;
	[bflag:$0x2] =	sbarrier.arrive $0xFFFF  }
0x13f: {  	p0 =	sne.s32 s0, $0x0;
	s0 =	rddreg [dreg:$0x1]  }
0x140: {  	s0 =	sadd.s32 @!p0 $0x100000, s0  }
0x141: {  	[sflag:s0] =	ssyncadd.tile.s32 @!p0 $0x1;
	_ =	shalt  }
.Lfunc_end2:
_tile_overlayer_lowered:
.L_overlay_start_2:
0x142: {  	(tag) =	ssettag $0x2  }
0x143: {  	s0 =	rddreg [dreg:$0x0];
	s2 =	stileid.u32  }
0x144: {  	s1 =	rddreg [dreg:$0x1];
	p0 =	sne.s32 s2, $0x0  }
0x145: {  	s3 =	rddreg [dreg:$0x2];
	[bflag:$0x3] =	sbarrier.arrive $0xFFFF;
	s2 =	simm.s32 @!p0 $0x1C02  }
0x146: {  	[timem:s3], [sflag:s2] =	dma.local @!p0 [hbm:s0], s1  }
0x147: {  	s0 =	simm.s32 @!p0 $0x2  }
0x148: {  	_ =	swait.ge @!p0 [sflag:s0], s1  }
0x149: {  	s1 =	ssub.s32 @!p0 $0x0, s1;
	[sflag:s0] =	ssyncset.done @!p0 $0x0  }
0x14a: {  	[sflag:s0] =	ssyncadd.s32 @!p0 s1  }
0x14b: {  	[bflag:$0x3] =	sbarrier.arrive $0xFFFF  }
0x14c: {  	_ =	shalt  }

// kernel: kernel.13.cloned.1.call-start
scs
__scs_entry_jumppad:
0x0: {  	(pc) =	sbr.rel $0x88, $3  }
0x1: {  	(tag) =	ssettag $0x0;
	lr =	simm.s32 $0x1  }
0x2: {  	[smem:$0x3F8A] =	sst lr;
	_ =	strace $0xD0000000  }
0x3: {  	_ = 	snop  }
0x4: {  	_ = 	snop  }
0x5: {  	_ = 	snop  }
0x6: {  	_ = 	snop  }
0x7: {  	_ = 	snop  }
__scs_overlays_trampoline_lowered:
0x8: {  	[smem:$0x3F99] =	sst s0  }
0x9: {  	[smem:$0x3F9A] =	sst s1  }
0xa: {  	[smem:$0x3F9B] =	sst s2  }
0xb: {  	[smem:$0x3F9C] =	sst s3  }
0xc: {  	[smem:$0x3F9D] =	sst s4  }
0xd: {  	[smem:$0x3F9E] =	sst s5  }
0xe: {  	[smem:$0x3F9F] =	sst s6  }
0xf: {  	[smem:$0x3FA0] =	sst s7  }
0x10: {  	[smem:$0x3FA1] =	sst s8  }
0x11: {  	[smem:$0x3FA2] =	sst s9;
	s0 =	simm.s32 @!p0 $0x0  }
0x12: {  	s1 =	sld [smem:$0x3F88];
	s0 =	simm.s32 @p0 $0x1  }
0x13: {  	[smem:$0x3FA3] =	sst s0;
	s0 =	simm.s32 @!p1 $0x0  }
0x14: {  	s2 =	sld [smem:$0x3F87];
	s0 =	simm.s32 @p1 $0x1  }
0x15: {  	[smem:$0x3FA4] =	sst s0;
	s0 =	simm.s32 @!p2 $0x0  }
0x16: {  	s3 =	sld [smem:$0x3FDB];
	s0 =	simm.s32 @p2 $0x1  }
0x17: {  	s4 =	simm.s32 $0x1BF5;
	[smem:$0x3FA6] =	sst s0  }
0x18: {  	s0 =	sld [smem:$0x3F89];
	_ =	swait.ge [sflag:s4], $0x0  }
0x19: {  	s7 =	sld [smem:$0x3F8A]  }
0x1a: {  	s8 =	sadd.s32 $0xFFFFE003, lr  }
0x1b: {  	s9 =	sadd.s32 $0xFFFFFEF7, lr;
	s5 =	simm.s32 $0xFFFFFFFF;
	p2 =	slt.u32 s8, $0xFFFFF086  }
0x1c: {  	p1 =	slt.u32 s9, $0xF7A;
	s5 =	simm.s32 @!p2 $0x0  }
0x1d: {  	s5 =	simm.s32 @p1 $0x1;
	p0 =	seq.s32 s7, s2  }
0x1e: {  	s7 =	smul.u32 @!p0 $0xF7A, s2;
	p2 =	seq.s32 @!p0 s5, $0x0  }
0x1f: {  	s9 =	smul.u32 $0xF7A, s1;
	s8 =	simm.s32 @!p0 $0x1BF5;
	p2 =	por !p2, p0  }
0x20: {  	[sflag:s8] =	ssyncset.s32 @!p0 $0xFFFFF086;
	s6 =	sadd.s32 @!p0 s3, s7;
	s7 =	simm.s32 @!p0 $0x108  }
0x21: {  	s3 =	sadd.s32 s3, s9;
	s6 =	sadd.s32 @!p0 $0x88, s6;
	s7 =	simm.s32 @p2 $0x1082  }
0x22: {  	[simem:s7], [sflag:s8] =	dma.local @!p0 [hbm:s6], $0xF7A  }
0x23: {  	s9 =	sor.u32 $0xD0000000, s2;
	s6 =	simm.s32 $0x108;
	_ =	swait.ge @!p0 [sflag:s8], $0x0  }
0x24: {  	s3 =	sadd.s32 $0x88, s3;
	s6 =	simm.s32 @!p1 $0x1082;
	[sflag:s4] =	ssyncset.s32 $0xFFFFF086  }
0x25: {  	[simem:s6], [sflag:s4] =	dma.local [hbm:s3], $0xF7A  }
0x26: {  	[smem:$0x3F8A] =	sst s1;
	(tag) =	ssettag s2;
	_ =	strace s9  }
0x27: {  	s1 =	sld [smem:$0x3F9A]  }
0x28: {  	s2 =	sld [smem:$0x3F9B]  }
0x29: {  	s4 =	sld [smem:$0x3F9D]  }
0x2a: {  	p0 =	seq.s32 s5, $0x0;
	s5 =	sld [smem:$0x3F9E]  }
0x2b: {  	s6 =	sld [smem:$0x3F9F]  }
0x2c: {  	s7 =	sld [smem:$0x3FA0]  }
0x2d: {  	s3 =	simm.s32 $0x108;
	s8 =	sld [smem:$0x3FA1]  }
0x2e: {  	s3 =	simm.s32 @!p0 $0x1082;
	s9 =	sld [smem:$0x3FA2]  }
0x2f: {  	lr =	sadd.s32 s0, s3;
	s0 =	sld [smem:$0x3F99]  }
0x30: {  	s3 =	sld [smem:$0x3F9C]  }
0x31: {  	[smem:$0x3FA5] =	sst s10  }
0x32: {  	s10 =	sld [smem:$0x3FA3];
	_ =	sdelay $0x3  }
0x33: {  	p0 =	seq.s32 s10, $0x1;
	s10 =	sld [smem:$0x3FA5];
	_ =	sdelay $0x3  }
0x34: {  	[smem:$0x3FA5] =	sst s10  }
0x35: {  	s10 =	sld [smem:$0x3FA4];
	_ =	sdelay $0x3  }
0x36: {  	p1 =	seq.s32 s10, $0x1;
	s10 =	sld [smem:$0x3FA5];
	_ =	sdelay $0x3  }
0x37: {  	[smem:$0x3FA5] =	sst s10  }
0x38: {  	s10 =	sld [smem:$0x3FA6]  }
0x39: {  	_ = 	snop;
	(pc) =	sbr.ind lr, $3  }
0x3a: {  	_ = 	snop  }
0x3b: {  	_ = 	snop  }
0x3c: {  	p2 =	seq.s32 s10, $0x1;
	s10 =	sld [smem:$0x3FA5]  }
0x3d: {  	_ =	shalt  }
0x3e: {  	_ =	shalt  }
0x3f: {  	_ =	shalt  }
0x40: {  	_ =	shalt  }
0x41: {  	_ =	shalt  }
0x42: {  	_ =	shalt  }
0x43: {  	_ =	shalt  }
0x44: {  	_ =	shalt  }
0x45: {  	_ =	shalt  }
0x46: {  	_ =	shalt  }
0x47: {  	_ =	shalt  }
0x48: {  	_ =	shalt  }
0x49: {  	_ =	shalt  }
0x4a: {  	_ =	shalt  }
0x4b: {  	_ =	shalt  }
0x4c: {  	_ =	shalt  }
0x4d: {  	_ =	shalt  }
0x4e: {  	_ =	shalt  }
0x4f: {  	_ =	shalt  }
0x50: {  	_ =	shalt  }
0x51: {  	_ =	shalt  }
0x52: {  	_ =	shalt  }
0x53: {  	_ =	shalt  }
0x54: {  	_ =	shalt  }
0x55: {  	_ =	shalt  }
0x56: {  	_ =	shalt  }
0x57: {  	_ =	shalt  }
0x58: {  	_ =	shalt  }
0x59: {  	_ =	shalt  }
0x5a: {  	_ =	shalt  }
0x5b: {  	_ =	shalt  }
0x5c: {  	_ =	shalt  }
0x5d: {  	_ =	shalt  }
0x5e: {  	_ =	shalt  }
0x5f: {  	_ =	shalt  }
0x60: {  	_ =	shalt  }
0x61: {  	_ =	shalt  }
0x62: {  	_ =	shalt  }
0x63: {  	_ =	shalt  }
0x64: {  	_ =	shalt  }
0x65: {  	_ =	shalt  }
0x66: {  	_ =	shalt  }
0x67: {  	_ =	shalt  }
0x68: {  	_ =	shalt  }
0x69: {  	_ =	shalt  }
0x6a: {  	_ =	shalt  }
0x6b: {  	_ =	shalt  }
0x6c: {  	_ =	shalt  }
0x6d: {  	_ =	shalt  }
0x6e: {  	_ =	shalt  }
0x6f: {  	_ =	shalt  }
0x70: {  	_ =	shalt  }
0x71: {  	_ =	shalt  }
0x72: {  	_ =	shalt  }
0x73: {  	_ =	shalt  }
0x74: {  	_ =	shalt  }
0x75: {  	_ =	shalt  }
0x76: {  	_ =	shalt  }
0x77: {  	_ =	shalt  }
0x78: {  	_ =	shalt  }
0x79: {  	_ =	shalt  }
0x7a: {  	_ =	shalt  }
0x7b: {  	_ =	shalt  }
0x7c: {  	_ =	shalt  }
0x7d: {  	_ =	shalt  }
0x7e: {  	_ =	shalt  }
0x7f: {  	_ =	shalt  }
0x80: {  	_ =	shalt  }
0x81: {  	_ =	shalt  }
0x82: {  	_ =	shalt  }
0x83: {  	_ =	shalt  }
0x84: {  	_ =	shalt  }
0x85: {  	_ =	shalt  }
0x86: {  	_ =	shalt  }
0x87: {  	_ =	shalt  }
.Lfunc_end0:
.L_simem_size_0:
called_computation.3_lowered:
.L_overlay_start_0:
0x88: {  	s2 =	sld [smem:$0x3FD9]  }
0x89: {  	s3 =	sld [smem:$0x3FFE];
	_ =	sdelay $0x1  }
0x8a: {  	s1 =	srdreg.scid  }
0x8b: {  	s0 =	sand.u32 $0x1, s1  }
0x8c: {  	s16 =	sshll.u32 s0, $0xA;
	s2 =	sadd.s32 s3, s2  }
0x8d: {  	s2 =	sadd.s32 s2, s16  }
0x8e: {  	[smem:$0x3FB1] =	sst s2  }
0x8f: {  	_ = 	snop  }
0x90: {  	(tm) =	ssettm $0x1  }
0x91: {  	s17 =	sld [smem:$0x3FFB];
	_ =	sdelay $0x3  }
0x92: {  	_ =	strace s17  }
0x93: {  	s2 =	sld [smem:$0x3FFC];
	_ =	sdelay $0x3  }
0x94: {  	_ =	strace s2  }
0x95: {  	s2 =	sld [smem:$0x3FFD];
	_ =	sdelay $0x3  }
0x96: {  	_ =	strace s2  }
0x97: {  	_ =	strace $0x8FFFFFFF  }
0x98: {  	s18 =	sld [smem:$0x3FDB];
	_ =	sdelay $0x1  }
0x99: {  	s19 =	simm.s32 $_scs_section_size  }
0x9a: {  	s4 =	simm.s32 $_size__tile_overlayer_lowered;
	s5 =	simm.s32 $_tile_overlayer_lowered  }
0x9b: {  	s22 =	simm.s32 $0x1BFF;
	s21 =	sshll.u32 s5, $0x1;
	s2 =	sadd.s32 s19, s18  }
0x9c: {  	s6 =	simm.s32 $0x0;
	s20 =	sshll.u32 s4, $0x1;
	s4 =	sadd.s32 s21, s2  }
0x9d: {  	[timem:s6], [sflag:s22] =	dma.local [hbm:s4], s20  }
0x9e: {  	_ =	swait.ge [sflag:s22], s20  }
0x9f: {  	s3 =	ssub.s32 $0x0, s20;
	[sflag:s22] =	ssyncset.done $0x0  }
0xa0: {  	[sflag:s22] =	ssyncadd.s32 s3;
	_ =	sdelay $0x1  }
0xa1: {  	s23 =	simm.s32 $0x1B8B  }
0xa2: {  	_ =	swait.ge [sflag:s23], $0x1  }
0xa3: {  	[sflag:s23] =	ssyncset.done $0x0  }
0xa4: {  	s25 =	simm.s32 $0x1B8E;
	s24 =	sld [smem:$0x3FFE];
	[sflag:s23] =	ssyncadd.s32 $0xFFFFFFFF  }
0xa5: {  	s26 =	simm.s32 $execute0_lowered;
	[smem:$0x3FD2] =	sst s25  }
0xa6: {  	s4 =	sshll.u32 s26, $0x1;
	_ =	strace $0x8000004F;
	[dreg:$0x1] =	wrdreg $0xFFFFFFFF  }
0xa7: {  	s28 =	simm.s32 $_size_execute0_lowered;
	s2 =	sadd.s32 s2, s4;
	[dreg:$0x0] =	wrdreg $0x0  }
0xa8: {  	s4 =	sshll.u32 s28, $0x1;
	[dreg:$0x2] =	wrdreg s2  }
0xa9: {  	[dreg:$0x3] =	wrdreg s4  }
0xaa: {  	[dreg:$0x4] =	wrdreg $0xC0  }
0xab: {  	_ =	task [dreg:s6], $0x5FFFF  }
0xac: {  	[dreg:$0x1] =	wrdreg $0xFFFFFFFF  }
0xad: {  	[dreg:$0x0] =	wrdreg $0x60  }
0xae: {  	[dreg:$0x2] =	wrdreg s24  }
0xaf: {  	[dreg:$0x3] =	wrdreg $0x9  }
0xb0: {  	_ =	task.clear_ibuf [dreg:s6], $0x4FFFF;
	_ =	strace $0x9000004F  }
0xb1: {  	s29 =	simm.s32 $0x9;
	_ =	strace $0x80000051  }
0xb2: {  	_ =	swait.ge [sflag:s29], $0x1  }
0xb3: {  	[sflag:s29] =	ssyncadd.s32 $0xFFFFFFFF  }
0xb4: {  	_ =	strace $0x90000051  }
0xb5: {  	_ =	sfence  }
0xb6: {  	s30 =	sld [smem:$0x0];
	_ =	sdelay $0x2  }
0xb7: {  	s31 =	sshll.u32 s1, $0xD;
	s1 =	sshrl.u32 s1, $0x2  }
0xb8: {  	s3 =	sand.u32 $0x4000, s31;
	s1 =	sadd.s32 s1, s30  }
0xb9: {  	s0 =	sor.u32 s3, s0;
	s1 =	sshll.u32 s1, $0x11  }
0xba: {  	s0 =	sor.u32 s1, s0  }
0xbb: {  	s0 =	sadd.s32 $0x8F2B, s0  }
0xbc: {  	[sflag:s0] =	ssyncadd.remote.s32 $0x1  }
0xbd: {  	_ =	sfence.sel $0xFFFF  }
0xbe: {  	[dreg:$0x0] =	wrdreg $0xFFFFFFFF;
	(pc) =	sbr.abs _section_cstart, $3  }
0xbf: {  	[dreg:$0x1] =	wrdreg $0xFFFFFFFF  }
0xc0: {  	_ =	task.clear_ibuf [dreg:s6], $0x2FFFF;
	_ =	strace $0x9FFFFFFF  }
0xc1: {  	(tm) =	ssettm $0x7FFFFFFF  }
tec
execute0_lowered:
.L_overlay_start_1:
0x0: {  	(tag) =	ssettag $0x1  }
0x1: {  	s0 =	rddreg [dreg:$0x0]  }
0x2: {  	s1 =	srdreg.scid;
	s7 =	simm.s32 $0x0;
	s3 =	stileid.u32  }
0x3: {  	s11 =	simm.s32 $0x2;
	s12 =	simm.s32 $0x8400;
	s13 =	simm.s32 $0x1  }
0x4: {  	s15 =	simm.s32 $0x380;
	s18 =	simm.s32 $0x1400;
	s19 =	simm.s32 $0x1C00  }
0x5: {  	s20 =	simm.s32 $0x2400;
	s21 =	simm.s32 $0x2C00;
	s22 =	simm.s32 $0x3400  }
0x6: {  	s23 =	simm.s32 $0x3C00;
	s28 =	simm.s32 $0x5C00;
	s29 =	simm.s32 $0x6400  }
0x7: {  	s30 =	simm.s32 $0x6C00;
	s31 =	simm.s32 $0x7400;
	s9 =	simm.s32 $0x0  }
0x8: {  	s1 =	sand.u32 $0x1, s1;
	[smem:$0x7FF] =	sst s7;
	s4 =	sadd.s32 $0x72E00, s0  }
0x9: {  	s6 =	sadd.s32 $0x5000, s0;
	s8 =	sadd.s32 $0x5200, s0;
	s2 =	sshll.u32 s1, $0x4  }
0xa: {  	v0 =	vlaneseq.u32;
	_ =	strace $0x80000050;
	[dreg:$0x2] =	wrdreg s6;
	s6 =	sadd.s32 $0x22E00, s0  }
0xb: {  	vm0 =	vmmov $0xffff;
	v2 =	vand.u32 $0x7, v0;
	v3 =	vshrl.u32 v0, $0x3;
	s1 =	ssub.s32 $0x2, s1;
	[dreg:$0x3] =	wrdreg s8;
	s2 =	sor.u32 s3, s2  }
0xc: {  	v4 =	vor.u32 $0x8, v0;
	v5 =	vor.u32 $0x10, v0;
	v6 =	vor.u32 $0x20, v0;
	s3 =	sadd.s32 $0x19000, s0;
	s24 =	sshrl.u32 s1, $0x1;
	s5 =	smul.u32 $0x2800, s2  }
.Ltmp0:
0xd: {  	v7 =	vor.u32 $0x30, v0;
	v8 =	vor.u32 $0x40, v0;
	v9 =	vor.u32 $0x50, v0;
	s1 =	ssub.s32 s1, s24;
	s25 =	sshll.u32 s2, $0x4;
	(pc) =	sbr.rel .LBB2_1-.Ltmp0, $4  }
0xe: {  	v10 =	vor.u32 $0x60, v0;
	v11 =	vor.u32 $0x70, v0;
	v12 =	vor.u32 $0x400, v0;
	s2 =	smul.u32 $0x140, s2;
	s24 =	simm.s32 $0x4400;
	[dreg:$0x4] =	wrdreg s25  }
0xf: {  	v13 =	vor.u32 $0x410, v0;
	v14 =	vor.u32 $0x420, v0;
	v15 =	vor.u32 $0x430, v0;
	s26 =	smax.u32 s1, $0x1;
	s25 =	simm.s32 $0x4C00;
	s0 =	sadd.s32 s5, s0  }
0x10: {  	v16 =	vor.u32 $0x440, v0;
	v17 =	vor.u32 $0x450, v0;
	v18 =	vor.u32 $0x460, v0;
	[dreg:$0x6] =	wrdreg s26;
	s26 =	simm.s32 $0x5400;
	s0 =	sadd.s32 $0x7CC00, s0  }
0x11: {  	v19 =	vor.u32 $0x470, v0;
	v3 =	vmul.u32 $0x8, v3;
	v1 =	vmov s2;
	s2 =	simm.s32 $0x0;
	[dreg:$0x5] =	wrdreg s0;
	s0 =	simm.s32 $0x7C00  }
.LBB2_6:
0x12: {  	s7 =	simm.s32 $0x0;
	s1 =	rddreg [dreg:$0x5]  }
0x13: {  	[hbm4b:s1+s7] =	stream.linear.scatter [tilespmem:s12], [sflag:$0x2], $0x14000, $0x38;
	[tilespmem:$0x1CC00] =	vst v63  }
0x14: {  	_ =	swait.ge [sflag:s11], $0x14000  }
0x15: {  	s2 =	rddreg [dreg:$0x7]  }
0x16: {  	s17 =	rddreg [dreg:$0x6];
	s2 =	sadd.s32 $0x1, s2  }
0x17: {  	p0 =	sne.s32 s2, s17  }
.Ltmp1:
0x18: {  	_ = 	snop;
	(pc) =	sbr.rel @!p0 .LBB2_7-.Ltmp1, $3  }
0x19: {  	_ =	sdelay $0x1  }
0x1a: {  	[sflag:s11] =	ssyncset.done $0x0  }
0x1b: {  	[sflag:s11] =	ssyncadd.s32 $0xFFFEC000  }
.LBB2_1:
0x1c: {  	[dreg:$0x7] =	wrdreg s2  }
0x1d: {  	s1 =	rddreg [dreg:$0x2]  }
0x1e: {  	[tilespmem:s7], [sflag:$0x2] =	stream.linear.gather [hbm4b:s1+s7], $0x300, $0x38;
	[tilespmem:$0x1CC00] =	vst v63  }
0x1f: {  	_ =	swait.ge [sflag:s11], $0x300  }
0x20: {  	[sflag:s11] =	ssyncset.done $0x0  }
0x21: {  	s2 =	rddreg [dreg:$0x3];
	[sflag:s11] =	ssyncadd.s32 $0xFFFFFD00  }
0x22: {  	[tilespmem:s12], [sflag:$0x2] =	stream.linear.gather [hbm4b:s2+s7], $0x14800, $0x38;
	[tilespmem:$0x1CC00] =	vst v63  }
0x23: {  	_ =	swait.ge [sflag:s11], $0x14800  }
0x24: {  	[sflag:s11] =	ssyncset.done $0x0  }
0x25: {  	s5 =	rddreg [dreg:$0x4];
	[sflag:s11] =	ssyncadd.s32 $0xFFFEB800  }
0x26: {  	v20 =	vld [tilespmem:s5+$0x0];
	_ =	sdelay $0x4  }
0x27: {  	(v2sf) =	vpush v20, $0x0;
	_ =	sdelay $0x1  }
0x28: {  	v21 =	vld [tilespmem:s5+$0x10];
	_ =	sdelay $0x4  }
0x29: {  	(v2sf) =	vpush v21, $0x0;
	_ =	sdelay $0x7  }
0x2a: {  	s7 =	spop (v2sf)  }
0x2b: {  	s8 =	sand.u32 $0x7F, s7  }
0x2c: {  	s5 =	sshra.s32 s7, $0x1F;
	p0 =	slt.s32 s7, $0x1;
	p1 =	sne.s32 s8, $0x0  }
0x2d: {  	s10 =	sshrl.u32 s5, $0x19;
	p0 =	por !p0, !p1  }
0x2e: {  	s2 =	simm.s32 $0x1;
	s1 =	sadd.s32 s10, s7;
	p0 =	por !p0, !p0  }
0x2f: {  	s1 =	sshra.s32 s1, $0x7;
	s2 =	simm.s32 @!p0 $0x0  }
0x30: {  	s5 =	ssub.s32 s1, s2  }
0x31: {  	s14 =	spop (v2sf);
	s2 =	sshll.u32 s5, $0x7  }
0x32: {  	s1 =	ssub.s32 s14, s2  }
0x33: {  	s1 =	sadd.s32 $0x7F, s1  }
0x34: {  	s16 =	sand.u32 $0x7F, s1  }
0x35: {  	s17 =	sshra.s32 s1, $0x1F;
	p6 =	slt.s32 s1, $0x1;
	p5 =	sne.s32 s16, $0x0  }
0x36: {  	s2 =	sshrl.u32 s17, $0x19;
	p0 =	por !p6, !p5  }
0x37: {  	s1 =	sadd.s32 s2, s1;
	s2 =	simm.s32 $0x1;
	p0 =	por !p0, !p0  }
0x38: {  	s1 =	sshra.s32 s1, $0x7;
	s2 =	simm.s32 @!p0 $0x0  }
0x39: {  	s7 =	ssub.s32 s1, s2  }
0x3a: {  	p0 =	slt.s32 s7, $0x1  }
.Ltmp2:
0x3b: {  	_ = 	snop;
	(pc) =	sbr.rel @p0 .LBB2_6-.Ltmp2, $1  }
0x3c: {  	_ =	sdelay $0x3  }
0x3d: {  	v20 =	vbroadcast v20, $0x0;
	v21 =	vbroadcast v21, $0x0;
	s10 =	simm.s32 $0x0  }
.LBB2_3:
0x3e: {  	s1 =	sadd.s32 s5, s10  }
0x3f: {  	s2 =	sshll.u32 s1, $0x4  }
0x40: {  	s2 =	sand.u32 $0x1FFFFFF0, s2  }
0x41: {  	s14 =	simm.s32 $0x300;
	s8 =	sadd.s32 s3, s2  }
0x42: {  	[tilespmem:s14], [sflag:$0x2] =	stream.linear.gather [hbm4b:s8+s9], $0x80, $0x38;
	[tilespmem:$0x1CC00] =	vst v63  }
0x43: {  	_ =	swait.ge [sflag:s11], $0x80  }
0x44: {  	[sflag:s11] =	ssyncset.done $0x0  }
0x45: {  	s2 =	sadd.s32 s4, s2;
	[sflag:s11] =	ssyncadd.s32 $0xFFFFFF80  }
0x46: {  	[tilespmem:s15], [sflag:$0x2] =	stream.linear.gather [hbm4b:s2+s9], $0x80, $0x38;
	[tilespmem:$0x1CC00] =	vst v63  }
0x47: {  	_ =	swait.ge [sflag:s11], $0x80  }
0x48: {  	[sflag:s11] =	ssyncset.done $0x0  }
0x49: {  	[sflag:s11] =	ssyncadd.s32 $0xFFFFFF80  }
0x4a: {  	v22 =	vld [tilespmem:$0x380]  }
0x4b: {  	v23 =	vld [tilespmem:$0x300]  }
0x4c: {  	s1 =	sshll.u32 s1, $0x7;
	v25 =	vld [tilespmem:$0x390]  }
0x4d: {  	v24 =	vor.u32 s1, v0;
	s16 =	sor.u32 $0x10, s1;
	v26 =	vld [tilespmem:$0x3A0]  }
0x4e: {  	s17 =	sor.u32 $0x20, s1;
	vm1 =	vge.s32 v24, v20;
	vm2 =	vlt.s32 v24, v21;
	v27 =	vor.u32 s16, v0;
	v24 =	vld [tilespmem:$0x310]  }
0x4f: {  	v29 =	vor.u32 s17, v0;
	vm1 =	vmand vm1, vm2;
	vm2 =	vlt.s32 v27, v21;
	s8 =	sor.u32 $0x30, s1;
	v28 =	vld [tilespmem:$0x320]  }
0x50: {  	vm3 =	vlt.s32 v29, v21;
	v32 =	vor.u32 s8, v0;
	v58 =	vld [tilespmem:$0x3C0];
	v22 =	vsub.s32 v22, v1  }
0x51: {  	v23 =	vnsel vm1, $0x0, v23;
	v22 =	vnsel vm1, $0x140, v22;
	vm1 =	vge.s32 v27, v20;
	v27 =	vld [tilespmem:$0x3B0]  }
0x52: {  	s14 =	sor.u32 $0x40, s1;
	v30 =	vld [tilespmem:$0x330];
	v25 =	vsub.s32 v25, v1;
	v26 =	vsub.s32 v26, v1;
	vm1 =	vmand vm1, vm2  }
0x53: {  	v33 =	vld [tilespmem:$0x3D0];
	[tilespmem:$0x300] =	vst v23;
	v23 =	vor.u32 s14, v0;
	vm2 =	vge.s32 v29, v20;
	v25 =	vnsel vm1, $0x140, v25  }
0x54: {  	v24 =	vnsel vm1, $0x0, v24;
	vm1 =	vmand vm2, vm3;
	vm2 =	vlt.s32 v32, v21  }
0x55: {  	v31 =	vld [tilespmem:$0x340];
	[tilespmem:$0x380] =	vst v22;
	vm3 =	vlt.s32 v23, v21;
	v26 =	vnsel vm1, $0x140, v26;
	v28 =	vnsel vm1, $0x0, v28  }
0x56: {  	s16 =	sor.u32 $0x50, s1;
	vm1 =	vge.s32 v32, v20;
	[tilespmem:$0x310] =	vst v24;
	v24 =	vsub.s32 v58, v1;
	v22 =	vsub.s32 v27, v1;
	v27 =	vld [tilespmem:$0x300]  }
0x57: {  	[tilespmem:$0x390] =	vst v25;
	v25 =	vor.u32 s16, v0;
	vm1 =	vmand vm1, vm2;
	vm2 =	vge.s32 v23, v20  }
0x58: {  	v59 =	vld [tilespmem:$0x350];
	[tilespmem:$0x3A0] =	vst v26;
	v26 =	vsub.s32 v33, v1;
	v23 =	vnsel vm1, $0x0, v30;
	v22 =	vnsel vm1, $0x140, v22  }
0x59: {  	s17 =	sor.u32 $0x60, s1;
	vm1 =	vmand vm2, vm3;
	vm2 =	vge.s32 v25, v20;
	vm3 =	vlt.s32 v25, v21  }
0x5a: {  	v60 =	vld [tilespmem:$0x3E0];
	[tilespmem:$0x330] =	vst v23;
	v23 =	vor.u32 s17, v0;
	v24 =	vnsel vm1, $0x140, v24;
	v25 =	vnsel vm1, $0x0, v31  }
0x5b: {  	v61 =	vld [tilespmem:$0x360];
	[tilespmem:$0x320] =	vst v28;
	vm1 =	vmand vm2, vm3;
	vm2 =	vlt.s32 v23, v21;
	v62 =	vshll.u32 v27, $0x1  }
0x5c: {  	v63 =	vld [tilespmem:$0x3F0];
	[tilespmem:$0x3B0] =	vst v22;
	v22 =	vnsel vm1, $0x140, v26;
	v27 =	vand.u32 $0x7, v27;
	v30 =	vand.u32 $0xFFFFFFF0, v62  }
0x5d: {  	s1 =	sor.u32 $0x70, s1;
	v26 =	vnsel vm1, $0x0, v59;
	[tilespmem:$0x3C0] =	vst v24;
	vm1 =	vge.s32 v23, v20;
	v23 =	vor.u32 v27, v30  }
0x5e: {  	[tilespmem:$0x340] =	vst v25;
	v24 =	vor.u32 s1, v0;
	v25 =	vld [tilespmem:$0x370];
	vm1 =	vmand vm1, vm2;
	v27 =	vperm.xlane v23, v2  }
0x5f: {  	[tilespmem:$0x3D0] =	vst v22;
	vm2 =	vge.s32 v24, v20;
	vm3 =	vlt.s32 v24, v21;
	v22 =	vsub.s32 v60, v1  }
0x60: {  	[tilespmem:$0x350] =	vst v26;
	v22 =	vnsel vm1, $0x140, v22;
	v23 =	vperm.xlane v23, v4;
	v24 =	vadd.s32 v3, v27  }
0x61: {  	v26 =	vnsel vm1, $0x0, v61;
	vm1 =	vmand vm2, vm3;
	[tilespmem:$0x3E0] =	vst v22;
	v22 =	vsub.s32 v63, v1  }
0x62: {  	[tilespmem:$0x360] =	vst v26;
	v22 =	vnsel vm1, $0x140, v22;
	v23 =	vadd.s32 v3, v23  }
0x63: {  	[tilespmem:$0x3F0] =	vst v22;
	v22 =	vnsel vm1, $0x0, v25  }
0x64: {  	s2 =	simm.s32 $0x400;
	[tilespmem:$0x370] =	vst v22  }
0x65: {  	[tilespmem:s2], [sflag:$0x1] =	stream.indirect_vreg.gather [hbm4b:s6+s9], $0x80, v24, vm0, $0xb8;
	[tilespmem:$0x1CC00] =	vst v63  }
0x66: {  	s8 =	simm.s32 $0xC00  }
0x67: {  	[tilespmem:s8], [sflag:$0x1] =	stream.indirect_vreg.gather [hbm4b:s6+s9], $0x80, v23, vm0, $0xb8;
	[tilespmem:$0x1CC00] =	vst v63  }
0x68: {  	v22 =	vld [tilespmem:$0x310];
	_ =	sdelay $0x4  }
0x69: {  	v23 =	vshll.u32 v22, $0x1  }
0x6a: {  	v22 =	vand.u32 $0x7, v22;
	v23 =	vand.u32 $0xFFFFFFF0, v23  }
0x6b: {  	v22 =	vor.u32 v22, v23  }
0x6c: {  	v23 =	vperm.xlane v22, v2;
	_ =	sdelay $0x1  }
0x6d: {  	v22 =	vperm.xlane v22, v4;
	v23 =	vadd.s32 v3, v23;
	_ =	sdelay $0x1  }
0x6e: {  	v22 =	vadd.s32 v3, v22;
	_ =	sdelay $0x2  }
0x6f: {  	[tilespmem:s18], [sflag:$0x1] =	stream.indirect_vreg.gather [hbm4b:s6+s9], $0x80, v23, vm0, $0xb8;
	[tilespmem:$0x1CC00] =	vst v63  }
0x70: {  	_ = 	snop  }
0x71: {  	[tilespmem:s19], [sflag:$0x1] =	stream.indirect_vreg.gather [hbm4b:s6+s9], $0x80, v22, vm0, $0xb8;
	[tilespmem:$0x1CC00] =	vst v63  }
0x72: {  	v22 =	vld [tilespmem:$0x320];
	_ =	sdelay $0x4  }
0x73: {  	v23 =	vshll.u32 v22, $0x1  }
0x74: {  	v22 =	vand.u32 $0x7, v22;
	v23 =	vand.u32 $0xFFFFFFF0, v23  }
0x75: {  	v22 =	vor.u32 v22, v23  }
0x76: {  	v23 =	vperm.xlane v22, v2;
	_ =	sdelay $0x1  }
0x77: {  	v22 =	vperm.xlane v22, v4;
	v23 =	vadd.s32 v3, v23;
	_ =	sdelay $0x1  }
0x78: {  	v22 =	vadd.s32 v3, v22;
	_ =	sdelay $0x2  }
0x79: {  	[tilespmem:s20], [sflag:$0x1] =	stream.indirect_vreg.gather [hbm4b:s6+s9], $0x80, v23, vm0, $0xb8;
	[tilespmem:$0x1CC00] =	vst v63  }
0x7a: {  	_ = 	snop  }
0x7b: {  	[tilespmem:s21], [sflag:$0x1] =	stream.indirect_vreg.gather [hbm4b:s6+s9], $0x80, v22, vm0, $0xb8;
	[tilespmem:$0x1CC00] =	vst v63  }
0x7c: {  	v22 =	vld [tilespmem:$0x330];
	_ =	sdelay $0x4  }
0x7d: {  	v23 =	vshll.u32 v22, $0x1  }
0x7e: {  	v22 =	vand.u32 $0x7, v22;
	v23 =	vand.u32 $0xFFFFFFF0, v23  }
0x7f: {  	v22 =	vor.u32 v22, v23  }
0x80: {  	v23 =	vperm.xlane v22, v2;
	_ =	sdelay $0x1  }
0x81: {  	v22 =	vperm.xlane v22, v4;
	v23 =	vadd.s32 v3, v23;
	_ =	sdelay $0x1  }
0x82: {  	v22 =	vadd.s32 v3, v22;
	_ =	sdelay $0x2  }
0x83: {  	[tilespmem:s22], [sflag:$0x1] =	stream.indirect_vreg.gather [hbm4b:s6+s9], $0x80, v23, vm0, $0xb8;
	[tilespmem:$0x1CC00] =	vst v63  }
0x84: {  	_ = 	snop  }
0x85: {  	[tilespmem:s23], [sflag:$0x1] =	stream.indirect_vreg.gather [hbm4b:s6+s9], $0x80, v22, vm0, $0xb8;
	[tilespmem:$0x1CC00] =	vst v63  }
0x86: {  	v22 =	vld [tilespmem:$0x340];
	_ =	sdelay $0x4  }
0x87: {  	v23 =	vshll.u32 v22, $0x1  }
0x88: {  	v22 =	vand.u32 $0x7, v22;
	v23 =	vand.u32 $0xFFFFFFF0, v23  }
0x89: {  	v22 =	vor.u32 v22, v23  }
0x8a: {  	v23 =	vperm.xlane v22, v2;
	_ =	sdelay $0x1  }
0x8b: {  	v22 =	vperm.xlane v22, v4;
	v23 =	vadd.s32 v3, v23;
	_ =	sdelay $0x1  }
0x8c: {  	v22 =	vadd.s32 v3, v22;
	_ =	sdelay $0x2  }
0x8d: {  	[tilespmem:s24], [sflag:$0x1] =	stream.indirect_vreg.gather [hbm4b:s6+s9], $0x80, v23, vm0, $0xb8;
	[tilespmem:$0x1CC00] =	vst v63  }
0x8e: {  	_ = 	snop  }
0x8f: {  	[tilespmem:s25], [sflag:$0x1] =	stream.indirect_vreg.gather [hbm4b:s6+s9], $0x80, v22, vm0, $0xb8;
	[tilespmem:$0x1CC00] =	vst v63  }
0x90: {  	v22 =	vld [tilespmem:$0x350];
	_ =	sdelay $0x4  }
0x91: {  	v23 =	vshll.u32 v22, $0x1  }
0x92: {  	v22 =	vand.u32 $0x7, v22;
	v23 =	vand.u32 $0xFFFFFFF0, v23  }
0x93: {  	v22 =	vor.u32 v22, v23  }
0x94: {  	v23 =	vperm.xlane v22, v2;
	_ =	sdelay $0x1  }
0x95: {  	v22 =	vperm.xlane v22, v4;
	v23 =	vadd.s32 v3, v23;
	_ =	sdelay $0x1  }
0x96: {  	v22 =	vadd.s32 v3, v22;
	_ =	sdelay $0x2  }
0x97: {  	[tilespmem:s26], [sflag:$0x1] =	stream.indirect_vreg.gather [hbm4b:s6+s9], $0x80, v23, vm0, $0xb8;
	[tilespmem:$0x1CC00] =	vst v63  }
0x98: {  	_ = 	snop  }
0x99: {  	[tilespmem:s28], [sflag:$0x1] =	stream.indirect_vreg.gather [hbm4b:s6+s9], $0x80, v22, vm0, $0xb8;
	[tilespmem:$0x1CC00] =	vst v63  }
0x9a: {  	v22 =	vld [tilespmem:$0x360];
	_ =	sdelay $0x4  }
0x9b: {  	v23 =	vshll.u32 v22, $0x1  }
0x9c: {  	v22 =	vand.u32 $0x7, v22;
	v23 =	vand.u32 $0xFFFFFFF0, v23  }
0x9d: {  	v22 =	vor.u32 v22, v23  }
0x9e: {  	v23 =	vperm.xlane v22, v2;
	_ =	sdelay $0x1  }
0x9f: {  	v22 =	vperm.xlane v22, v4;
	v23 =	vadd.s32 v3, v23;
	_ =	sdelay $0x1  }
0xa0: {  	v22 =	vadd.s32 v3, v22;
	_ =	sdelay $0x2  }
0xa1: {  	[tilespmem:s29], [sflag:$0x1] =	stream.indirect_vreg.gather [hbm4b:s6+s9], $0x80, v23, vm0, $0xb8;
	[tilespmem:$0x1CC00] =	vst v63  }
0xa2: {  	_ = 	snop  }
0xa3: {  	[tilespmem:s30], [sflag:$0x1] =	stream.indirect_vreg.gather [hbm4b:s6+s9], $0x80, v22, vm0, $0xb8;
	[tilespmem:$0x1CC00] =	vst v63  }
0xa4: {  	v22 =	vld [tilespmem:$0x370];
	_ =	sdelay $0x4  }
0xa5: {  	v23 =	vshll.u32 v22, $0x1  }
0xa6: {  	v22 =	vand.u32 $0x7, v22;
	v23 =	vand.u32 $0xFFFFFFF0, v23  }
0xa7: {  	v22 =	vor.u32 v22, v23  }
0xa8: {  	v23 =	vperm.xlane v22, v2;
	_ =	sdelay $0x1  }
0xa9: {  	v22 =	vperm.xlane v22, v4;
	v23 =	vadd.s32 v3, v23;
	_ =	sdelay $0x1  }
0xaa: {  	v22 =	vadd.s32 v3, v22;
	_ =	sdelay $0x2  }
0xab: {  	[tilespmem:s31], [sflag:$0x1] =	stream.indirect_vreg.gather [hbm4b:s6+s9], $0x80, v23, vm0, $0xb8;
	[tilespmem:$0x1CC00] =	vst v63  }
0xac: {  	v23 =	vmov s9  }
0xad: {  	[tilespmem:s0], [sflag:$0x1] =	stream.indirect_vreg.gather [hbm4b:s6+s9], $0x80, v22, vm0, $0xb8;
	[tilespmem:$0x1CC00] =	vst v63  }
0xae: {  	_ =	swait.ge [sflag:s13], $0x8000  }
0xaf: {  	[sflag:s13] =	ssyncset.done $0x0  }
0xb0: {  	[sflag:s13] =	ssyncadd.s32 $0xFFFF8000  }
0xb1: {  	v22 =	vld.idx.msk [tilespmem:v23+s15+$0x0], $0xffff;
	_ =	sdelay $0x4  }
0xb2: {  	v23 =	vshll.u32 v22, $0x8;
	v22 =	vshll.u32 v22, $0x7  }
0xb3: {  	s14 =	sand.u32 $0x7800, s9;
	s16 =	sand.u32 $0x380, s9;
	v23 =	vand.u32 $0xFFFFF800, v23;
	v22 =	vand.u32 $0x380, v22  }
0xb4: {  	s1 =	sor.u32 s16, s14;
	v22 =	vor.u32 v22, v23  }
0xb5: {  	v23 =	vld [tilespmem:s1+$0x400];
	v24 =	vor.u32 v0, v22;
	_ =	sdelay $0x4  }
0xb6: {  	[tilespmem:v24+s12+$0x0] =	vst.idx.add.f32.msk $0xffff, v23  }
0xb7: {  	v24 =	vor.u32 v5, v22;
	v23 =	vld [tilespmem:s1+$0x410];
	_ =	sdelay $0x4  }
0xb8: {  	[tilespmem:v24+s12+$0x0] =	vst.idx.add.f32.msk $0xffff, v23  }
0xb9: {  	v24 =	vor.u32 v6, v22;
	v23 =	vld [tilespmem:s1+$0x420];
	_ =	sdelay $0x4  }
0xba: {  	[tilespmem:v24+s12+$0x0] =	vst.idx.add.f32.msk $0xffff, v23  }
0xbb: {  	v24 =	vor.u32 v7, v22;
	v23 =	vld [tilespmem:s1+$0x430];
	_ =	sdelay $0x4  }
0xbc: {  	[tilespmem:v24+s12+$0x0] =	vst.idx.add.f32.msk $0xffff, v23  }
0xbd: {  	v24 =	vor.u32 v8, v22;
	v23 =	vld [tilespmem:s1+$0x440];
	_ =	sdelay $0x4  }
0xbe: {  	[tilespmem:v24+s12+$0x0] =	vst.idx.add.f32.msk $0xffff, v23  }
0xbf: {  	v24 =	vor.u32 v9, v22;
	v23 =	vld [tilespmem:s1+$0x450];
	_ =	sdelay $0x4  }
0xc0: {  	[tilespmem:v24+s12+$0x0] =	vst.idx.add.f32.msk $0xffff, v23  }
0xc1: {  	v24 =	vor.u32 v10, v22;
	v23 =	vld [tilespmem:s1+$0x460];
	_ =	sdelay $0x4  }
0xc2: {  	[tilespmem:v24+s12+$0x0] =	vst.idx.add.f32.msk $0xffff, v23  }
0xc3: {  	v24 =	vor.u32 v11, v22;
	v23 =	vld [tilespmem:s1+$0x470];
	_ =	sdelay $0x4  }
0xc4: {  	[tilespmem:v24+s12+$0x0] =	vst.idx.add.f32.msk $0xffff, v23  }
0xc5: {  	v24 =	vor.u32 v12, v22;
	v23 =	vld [tilespmem:s1+$0x800];
	_ =	sdelay $0x4  }
0xc6: {  	[tilespmem:v24+s12+$0x0] =	vst.idx.add.f32.msk $0xffff, v23  }
0xc7: {  	v24 =	vor.u32 v13, v22;
	v23 =	vld [tilespmem:s1+$0x810];
	_ =	sdelay $0x4  }
0xc8: {  	[tilespmem:v24+s12+$0x0] =	vst.idx.add.f32.msk $0xffff, v23  }
0xc9: {  	v24 =	vor.u32 v14, v22;
	v23 =	vld [tilespmem:s1+$0x820];
	_ =	sdelay $0x4  }
0xca: {  	[tilespmem:v24+s12+$0x0] =	vst.idx.add.f32.msk $0xffff, v23  }
0xcb: {  	v24 =	vor.u32 v15, v22;
	v23 =	vld [tilespmem:s1+$0x830];
	_ =	sdelay $0x4  }
0xcc: {  	[tilespmem:v24+s12+$0x0] =	vst.idx.add.f32.msk $0xffff, v23  }
0xcd: {  	v24 =	vor.u32 v16, v22;
	v23 =	vld [tilespmem:s1+$0x840];
	_ =	sdelay $0x4  }
0xce: {  	[tilespmem:v24+s12+$0x0] =	vst.idx.add.f32.msk $0xffff, v23  }
0xcf: {  	v24 =	vor.u32 v17, v22;
	v23 =	vld [tilespmem:s1+$0x850];
	_ =	sdelay $0x4  }
0xd0: {  	[tilespmem:v24+s12+$0x0] =	vst.idx.add.f32.msk $0xffff, v23  }
0xd1: {  	v24 =	vor.u32 v18, v22;
	v23 =	vld [tilespmem:s1+$0x860];
	_ =	sdelay $0x4  }
0xd2: {  	[tilespmem:v24+s12+$0x0] =	vst.idx.add.f32.msk $0xffff, v23  }
0xd3: {  	s17 =	simm.s32 $0x1;
	v24 =	vor.u32 v19, v22;
	v23 =	vld [tilespmem:s1+$0x870]  }
0xd4: {  	s16 =	simm.s32 $0x2;
	s2 =	simm.s32 $0x0;
	s8 =	simm.s32 $0x0;
	v22 =	vmov s17  }
.LBB2_4:
0xd5: {  	_ =	sdelay $0x1  }
0xd6: {  	s2 =	sadd.s32 $0x80, s2  }
0xd7: {  	s8 =	sadd.s32 $0x100, s8;
	s1 =	smov.u32 s16;
	s14 =	sadd.s32 $0x1, s16;
	[tilespmem:v24+s12+$0x0] =	vst.idx.add.f32.msk $0xffff, v23  }
0xd8: {  	p0 =	sne.s32 s16, $0x7F;
	v22 =	vld.idx.msk [tilespmem:v22+s15+$0x0], $0xffff;
	_ =	sdelay $0x5  }
0xd9: {  	v23 =	vshll.u32 v22, $0x8;
	v22 =	vshll.u32 v22, $0x7  }
0xda: {  	s16 =	sand.u32 $0x7800, s8;
	s17 =	sand.u32 $0x380, s2;
	v23 =	vand.u32 $0xFFFFF800, v23;
	v22 =	vand.u32 $0x380, v22  }
0xdb: {  	s16 =	sor.u32 s17, s16;
	v22 =	vor.u32 v22, v23  }
0xdc: {  	v24 =	vor.u32 v0, v22;
	v23 =	vld [tilespmem:s16+$0x400];
	_ =	sdelay $0x4  }
0xdd: {  	[tilespmem:v24+s12+$0x0] =	vst.idx.add.f32.msk $0xffff, v23  }
0xde: {  	v24 =	vor.u32 v5, v22;
	v23 =	vld [tilespmem:s16+$0x410];
	_ =	sdelay $0x4  }
0xdf: {  	[tilespmem:v24+s12+$0x0] =	vst.idx.add.f32.msk $0xffff, v23  }
0xe0: {  	v24 =	vor.u32 v6, v22;
	v23 =	vld [tilespmem:s16+$0x420];
	_ =	sdelay $0x4  }
0xe1: {  	[tilespmem:v24+s12+$0x0] =	vst.idx.add.f32.msk $0xffff, v23  }
0xe2: {  	v24 =	vor.u32 v7, v22;
	v23 =	vld [tilespmem:s16+$0x430];
	_ =	sdelay $0x4  }
0xe3: {  	[tilespmem:v24+s12+$0x0] =	vst.idx.add.f32.msk $0xffff, v23  }
0xe4: {  	v24 =	vor.u32 v8, v22;
	v23 =	vld [tilespmem:s16+$0x440];
	_ =	sdelay $0x4  }
0xe5: {  	[tilespmem:v24+s12+$0x0] =	vst.idx.add.f32.msk $0xffff, v23  }
0xe6: {  	v24 =	vor.u32 v9, v22;
	v23 =	vld [tilespmem:s16+$0x450];
	_ =	sdelay $0x4  }
0xe7: {  	[tilespmem:v24+s12+$0x0] =	vst.idx.add.f32.msk $0xffff, v23  }
0xe8: {  	v24 =	vor.u32 v10, v22;
	v23 =	vld [tilespmem:s16+$0x460];
	_ =	sdelay $0x4  }
0xe9: {  	[tilespmem:v24+s12+$0x0] =	vst.idx.add.f32.msk $0xffff, v23  }
0xea: {  	v24 =	vor.u32 v11, v22;
	v23 =	vld [tilespmem:s16+$0x470];
	_ =	sdelay $0x4  }
0xeb: {  	[tilespmem:v24+s12+$0x0] =	vst.idx.add.f32.msk $0xffff, v23  }
0xec: {  	v24 =	vor.u32 v12, v22;
	v23 =	vld [tilespmem:s16+$0x800];
	_ =	sdelay $0x4  }
0xed: {  	[tilespmem:v24+s12+$0x0] =	vst.idx.add.f32.msk $0xffff, v23  }
0xee: {  	v24 =	vor.u32 v13, v22;
	v23 =	vld [tilespmem:s16+$0x810];
	_ =	sdelay $0x4  }
0xef: {  	[tilespmem:v24+s12+$0x0] =	vst.idx.add.f32.msk $0xffff, v23  }
0xf0: {  	v24 =	vor.u32 v14, v22;
	v23 =	vld [tilespmem:s16+$0x820];
	_ =	sdelay $0x4  }
0xf1: {  	[tilespmem:v24+s12+$0x0] =	vst.idx.add.f32.msk $0xffff, v23  }
0xf2: {  	v24 =	vor.u32 v15, v22;
	v23 =	vld [tilespmem:s16+$0x830];
	_ =	sdelay $0x4  }
0xf3: {  	[tilespmem:v24+s12+$0x0] =	vst.idx.add.f32.msk $0xffff, v23  }
0xf4: {  	v24 =	vor.u32 v16, v22;
	v23 =	vld [tilespmem:s16+$0x840];
	_ =	sdelay $0x4  }
0xf5: {  	[tilespmem:v24+s12+$0x0] =	vst.idx.add.f32.msk $0xffff, v23  }
0xf6: {  	v24 =	vor.u32 v17, v22;
	v23 =	vld [tilespmem:s16+$0x850];
	_ =	sdelay $0x4  }
0xf7: {  	[tilespmem:v24+s12+$0x0] =	vst.idx.add.f32.msk $0xffff, v23  }
0xf8: {  	v24 =	vor.u32 v18, v22;
	v23 =	vld [tilespmem:s16+$0x860];
	_ =	sdelay $0x2  }
.Ltmp3:
0xf9: {  	(pc) =	sbr.rel @p0 .LBB2_4-.Ltmp3, $4  }
0xfa: {  	_ = 	snop  }
0xfb: {  	[tilespmem:v24+s12+$0x0] =	vst.idx.add.f32.msk $0xffff, v23  }
0xfc: {  	v24 =	vor.u32 v19, v22;
	v23 =	vld [tilespmem:s16+$0x870]  }
0xfd: {  	v22 =	vmov s1;
	s16 =	smov.u32 s14  }
0xfe: {  	_ =	sdelay $0x3  }
0xff: {  	[tilespmem:v24+s12+$0x0] =	vst.idx.add.f32.msk $0xffff, v23  }
0x100: {  	v22 =	vld.idx.msk [tilespmem:v22+s15+$0x0], $0xffff;
	_ =	sdelay $0x4  }
0x101: {  	s1 =	sadd.s32 $0x80, s2;
	s17 =	sadd.s32 $0x100, s8;
	v23 =	vshll.u32 v22, $0x8;
	v22 =	vshll.u32 v22, $0x7  }
0x102: {  	s2 =	sand.u32 $0x7800, s17;
	s1 =	sand.u32 $0x380, s1;
	v23 =	vand.u32 $0xFFFFF800, v23;
	v22 =	vand.u32 $0x380, v22  }
0x103: {  	s1 =	sor.u32 s1, s2;
	v22 =	vor.u32 v22, v23  }
0x104: {  	v23 =	vld [tilespmem:s1+$0x400];
	v49 =	vor.u32 v0, v22;
	_ =	sdelay $0x4  }
0x105: {  	[tilespmem:v49+s12+$0x0] =	vst.idx.add.f32.msk $0xffff, v23  }
0x106: {  	v50 =	vor.u32 v5, v22;
	v23 =	vld [tilespmem:s1+$0x410];
	_ =	sdelay $0x4  }
0x107: {  	[tilespmem:v50+s12+$0x0] =	vst.idx.add.f32.msk $0xffff, v23  }
0x108: {  	v51 =	vor.u32 v6, v22;
	v23 =	vld [tilespmem:s1+$0x420];
	_ =	sdelay $0x4  }
0x109: {  	[tilespmem:v51+s12+$0x0] =	vst.idx.add.f32.msk $0xffff, v23  }
0x10a: {  	v52 =	vor.u32 v7, v22;
	v23 =	vld [tilespmem:s1+$0x430];
	_ =	sdelay $0x4  }
0x10b: {  	[tilespmem:v52+s12+$0x0] =	vst.idx.add.f32.msk $0xffff, v23  }
0x10c: {  	v53 =	vor.u32 v8, v22;
	v23 =	vld [tilespmem:s1+$0x440];
	_ =	sdelay $0x4  }
0x10d: {  	[tilespmem:v53+s12+$0x0] =	vst.idx.add.f32.msk $0xffff, v23  }
0x10e: {  	v54 =	vor.u32 v9, v22;
	v23 =	vld [tilespmem:s1+$0x450];
	_ =	sdelay $0x4  }
0x10f: {  	[tilespmem:v54+s12+$0x0] =	vst.idx.add.f32.msk $0xffff, v23  }
0x110: {  	v55 =	vor.u32 v10, v22;
	v23 =	vld [tilespmem:s1+$0x460];
	_ =	sdelay $0x4  }
0x111: {  	[tilespmem:v55+s12+$0x0] =	vst.idx.add.f32.msk $0xffff, v23  }
0x112: {  	v56 =	vor.u32 v11, v22;
	v23 =	vld [tilespmem:s1+$0x470];
	_ =	sdelay $0x4  }
0x113: {  	[tilespmem:v56+s12+$0x0] =	vst.idx.add.f32.msk $0xffff, v23  }
0x114: {  	v57 =	vor.u32 v12, v22;
	v23 =	vld [tilespmem:s1+$0x800];
	_ =	sdelay $0x4  }
0x115: {  	[tilespmem:v57+s12+$0x0] =	vst.idx.add.f32.msk $0xffff, v23  }
0x116: {  	v58 =	vor.u32 v13, v22;
	v23 =	vld [tilespmem:s1+$0x810];
	_ =	sdelay $0x4  }
0x117: {  	[tilespmem:v58+s12+$0x0] =	vst.idx.add.f32.msk $0xffff, v23  }
0x118: {  	v59 =	vor.u32 v14, v22;
	v23 =	vld [tilespmem:s1+$0x820];
	_ =	sdelay $0x4  }
0x119: {  	[tilespmem:v59+s12+$0x0] =	vst.idx.add.f32.msk $0xffff, v23  }
0x11a: {  	v60 =	vor.u32 v15, v22;
	v23 =	vld [tilespmem:s1+$0x830];
	_ =	sdelay $0x4  }
0x11b: {  	[tilespmem:v60+s12+$0x0] =	vst.idx.add.f32.msk $0xffff, v23  }
0x11c: {  	v61 =	vor.u32 v16, v22;
	v23 =	vld [tilespmem:s1+$0x840];
	_ =	sdelay $0x4  }
0x11d: {  	[tilespmem:v61+s12+$0x0] =	vst.idx.add.f32.msk $0xffff, v23  }
0x11e: {  	v62 =	vor.u32 v17, v22;
	v23 =	vld [tilespmem:s1+$0x850];
	_ =	sdelay $0x4  }
0x11f: {  	[tilespmem:v62+s12+$0x0] =	vst.idx.add.f32.msk $0xffff, v23  }
0x120: {  	v63 =	vor.u32 v18, v22;
	v23 =	vld [tilespmem:s1+$0x860];
	_ =	sdelay $0x4  }
0x121: {  	s10 =	sadd.s32 $0x1, s10;
	[tilespmem:v63+s12+$0x0] =	vst.idx.add.f32.msk $0xffff, v23  }
0x122: {  	p0 =	sne.s32 s10, s7;
	v22 =	vor.u32 v19, v22;
	v23 =	vld [tilespmem:s1+$0x870]  }
.Ltmp4:
0x123: {  	_ = 	snop;
	(pc) =	sbr.rel @p0 .LBB2_3-.Ltmp4, $4  }
.Ltmp5:
0x124: {  	_ = 	snop;
	(pc) =	sbr.rel @!p0 .LBB2_6-.Ltmp5, $4  }
0x125: {  	_ = 	snop  }
0x126: {  	_ = 	snop  }
0x127: {  	[tilespmem:v22+s12+$0x0] =	vst.idx.add.f32.msk $0xffff, v23  }
0x128: {  	_ = 	snop  }
.LBB2_7:
0x129: {  	_ =	sfence.sel $0x180000  }
0x12a: {  	[bflag:$0x0] =	sbarrier.arrive $0xFFFF  }
0x12b: {  	_ =	strace $0x90000050  }
0x12c: {  	s0 =	stileid.u32;
	[bflag:$0x2] =	sbarrier.arrive $0xFFFF  }
0x12d: {  	p0 =	sne.s32 s0, $0x0;
	s0 =	rddreg [dreg:$0x1]  }
0x12e: {  	s0 =	sadd.s32 @!p0 $0x100000, s0  }
0x12f: {  	[sflag:s0] =	ssyncadd.tile.s32 @!p0 $0x1;
	_ =	shalt  }
.Lfunc_end2:
_tile_overlayer_lowered:
.L_overlay_start_2:
0x130: {  	(tag) =	ssettag $0x2  }
0x131: {  	s0 =	rddreg [dreg:$0x0];
	s2 =	stileid.u32  }
0x132: {  	s1 =	rddreg [dreg:$0x1];
	p0 =	sne.s32 s2, $0x0  }
0x133: {  	s3 =	rddreg [dreg:$0x2];
	[bflag:$0x3] =	sbarrier.arrive $0xFFFF;
	s2 =	simm.s32 @!p0 $0x1C02  }
0x134: {  	[timem:s3], [sflag:s2] =	dma.local @!p0 [hbm:s0], s1  }
0x135: {  	s0 =	simm.s32 @!p0 $0x2  }
0x136: {  	_ =	swait.ge @!p0 [sflag:s0], s1  }
0x137: {  	s1 =	ssub.s32 @!p0 $0x0, s1;
	[sflag:s0] =	ssyncset.done @!p0 $0x0  }
0x138: {  	[sflag:s0] =	ssyncadd.s32 @!p0 s1  }
0x139: {  	[bflag:$0x3] =	sbarrier.arrive $0xFFFF  }
0x13a: {  	_ =	shalt  }

// kernel: kernel.16.cloned.1.call-start
scs
__scs_entry_jumppad:
0x0: {  	(pc) =	sbr.rel $0x88, $3  }
0x1: {  	(tag) =	ssettag $0x0;
	lr =	simm.s32 $0x1  }
0x2: {  	[smem:$0x3F8A] =	sst lr;
	_ =	strace $0xD0000000  }
0x3: {  	_ = 	snop  }
0x4: {  	_ = 	snop  }
0x5: {  	_ = 	snop  }
0x6: {  	_ = 	snop  }
0x7: {  	_ = 	snop  }
__scs_overlays_trampoline_lowered:
0x8: {  	[smem:$0x3F99] =	sst s0  }
0x9: {  	[smem:$0x3F9A] =	sst s1  }
0xa: {  	[smem:$0x3F9B] =	sst s2  }
0xb: {  	[smem:$0x3F9C] =	sst s3  }
0xc: {  	[smem:$0x3F9D] =	sst s4  }
0xd: {  	[smem:$0x3F9E] =	sst s5  }
0xe: {  	[smem:$0x3F9F] =	sst s6  }
0xf: {  	[smem:$0x3FA0] =	sst s7  }
0x10: {  	[smem:$0x3FA1] =	sst s8  }
0x11: {  	[smem:$0x3FA2] =	sst s9;
	s0 =	simm.s32 @!p0 $0x0  }
0x12: {  	s1 =	sld [smem:$0x3F88];
	s0 =	simm.s32 @p0 $0x1  }
0x13: {  	[smem:$0x3FA3] =	sst s0;
	s0 =	simm.s32 @!p1 $0x0  }
0x14: {  	s2 =	sld [smem:$0x3F87];
	s0 =	simm.s32 @p1 $0x1  }
0x15: {  	[smem:$0x3FA4] =	sst s0;
	s0 =	simm.s32 @!p2 $0x0  }
0x16: {  	s3 =	sld [smem:$0x3FDB];
	s0 =	simm.s32 @p2 $0x1  }
0x17: {  	s4 =	simm.s32 $0x1BF5;
	[smem:$0x3FA6] =	sst s0  }
0x18: {  	s0 =	sld [smem:$0x3F89];
	_ =	swait.ge [sflag:s4], $0x0  }
0x19: {  	s7 =	sld [smem:$0x3F8A]  }
0x1a: {  	s8 =	sadd.s32 $0xFFFFE003, lr  }
0x1b: {  	s9 =	sadd.s32 $0xFFFFFEF7, lr;
	s5 =	simm.s32 $0xFFFFFFFF;
	p2 =	slt.u32 s8, $0xFFFFF086  }
0x1c: {  	p1 =	slt.u32 s9, $0xF7A;
	s5 =	simm.s32 @!p2 $0x0  }
0x1d: {  	s5 =	simm.s32 @p1 $0x1;
	p0 =	seq.s32 s7, s2  }
0x1e: {  	s7 =	smul.u32 @!p0 $0xF7A, s2;
	p2 =	seq.s32 @!p0 s5, $0x0  }
0x1f: {  	s9 =	smul.u32 $0xF7A, s1;
	s8 =	simm.s32 @!p0 $0x1BF5;
	p2 =	por !p2, p0  }
0x20: {  	[sflag:s8] =	ssyncset.s32 @!p0 $0xFFFFF086;
	s6 =	sadd.s32 @!p0 s3, s7;
	s7 =	simm.s32 @!p0 $0x108  }
0x21: {  	s3 =	sadd.s32 s3, s9;
	s6 =	sadd.s32 @!p0 $0x88, s6;
	s7 =	simm.s32 @p2 $0x1082  }
0x22: {  	[simem:s7], [sflag:s8] =	dma.local @!p0 [hbm:s6], $0xF7A  }
0x23: {  	s9 =	sor.u32 $0xD0000000, s2;
	s6 =	simm.s32 $0x108;
	_ =	swait.ge @!p0 [sflag:s8], $0x0  }
0x24: {  	s3 =	sadd.s32 $0x88, s3;
	s6 =	simm.s32 @!p1 $0x1082;
	[sflag:s4] =	ssyncset.s32 $0xFFFFF086  }
0x25: {  	[simem:s6], [sflag:s4] =	dma.local [hbm:s3], $0xF7A  }
0x26: {  	[smem:$0x3F8A] =	sst s1;
	(tag) =	ssettag s2;
	_ =	strace s9  }
0x27: {  	s1 =	sld [smem:$0x3F9A]  }
0x28: {  	s2 =	sld [smem:$0x3F9B]  }
0x29: {  	s4 =	sld [smem:$0x3F9D]  }
0x2a: {  	p0 =	seq.s32 s5, $0x0;
	s5 =	sld [smem:$0x3F9E]  }
0x2b: {  	s6 =	sld [smem:$0x3F9F]  }
0x2c: {  	s7 =	sld [smem:$0x3FA0]  }
0x2d: {  	s3 =	simm.s32 $0x108;
	s8 =	sld [smem:$0x3FA1]  }
0x2e: {  	s3 =	simm.s32 @!p0 $0x1082;
	s9 =	sld [smem:$0x3FA2]  }
0x2f: {  	lr =	sadd.s32 s0, s3;
	s0 =	sld [smem:$0x3F99]  }
0x30: {  	s3 =	sld [smem:$0x3F9C]  }
0x31: {  	[smem:$0x3FA5] =	sst s10  }
0x32: {  	s10 =	sld [smem:$0x3FA3];
	_ =	sdelay $0x3  }
0x33: {  	p0 =	seq.s32 s10, $0x1;
	s10 =	sld [smem:$0x3FA5];
	_ =	sdelay $0x3  }
0x34: {  	[smem:$0x3FA5] =	sst s10  }
0x35: {  	s10 =	sld [smem:$0x3FA4];
	_ =	sdelay $0x3  }
0x36: {  	p1 =	seq.s32 s10, $0x1;
	s10 =	sld [smem:$0x3FA5];
	_ =	sdelay $0x3  }
0x37: {  	[smem:$0x3FA5] =	sst s10  }
0x38: {  	s10 =	sld [smem:$0x3FA6]  }
0x39: {  	_ = 	snop;
	(pc) =	sbr.ind lr, $3  }
0x3a: {  	_ = 	snop  }
0x3b: {  	_ = 	snop  }
0x3c: {  	p2 =	seq.s32 s10, $0x1;
	s10 =	sld [smem:$0x3FA5]  }
0x3d: {  	_ =	shalt  }
0x3e: {  	_ =	shalt  }
0x3f: {  	_ =	shalt  }
0x40: {  	_ =	shalt  }
0x41: {  	_ =	shalt  }
0x42: {  	_ =	shalt  }
0x43: {  	_ =	shalt  }
0x44: {  	_ =	shalt  }
0x45: {  	_ =	shalt  }
0x46: {  	_ =	shalt  }
0x47: {  	_ =	shalt  }
0x48: {  	_ =	shalt  }
0x49: {  	_ =	shalt  }
0x4a: {  	_ =	shalt  }
0x4b: {  	_ =	shalt  }
0x4c: {  	_ =	shalt  }
0x4d: {  	_ =	shalt  }
0x4e: {  	_ =	shalt  }
0x4f: {  	_ =	shalt  }
0x50: {  	_ =	shalt  }
0x51: {  	_ =	shalt  }
0x52: {  	_ =	shalt  }
0x53: {  	_ =	shalt  }
0x54: {  	_ =	shalt  }
0x55: {  	_ =	shalt  }
0x56: {  	_ =	shalt  }
0x57: {  	_ =	shalt  }
0x58: {  	_ =	shalt  }
0x59: {  	_ =	shalt  }
0x5a: {  	_ =	shalt  }
0x5b: {  	_ =	shalt  }
0x5c: {  	_ =	shalt  }
0x5d: {  	_ =	shalt  }
0x5e: {  	_ =	shalt  }
0x5f: {  	_ =	shalt  }
0x60: {  	_ =	shalt  }
0x61: {  	_ =	shalt  }
0x62: {  	_ =	shalt  }
0x63: {  	_ =	shalt  }
0x64: {  	_ =	shalt  }
0x65: {  	_ =	shalt  }
0x66: {  	_ =	shalt  }
0x67: {  	_ =	shalt  }
0x68: {  	_ =	shalt  }
0x69: {  	_ =	shalt  }
0x6a: {  	_ =	shalt  }
0x6b: {  	_ =	shalt  }
0x6c: {  	_ =	shalt  }
0x6d: {  	_ =	shalt  }
0x6e: {  	_ =	shalt  }
0x6f: {  	_ =	shalt  }
0x70: {  	_ =	shalt  }
0x71: {  	_ =	shalt  }
0x72: {  	_ =	shalt  }
0x73: {  	_ =	shalt  }
0x74: {  	_ =	shalt  }
0x75: {  	_ =	shalt  }
0x76: {  	_ =	shalt  }
0x77: {  	_ =	shalt  }
0x78: {  	_ =	shalt  }
0x79: {  	_ =	shalt  }
0x7a: {  	_ =	shalt  }
0x7b: {  	_ =	shalt  }
0x7c: {  	_ =	shalt  }
0x7d: {  	_ =	shalt  }
0x7e: {  	_ =	shalt  }
0x7f: {  	_ =	shalt  }
0x80: {  	_ =	shalt  }
0x81: {  	_ =	shalt  }
0x82: {  	_ =	shalt  }
0x83: {  	_ =	shalt  }
0x84: {  	_ =	shalt  }
0x85: {  	_ =	shalt  }
0x86: {  	_ =	shalt  }
0x87: {  	_ =	shalt  }
.Lfunc_end0:
.L_simem_size_0:
called_computation.4_lowered:
.L_overlay_start_0:
0x88: {  	s2 =	sld [smem:$0x3FD9]  }
0x89: {  	s3 =	sld [smem:$0x3FFE];
	_ =	sdelay $0x1  }
0x8a: {  	s1 =	srdreg.scid  }
0x8b: {  	s0 =	sand.u32 $0x1, s1  }
0x8c: {  	s16 =	sshll.u32 s0, $0xA;
	s2 =	sadd.s32 s3, s2  }
0x8d: {  	s2 =	sadd.s32 s2, s16  }
0x8e: {  	[smem:$0x3FB1] =	sst s2  }
0x8f: {  	_ = 	snop  }
0x90: {  	(tm) =	ssettm $0x1  }
0x91: {  	s17 =	sld [smem:$0x3FFB];
	_ =	sdelay $0x3  }
0x92: {  	_ =	strace s17  }
0x93: {  	s2 =	sld [smem:$0x3FFC];
	_ =	sdelay $0x3  }
0x94: {  	_ =	strace s2  }
0x95: {  	s2 =	sld [smem:$0x3FFD];
	_ =	sdelay $0x3  }
0x96: {  	_ =	strace s2  }
0x97: {  	_ =	strace $0x8FFFFFFF  }
0x98: {  	s18 =	sld [smem:$0x3FDB];
	_ =	sdelay $0x1  }
0x99: {  	s19 =	simm.s32 $_scs_section_size  }
0x9a: {  	s4 =	simm.s32 $_size__tile_overlayer_lowered;
	s5 =	simm.s32 $_tile_overlayer_lowered  }
0x9b: {  	s22 =	simm.s32 $0x1BFF;
	s21 =	sshll.u32 s5, $0x1;
	s2 =	sadd.s32 s19, s18  }
0x9c: {  	s6 =	simm.s32 $0x0;
	s20 =	sshll.u32 s4, $0x1;
	s4 =	sadd.s32 s21, s2  }
0x9d: {  	[timem:s6], [sflag:s22] =	dma.local [hbm:s4], s20  }
0x9e: {  	_ =	swait.ge [sflag:s22], s20  }
0x9f: {  	s3 =	ssub.s32 $0x0, s20;
	[sflag:s22] =	ssyncset.done $0x0  }
0xa0: {  	[sflag:s22] =	ssyncadd.s32 s3;
	_ =	sdelay $0x1  }
0xa1: {  	s23 =	simm.s32 $0x1B8B  }
0xa2: {  	_ =	swait.ge [sflag:s23], $0x1  }
0xa3: {  	[sflag:s23] =	ssyncset.done $0x0  }
0xa4: {  	s25 =	simm.s32 $0x1B8E;
	s24 =	sld [smem:$0x3FFE];
	[sflag:s23] =	ssyncadd.s32 $0xFFFFFFFF  }
0xa5: {  	s26 =	simm.s32 $execute0_lowered;
	[smem:$0x3FD2] =	sst s25  }
0xa6: {  	s4 =	sshll.u32 s26, $0x1;
	_ =	strace $0x80000052;
	[dreg:$0x1] =	wrdreg $0xFFFFFFFF  }
0xa7: {  	s28 =	simm.s32 $_size_execute0_lowered;
	s2 =	sadd.s32 s2, s4;
	[dreg:$0x0] =	wrdreg $0x0  }
0xa8: {  	s4 =	sshll.u32 s28, $0x1;
	[dreg:$0x2] =	wrdreg s2  }
0xa9: {  	[dreg:$0x3] =	wrdreg s4  }
0xaa: {  	[dreg:$0x4] =	wrdreg $0xC0  }
0xab: {  	_ =	task [dreg:s6], $0x5FFFF  }
0xac: {  	[dreg:$0x1] =	wrdreg $0xFFFFFFFF  }
0xad: {  	[dreg:$0x0] =	wrdreg $0x60  }
0xae: {  	[dreg:$0x2] =	wrdreg s24  }
0xaf: {  	[dreg:$0x3] =	wrdreg $0x9  }
0xb0: {  	_ =	task.clear_ibuf [dreg:s6], $0x4FFFF;
	_ =	strace $0x90000052  }
0xb1: {  	s29 =	simm.s32 $0x9;
	_ =	strace $0x80000054  }
0xb2: {  	_ =	swait.ge [sflag:s29], $0x1  }
0xb3: {  	[sflag:s29] =	ssyncadd.s32 $0xFFFFFFFF  }
0xb4: {  	_ =	strace $0x90000054  }
0xb5: {  	_ =	sfence  }
0xb6: {  	s30 =	sld [smem:$0x0];
	_ =	sdelay $0x2  }
0xb7: {  	s31 =	sshll.u32 s1, $0xD;
	s1 =	sshrl.u32 s1, $0x2  }
0xb8: {  	s3 =	sand.u32 $0x4000, s31;
	s1 =	sadd.s32 s1, s30  }
0xb9: {  	s0 =	sor.u32 s3, s0;
	s1 =	sshll.u32 s1, $0x11  }
0xba: {  	s0 =	sor.u32 s1, s0  }
0xbb: {  	s0 =	sadd.s32 $0x8F2B, s0  }
0xbc: {  	[sflag:s0] =	ssyncadd.remote.s32 $0x1  }
0xbd: {  	_ =	sfence.sel $0xFFFF  }
0xbe: {  	[dreg:$0x0] =	wrdreg $0xFFFFFFFF;
	(pc) =	sbr.abs _section_cstart, $3  }
0xbf: {  	[dreg:$0x1] =	wrdreg $0xFFFFFFFF  }
0xc0: {  	_ =	task.clear_ibuf [dreg:s6], $0x2FFFF;
	_ =	strace $0x9FFFFFFF  }
0xc1: {  	(tm) =	ssettm $0x7FFFFFFF  }
tec
execute0_lowered:
.L_overlay_start_1:
0x0: {  	(tag) =	ssettag $0x1  }
0x1: {  	s0 =	rddreg [dreg:$0x0]  }
0x2: {  	s1 =	srdreg.scid;
	s7 =	simm.s32 $0x0;
	s3 =	stileid.u32  }
0x3: {  	s11 =	simm.s32 $0x2;
	s12 =	simm.s32 $0x8400;
	s13 =	simm.s32 $0x1  }
0x4: {  	s15 =	simm.s32 $0x380;
	s18 =	simm.s32 $0x1400;
	s19 =	simm.s32 $0x1C00  }
0x5: {  	s20 =	simm.s32 $0x2400;
	s21 =	simm.s32 $0x2C00;
	s22 =	simm.s32 $0x3400  }
0x6: {  	s23 =	simm.s32 $0x3C00;
	s28 =	simm.s32 $0x5C00;
	s29 =	simm.s32 $0x6400  }
0x7: {  	s30 =	simm.s32 $0x6C00;
	s31 =	simm.s32 $0x7400;
	s9 =	simm.s32 $0x0  }
0x8: {  	s1 =	sand.u32 $0x1, s1;
	[smem:$0x7FF] =	sst s7;
	s4 =	sadd.s32 $0x72E00, s0  }
0x9: {  	s6 =	sadd.s32 $0x5000, s0;
	s8 =	sadd.s32 $0x5200, s0;
	s2 =	sshll.u32 s1, $0x4  }
0xa: {  	v0 =	vlaneseq.u32;
	_ =	strace $0x80000053;
	[dreg:$0x2] =	wrdreg s6;
	s6 =	sadd.s32 $0x22E00, s0  }
0xb: {  	vm0 =	vmmov $0xffff;
	v2 =	vand.u32 $0x7, v0;
	v3 =	vshrl.u32 v0, $0x3;
	s1 =	ssub.s32 $0x2, s1;
	[dreg:$0x3] =	wrdreg s8;
	s2 =	sor.u32 s3, s2  }
0xc: {  	v4 =	vor.u32 $0x8, v0;
	v5 =	vor.u32 $0x10, v0;
	v6 =	vor.u32 $0x20, v0;
	s3 =	sadd.s32 $0x19000, s0;
	s24 =	sshrl.u32 s1, $0x1;
	s5 =	smul.u32 $0x2800, s2  }
.Ltmp0:
0xd: {  	v7 =	vor.u32 $0x30, v0;
	v8 =	vor.u32 $0x40, v0;
	v9 =	vor.u32 $0x50, v0;
	s1 =	ssub.s32 s1, s24;
	s25 =	sshll.u32 s2, $0x4;
	(pc) =	sbr.rel .LBB2_1-.Ltmp0, $4  }
0xe: {  	v10 =	vor.u32 $0x60, v0;
	v11 =	vor.u32 $0x70, v0;
	v12 =	vor.u32 $0x400, v0;
	s2 =	smul.u32 $0x140, s2;
	s24 =	simm.s32 $0x4400;
	[dreg:$0x4] =	wrdreg s25  }
0xf: {  	v13 =	vor.u32 $0x410, v0;
	v14 =	vor.u32 $0x420, v0;
	v15 =	vor.u32 $0x430, v0;
	s26 =	smax.u32 s1, $0x1;
	s25 =	simm.s32 $0x4C00;
	s0 =	sadd.s32 s5, s0  }
0x10: {  	v16 =	vor.u32 $0x440, v0;
	v17 =	vor.u32 $0x450, v0;
	v18 =	vor.u32 $0x460, v0;
	[dreg:$0x6] =	wrdreg s26;
	s26 =	simm.s32 $0x5400;
	s0 =	sadd.s32 $0x7CC00, s0  }
0x11: {  	v19 =	vor.u32 $0x470, v0;
	v3 =	vmul.u32 $0x8, v3;
	v1 =	vmov s2;
	s2 =	simm.s32 $0x0;
	[dreg:$0x5] =	wrdreg s0;
	s0 =	simm.s32 $0x7C00  }
.LBB2_6:
0x12: {  	s7 =	simm.s32 $0x0;
	s1 =	rddreg [dreg:$0x5]  }
0x13: {  	[hbm4b:s1+s7] =	stream.linear.scatter [tilespmem:s12], [sflag:$0x2], $0x14000, $0x38;
	[tilespmem:$0x1CC00] =	vst v63  }
0x14: {  	_ =	swait.ge [sflag:s11], $0x14000  }
0x15: {  	s2 =	rddreg [dreg:$0x7]  }
0x16: {  	s17 =	rddreg [dreg:$0x6];
	s2 =	sadd.s32 $0x1, s2  }
0x17: {  	p0 =	sne.s32 s2, s17  }
.Ltmp1:
0x18: {  	_ = 	snop;
	(pc) =	sbr.rel @!p0 .LBB2_7-.Ltmp1, $3  }
0x19: {  	_ =	sdelay $0x1  }
0x1a: {  	[sflag:s11] =	ssyncset.done $0x0  }
0x1b: {  	[sflag:s11] =	ssyncadd.s32 $0xFFFEC000  }
.LBB2_1:
0x1c: {  	[dreg:$0x7] =	wrdreg s2  }
0x1d: {  	s1 =	rddreg [dreg:$0x2]  }
0x1e: {  	[tilespmem:s7], [sflag:$0x2] =	stream.linear.gather [hbm4b:s1+s7], $0x300, $0x38;
	[tilespmem:$0x1CC00] =	vst v63  }
0x1f: {  	_ =	swait.ge [sflag:s11], $0x300  }
0x20: {  	[sflag:s11] =	ssyncset.done $0x0  }
0x21: {  	s2 =	rddreg [dreg:$0x3];
	[sflag:s11] =	ssyncadd.s32 $0xFFFFFD00  }
0x22: {  	[tilespmem:s12], [sflag:$0x2] =	stream.linear.gather [hbm4b:s2+s7], $0x14800, $0x38;
	[tilespmem:$0x1CC00] =	vst v63  }
0x23: {  	_ =	swait.ge [sflag:s11], $0x14800  }
0x24: {  	[sflag:s11] =	ssyncset.done $0x0  }
0x25: {  	s5 =	rddreg [dreg:$0x4];
	[sflag:s11] =	ssyncadd.s32 $0xFFFEB800  }
0x26: {  	v20 =	vld [tilespmem:s5+$0x0];
	_ =	sdelay $0x4  }
0x27: {  	(v2sf) =	vpush v20, $0x0;
	_ =	sdelay $0x1  }
0x28: {  	v21 =	vld [tilespmem:s5+$0x10];
	_ =	sdelay $0x4  }
0x29: {  	(v2sf) =	vpush v21, $0x0;
	_ =	sdelay $0x7  }
0x2a: {  	s7 =	spop (v2sf)  }
0x2b: {  	s8 =	sand.u32 $0x7F, s7  }
0x2c: {  	s5 =	sshra.s32 s7, $0x1F;
	p0 =	slt.s32 s7, $0x1;
	p1 =	sne.s32 s8, $0x0  }
0x2d: {  	s10 =	sshrl.u32 s5, $0x19;
	p0 =	por !p0, !p1  }
0x2e: {  	s2 =	simm.s32 $0x1;
	s1 =	sadd.s32 s10, s7;
	p0 =	por !p0, !p0  }
0x2f: {  	s1 =	sshra.s32 s1, $0x7;
	s2 =	simm.s32 @!p0 $0x0  }
0x30: {  	s5 =	ssub.s32 s1, s2  }
0x31: {  	s14 =	spop (v2sf);
	s2 =	sshll.u32 s5, $0x7  }
0x32: {  	s1 =	ssub.s32 s14, s2  }
0x33: {  	s1 =	sadd.s32 $0x7F, s1  }
0x34: {  	s16 =	sand.u32 $0x7F, s1  }
0x35: {  	s17 =	sshra.s32 s1, $0x1F;
	p6 =	slt.s32 s1, $0x1;
	p5 =	sne.s32 s16, $0x0  }
0x36: {  	s2 =	sshrl.u32 s17, $0x19;
	p0 =	por !p6, !p5  }
0x37: {  	s1 =	sadd.s32 s2, s1;
	s2 =	simm.s32 $0x1;
	p0 =	por !p0, !p0  }
0x38: {  	s1 =	sshra.s32 s1, $0x7;
	s2 =	simm.s32 @!p0 $0x0  }
0x39: {  	s7 =	ssub.s32 s1, s2  }
0x3a: {  	p0 =	slt.s32 s7, $0x1  }
.Ltmp2:
0x3b: {  	_ = 	snop;
	(pc) =	sbr.rel @p0 .LBB2_6-.Ltmp2, $1  }
0x3c: {  	_ =	sdelay $0x3  }
0x3d: {  	v20 =	vbroadcast v20, $0x0;
	v21 =	vbroadcast v21, $0x0;
	s10 =	simm.s32 $0x0  }
.LBB2_3:
0x3e: {  	s1 =	sadd.s32 s5, s10  }
0x3f: {  	s2 =	sshll.u32 s1, $0x4  }
0x40: {  	s2 =	sand.u32 $0x1FFFFFF0, s2  }
0x41: {  	s14 =	simm.s32 $0x300;
	s8 =	sadd.s32 s3, s2  }
0x42: {  	[tilespmem:s14], [sflag:$0x2] =	stream.linear.gather [hbm4b:s8+s9], $0x80, $0x38;
	[tilespmem:$0x1CC00] =	vst v63  }
0x43: {  	_ =	swait.ge [sflag:s11], $0x80  }
0x44: {  	[sflag:s11] =	ssyncset.done $0x0  }
0x45: {  	s2 =	sadd.s32 s4, s2;
	[sflag:s11] =	ssyncadd.s32 $0xFFFFFF80  }
0x46: {  	[tilespmem:s15], [sflag:$0x2] =	stream.linear.gather [hbm4b:s2+s9], $0x80, $0x38;
	[tilespmem:$0x1CC00] =	vst v63  }
0x47: {  	_ =	swait.ge [sflag:s11], $0x80  }
0x48: {  	[sflag:s11] =	ssyncset.done $0x0  }
0x49: {  	[sflag:s11] =	ssyncadd.s32 $0xFFFFFF80  }
0x4a: {  	v22 =	vld [tilespmem:$0x380]  }
0x4b: {  	v23 =	vld [tilespmem:$0x300]  }
0x4c: {  	s1 =	sshll.u32 s1, $0x7;
	v25 =	vld [tilespmem:$0x390]  }
0x4d: {  	v24 =	vor.u32 s1, v0;
	s16 =	sor.u32 $0x10, s1;
	v26 =	vld [tilespmem:$0x3A0]  }
0x4e: {  	s17 =	sor.u32 $0x20, s1;
	vm1 =	vge.s32 v24, v20;
	vm2 =	vlt.s32 v24, v21;
	v27 =	vor.u32 s16, v0;
	v24 =	vld [tilespmem:$0x310]  }
0x4f: {  	v29 =	vor.u32 s17, v0;
	vm1 =	vmand vm1, vm2;
	vm2 =	vlt.s32 v27, v21;
	s8 =	sor.u32 $0x30, s1;
	v28 =	vld [tilespmem:$0x320]  }
0x50: {  	vm3 =	vlt.s32 v29, v21;
	v32 =	vor.u32 s8, v0;
	v58 =	vld [tilespmem:$0x3C0];
	v22 =	vsub.s32 v22, v1  }
0x51: {  	v23 =	vnsel vm1, $0x0, v23;
	v22 =	vnsel vm1, $0x140, v22;
	vm1 =	vge.s32 v27, v20;
	v27 =	vld [tilespmem:$0x3B0]  }
0x52: {  	s14 =	sor.u32 $0x40, s1;
	v30 =	vld [tilespmem:$0x330];
	v25 =	vsub.s32 v25, v1;
	v26 =	vsub.s32 v26, v1;
	vm1 =	vmand vm1, vm2  }
0x53: {  	v33 =	vld [tilespmem:$0x3D0];
	[tilespmem:$0x300] =	vst v23;
	v23 =	vor.u32 s14, v0;
	vm2 =	vge.s32 v29, v20;
	v25 =	vnsel vm1, $0x140, v25  }
0x54: {  	v24 =	vnsel vm1, $0x0, v24;
	vm1 =	vmand vm2, vm3;
	vm2 =	vlt.s32 v32, v21  }
0x55: {  	v31 =	vld [tilespmem:$0x340];
	[tilespmem:$0x380] =	vst v22;
	vm3 =	vlt.s32 v23, v21;
	v26 =	vnsel vm1, $0x140, v26;
	v28 =	vnsel vm1, $0x0, v28  }
0x56: {  	s16 =	sor.u32 $0x50, s1;
	vm1 =	vge.s32 v32, v20;
	[tilespmem:$0x310] =	vst v24;
	v24 =	vsub.s32 v58, v1;
	v22 =	vsub.s32 v27, v1;
	v27 =	vld [tilespmem:$0x300]  }
0x57: {  	[tilespmem:$0x390] =	vst v25;
	v25 =	vor.u32 s16, v0;
	vm1 =	vmand vm1, vm2;
	vm2 =	vge.s32 v23, v20  }
0x58: {  	v59 =	vld [tilespmem:$0x350];
	[tilespmem:$0x3A0] =	vst v26;
	v26 =	vsub.s32 v33, v1;
	v23 =	vnsel vm1, $0x0, v30;
	v22 =	vnsel vm1, $0x140, v22  }
0x59: {  	s17 =	sor.u32 $0x60, s1;
	vm1 =	vmand vm2, vm3;
	vm2 =	vge.s32 v25, v20;
	vm3 =	vlt.s32 v25, v21  }
0x5a: {  	v60 =	vld [tilespmem:$0x3E0];
	[tilespmem:$0x330] =	vst v23;
	v23 =	vor.u32 s17, v0;
	v24 =	vnsel vm1, $0x140, v24;
	v25 =	vnsel vm1, $0x0, v31  }
0x5b: {  	v61 =	vld [tilespmem:$0x360];
	[tilespmem:$0x320] =	vst v28;
	vm1 =	vmand vm2, vm3;
	vm2 =	vlt.s32 v23, v21;
	v62 =	vshll.u32 v27, $0x1  }
0x5c: {  	v63 =	vld [tilespmem:$0x3F0];
	[tilespmem:$0x3B0] =	vst v22;
	v22 =	vnsel vm1, $0x140, v26;
	v27 =	vand.u32 $0x7, v27;
	v30 =	vand.u32 $0xFFFFFFF0, v62  }
0x5d: {  	s1 =	sor.u32 $0x70, s1;
	v26 =	vnsel vm1, $0x0, v59;
	[tilespmem:$0x3C0] =	vst v24;
	vm1 =	vge.s32 v23, v20;
	v23 =	vor.u32 v27, v30  }
0x5e: {  	[tilespmem:$0x340] =	vst v25;
	v24 =	vor.u32 s1, v0;
	v25 =	vld [tilespmem:$0x370];
	vm1 =	vmand vm1, vm2;
	v27 =	vperm.xlane v23, v2  }
0x5f: {  	[tilespmem:$0x3D0] =	vst v22;
	vm2 =	vge.s32 v24, v20;
	vm3 =	vlt.s32 v24, v21;
	v22 =	vsub.s32 v60, v1  }
0x60: {  	[tilespmem:$0x350] =	vst v26;
	v22 =	vnsel vm1, $0x140, v22;
	v23 =	vperm.xlane v23, v4;
	v24 =	vadd.s32 v3, v27  }
0x61: {  	v26 =	vnsel vm1, $0x0, v61;
	vm1 =	vmand vm2, vm3;
	[tilespmem:$0x3E0] =	vst v22;
	v22 =	vsub.s32 v63, v1  }
0x62: {  	[tilespmem:$0x360] =	vst v26;
	v22 =	vnsel vm1, $0x140, v22;
	v23 =	vadd.s32 v3, v23  }
0x63: {  	[tilespmem:$0x3F0] =	vst v22;
	v22 =	vnsel vm1, $0x0, v25  }
0x64: {  	s2 =	simm.s32 $0x400;
	[tilespmem:$0x370] =	vst v22  }
0x65: {  	[tilespmem:s2], [sflag:$0x1] =	stream.indirect_vreg.gather [hbm4b:s6+s9], $0x80, v24, vm0, $0xb8;
	[tilespmem:$0x1CC00] =	vst v63  }
0x66: {  	s8 =	simm.s32 $0xC00  }
0x67: {  	[tilespmem:s8], [sflag:$0x1] =	stream.indirect_vreg.gather [hbm4b:s6+s9], $0x80, v23, vm0, $0xb8;
	[tilespmem:$0x1CC00] =	vst v63  }
0x68: {  	v22 =	vld [tilespmem:$0x310];
	_ =	sdelay $0x4  }
0x69: {  	v23 =	vshll.u32 v22, $0x1  }
0x6a: {  	v22 =	vand.u32 $0x7, v22;
	v23 =	vand.u32 $0xFFFFFFF0, v23  }
0x6b: {  	v22 =	vor.u32 v22, v23  }
0x6c: {  	v23 =	vperm.xlane v22, v2;
	_ =	sdelay $0x1  }
0x6d: {  	v22 =	vperm.xlane v22, v4;
	v23 =	vadd.s32 v3, v23;
	_ =	sdelay $0x1  }
0x6e: {  	v22 =	vadd.s32 v3, v22;
	_ =	sdelay $0x2  }
0x6f: {  	[tilespmem:s18], [sflag:$0x1] =	stream.indirect_vreg.gather [hbm4b:s6+s9], $0x80, v23, vm0, $0xb8;
	[tilespmem:$0x1CC00] =	vst v63  }
0x70: {  	_ = 	snop  }
0x71: {  	[tilespmem:s19], [sflag:$0x1] =	stream.indirect_vreg.gather [hbm4b:s6+s9], $0x80, v22, vm0, $0xb8;
	[tilespmem:$0x1CC00] =	vst v63  }
0x72: {  	v22 =	vld [tilespmem:$0x320];
	_ =	sdelay $0x4  }
0x73: {  	v23 =	vshll.u32 v22, $0x1  }
0x74: {  	v22 =	vand.u32 $0x7, v22;
	v23 =	vand.u32 $0xFFFFFFF0, v23  }
0x75: {  	v22 =	vor.u32 v22, v23  }
0x76: {  	v23 =	vperm.xlane v22, v2;
	_ =	sdelay $0x1  }
0x77: {  	v22 =	vperm.xlane v22, v4;
	v23 =	vadd.s32 v3, v23;
	_ =	sdelay $0x1  }
0x78: {  	v22 =	vadd.s32 v3, v22;
	_ =	sdelay $0x2  }
0x79: {  	[tilespmem:s20], [sflag:$0x1] =	stream.indirect_vreg.gather [hbm4b:s6+s9], $0x80, v23, vm0, $0xb8;
	[tilespmem:$0x1CC00] =	vst v63  }
0x7a: {  	_ = 	snop  }
0x7b: {  	[tilespmem:s21], [sflag:$0x1] =	stream.indirect_vreg.gather [hbm4b:s6+s9], $0x80, v22, vm0, $0xb8;
	[tilespmem:$0x1CC00] =	vst v63  }
0x7c: {  	v22 =	vld [tilespmem:$0x330];
	_ =	sdelay $0x4  }
0x7d: {  	v23 =	vshll.u32 v22, $0x1  }
0x7e: {  	v22 =	vand.u32 $0x7, v22;
	v23 =	vand.u32 $0xFFFFFFF0, v23  }
0x7f: {  	v22 =	vor.u32 v22, v23  }
0x80: {  	v23 =	vperm.xlane v22, v2;
	_ =	sdelay $0x1  }
0x81: {  	v22 =	vperm.xlane v22, v4;
	v23 =	vadd.s32 v3, v23;
	_ =	sdelay $0x1  }
0x82: {  	v22 =	vadd.s32 v3, v22;
	_ =	sdelay $0x2  }
0x83: {  	[tilespmem:s22], [sflag:$0x1] =	stream.indirect_vreg.gather [hbm4b:s6+s9], $0x80, v23, vm0, $0xb8;
	[tilespmem:$0x1CC00] =	vst v63  }
0x84: {  	_ = 	snop  }
0x85: {  	[tilespmem:s23], [sflag:$0x1] =	stream.indirect_vreg.gather [hbm4b:s6+s9], $0x80, v22, vm0, $0xb8;
	[tilespmem:$0x1CC00] =	vst v63  }
0x86: {  	v22 =	vld [tilespmem:$0x340];
	_ =	sdelay $0x4  }
0x87: {  	v23 =	vshll.u32 v22, $0x1  }
0x88: {  	v22 =	vand.u32 $0x7, v22;
	v23 =	vand.u32 $0xFFFFFFF0, v23  }
0x89: {  	v22 =	vor.u32 v22, v23  }
0x8a: {  	v23 =	vperm.xlane v22, v2;
	_ =	sdelay $0x1  }
0x8b: {  	v22 =	vperm.xlane v22, v4;
	v23 =	vadd.s32 v3, v23;
	_ =	sdelay $0x1  }
0x8c: {  	v22 =	vadd.s32 v3, v22;
	_ =	sdelay $0x2  }
0x8d: {  	[tilespmem:s24], [sflag:$0x1] =	stream.indirect_vreg.gather [hbm4b:s6+s9], $0x80, v23, vm0, $0xb8;
	[tilespmem:$0x1CC00] =	vst v63  }
0x8e: {  	_ = 	snop  }
0x8f: {  	[tilespmem:s25], [sflag:$0x1] =	stream.indirect_vreg.gather [hbm4b:s6+s9], $0x80, v22, vm0, $0xb8;
	[tilespmem:$0x1CC00] =	vst v63  }
0x90: {  	v22 =	vld [tilespmem:$0x350];
	_ =	sdelay $0x4  }
0x91: {  	v23 =	vshll.u32 v22, $0x1  }
0x92: {  	v22 =	vand.u32 $0x7, v22;
	v23 =	vand.u32 $0xFFFFFFF0, v23  }
0x93: {  	v22 =	vor.u32 v22, v23  }
0x94: {  	v23 =	vperm.xlane v22, v2;
	_ =	sdelay $0x1  }
0x95: {  	v22 =	vperm.xlane v22, v4;
	v23 =	vadd.s32 v3, v23;
	_ =	sdelay $0x1  }
0x96: {  	v22 =	vadd.s32 v3, v22;
	_ =	sdelay $0x2  }
0x97: {  	[tilespmem:s26], [sflag:$0x1] =	stream.indirect_vreg.gather [hbm4b:s6+s9], $0x80, v23, vm0, $0xb8;
	[tilespmem:$0x1CC00] =	vst v63  }
0x98: {  	_ = 	snop  }
0x99: {  	[tilespmem:s28], [sflag:$0x1] =	stream.indirect_vreg.gather [hbm4b:s6+s9], $0x80, v22, vm0, $0xb8;
	[tilespmem:$0x1CC00] =	vst v63  }
0x9a: {  	v22 =	vld [tilespmem:$0x360];
	_ =	sdelay $0x4  }
0x9b: {  	v23 =	vshll.u32 v22, $0x1  }
0x9c: {  	v22 =	vand.u32 $0x7, v22;
	v23 =	vand.u32 $0xFFFFFFF0, v23  }
0x9d: {  	v22 =	vor.u32 v22, v23  }
0x9e: {  	v23 =	vperm.xlane v22, v2;
	_ =	sdelay $0x1  }
0x9f: {  	v22 =	vperm.xlane v22, v4;
	v23 =	vadd.s32 v3, v23;
	_ =	sdelay $0x1  }
0xa0: {  	v22 =	vadd.s32 v3, v22;
	_ =	sdelay $0x2  }
0xa1: {  	[tilespmem:s29], [sflag:$0x1] =	stream.indirect_vreg.gather [hbm4b:s6+s9], $0x80, v23, vm0, $0xb8;
	[tilespmem:$0x1CC00] =	vst v63  }
0xa2: {  	_ = 	snop  }
0xa3: {  	[tilespmem:s30], [sflag:$0x1] =	stream.indirect_vreg.gather [hbm4b:s6+s9], $0x80, v22, vm0, $0xb8;
	[tilespmem:$0x1CC00] =	vst v63  }
0xa4: {  	v22 =	vld [tilespmem:$0x370];
	_ =	sdelay $0x4  }
0xa5: {  	v23 =	vshll.u32 v22, $0x1  }
0xa6: {  	v22 =	vand.u32 $0x7, v22;
	v23 =	vand.u32 $0xFFFFFFF0, v23  }
0xa7: {  	v22 =	vor.u32 v22, v23  }
0xa8: {  	v23 =	vperm.xlane v22, v2;
	_ =	sdelay $0x1  }
0xa9: {  	v22 =	vperm.xlane v22, v4;
	v23 =	vadd.s32 v3, v23;
	_ =	sdelay $0x1  }
0xaa: {  	v22 =	vadd.s32 v3, v22;
	_ =	sdelay $0x2  }
0xab: {  	[tilespmem:s31], [sflag:$0x1] =	stream.indirect_vreg.gather [hbm4b:s6+s9], $0x80, v23, vm0, $0xb8;
	[tilespmem:$0x1CC00] =	vst v63  }
0xac: {  	v23 =	vmov s9  }
0xad: {  	[tilespmem:s0], [sflag:$0x1] =	stream.indirect_vreg.gather [hbm4b:s6+s9], $0x80, v22, vm0, $0xb8;
	[tilespmem:$0x1CC00] =	vst v63  }
0xae: {  	_ =	swait.ge [sflag:s13], $0x8000  }
0xaf: {  	[sflag:s13] =	ssyncset.done $0x0  }
0xb0: {  	[sflag:s13] =	ssyncadd.s32 $0xFFFF8000  }
0xb1: {  	v22 =	vld.idx.msk [tilespmem:v23+s15+$0x0], $0xffff;
	_ =	sdelay $0x4  }
0xb2: {  	v23 =	vshll.u32 v22, $0x8;
	v22 =	vshll.u32 v22, $0x7  }
0xb3: {  	s14 =	sand.u32 $0x7800, s9;
	s16 =	sand.u32 $0x380, s9;
	v23 =	vand.u32 $0xFFFFF800, v23;
	v22 =	vand.u32 $0x380, v22  }
0xb4: {  	s1 =	sor.u32 s16, s14;
	v22 =	vor.u32 v22, v23  }
0xb5: {  	v23 =	vld [tilespmem:s1+$0x400];
	v24 =	vor.u32 v0, v22;
	_ =	sdelay $0x4  }
0xb6: {  	[tilespmem:v24+s12+$0x0] =	vst.idx.add.f32.msk $0xffff, v23  }
0xb7: {  	v24 =	vor.u32 v5, v22;
	v23 =	vld [tilespmem:s1+$0x410];
	_ =	sdelay $0x4  }
0xb8: {  	[tilespmem:v24+s12+$0x0] =	vst.idx.add.f32.msk $0xffff, v23  }
0xb9: {  	v24 =	vor.u32 v6, v22;
	v23 =	vld [tilespmem:s1+$0x420];
	_ =	sdelay $0x4  }
0xba: {  	[tilespmem:v24+s12+$0x0] =	vst.idx.add.f32.msk $0xffff, v23  }
0xbb: {  	v24 =	vor.u32 v7, v22;
	v23 =	vld [tilespmem:s1+$0x430];
	_ =	sdelay $0x4  }
0xbc: {  	[tilespmem:v24+s12+$0x0] =	vst.idx.add.f32.msk $0xffff, v23  }
0xbd: {  	v24 =	vor.u32 v8, v22;
	v23 =	vld [tilespmem:s1+$0x440];
	_ =	sdelay $0x4  }
0xbe: {  	[tilespmem:v24+s12+$0x0] =	vst.idx.add.f32.msk $0xffff, v23  }
0xbf: {  	v24 =	vor.u32 v9, v22;
	v23 =	vld [tilespmem:s1+$0x450];
	_ =	sdelay $0x4  }
0xc0: {  	[tilespmem:v24+s12+$0x0] =	vst.idx.add.f32.msk $0xffff, v23  }
0xc1: {  	v24 =	vor.u32 v10, v22;
	v23 =	vld [tilespmem:s1+$0x460];
	_ =	sdelay $0x4  }
0xc2: {  	[tilespmem:v24+s12+$0x0] =	vst.idx.add.f32.msk $0xffff, v23  }
0xc3: {  	v24 =	vor.u32 v11, v22;
	v23 =	vld [tilespmem:s1+$0x470];
	_ =	sdelay $0x4  }
0xc4: {  	[tilespmem:v24+s12+$0x0] =	vst.idx.add.f32.msk $0xffff, v23  }
0xc5: {  	v24 =	vor.u32 v12, v22;
	v23 =	vld [tilespmem:s1+$0x800];
	_ =	sdelay $0x4  }
0xc6: {  	[tilespmem:v24+s12+$0x0] =	vst.idx.add.f32.msk $0xffff, v23  }
0xc7: {  	v24 =	vor.u32 v13, v22;
	v23 =	vld [tilespmem:s1+$0x810];
	_ =	sdelay $0x4  }
0xc8: {  	[tilespmem:v24+s12+$0x0] =	vst.idx.add.f32.msk $0xffff, v23  }
0xc9: {  	v24 =	vor.u32 v14, v22;
	v23 =	vld [tilespmem:s1+$0x820];
	_ =	sdelay $0x4  }
0xca: {  	[tilespmem:v24+s12+$0x0] =	vst.idx.add.f32.msk $0xffff, v23  }
0xcb: {  	v24 =	vor.u32 v15, v22;
	v23 =	vld [tilespmem:s1+$0x830];
	_ =	sdelay $0x4  }
0xcc: {  	[tilespmem:v24+s12+$0x0] =	vst.idx.add.f32.msk $0xffff, v23  }
0xcd: {  	v24 =	vor.u32 v16, v22;
	v23 =	vld [tilespmem:s1+$0x840];
	_ =	sdelay $0x4  }
0xce: {  	[tilespmem:v24+s12+$0x0] =	vst.idx.add.f32.msk $0xffff, v23  }
0xcf: {  	v24 =	vor.u32 v17, v22;
	v23 =	vld [tilespmem:s1+$0x850];
	_ =	sdelay $0x4  }
0xd0: {  	[tilespmem:v24+s12+$0x0] =	vst.idx.add.f32.msk $0xffff, v23  }
0xd1: {  	v24 =	vor.u32 v18, v22;
	v23 =	vld [tilespmem:s1+$0x860];
	_ =	sdelay $0x4  }
0xd2: {  	[tilespmem:v24+s12+$0x0] =	vst.idx.add.f32.msk $0xffff, v23  }
0xd3: {  	s17 =	simm.s32 $0x1;
	v24 =	vor.u32 v19, v22;
	v23 =	vld [tilespmem:s1+$0x870]  }
0xd4: {  	s16 =	simm.s32 $0x2;
	s2 =	simm.s32 $0x0;
	s8 =	simm.s32 $0x0;
	v22 =	vmov s17  }
.LBB2_4:
0xd5: {  	_ =	sdelay $0x1  }
0xd6: {  	s2 =	sadd.s32 $0x80, s2  }
0xd7: {  	s8 =	sadd.s32 $0x100, s8;
	s1 =	smov.u32 s16;
	s14 =	sadd.s32 $0x1, s16;
	[tilespmem:v24+s12+$0x0] =	vst.idx.add.f32.msk $0xffff, v23  }
0xd8: {  	p0 =	sne.s32 s16, $0x7F;
	v22 =	vld.idx.msk [tilespmem:v22+s15+$0x0], $0xffff;
	_ =	sdelay $0x5  }
0xd9: {  	v23 =	vshll.u32 v22, $0x8;
	v22 =	vshll.u32 v22, $0x7  }
0xda: {  	s16 =	sand.u32 $0x7800, s8;
	s17 =	sand.u32 $0x380, s2;
	v23 =	vand.u32 $0xFFFFF800, v23;
	v22 =	vand.u32 $0x380, v22  }
0xdb: {  	s16 =	sor.u32 s17, s16;
	v22 =	vor.u32 v22, v23  }
0xdc: {  	v24 =	vor.u32 v0, v22;
	v23 =	vld [tilespmem:s16+$0x400];
	_ =	sdelay $0x4  }
0xdd: {  	[tilespmem:v24+s12+$0x0] =	vst.idx.add.f32.msk $0xffff, v23  }
0xde: {  	v24 =	vor.u32 v5, v22;
	v23 =	vld [tilespmem:s16+$0x410];
	_ =	sdelay $0x4  }
0xdf: {  	[tilespmem:v24+s12+$0x0] =	vst.idx.add.f32.msk $0xffff, v23  }
0xe0: {  	v24 =	vor.u32 v6, v22;
	v23 =	vld [tilespmem:s16+$0x420];
	_ =	sdelay $0x4  }
0xe1: {  	[tilespmem:v24+s12+$0x0] =	vst.idx.add.f32.msk $0xffff, v23  }
0xe2: {  	v24 =	vor.u32 v7, v22;
	v23 =	vld [tilespmem:s16+$0x430];
	_ =	sdelay $0x4  }
0xe3: {  	[tilespmem:v24+s12+$0x0] =	vst.idx.add.f32.msk $0xffff, v23  }
0xe4: {  	v24 =	vor.u32 v8, v22;
	v23 =	vld [tilespmem:s16+$0x440];
	_ =	sdelay $0x4  }
0xe5: {  	[tilespmem:v24+s12+$0x0] =	vst.idx.add.f32.msk $0xffff, v23  }
0xe6: {  	v24 =	vor.u32 v9, v22;
	v23 =	vld [tilespmem:s16+$0x450];
	_ =	sdelay $0x4  }
0xe7: {  	[tilespmem:v24+s12+$0x0] =	vst.idx.add.f32.msk $0xffff, v23  }
0xe8: {  	v24 =	vor.u32 v10, v22;
	v23 =	vld [tilespmem:s16+$0x460];
	_ =	sdelay $0x4  }
0xe9: {  	[tilespmem:v24+s12+$0x0] =	vst.idx.add.f32.msk $0xffff, v23  }
0xea: {  	v24 =	vor.u32 v11, v22;
	v23 =	vld [tilespmem:s16+$0x470];
	_ =	sdelay $0x4  }
0xeb: {  	[tilespmem:v24+s12+$0x0] =	vst.idx.add.f32.msk $0xffff, v23  }
0xec: {  	v24 =	vor.u32 v12, v22;
	v23 =	vld [tilespmem:s16+$0x800];
	_ =	sdelay $0x4  }
0xed: {  	[tilespmem:v24+s12+$0x0] =	vst.idx.add.f32.msk $0xffff, v23  }
0xee: {  	v24 =	vor.u32 v13, v22;
	v23 =	vld [tilespmem:s16+$0x810];
	_ =	sdelay $0x4  }
0xef: {  	[tilespmem:v24+s12+$0x0] =	vst.idx.add.f32.msk $0xffff, v23  }
0xf0: {  	v24 =	vor.u32 v14, v22;
	v23 =	vld [tilespmem:s16+$0x820];
	_ =	sdelay $0x4  }
0xf1: {  	[tilespmem:v24+s12+$0x0] =	vst.idx.add.f32.msk $0xffff, v23  }
0xf2: {  	v24 =	vor.u32 v15, v22;
	v23 =	vld [tilespmem:s16+$0x830];
	_ =	sdelay $0x4  }
0xf3: {  	[tilespmem:v24+s12+$0x0] =	vst.idx.add.f32.msk $0xffff, v23  }
0xf4: {  	v24 =	vor.u32 v16, v22;
	v23 =	vld [tilespmem:s16+$0x840];
	_ =	sdelay $0x4  }
0xf5: {  	[tilespmem:v24+s12+$0x0] =	vst.idx.add.f32.msk $0xffff, v23  }
0xf6: {  	v24 =	vor.u32 v17, v22;
	v23 =	vld [tilespmem:s16+$0x850];
	_ =	sdelay $0x4  }
0xf7: {  	[tilespmem:v24+s12+$0x0] =	vst.idx.add.f32.msk $0xffff, v23  }
0xf8: {  	v24 =	vor.u32 v18, v22;
	v23 =	vld [tilespmem:s16+$0x860];
	_ =	sdelay $0x2  }
.Ltmp3:
0xf9: {  	(pc) =	sbr.rel @p0 .LBB2_4-.Ltmp3, $4  }
0xfa: {  	_ = 	snop  }
0xfb: {  	[tilespmem:v24+s12+$0x0] =	vst.idx.add.f32.msk $0xffff, v23  }
0xfc: {  	v24 =	vor.u32 v19, v22;
	v23 =	vld [tilespmem:s16+$0x870]  }
0xfd: {  	v22 =	vmov s1;
	s16 =	smov.u32 s14  }
0xfe: {  	_ =	sdelay $0x3  }
0xff: {  	[tilespmem:v24+s12+$0x0] =	vst.idx.add.f32.msk $0xffff, v23  }
0x100: {  	v22 =	vld.idx.msk [tilespmem:v22+s15+$0x0], $0xffff;
	_ =	sdelay $0x4  }
0x101: {  	s1 =	sadd.s32 $0x80, s2;
	s17 =	sadd.s32 $0x100, s8;
	v23 =	vshll.u32 v22, $0x8;
	v22 =	vshll.u32 v22, $0x7  }
0x102: {  	s2 =	sand.u32 $0x7800, s17;
	s1 =	sand.u32 $0x380, s1;
	v23 =	vand.u32 $0xFFFFF800, v23;
	v22 =	vand.u32 $0x380, v22  }
0x103: {  	s1 =	sor.u32 s1, s2;
	v22 =	vor.u32 v22, v23  }
0x104: {  	v23 =	vld [tilespmem:s1+$0x400];
	v49 =	vor.u32 v0, v22;
	_ =	sdelay $0x4  }
0x105: {  	[tilespmem:v49+s12+$0x0] =	vst.idx.add.f32.msk $0xffff, v23  }
0x106: {  	v50 =	vor.u32 v5, v22;
	v23 =	vld [tilespmem:s1+$0x410];
	_ =	sdelay $0x4  }
0x107: {  	[tilespmem:v50+s12+$0x0] =	vst.idx.add.f32.msk $0xffff, v23  }
0x108: {  	v51 =	vor.u32 v6, v22;
	v23 =	vld [tilespmem:s1+$0x420];
	_ =	sdelay $0x4  }
0x109: {  	[tilespmem:v51+s12+$0x0] =	vst.idx.add.f32.msk $0xffff, v23  }
0x10a: {  	v52 =	vor.u32 v7, v22;
	v23 =	vld [tilespmem:s1+$0x430];
	_ =	sdelay $0x4  }
0x10b: {  	[tilespmem:v52+s12+$0x0] =	vst.idx.add.f32.msk $0xffff, v23  }
0x10c: {  	v53 =	vor.u32 v8, v22;
	v23 =	vld [tilespmem:s1+$0x440];
	_ =	sdelay $0x4  }
0x10d: {  	[tilespmem:v53+s12+$0x0] =	vst.idx.add.f32.msk $0xffff, v23  }
0x10e: {  	v54 =	vor.u32 v9, v22;
	v23 =	vld [tilespmem:s1+$0x450];
	_ =	sdelay $0x4  }
0x10f: {  	[tilespmem:v54+s12+$0x0] =	vst.idx.add.f32.msk $0xffff, v23  }
0x110: {  	v55 =	vor.u32 v10, v22;
	v23 =	vld [tilespmem:s1+$0x460];
	_ =	sdelay $0x4  }
0x111: {  	[tilespmem:v55+s12+$0x0] =	vst.idx.add.f32.msk $0xffff, v23  }
0x112: {  	v56 =	vor.u32 v11, v22;
	v23 =	vld [tilespmem:s1+$0x470];
	_ =	sdelay $0x4  }
0x113: {  	[tilespmem:v56+s12+$0x0] =	vst.idx.add.f32.msk $0xffff, v23  }
0x114: {  	v57 =	vor.u32 v12, v22;
	v23 =	vld [tilespmem:s1+$0x800];
	_ =	sdelay $0x4  }
0x115: {  	[tilespmem:v57+s12+$0x0] =	vst.idx.add.f32.msk $0xffff, v23  }
0x116: {  	v58 =	vor.u32 v13, v22;
	v23 =	vld [tilespmem:s1+$0x810];
	_ =	sdelay $0x4  }
0x117: {  	[tilespmem:v58+s12+$0x0] =	vst.idx.add.f32.msk $0xffff, v23  }
0x118: {  	v59 =	vor.u32 v14, v22;
	v23 =	vld [tilespmem:s1+$0x820];
	_ =	sdelay $0x4  }
0x119: {  	[tilespmem:v59+s12+$0x0] =	vst.idx.add.f32.msk $0xffff, v23  }
0x11a: {  	v60 =	vor.u32 v15, v22;
	v23 =	vld [tilespmem:s1+$0x830];
	_ =	sdelay $0x4  }
0x11b: {  	[tilespmem:v60+s12+$0x0] =	vst.idx.add.f32.msk $0xffff, v23  }
0x11c: {  	v61 =	vor.u32 v16, v22;
	v23 =	vld [tilespmem:s1+$0x840];
	_ =	sdelay $0x4  }
0x11d: {  	[tilespmem:v61+s12+$0x0] =	vst.idx.add.f32.msk $0xffff, v23  }
0x11e: {  	v62 =	vor.u32 v17, v22;
	v23 =	vld [tilespmem:s1+$0x850];
	_ =	sdelay $0x4  }
0x11f: {  	[tilespmem:v62+s12+$0x0] =	vst.idx.add.f32.msk $0xffff, v23  }
0x120: {  	v63 =	vor.u32 v18, v22;
	v23 =	vld [tilespmem:s1+$0x860];
	_ =	sdelay $0x4  }
0x121: {  	s10 =	sadd.s32 $0x1, s10;
	[tilespmem:v63+s12+$0x0] =	vst.idx.add.f32.msk $0xffff, v23  }
0x122: {  	p0 =	sne.s32 s10, s7;
	v22 =	vor.u32 v19, v22;
	v23 =	vld [tilespmem:s1+$0x870]  }
.Ltmp4:
0x123: {  	_ = 	snop;
	(pc) =	sbr.rel @p0 .LBB2_3-.Ltmp4, $4  }
.Ltmp5:
0x124: {  	_ = 	snop;
	(pc) =	sbr.rel @!p0 .LBB2_6-.Ltmp5, $4  }
0x125: {  	_ = 	snop  }
0x126: {  	_ = 	snop  }
0x127: {  	[tilespmem:v22+s12+$0x0] =	vst.idx.add.f32.msk $0xffff, v23  }
0x128: {  	_ = 	snop  }
.LBB2_7:
0x129: {  	_ =	sfence.sel $0x180000  }
0x12a: {  	[bflag:$0x0] =	sbarrier.arrive $0xFFFF  }
0x12b: {  	_ =	strace $0x90000053  }
0x12c: {  	s0 =	stileid.u32;
	[bflag:$0x2] =	sbarrier.arrive $0xFFFF  }
0x12d: {  	p0 =	sne.s32 s0, $0x0;
	s0 =	rddreg [dreg:$0x1]  }
0x12e: {  	s0 =	sadd.s32 @!p0 $0x100000, s0  }
0x12f: {  	[sflag:s0] =	ssyncadd.tile.s32 @!p0 $0x1;
	_ =	shalt  }
.Lfunc_end2:
_tile_overlayer_lowered:
.L_overlay_start_2:
0x130: {  	(tag) =	ssettag $0x2  }
0x131: {  	s0 =	rddreg [dreg:$0x0];
	s2 =	stileid.u32  }
0x132: {  	s1 =	rddreg [dreg:$0x1];
	p0 =	sne.s32 s2, $0x0  }
0x133: {  	s3 =	rddreg [dreg:$0x2];
	[bflag:$0x3] =	sbarrier.arrive $0xFFFF;
	s2 =	simm.s32 @!p0 $0x1C02  }
0x134: {  	[timem:s3], [sflag:s2] =	dma.local @!p0 [hbm:s0], s1  }
0x135: {  	s0 =	simm.s32 @!p0 $0x2  }
0x136: {  	_ =	swait.ge @!p0 [sflag:s0], s1  }
0x137: {  	s1 =	ssub.s32 @!p0 $0x0, s1;
	[sflag:s0] =	ssyncset.done @!p0 $0x0  }
0x138: {  	[sflag:s0] =	ssyncadd.s32 @!p0 s1  }
0x139: {  	[bflag:$0x3] =	sbarrier.arrive $0xFFFF  }
0x13a: {  	_ =	shalt  }

</sc_bundles>
